<compile_context>
chip_gen: v7x
topology: tpu7x:2x2x1
jax: 0.10.2.dev20260603
libtpu: 0.0.44.dev20260713+nightly
codegen_flags: <defaults>
</compile_context>

<pallas_src>
import functools

import numpy as np
import jax
import jax.numpy as jnp
from jax import lax
from jax.experimental import pallas as pl
from jax.experimental.pallas import tpu as pltpu
from jax.experimental.pallas import tpu_sc as plsc

_MAX_SEQ = 200
_D = 64
_BATCH = 4096
_SEQ = 200

_info = plsc.get_sparse_core_info()
_NC = _info.num_cores
_NS = _info.num_subcores
_NW = _NC * _NS

_BT = _BATCH // _NW
_LANES = 16
_NBUF = 3
_BU = 4
_TP = _BT + 1


def _pe_table() -> np.ndarray:
    row_vec = np.zeros(_D, dtype=np.float64)
    row_vec[::2] = np.arange(0, _D, 2) / _D
    row_vec[1::2] = np.arange(0, _D, 2) / _D
    row_vec = 10000.0 ** row_vec
    col_vec = np.arange(0, _MAX_SEQ, 1, dtype=np.float64).reshape(-1, 1)
    pe = col_vec / row_vec
    pe[:, ::2] = np.sin(pe[:, ::2])
    pe[:, 1::2] = np.cos(pe[:, 1::2])
    return pe.astype(np.float32).reshape(-1)


@functools.partial(
    pl.kernel,
    mesh=plsc.VectorSubcoreMesh(core_axis_name="c", subcore_axis_name="s"),
    out_type=jax.ShapeDtypeStruct((_SEQ, _D // 8, _NW, 8, _BT), jnp.float32),
    compiler_params=pltpu.CompilerParams(
        use_tc_tiling_on_sc=False, needs_layout_passes=False),
    scratch_types=[
        pltpu.VMEM((_BT * _SEQ,), jnp.int32),
        pltpu.VMEM((_SEQ * _D,), jnp.float32),
        pltpu.VMEM((_BT,), jnp.int32),
        pltpu.VMEM((_BT,), jnp.int32),
        pltpu.VMEM((_BT,), jnp.int32),
        pltpu.VMEM((_BT, _D), jnp.float32),
        pltpu.VMEM((_BT, _D), jnp.float32),
        pltpu.VMEM((_BT, _D), jnp.float32),
        pltpu.VMEM((_D // 8, 8, _TP), jnp.float32),
        pltpu.VMEM((_D // 8, 8, _TP), jnp.float32),
        pltpu.VMEM((_D // 8, 8, _TP), jnp.float32),
        pltpu.SemaphoreType.DMA,
        pltpu.SemaphoreType.DMA,
        pltpu.SemaphoreType.DMA,
        pltpu.SemaphoreType.DMA,
        pltpu.SemaphoreType.DMA,
        pltpu.SemaphoreType.DMA,
    ],
)
def _sc_embed_t(x_hbm, table_hbm, pe_hbm, out_hbm, idx_v, pe_v,
                c0, c1, c2, r0, r1, r2, t0, t1, t2,
                g0, g1, g2, s0, s1, s2):
    cols = (c0, c1, c2)
    rows = (r0, r1, r2)
    tbufs = (t0, t1, t2)
    gsems = (g0, g1, g2)
    ssems = (s0, s1, s2)
    wid = lax.axis_index("s") * _NC + lax.axis_index("c")
    pltpu.sync_copy(x_hbm.at[pl.ds(wid * (_BT * _SEQ), _BT * _SEQ)], idx_v)
    pltpu.sync_copy(pe_hbm, pe_v)

    iota = lax.iota(jnp.int32, _LANES)
    iota_s = iota * _SEQ
    d_tiles = [(iota + c * _LANES) // 8 for c in range(_D // _LANES)]
    d_subs = [(iota + c * _LANES) % 8 for c in range(_D // _LANES)]

    def build_idxcol(s, k):
        for bg in range(_BT // _LANES):
            v = plsc.load_gather(
                idx_v, [iota_s + (bg * (_LANES * _SEQ) + s)])
            cols[k][pl.ds(bg * _LANES, _LANES)] = v

    def issue_gather(k):
        pltpu.async_copy(table_hbm.at[cols[k]], rows[k], gsems[k])

    def drain_gather(k):
        pltpu.make_async_copy(table_hbm.at[cols[k]], rows[k], gsems[k]).wait()

    def transpose_add(s, k):
        pe16 = [pe_v[pl.ds(s * _D + c * _LANES, _LANES)]
                for c in range(_D // _LANES)]

        @plsc.parallel_loop(0, _BT, step=1, unroll=_BU)
        def body(b):
            b_vec = jnp.full((_LANES,), b, dtype=jnp.int32)
            for c in range(_D // _LANES):
                v = rows[k][b, pl.ds(c * _LANES, _LANES)] + pe16[c]
                plsc.store_scatter(
                    tbufs[k], [d_tiles[c], d_subs[c], b_vec], v)

    def issue_store(s, k):
        pltpu.async_copy(tbufs[k].at[:, :, pl.ds(0, _BT)],
                         out_hbm.at[s, :, wid], ssems[k])

    def wait_store(s_prev, k):
        pltpu.make_async_copy(
            tbufs[k].at[:, :, pl.ds(0, _BT)],
            out_hbm.at[s_prev, :, wid], ssems[k]).wait()

    def process(s, k, tstore_wait, issue_next):
        if issue_next:
            k2 = (k + 2) % _NBUF
            build_idxcol(s + 2, k2)
            issue_gather(k2)
        drain_gather(k)
        if tstore_wait:
            wait_store(s - _NBUF, k)
        transpose_add(s, k)
        issue_store(s, k)

    build_idxcol(0, 0)
    issue_gather(0)
    build_idxcol(1, 1)
    issue_gather(1)
    for s in range(_NBUF):
        process(s, s % _NBUF, tstore_wait=False, issue_next=True)

    n_trips = (_SEQ - _NBUF - 2) // _NBUF

    def trip(i, carry):
        sbase = _NBUF + i * _NBUF
        for k0 in range(_NBUF):
            process(sbase + k0, k0, tstore_wait=True, issue_next=True)
        return carry

    lax.fori_loop(0, n_trips, trip, 0)
    for s in range(_NBUF + n_trips * _NBUF, _SEQ):
        process(s, s % _NBUF, tstore_wait=True, issue_next=False)
    for s in range(_SEQ - _NBUF, _SEQ):
        wait_store(s, s % _NBUF)


def kernel(x, table):
    pe = jnp.asarray(_pe_table())
    out_t = _sc_embed_t(x.reshape(-1), table, pe)
    return out_t.transpose(2, 4, 0, 1, 3).reshape(_BATCH, _SEQ, _D)

# --- scband reference (transcript-rebuilt; emitter-appended) ---
"""Pipeline reference for scband-positional-encoded-embedding-58815282151991 (READ-ONLY COPY).

The authoritative reference and input builder live on the scoring server;
editing this copy changes nothing except your own understanding.
"""

import jax, jax.numpy as jnp
import numpy as np

MAX_SEQ_LEN = 200
D_EMBED = 64
VOC_SIZE = 100000
BATCH = 4096
SEQ = 200


def _positional_encoding(max_seq_len, d_embed):
    row_vec = np.zeros(d_embed, dtype=np.float64)
    row_vec[::2] = np.arange(0, d_embed, 2) / d_embed
    row_vec[1::2] = np.arange(0, d_embed, 2) / d_embed
    row_vec = 10000.0 ** row_vec
    col_vec = np.arange(0, max_seq_len, 1, dtype=np.float64).reshape(-1, 1)
    pe = col_vec / row_vec
    pe[:, ::2] = np.sin(pe[:, ::2])
    pe[:, 1::2] = np.cos(pe[:, 1::2])
    return jnp.asarray(pe, dtype=jnp.float32)


def setup_inputs(seed: int = 0) -> dict:
    key = jax.random.key(seed)
    k_idx, k_tab = jax.random.split(key)
    x = jax.random.randint(k_idx, (BATCH, SEQ), 0, VOC_SIZE, dtype=jnp.int32)
    table = jax.random.normal(k_tab, (VOC_SIZE, D_EMBED), dtype=jnp.float32)
    return {"x": x, "table": table}


def reference(x, table):
    pe = _positional_encoding(MAX_SEQ_LEN, D_EMBED)
    n = x.shape[-1]
    emb = jnp.take(table, x, axis=0)
    return emb + pe[:n, :]

if __name__ == "__main__":
    import jax
    _d = setup_inputs()
    print(jax.jit(kernel)(*tuple(_d.values())))

</pallas_src>

<mosaic_0001>
#map = affine_map<(d0, d1) -> (0)>
#map1 = affine_map<(d0, d1) -> (0, 0)>
#map2 = affine_map<(d0, d1) -> (0, 0, 0, 0, 0)>
module attributes {stable_mosaic.version = 14 : i64} {
  func.func @_sc_embed_t(%arg0: i32, %arg1: i32, %arg2: memref<819200xi32, #tpu.memory_space<hbm>>, %arg3: memref<100000x64xf32, #tpu.memory_space<hbm>>, %arg4: memref<12800xf32, #tpu.memory_space<hbm>>, %arg5: memref<200x8x32x8x128xf32, #tpu.memory_space<hbm>>, %arg6: memref<25600xi32, #tpu.memory_space<vmem>>, %arg7: memref<12800xf32, #tpu.memory_space<vmem>>, %arg8: memref<128xi32, #tpu.memory_space<vmem>>, %arg9: memref<128xi32, #tpu.memory_space<vmem>>, %arg10: memref<128xi32, #tpu.memory_space<vmem>>, %arg11: memref<128x64xf32, #tpu.memory_space<vmem>>, %arg12: memref<128x64xf32, #tpu.memory_space<vmem>>, %arg13: memref<128x64xf32, #tpu.memory_space<vmem>>, %arg14: memref<8x8x129xf32, #tpu.memory_space<vmem>>, %arg15: memref<8x8x129xf32, #tpu.memory_space<vmem>>, %arg16: memref<8x8x129xf32, #tpu.memory_space<vmem>>, %arg17: memref<!tpu.dma_semaphore, #tpu.memory_space<semaphore_mem>>, %arg18: memref<!tpu.dma_semaphore, #tpu.memory_space<semaphore_mem>>, %arg19: memref<!tpu.dma_semaphore, #tpu.memory_space<semaphore_mem>>, %arg20: memref<!tpu.dma_semaphore, #tpu.memory_space<semaphore_mem>>, %arg21: memref<!tpu.dma_semaphore, #tpu.memory_space<semaphore_mem>>, %arg22: memref<!tpu.dma_semaphore, #tpu.memory_space<semaphore_mem>>) attributes {dimension_semantics = [#tpu.dimension_semantics<core_parallel>, #tpu.dimension_semantics<subcore_parallel>], iteration_bounds = array<i64: 2, 16>, scalar_prefetch = 0 : i64, scratch_operands = 17 : i64, tpu.core_type = #tpu.core_type<sc_vector_subcore>, window_params = [{transform_indices = #map}, {transform_indices = #map1}, {transform_indices = #map}, {transform_indices = #map2}]} {
    %mul3A = arith.constant 2 : i32
    %mul3A_0 = arith.muli %arg1, %mul3A : i32
    %add3A = arith.addi %mul3A_0, %arg0 : i32
    %mul3A_1 = arith.constant 25600 : i32
    %mul3A_2 = arith.muli %add3A, %mul3A_1 : i32
    "tpu.region"() ({
      %run_scoped3A = tpu.sem_alloc : memref<!tpu.dma_semaphore, #tpu.memory_space<semaphore_mem>>
      %dma_start3A_746 = tpu.memref_slice %arg2[%mul3A_2] : memref<819200xi32, #tpu.memory_space<hbm>> -> memref<25600xi32, #tpu.memory_space<hbm>>
      %dma_start3A_747 = tpu.memref_slice %arg2[%mul3A_2] : memref<819200xi32, #tpu.memory_space<hbm>> -> memref<25600xi32, #tpu.memory_space<hbm>>
      tpu.enqueue_dma source(%dma_start3A_747 : memref<25600xi32, #tpu.memory_space<hbm>>) target(%arg6 : memref<25600xi32, #tpu.memory_space<vmem>>) target_semaphore(%run_scoped3A : memref<!tpu.dma_semaphore, #tpu.memory_space<semaphore_mem>>)
      %dma_wait3A_748 = tpu.memref_slice %arg2[%mul3A_2] : memref<819200xi32, #tpu.memory_space<hbm>> -> memref<25600xi32, #tpu.memory_space<hbm>>
      %dma_wait3A_749 = tpu.memref_slice %arg2[%mul3A_2] : memref<819200xi32, #tpu.memory_space<hbm>> -> memref<25600xi32, #tpu.memory_space<hbm>>
      tpu.wait_dma2 semaphore(%run_scoped3A : memref<!tpu.dma_semaphore, #tpu.memory_space<semaphore_mem>>) src(%dma_wait3A_749 : memref<25600xi32, #tpu.memory_space<hbm>>) dst(%arg6 : memref<25600xi32, #tpu.memory_space<vmem>>)
      tpu.yield
    }) : () -> ()
    "tpu.region"() ({
      %run_scoped3A = tpu.sem_alloc : memref<!tpu.dma_semaphore, #tpu.memory_space<semaphore_mem>>
      tpu.enqueue_dma source(%arg4 : memref<12800xf32, #tpu.memory_space<hbm>>) target(%arg7 : memref<12800xf32, #tpu.memory_space<vmem>>) target_semaphore(%run_scoped3A : memref<!tpu.dma_semaphore, #tpu.memory_space<semaphore_mem>>)
      tpu.wait_dma2 semaphore(%run_scoped3A : memref<!tpu.dma_semaphore, #tpu.memory_space<semaphore_mem>>) src(%arg4 : memref<12800xf32, #tpu.memory_space<hbm>>) dst(%arg7 : memref<12800xf32, #tpu.memory_space<vmem>>)
      tpu.yield
    }) : () -> ()
    %iota3A = tpu.iota {dimensions = array<i32: 0>} : vector<16xi32>
    %mul3A_3 = arith.constant 200 : i32
    %mul3A_4 = vector.broadcast %mul3A_3 : i32 to vector<16xi32>
    %mul3A_5 = arith.muli %iota3A, %mul3A_4 : vector<16xi32>
    %add3A_6 = arith.constant 0 : i32
    %add3A_7 = vector.broadcast %add3A_6 : i32 to vector<16xi32>
    %add3A_8 = arith.addi %iota3A, %add3A_7 : vector<16xi32>
    %jit3A = arith.constant 8 : i32
    %div3A = vector.broadcast %jit3A : i32 to vector<16xi32>
    %div3A_9 = arith.divsi %add3A_8, %div3A : vector<16xi32>
    %sign3A = arith.constant 0 : i32
    %sign3A_10 = vector.broadcast %sign3A : i32 to vector<16xi32>
    %sign3A_11 = arith.cmpi sgt, %add3A_8, %sign3A_10 : vector<16xi32>
    %sign3A_12 = arith.extui %sign3A_11 : vector<16xi1> to vector<16xi32>
    %sign3A_13 = arith.constant 0 : i32
    %sign3A_14 = vector.broadcast %sign3A_13 : i32 to vector<16xi32>
    %sign3A_15 = arith.cmpi slt, %add3A_8, %sign3A_14 : vector<16xi32>
    %sign3A_16 = arith.extui %sign3A_15 : vector<16xi1> to vector<16xi32>
    %sign3A_17 = arith.subi %sign3A_12, %sign3A_16 : vector<16xi32>
    %sign3A_18 = arith.constant 0 : i32
    %sign3A_19 = arith.cmpi sgt, %jit3A, %sign3A_18 : i32
    %sign3A_20 = arith.extui %sign3A_19 : i1 to i32
    %sign3A_21 = arith.constant 0 : i32
    %sign3A_22 = arith.cmpi slt, %jit3A, %sign3A_21 : i32
    %sign3A_23 = arith.extui %sign3A_22 : i1 to i32
    %sign3A_24 = arith.subi %sign3A_20, %sign3A_23 : i32
    %ne3A = vector.broadcast %sign3A_24 : i32 to vector<16xi32>
    %ne3A_25 = arith.cmpi ne, %sign3A_17, %ne3A : vector<16xi32>
    %rem3A = vector.broadcast %jit3A : i32 to vector<16xi32>
    %rem3A_26 = arith.remsi %add3A_8, %rem3A : vector<16xi32>
    %ne3A_27 = arith.constant 0 : i32
    %ne3A_28 = vector.broadcast %ne3A_27 : i32 to vector<16xi32>
    %ne3A_29 = arith.cmpi ne, %rem3A_26, %ne3A_28 : vector<16xi32>
    %and3A = arith.andi %ne3A_25, %ne3A_29 : vector<16xi1>
    %sub3A = arith.constant 1 : i32
    %sub3A_30 = vector.broadcast %sub3A : i32 to vector<16xi32>
    %sub3A_31 = arith.subi %div3A_9, %sub3A_30 : vector<16xi32>
    %select_n3A = arith.select %and3A, %sub3A_31, %div3A_9 : vector<16xi1>, vector<16xi32>
    %add3A_32 = arith.constant 16 : i32
    %add3A_33 = vector.broadcast %add3A_32 : i32 to vector<16xi32>
    %add3A_34 = arith.addi %iota3A, %add3A_33 : vector<16xi32>
    %jit3A_35 = arith.constant 8 : i32
    %div3A_36 = vector.broadcast %jit3A_35 : i32 to vector<16xi32>
    %div3A_37 = arith.divsi %add3A_34, %div3A_36 : vector<16xi32>
    %sign3A_38 = arith.constant 0 : i32
    %sign3A_39 = vector.broadcast %sign3A_38 : i32 to vector<16xi32>
    %sign3A_40 = arith.cmpi sgt, %add3A_34, %sign3A_39 : vector<16xi32>
    %sign3A_41 = arith.extui %sign3A_40 : vector<16xi1> to vector<16xi32>
    %sign3A_42 = arith.constant 0 : i32
    %sign3A_43 = vector.broadcast %sign3A_42 : i32 to vector<16xi32>
    %sign3A_44 = arith.cmpi slt, %add3A_34, %sign3A_43 : vector<16xi32>
    %sign3A_45 = arith.extui %sign3A_44 : vector<16xi1> to vector<16xi32>
    %sign3A_46 = arith.subi %sign3A_41, %sign3A_45 : vector<16xi32>
    %sign3A_47 = arith.constant 0 : i32
    %sign3A_48 = arith.cmpi sgt, %jit3A_35, %sign3A_47 : i32
    %sign3A_49 = arith.extui %sign3A_48 : i1 to i32
    %sign3A_50 = arith.constant 0 : i32
    %sign3A_51 = arith.cmpi slt, %jit3A_35, %sign3A_50 : i32
    %sign3A_52 = arith.extui %sign3A_51 : i1 to i32
    %sign3A_53 = arith.subi %sign3A_49, %sign3A_52 : i32
    %ne3A_54 = vector.broadcast %sign3A_53 : i32 to vector<16xi32>
    %ne3A_55 = arith.cmpi ne, %sign3A_46, %ne3A_54 : vector<16xi32>
    %rem3A_56 = vector.broadcast %jit3A_35 : i32 to vector<16xi32>
    %rem3A_57 = arith.remsi %add3A_34, %rem3A_56 : vector<16xi32>
    %ne3A_58 = arith.constant 0 : i32
    %ne3A_59 = vector.broadcast %ne3A_58 : i32 to vector<16xi32>
    %ne3A_60 = arith.cmpi ne, %rem3A_57, %ne3A_59 : vector<16xi32>
    %and3A_61 = arith.andi %ne3A_55, %ne3A_60 : vector<16xi1>
    %sub3A_62 = arith.constant 1 : i32
    %sub3A_63 = vector.broadcast %sub3A_62 : i32 to vector<16xi32>
    %sub3A_64 = arith.subi %div3A_37, %sub3A_63 : vector<16xi32>
    %select_n3A_65 = arith.select %and3A_61, %sub3A_64, %div3A_37 : vector<16xi1>, vector<16xi32>
    %add3A_66 = arith.constant 32 : i32
    %add3A_67 = vector.broadcast %add3A_66 : i32 to vector<16xi32>
    %add3A_68 = arith.addi %iota3A, %add3A_67 : vector<16xi32>
    %jit3A_69 = arith.constant 8 : i32
    %div3A_70 = vector.broadcast %jit3A_69 : i32 to vector<16xi32>
    %div3A_71 = arith.divsi %add3A_68, %div3A_70 : vector<16xi32>
    %sign3A_72 = arith.constant 0 : i32
    %sign3A_73 = vector.broadcast %sign3A_72 : i32 to vector<16xi32>
    %sign3A_74 = arith.cmpi sgt, %add3A_68, %sign3A_73 : vector<16xi32>
    %sign3A_75 = arith.extui %sign3A_74 : vector<16xi1> to vector<16xi32>
    %sign3A_76 = arith.constant 0 : i32
    %sign3A_77 = vector.broadcast %sign3A_76 : i32 to vector<16xi32>
    %sign3A_78 = arith.cmpi slt, %add3A_68, %sign3A_77 : vector<16xi32>
    %sign3A_79 = arith.extui %sign3A_78 : vector<16xi1> to vector<16xi32>
    %sign3A_80 = arith.subi %sign3A_75, %sign3A_79 : vector<16xi32>
    %sign3A_81 = arith.constant 0 : i32
    %sign3A_82 = arith.cmpi sgt, %jit3A_69, %sign3A_81 : i32
    %sign3A_83 = arith.extui %sign3A_82 : i1 to i32
    %sign3A_84 = arith.constant 0 : i32
    %sign3A_85 = arith.cmpi slt, %jit3A_69, %sign3A_84 : i32
    %sign3A_86 = arith.extui %sign3A_85 : i1 to i32
    %sign3A_87 = arith.subi %sign3A_83, %sign3A_86 : i32
    %ne3A_88 = vector.broadcast %sign3A_87 : i32 to vector<16xi32>
    %ne3A_89 = arith.cmpi ne, %sign3A_80, %ne3A_88 : vector<16xi32>
    %rem3A_90 = vector.broadcast %jit3A_69 : i32 to vector<16xi32>
    %rem3A_91 = arith.remsi %add3A_68, %rem3A_90 : vector<16xi32>
    %ne3A_92 = arith.constant 0 : i32
    %ne3A_93 = vector.broadcast %ne3A_92 : i32 to vector<16xi32>
    %ne3A_94 = arith.cmpi ne, %rem3A_91, %ne3A_93 : vector<16xi32>
    %and3A_95 = arith.andi %ne3A_89, %ne3A_94 : vector<16xi1>
    %sub3A_96 = arith.constant 1 : i32
    %sub3A_97 = vector.broadcast %sub3A_96 : i32 to vector<16xi32>
    %sub3A_98 = arith.subi %div3A_71, %sub3A_97 : vector<16xi32>
    %select_n3A_99 = arith.select %and3A_95, %sub3A_98, %div3A_71 : vector<16xi1>, vector<16xi32>
    %add3A_100 = arith.constant 48 : i32
    %add3A_101 = vector.broadcast %add3A_100 : i32 to vector<16xi32>
    %add3A_102 = arith.addi %iota3A, %add3A_101 : vector<16xi32>
    %jit3A_103 = arith.constant 8 : i32
    %div3A_104 = vector.broadcast %jit3A_103 : i32 to vector<16xi32>
    %div3A_105 = arith.divsi %add3A_102, %div3A_104 : vector<16xi32>
    %sign3A_106 = arith.constant 0 : i32
    %sign3A_107 = vector.broadcast %sign3A_106 : i32 to vector<16xi32>
    %sign3A_108 = arith.cmpi sgt, %add3A_102, %sign3A_107 : vector<16xi32>
    %sign3A_109 = arith.extui %sign3A_108 : vector<16xi1> to vector<16xi32>
    %sign3A_110 = arith.constant 0 : i32
    %sign3A_111 = vector.broadcast %sign3A_110 : i32 to vector<16xi32>
    %sign3A_112 = arith.cmpi slt, %add3A_102, %sign3A_111 : vector<16xi32>
    %sign3A_113 = arith.extui %sign3A_112 : vector<16xi1> to vector<16xi32>
    %sign3A_114 = arith.subi %sign3A_109, %sign3A_113 : vector<16xi32>
    %sign3A_115 = arith.constant 0 : i32
    %sign3A_116 = arith.cmpi sgt, %jit3A_103, %sign3A_115 : i32
    %sign3A_117 = arith.extui %sign3A_116 : i1 to i32
    %sign3A_118 = arith.constant 0 : i32
    %sign3A_119 = arith.cmpi slt, %jit3A_103, %sign3A_118 : i32
    %sign3A_120 = arith.extui %sign3A_119 : i1 to i32
    %sign3A_121 = arith.subi %sign3A_117, %sign3A_120 : i32
    %ne3A_122 = vector.broadcast %sign3A_121 : i32 to vector<16xi32>
    %ne3A_123 = arith.cmpi ne, %sign3A_114, %ne3A_122 : vector<16xi32>
    %rem3A_124 = vector.broadcast %jit3A_103 : i32 to vector<16xi32>
    %rem3A_125 = arith.remsi %add3A_102, %rem3A_124 : vector<16xi32>
    %ne3A_126 = arith.constant 0 : i32
    %ne3A_127 = vector.broadcast %ne3A_126 : i32 to vector<16xi32>
    %ne3A_128 = arith.cmpi ne, %rem3A_125, %ne3A_127 : vector<16xi32>
    %and3A_129 = arith.andi %ne3A_123, %ne3A_128 : vector<16xi1>
    %sub3A_130 = arith.constant 1 : i32
    %sub3A_131 = vector.broadcast %sub3A_130 : i32 to vector<16xi32>
    %sub3A_132 = arith.subi %div3A_105, %sub3A_131 : vector<16xi32>
    %select_n3A_133 = arith.select %and3A_129, %sub3A_132, %div3A_105 : vector<16xi1>, vector<16xi32>
    %add3A_134 = arith.constant 0 : i32
    %add3A_135 = vector.broadcast %add3A_134 : i32 to vector<16xi32>
    %add3A_136 = arith.addi %iota3A, %add3A_135 : vector<16xi32>
    %jit3A_137 = arith.constant 8 : i32
    %eq3A = arith.constant 0 : i32
    %eq3A_138 = arith.cmpi eq, %jit3A_137, %eq3A : i32
    %jit3A_139 = arith.constant 1 : i32
    %select_n3A_140 = arith.select %eq3A_138, %jit3A_139, %jit3A_137 : i32
    %rem3A_141 = vector.broadcast %select_n3A_140 : i32 to vector<16xi32>
    %rem3A_142 = arith.remsi %add3A_136, %rem3A_141 : vector<16xi32>
    %ne3A_143 = arith.constant 0 : i32
    %ne3A_144 = vector.broadcast %ne3A_143 : i32 to vector<16xi32>
    %ne3A_145 = arith.cmpi ne, %rem3A_142, %ne3A_144 : vector<16xi32>
    %lt3A = arith.constant 0 : i32
    %lt3A_146 = vector.broadcast %lt3A : i32 to vector<16xi32>
    %lt3A_147 = arith.cmpi slt, %rem3A_142, %lt3A_146 : vector<16xi32>
    %lt3A_148 = arith.constant 0 : i32
    %lt3A_149 = arith.cmpi slt, %select_n3A_140, %lt3A_148 : i32
    %ne3A_150 = vector.broadcast %lt3A_149 : i1 to vector<16xi1>
    %ne3A_151 = vector.broadcast %ne3A_150 : vector<16xi1> to vector<16xi1>
    %ne3A_152 = arith.xori %lt3A_147, %ne3A_151 : vector<16xi1>
    %and3A_153 = arith.andi %ne3A_152, %ne3A_145 : vector<16xi1>
    %add3A_154 = vector.broadcast %select_n3A_140 : i32 to vector<16xi32>
    %add3A_155 = arith.addi %rem3A_142, %add3A_154 : vector<16xi32>
    %select_n3A_156 = arith.select %and3A_153, %add3A_155, %rem3A_142 : vector<16xi1>, vector<16xi32>
    %add3A_157 = arith.constant 16 : i32
    %add3A_158 = vector.broadcast %add3A_157 : i32 to vector<16xi32>
    %add3A_159 = arith.addi %iota3A, %add3A_158 : vector<16xi32>
    %jit3A_160 = arith.constant 8 : i32
    %eq3A_161 = arith.constant 0 : i32
    %eq3A_162 = arith.cmpi eq, %jit3A_160, %eq3A_161 : i32
    %jit3A_163 = arith.constant 1 : i32
    %select_n3A_164 = arith.select %eq3A_162, %jit3A_163, %jit3A_160 : i32
    %rem3A_165 = vector.broadcast %select_n3A_164 : i32 to vector<16xi32>
    %rem3A_166 = arith.remsi %add3A_159, %rem3A_165 : vector<16xi32>
    %ne3A_167 = arith.constant 0 : i32
    %ne3A_168 = vector.broadcast %ne3A_167 : i32 to vector<16xi32>
    %ne3A_169 = arith.cmpi ne, %rem3A_166, %ne3A_168 : vector<16xi32>
    %lt3A_170 = arith.constant 0 : i32
    %lt3A_171 = vector.broadcast %lt3A_170 : i32 to vector<16xi32>
    %lt3A_172 = arith.cmpi slt, %rem3A_166, %lt3A_171 : vector<16xi32>
    %lt3A_173 = arith.constant 0 : i32
    %lt3A_174 = arith.cmpi slt, %select_n3A_164, %lt3A_173 : i32
    %ne3A_175 = vector.broadcast %lt3A_174 : i1 to vector<16xi1>
    %ne3A_176 = vector.broadcast %ne3A_175 : vector<16xi1> to vector<16xi1>
    %ne3A_177 = arith.xori %lt3A_172, %ne3A_176 : vector<16xi1>
    %and3A_178 = arith.andi %ne3A_177, %ne3A_169 : vector<16xi1>
    %add3A_179 = vector.broadcast %select_n3A_164 : i32 to vector<16xi32>
    %add3A_180 = arith.addi %rem3A_166, %add3A_179 : vector<16xi32>
    %select_n3A_181 = arith.select %and3A_178, %add3A_180, %rem3A_166 : vector<16xi1>, vector<16xi32>
    %add3A_182 = arith.constant 32 : i32
    %add3A_183 = vector.broadcast %add3A_182 : i32 to vector<16xi32>
    %add3A_184 = arith.addi %iota3A, %add3A_183 : vector<16xi32>
    %jit3A_185 = arith.constant 8 : i32
    %eq3A_186 = arith.constant 0 : i32
    %eq3A_187 = arith.cmpi eq, %jit3A_185, %eq3A_186 : i32
    %jit3A_188 = arith.constant 1 : i32
    %select_n3A_189 = arith.select %eq3A_187, %jit3A_188, %jit3A_185 : i32
    %rem3A_190 = vector.broadcast %select_n3A_189 : i32 to vector<16xi32>
    %rem3A_191 = arith.remsi %add3A_184, %rem3A_190 : vector<16xi32>
    %ne3A_192 = arith.constant 0 : i32
    %ne3A_193 = vector.broadcast %ne3A_192 : i32 to vector<16xi32>
    %ne3A_194 = arith.cmpi ne, %rem3A_191, %ne3A_193 : vector<16xi32>
    %lt3A_195 = arith.constant 0 : i32
    %lt3A_196 = vector.broadcast %lt3A_195 : i32 to vector<16xi32>
    %lt3A_197 = arith.cmpi slt, %rem3A_191, %lt3A_196 : vector<16xi32>
    %lt3A_198 = arith.constant 0 : i32
    %lt3A_199 = arith.cmpi slt, %select_n3A_189, %lt3A_198 : i32
    %ne3A_200 = vector.broadcast %lt3A_199 : i1 to vector<16xi1>
    %ne3A_201 = vector.broadcast %ne3A_200 : vector<16xi1> to vector<16xi1>
    %ne3A_202 = arith.xori %lt3A_197, %ne3A_201 : vector<16xi1>
    %and3A_203 = arith.andi %ne3A_202, %ne3A_194 : vector<16xi1>
    %add3A_204 = vector.broadcast %select_n3A_189 : i32 to vector<16xi32>
    %add3A_205 = arith.addi %rem3A_191, %add3A_204 : vector<16xi32>
    %select_n3A_206 = arith.select %and3A_203, %add3A_205, %rem3A_191 : vector<16xi1>, vector<16xi32>
    %add3A_207 = arith.constant 48 : i32
    %add3A_208 = vector.broadcast %add3A_207 : i32 to vector<16xi32>
    %add3A_209 = arith.addi %iota3A, %add3A_208 : vector<16xi32>
    %jit3A_210 = arith.constant 8 : i32
    %eq3A_211 = arith.constant 0 : i32
    %eq3A_212 = arith.cmpi eq, %jit3A_210, %eq3A_211 : i32
    %jit3A_213 = arith.constant 1 : i32
    %select_n3A_214 = arith.select %eq3A_212, %jit3A_213, %jit3A_210 : i32
    %rem3A_215 = vector.broadcast %select_n3A_214 : i32 to vector<16xi32>
    %rem3A_216 = arith.remsi %add3A_209, %rem3A_215 : vector<16xi32>
    %ne3A_217 = arith.constant 0 : i32
    %ne3A_218 = vector.broadcast %ne3A_217 : i32 to vector<16xi32>
    %ne3A_219 = arith.cmpi ne, %rem3A_216, %ne3A_218 : vector<16xi32>
    %lt3A_220 = arith.constant 0 : i32
    %lt3A_221 = vector.broadcast %lt3A_220 : i32 to vector<16xi32>
    %lt3A_222 = arith.cmpi slt, %rem3A_216, %lt3A_221 : vector<16xi32>
    %lt3A_223 = arith.constant 0 : i32
    %lt3A_224 = arith.cmpi slt, %select_n3A_214, %lt3A_223 : i32
    %ne3A_225 = vector.broadcast %lt3A_224 : i1 to vector<16xi1>
    %ne3A_226 = vector.broadcast %ne3A_225 : vector<16xi1> to vector<16xi1>
    %ne3A_227 = arith.xori %lt3A_222, %ne3A_226 : vector<16xi1>
    %and3A_228 = arith.andi %ne3A_227, %ne3A_219 : vector<16xi1>
    %add3A_229 = vector.broadcast %select_n3A_214 : i32 to vector<16xi32>
    %add3A_230 = arith.addi %rem3A_216, %add3A_229 : vector<16xi32>
    %select_n3A_231 = arith.select %and3A_228, %add3A_230, %rem3A_216 : vector<16xi1>, vector<16xi32>
    %add3A_232 = arith.constant 0 : i32
    %add3A_233 = vector.broadcast %add3A_232 : i32 to vector<16xi32>
    %add3A_234 = arith.addi %mul3A_5, %add3A_233 : vector<16xi32>
    %gather3A = tpu.vector_load_idx %arg6[%add3A_234] : memref<25600xi32, #tpu.memory_space<vmem>>[vector<16xi32>], vector<16xi32>,
    %swap3A = arith.constant 0 : index
    %swap3A_235 = tpu.vector_load %arg8[%swap3A] {strides = array<i32>} : memref<128xi32, #tpu.memory_space<vmem>>, vector<16xi32>,
    tpu.vector_store %arg8[%swap3A], %gather3A {strides = array<i32>} : memref<128xi32, #tpu.memory_space<vmem>>, vector<16xi32>,
    %add3A_236 = arith.constant 3200 : i32
    %add3A_237 = vector.broadcast %add3A_236 : i32 to vector<16xi32>
    %add3A_238 = arith.addi %mul3A_5, %add3A_237 : vector<16xi32>
    %gather3A_239 = tpu.vector_load_idx %arg6[%add3A_238] : memref<25600xi32, #tpu.memory_space<vmem>>[vector<16xi32>], vector<16xi32>,
    %swap3A_240 = arith.constant 16 : index
    %swap3A_241 = tpu.vector_load %arg8[%swap3A_240] {strides = array<i32>} : memref<128xi32, #tpu.memory_space<vmem>>, vector<16xi32>,
    tpu.vector_store %arg8[%swap3A_240], %gather3A_239 {strides = array<i32>} : memref<128xi32, #tpu.memory_space<vmem>>, vector<16xi32>,
    %add3A_242 = arith.constant 6400 : i32
    %add3A_243 = vector.broadcast %add3A_242 : i32 to vector<16xi32>
    %add3A_244 = arith.addi %mul3A_5, %add3A_243 : vector<16xi32>
    %gather3A_245 = tpu.vector_load_idx %arg6[%add3A_244] : memref<25600xi32, #tpu.memory_space<vmem>>[vector<16xi32>], vector<16xi32>,
    %swap3A_246 = arith.constant 32 : index
    %swap3A_247 = tpu.vector_load %arg8[%swap3A_246] {strides = array<i32>} : memref<128xi32, #tpu.memory_space<vmem>>, vector<16xi32>,
    tpu.vector_store %arg8[%swap3A_246], %gather3A_245 {strides = array<i32>} : memref<128xi32, #tpu.memory_space<vmem>>, vector<16xi32>,
    %add3A_248 = arith.constant 9600 : i32
    %add3A_249 = vector.broadcast %add3A_248 : i32 to vector<16xi32>
    %add3A_250 = arith.addi %mul3A_5, %add3A_249 : vector<16xi32>
    %gather3A_251 = tpu.vector_load_idx %arg6[%add3A_250] : memref<25600xi32, #tpu.memory_space<vmem>>[vector<16xi32>], vector<16xi32>,
    %swap3A_252 = arith.constant 48 : index
    %swap3A_253 = tpu.vector_load %arg8[%swap3A_252] {strides = array<i32>} : memref<128xi32, #tpu.memory_space<vmem>>, vector<16xi32>,
    tpu.vector_store %arg8[%swap3A_252], %gather3A_251 {strides = array<i32>} : memref<128xi32, #tpu.memory_space<vmem>>, vector<16xi32>,
    %add3A_254 = arith.constant 12800 : i32
    %add3A_255 = vector.broadcast %add3A_254 : i32 to vector<16xi32>
    %add3A_256 = arith.addi %mul3A_5, %add3A_255 : vector<16xi32>
    %gather3A_257 = tpu.vector_load_idx %arg6[%add3A_256] : memref<25600xi32, #tpu.memory_space<vmem>>[vector<16xi32>], vector<16xi32>,
    %swap3A_258 = arith.constant 64 : index
    %swap3A_259 = tpu.vector_load %arg8[%swap3A_258] {strides = array<i32>} : memref<128xi32, #tpu.memory_space<vmem>>, vector<16xi32>,
    tpu.vector_store %arg8[%swap3A_258], %gather3A_257 {strides = array<i32>} : memref<128xi32, #tpu.memory_space<vmem>>, vector<16xi32>,
    %add3A_260 = arith.constant 16000 : i32
    %add3A_261 = vector.broadcast %add3A_260 : i32 to vector<16xi32>
    %add3A_262 = arith.addi %mul3A_5, %add3A_261 : vector<16xi32>
    %gather3A_263 = tpu.vector_load_idx %arg6[%add3A_262] : memref<25600xi32, #tpu.memory_space<vmem>>[vector<16xi32>], vector<16xi32>,
    %swap3A_264 = arith.constant 80 : index
    %swap3A_265 = tpu.vector_load %arg8[%swap3A_264] {strides = array<i32>} : memref<128xi32, #tpu.memory_space<vmem>>, vector<16xi32>,
    tpu.vector_store %arg8[%swap3A_264], %gather3A_263 {strides = array<i32>} : memref<128xi32, #tpu.memory_space<vmem>>, vector<16xi32>,
    %add3A_266 = arith.constant 19200 : i32
    %add3A_267 = vector.broadcast %add3A_266 : i32 to vector<16xi32>
    %add3A_268 = arith.addi %mul3A_5, %add3A_267 : vector<16xi32>
    %gather3A_269 = tpu.vector_load_idx %arg6[%add3A_268] : memref<25600xi32, #tpu.memory_space<vmem>>[vector<16xi32>], vector<16xi32>,
    %swap3A_270 = arith.constant 96 : index
    %swap3A_271 = tpu.vector_load %arg8[%swap3A_270] {strides = array<i32>} : memref<128xi32, #tpu.memory_space<vmem>>, vector<16xi32>,
    tpu.vector_store %arg8[%swap3A_270], %gather3A_269 {strides = array<i32>} : memref<128xi32, #tpu.memory_space<vmem>>, vector<16xi32>,
    %add3A_272 = arith.constant 22400 : i32
    %add3A_273 = vector.broadcast %add3A_272 : i32 to vector<16xi32>
    %add3A_274 = arith.addi %mul3A_5, %add3A_273 : vector<16xi32>
    %gather3A_275 = tpu.vector_load_idx %arg6[%add3A_274] : memref<25600xi32, #tpu.memory_space<vmem>>[vector<16xi32>], vector<16xi32>,
    %swap3A_276 = arith.constant 112 : index
    %swap3A_277 = tpu.vector_load %arg8[%swap3A_276] {strides = array<i32>} : memref<128xi32, #tpu.memory_space<vmem>>, vector<16xi32>,
    tpu.vector_store %arg8[%swap3A_276], %gather3A_275 {strides = array<i32>} : memref<128xi32, #tpu.memory_space<vmem>>, vector<16xi32>,
    %dma_start3A = arith.constant 0 : i32
    %dma_start3A_278 = arith.constant 0 : i32
    %dma_start3A_279 = tpu.memref_slice %arg3[%dma_start3A, %dma_start3A_278] : memref<100000x64xf32, #tpu.memory_space<hbm>> -> memref<100000x64xf32, #tpu.memory_space<hbm>>
    tpu.enqueue_indirect_dma source(%dma_start3A_279 : memref<100000x64xf32, #tpu.memory_space<hbm>>) target(%arg11 : memref<128x64xf32, #tpu.memory_space<vmem>>) offsets(%arg8 : memref<128xi32, #tpu.memory_space<vmem>>) semaphore(%arg17 : memref<!tpu.dma_semaphore, #tpu.memory_space<semaphore_mem>>)
    %add3A_280 = arith.constant 1 : i32
    %add3A_281 = vector.broadcast %add3A_280 : i32 to vector<16xi32>
    %add3A_282 = arith.addi %mul3A_5, %add3A_281 : vector<16xi32>
    %gather3A_283 = tpu.vector_load_idx %arg6[%add3A_282] : memref<25600xi32, #tpu.memory_space<vmem>>[vector<16xi32>], vector<16xi32>,
    %swap3A_284 = arith.constant 0 : index
    %swap3A_285 = tpu.vector_load %arg9[%swap3A_284] {strides = array<i32>} : memref<128xi32, #tpu.memory_space<vmem>>, vector<16xi32>,
    tpu.vector_store %arg9[%swap3A_284], %gather3A_283 {strides = array<i32>} : memref<128xi32, #tpu.memory_space<vmem>>, vector<16xi32>,
    %add3A_286 = arith.constant 3201 : i32
    %add3A_287 = vector.broadcast %add3A_286 : i32 to vector<16xi32>
    %add3A_288 = arith.addi %mul3A_5, %add3A_287 : vector<16xi32>
    %gather3A_289 = tpu.vector_load_idx %arg6[%add3A_288] : memref<25600xi32, #tpu.memory_space<vmem>>[vector<16xi32>], vector<16xi32>,
    %swap3A_290 = arith.constant 16 : index
    %swap3A_291 = tpu.vector_load %arg9[%swap3A_290] {strides = array<i32>} : memref<128xi32, #tpu.memory_space<vmem>>, vector<16xi32>,
    tpu.vector_store %arg9[%swap3A_290], %gather3A_289 {strides = array<i32>} : memref<128xi32, #tpu.memory_space<vmem>>, vector<16xi32>,
    %add3A_292 = arith.constant 6401 : i32
    %add3A_293 = vector.broadcast %add3A_292 : i32 to vector<16xi32>
    %add3A_294 = arith.addi %mul3A_5, %add3A_293 : vector<16xi32>
    %gather3A_295 = tpu.vector_load_idx %arg6[%add3A_294] : memref<25600xi32, #tpu.memory_space<vmem>>[vector<16xi32>], vector<16xi32>,
    %swap3A_296 = arith.constant 32 : index
    %swap3A_297 = tpu.vector_load %arg9[%swap3A_296] {strides = array<i32>} : memref<128xi32, #tpu.memory_space<vmem>>, vector<16xi32>,
    tpu.vector_store %arg9[%swap3A_296], %gather3A_295 {strides = array<i32>} : memref<128xi32, #tpu.memory_space<vmem>>, vector<16xi32>,
    %add3A_298 = arith.constant 9601 : i32
    %add3A_299 = vector.broadcast %add3A_298 : i32 to vector<16xi32>
    %add3A_300 = arith.addi %mul3A_5, %add3A_299 : vector<16xi32>
    %gather3A_301 = tpu.vector_load_idx %arg6[%add3A_300] : memref<25600xi32, #tpu.memory_space<vmem>>[vector<16xi32>], vector<16xi32>,
    %swap3A_302 = arith.constant 48 : index
    %swap3A_303 = tpu.vector_load %arg9[%swap3A_302] {strides = array<i32>} : memref<128xi32, #tpu.memory_space<vmem>>, vector<16xi32>,
    tpu.vector_store %arg9[%swap3A_302], %gather3A_301 {strides = array<i32>} : memref<128xi32, #tpu.memory_space<vmem>>, vector<16xi32>,
    %add3A_304 = arith.constant 12801 : i32
    %add3A_305 = vector.broadcast %add3A_304 : i32 to vector<16xi32>
    %add3A_306 = arith.addi %mul3A_5, %add3A_305 : vector<16xi32>
    %gather3A_307 = tpu.vector_load_idx %arg6[%add3A_306] : memref<25600xi32, #tpu.memory_space<vmem>>[vector<16xi32>], vector<16xi32>,
    %swap3A_308 = arith.constant 64 : index
    %swap3A_309 = tpu.vector_load %arg9[%swap3A_308] {strides = array<i32>} : memref<128xi32, #tpu.memory_space<vmem>>, vector<16xi32>,
    tpu.vector_store %arg9[%swap3A_308], %gather3A_307 {strides = array<i32>} : memref<128xi32, #tpu.memory_space<vmem>>, vector<16xi32>,
    %add3A_310 = arith.constant 16001 : i32
    %add3A_311 = vector.broadcast %add3A_310 : i32 to vector<16xi32>
    %add3A_312 = arith.addi %mul3A_5, %add3A_311 : vector<16xi32>
    %gather3A_313 = tpu.vector_load_idx %arg6[%add3A_312] : memref<25600xi32, #tpu.memory_space<vmem>>[vector<16xi32>], vector<16xi32>,
    %swap3A_314 = arith.constant 80 : index
    %swap3A_315 = tpu.vector_load %arg9[%swap3A_314] {strides = array<i32>} : memref<128xi32, #tpu.memory_space<vmem>>, vector<16xi32>,
    tpu.vector_store %arg9[%swap3A_314], %gather3A_313 {strides = array<i32>} : memref<128xi32, #tpu.memory_space<vmem>>, vector<16xi32>,
    %add3A_316 = arith.constant 19201 : i32
    %add3A_317 = vector.broadcast %add3A_316 : i32 to vector<16xi32>
    %add3A_318 = arith.addi %mul3A_5, %add3A_317 : vector<16xi32>
    %gather3A_319 = tpu.vector_load_idx %arg6[%add3A_318] : memref<25600xi32, #tpu.memory_space<vmem>>[vector<16xi32>], vector<16xi32>,
    %swap3A_320 = arith.constant 96 : index
    %swap3A_321 = tpu.vector_load %arg9[%swap3A_320] {strides = array<i32>} : memref<128xi32, #tpu.memory_space<vmem>>, vector<16xi32>,
    tpu.vector_store %arg9[%swap3A_320], %gather3A_319 {strides = array<i32>} : memref<128xi32, #tpu.memory_space<vmem>>, vector<16xi32>,
    %add3A_322 = arith.constant 22401 : i32
    %add3A_323 = vector.broadcast %add3A_322 : i32 to vector<16xi32>
    %add3A_324 = arith.addi %mul3A_5, %add3A_323 : vector<16xi32>
    %gather3A_325 = tpu.vector_load_idx %arg6[%add3A_324] : memref<25600xi32, #tpu.memory_space<vmem>>[vector<16xi32>], vector<16xi32>,
    %swap3A_326 = arith.constant 112 : index
    %swap3A_327 = tpu.vector_load %arg9[%swap3A_326] {strides = array<i32>} : memref<128xi32, #tpu.memory_space<vmem>>, vector<16xi32>,
    tpu.vector_store %arg9[%swap3A_326], %gather3A_325 {strides = array<i32>} : memref<128xi32, #tpu.memory_space<vmem>>, vector<16xi32>,
    %dma_start3A_328 = arith.constant 0 : i32
    %dma_start3A_329 = arith.constant 0 : i32
    %dma_start3A_330 = tpu.memref_slice %arg3[%dma_start3A_328, %dma_start3A_329] : memref<100000x64xf32, #tpu.memory_space<hbm>> -> memref<100000x64xf32, #tpu.memory_space<hbm>>
    tpu.enqueue_indirect_dma source(%dma_start3A_330 : memref<100000x64xf32, #tpu.memory_space<hbm>>) target(%arg12 : memref<128x64xf32, #tpu.memory_space<vmem>>) offsets(%arg9 : memref<128xi32, #tpu.memory_space<vmem>>) semaphore(%arg18 : memref<!tpu.dma_semaphore, #tpu.memory_space<semaphore_mem>>)
    %add3A_331 = arith.constant 2 : i32
    %add3A_332 = vector.broadcast %add3A_331 : i32 to vector<16xi32>
    %add3A_333 = arith.addi %mul3A_5, %add3A_332 : vector<16xi32>
    %gather3A_334 = tpu.vector_load_idx %arg6[%add3A_333] : memref<25600xi32, #tpu.memory_space<vmem>>[vector<16xi32>], vector<16xi32>,
    %swap3A_335 = arith.constant 0 : index
    %swap3A_336 = tpu.vector_load %arg10[%swap3A_335] {strides = array<i32>} : memref<128xi32, #tpu.memory_space<vmem>>, vector<16xi32>,
    tpu.vector_store %arg10[%swap3A_335], %gather3A_334 {strides = array<i32>} : memref<128xi32, #tpu.memory_space<vmem>>, vector<16xi32>,
    %add3A_337 = arith.constant 3202 : i32
    %add3A_338 = vector.broadcast %add3A_337 : i32 to vector<16xi32>
    %add3A_339 = arith.addi %mul3A_5, %add3A_338 : vector<16xi32>
    %gather3A_340 = tpu.vector_load_idx %arg6[%add3A_339] : memref<25600xi32, #tpu.memory_space<vmem>>[vector<16xi32>], vector<16xi32>,
    %swap3A_341 = arith.constant 16 : index
    %swap3A_342 = tpu.vector_load %arg10[%swap3A_341] {strides = array<i32>} : memref<128xi32, #tpu.memory_space<vmem>>, vector<16xi32>,
    tpu.vector_store %arg10[%swap3A_341], %gather3A_340 {strides = array<i32>} : memref<128xi32, #tpu.memory_space<vmem>>, vector<16xi32>,
    %add3A_343 = arith.constant 6402 : i32
    %add3A_344 = vector.broadcast %add3A_343 : i32 to vector<16xi32>
    %add3A_345 = arith.addi %mul3A_5, %add3A_344 : vector<16xi32>
    %gather3A_346 = tpu.vector_load_idx %arg6[%add3A_345] : memref<25600xi32, #tpu.memory_space<vmem>>[vector<16xi32>], vector<16xi32>,
    %swap3A_347 = arith.constant 32 : index
    %swap3A_348 = tpu.vector_load %arg10[%swap3A_347] {strides = array<i32>} : memref<128xi32, #tpu.memory_space<vmem>>, vector<16xi32>,
    tpu.vector_store %arg10[%swap3A_347], %gather3A_346 {strides = array<i32>} : memref<128xi32, #tpu.memory_space<vmem>>, vector<16xi32>,
    %add3A_349 = arith.constant 9602 : i32
    %add3A_350 = vector.broadcast %add3A_349 : i32 to vector<16xi32>
    %add3A_351 = arith.addi %mul3A_5, %add3A_350 : vector<16xi32>
    %gather3A_352 = tpu.vector_load_idx %arg6[%add3A_351] : memref<25600xi32, #tpu.memory_space<vmem>>[vector<16xi32>], vector<16xi32>,
    %swap3A_353 = arith.constant 48 : index
    %swap3A_354 = tpu.vector_load %arg10[%swap3A_353] {strides = array<i32>} : memref<128xi32, #tpu.memory_space<vmem>>, vector<16xi32>,
    tpu.vector_store %arg10[%swap3A_353], %gather3A_352 {strides = array<i32>} : memref<128xi32, #tpu.memory_space<vmem>>, vector<16xi32>,
    %add3A_355 = arith.constant 12802 : i32
    %add3A_356 = vector.broadcast %add3A_355 : i32 to vector<16xi32>
    %add3A_357 = arith.addi %mul3A_5, %add3A_356 : vector<16xi32>
    %gather3A_358 = tpu.vector_load_idx %arg6[%add3A_357] : memref<25600xi32, #tpu.memory_space<vmem>>[vector<16xi32>], vector<16xi32>,
    %swap3A_359 = arith.constant 64 : index
    %swap3A_360 = tpu.vector_load %arg10[%swap3A_359] {strides = array<i32>} : memref<128xi32, #tpu.memory_space<vmem>>, vector<16xi32>,
    tpu.vector_store %arg10[%swap3A_359], %gather3A_358 {strides = array<i32>} : memref<128xi32, #tpu.memory_space<vmem>>, vector<16xi32>,
    %add3A_361 = arith.constant 16002 : i32
    %add3A_362 = vector.broadcast %add3A_361 : i32 to vector<16xi32>
    %add3A_363 = arith.addi %mul3A_5, %add3A_362 : vector<16xi32>
    %gather3A_364 = tpu.vector_load_idx %arg6[%add3A_363] : memref<25600xi32, #tpu.memory_space<vmem>>[vector<16xi32>], vector<16xi32>,
    %swap3A_365 = arith.constant 80 : index
    %swap3A_366 = tpu.vector_load %arg10[%swap3A_365] {strides = array<i32>} : memref<128xi32, #tpu.memory_space<vmem>>, vector<16xi32>,
    tpu.vector_store %arg10[%swap3A_365], %gather3A_364 {strides = array<i32>} : memref<128xi32, #tpu.memory_space<vmem>>, vector<16xi32>,
    %add3A_367 = arith.constant 19202 : i32
    %add3A_368 = vector.broadcast %add3A_367 : i32 to vector<16xi32>
    %add3A_369 = arith.addi %mul3A_5, %add3A_368 : vector<16xi32>
    %gather3A_370 = tpu.vector_load_idx %arg6[%add3A_369] : memref<25600xi32, #tpu.memory_space<vmem>>[vector<16xi32>], vector<16xi32>,
    %swap3A_371 = arith.constant 96 : index
    %swap3A_372 = tpu.vector_load %arg10[%swap3A_371] {strides = array<i32>} : memref<128xi32, #tpu.memory_space<vmem>>, vector<16xi32>,
    tpu.vector_store %arg10[%swap3A_371], %gather3A_370 {strides = array<i32>} : memref<128xi32, #tpu.memory_space<vmem>>, vector<16xi32>,
    %add3A_373 = arith.constant 22402 : i32
    %add3A_374 = vector.broadcast %add3A_373 : i32 to vector<16xi32>
    %add3A_375 = arith.addi %mul3A_5, %add3A_374 : vector<16xi32>
    %gather3A_376 = tpu.vector_load_idx %arg6[%add3A_375] : memref<25600xi32, #tpu.memory_space<vmem>>[vector<16xi32>], vector<16xi32>,
    %swap3A_377 = arith.constant 112 : index
    %swap3A_378 = tpu.vector_load %arg10[%swap3A_377] {strides = array<i32>} : memref<128xi32, #tpu.memory_space<vmem>>, vector<16xi32>,
    tpu.vector_store %arg10[%swap3A_377], %gather3A_376 {strides = array<i32>} : memref<128xi32, #tpu.memory_space<vmem>>, vector<16xi32>,
    %dma_start3A_379 = arith.constant 0 : i32
    %dma_start3A_380 = arith.constant 0 : i32
    %dma_start3A_381 = tpu.memref_slice %arg3[%dma_start3A_379, %dma_start3A_380] : memref<100000x64xf32, #tpu.memory_space<hbm>> -> memref<100000x64xf32, #tpu.memory_space<hbm>>
    tpu.enqueue_indirect_dma source(%dma_start3A_381 : memref<100000x64xf32, #tpu.memory_space<hbm>>) target(%arg13 : memref<128x64xf32, #tpu.memory_space<vmem>>) offsets(%arg10 : memref<128xi32, #tpu.memory_space<vmem>>) semaphore(%arg19 : memref<!tpu.dma_semaphore, #tpu.memory_space<semaphore_mem>>)
    %dma_wait3A = arith.constant 0 : i32
    %dma_wait3A_382 = arith.constant 0 : i32
    %dma_wait3A_383 = tpu.memref_slice %arg3[%dma_wait3A, %dma_wait3A_382] : memref<100000x64xf32, #tpu.memory_space<hbm>> -> memref<100000x64xf32, #tpu.memory_space<hbm>>
    tpu.wait_indirect_dma semaphore(%arg17 : memref<!tpu.dma_semaphore, #tpu.memory_space<semaphore_mem>>) src(%dma_wait3A_383 : memref<100000x64xf32, #tpu.memory_space<hbm>>) dst(%arg11 : memref<128x64xf32, #tpu.memory_space<vmem>>)
    %get3A = arith.constant 0 : index
    %get3A_384 = tpu.vector_load %arg7[%get3A] {strides = array<i32>} : memref<12800xf32, #tpu.memory_space<vmem>>, vector<16xf32>,
    %get3A_385 = arith.constant 16 : index
    %get3A_386 = tpu.vector_load %arg7[%get3A_385] {strides = array<i32>} : memref<12800xf32, #tpu.memory_space<vmem>>, vector<16xf32>,
    %get3A_387 = arith.constant 32 : index
    %get3A_388 = tpu.vector_load %arg7[%get3A_387] {strides = array<i32>} : memref<12800xf32, #tpu.memory_space<vmem>>, vector<16xf32>,
    %get3A_389 = arith.constant 48 : index
    %get3A_390 = tpu.vector_load %arg7[%get3A_389] {strides = array<i32>} : memref<12800xf32, #tpu.memory_space<vmem>>, vector<16xf32>,
    %parallel_loop3A = arith.constant 0 : i32
    %parallel_loop3A_391 = arith.constant 128 : i32
    %parallel_loop3A_392 = arith.constant 1 : i32
    scf.for %parallel_loop3A_746 = %parallel_loop3A to %parallel_loop3A_391 step %parallel_loop3A_392  : i32 {
      %parallel_loop3A_747 = vector.broadcast %parallel_loop3A_746 : i32 to vector<16xi32>
      %parallel_loop3A_748 = arith.index_cast %parallel_loop3A_746 : i32 to index
      %parallel_loop3A_749 = arith.constant 0 : index
      %parallel_loop3A_750 = tpu.vector_load %arg11[%parallel_loop3A_748, %parallel_loop3A_749] {strides = array<i32>} : memref<128x64xf32, #tpu.memory_space<vmem>>, vector<16xf32>,
      %parallel_loop3A_751 = arith.addf %parallel_loop3A_750, %get3A_384 : vector<16xf32>
      tpu.vector_store_idx %arg14[%select_n3A, %select_n3A_156, %parallel_loop3A_747], %parallel_loop3A_751 : memref<8x8x129xf32, #tpu.memory_space<vmem>>[vector<16xi32>, vector<16xi32>, vector<16xi32>], vector<16xf32>,
      %parallel_loop3A_752 = arith.index_cast %parallel_loop3A_746 : i32 to index
      %parallel_loop3A_753 = arith.constant 16 : index
      %parallel_loop3A_754 = tpu.vector_load %arg11[%parallel_loop3A_752, %parallel_loop3A_753] {strides = array<i32>} : memref<128x64xf32, #tpu.memory_space<vmem>>, vector<16xf32>,
      %parallel_loop3A_755 = arith.addf %parallel_loop3A_754, %get3A_386 : vector<16xf32>
      tpu.vector_store_idx %arg14[%select_n3A_65, %select_n3A_181, %parallel_loop3A_747], %parallel_loop3A_755 : memref<8x8x129xf32, #tpu.memory_space<vmem>>[vector<16xi32>, vector<16xi32>, vector<16xi32>], vector<16xf32>,
      %parallel_loop3A_756 = arith.index_cast %parallel_loop3A_746 : i32 to index
      %parallel_loop3A_757 = arith.constant 32 : index
      %parallel_loop3A_758 = tpu.vector_load %arg11[%parallel_loop3A_756, %parallel_loop3A_757] {strides = array<i32>} : memref<128x64xf32, #tpu.memory_space<vmem>>, vector<16xf32>,
      %parallel_loop3A_759 = arith.addf %parallel_loop3A_758, %get3A_388 : vector<16xf32>
      tpu.vector_store_idx %arg14[%select_n3A_99, %select_n3A_206, %parallel_loop3A_747], %parallel_loop3A_759 : memref<8x8x129xf32, #tpu.memory_space<vmem>>[vector<16xi32>, vector<16xi32>, vector<16xi32>], vector<16xf32>,
      %parallel_loop3A_760 = arith.index_cast %parallel_loop3A_746 : i32 to index
      %parallel_loop3A_761 = arith.constant 48 : index
      %parallel_loop3A_762 = tpu.vector_load %arg11[%parallel_loop3A_760, %parallel_loop3A_761] {strides = array<i32>} : memref<128x64xf32, #tpu.memory_space<vmem>>, vector<16xf32>,
      %parallel_loop3A_763 = arith.addf %parallel_loop3A_762, %get3A_390 : vector<16xf32>
      tpu.vector_store_idx %arg14[%select_n3A_133, %select_n3A_231, %parallel_loop3A_747], %parallel_loop3A_763 : memref<8x8x129xf32, #tpu.memory_space<vmem>>[vector<16xi32>, vector<16xi32>, vector<16xi32>], vector<16xf32>,
    } {sc.loop_unroll_factor = 4 : i64, sc.parallel_access}
    %dma_start3A_393 = arith.constant 0 : i32
    %dma_start3A_394 = arith.constant 0 : i32
    %dma_start3A_395 = arith.constant 0 : i32
    %dma_start3A_396 = arith.constant 0 : i32
    %dma_start3A_397 = tpu.memref_slice %arg14[%dma_start3A_394, %dma_start3A_395, %dma_start3A_396] : memref<8x8x129xf32, #tpu.memory_space<vmem>> -> memref<8x8x128xf32, #tpu.memory_space<vmem>>
    %dma_start3A_398 = arith.constant 0 : i32
    %dma_start3A_399 = arith.constant 0 : i32
    %dma_start3A_400 = arith.constant 0 : i32
    %dma_start3A_401 = tpu.memref_slice %arg5[%dma_start3A_393, %dma_start3A_398, %add3A, %dma_start3A_399, %dma_start3A_400] : memref<200x8x32x8x128xf32, #tpu.memory_space<hbm>> -> memref<1x8x1x8x128xf32, #tpu.memory_space<hbm>>
    %dma_start3A_402 = tpu.memref_squeeze %dma_start3A_401 : memref<1x8x1x8x128xf32, #tpu.memory_space<hbm>> -> memref<8x8x128xf32, #tpu.memory_space<hbm>>
    %dma_start3A_403 = arith.constant 0 : i32
    %dma_start3A_404 = arith.constant 0 : i32
    %dma_start3A_405 = arith.constant 0 : i32
    %dma_start3A_406 = tpu.memref_slice %arg5[%dma_start3A_393, %dma_start3A_403, %add3A, %dma_start3A_404, %dma_start3A_405] : memref<200x8x32x8x128xf32, #tpu.memory_space<hbm>> -> memref<1x8x1x8x128xf32, #tpu.memory_space<hbm>>
    %dma_start3A_407 = tpu.memref_squeeze %dma_start3A_406 : memref<1x8x1x8x128xf32, #tpu.memory_space<hbm>> -> memref<8x8x128xf32, #tpu.memory_space<hbm>>
    %dma_start3A_408 = arith.constant 0 : i32
    %dma_start3A_409 = arith.constant 0 : i32
    %dma_start3A_410 = arith.constant 0 : i32
    %dma_start3A_411 = tpu.memref_slice %arg14[%dma_start3A_408, %dma_start3A_409, %dma_start3A_410] : memref<8x8x129xf32, #tpu.memory_space<vmem>> -> memref<8x8x128xf32, #tpu.memory_space<vmem>>
    tpu.enqueue_dma source(%dma_start3A_411 : memref<8x8x128xf32, #tpu.memory_space<vmem>>) target(%dma_start3A_407 : memref<8x8x128xf32, #tpu.memory_space<hbm>>) target_semaphore(%arg20 : memref<!tpu.dma_semaphore, #tpu.memory_space<semaphore_mem>>)
    %add3A_412 = arith.constant 3 : i32
    %add3A_413 = vector.broadcast %add3A_412 : i32 to vector<16xi32>
    %add3A_414 = arith.addi %mul3A_5, %add3A_413 : vector<16xi32>
    %gather3A_415 = tpu.vector_load_idx %arg6[%add3A_414] : memref<25600xi32, #tpu.memory_space<vmem>>[vector<16xi32>], vector<16xi32>,
    %swap3A_416 = arith.constant 0 : index
    %swap3A_417 = tpu.vector_load %arg8[%swap3A_416] {strides = array<i32>} : memref<128xi32, #tpu.memory_space<vmem>>, vector<16xi32>,
    tpu.vector_store %arg8[%swap3A_416], %gather3A_415 {strides = array<i32>} : memref<128xi32, #tpu.memory_space<vmem>>, vector<16xi32>,
    %add3A_418 = arith.constant 3203 : i32
    %add3A_419 = vector.broadcast %add3A_418 : i32 to vector<16xi32>
    %add3A_420 = arith.addi %mul3A_5, %add3A_419 : vector<16xi32>
    %gather3A_421 = tpu.vector_load_idx %arg6[%add3A_420] : memref<25600xi32, #tpu.memory_space<vmem>>[vector<16xi32>], vector<16xi32>,
    %swap3A_422 = arith.constant 16 : index
    %swap3A_423 = tpu.vector_load %arg8[%swap3A_422] {strides = array<i32>} : memref<128xi32, #tpu.memory_space<vmem>>, vector<16xi32>,
    tpu.vector_store %arg8[%swap3A_422], %gather3A_421 {strides = array<i32>} : memref<128xi32, #tpu.memory_space<vmem>>, vector<16xi32>,
    %add3A_424 = arith.constant 6403 : i32
    %add3A_425 = vector.broadcast %add3A_424 : i32 to vector<16xi32>
    %add3A_426 = arith.addi %mul3A_5, %add3A_425 : vector<16xi32>
    %gather3A_427 = tpu.vector_load_idx %arg6[%add3A_426] : memref<25600xi32, #tpu.memory_space<vmem>>[vector<16xi32>], vector<16xi32>,
    %swap3A_428 = arith.constant 32 : index
    %swap3A_429 = tpu.vector_load %arg8[%swap3A_428] {strides = array<i32>} : memref<128xi32, #tpu.memory_space<vmem>>, vector<16xi32>,
    tpu.vector_store %arg8[%swap3A_428], %gather3A_427 {strides = array<i32>} : memref<128xi32, #tpu.memory_space<vmem>>, vector<16xi32>,
    %add3A_430 = arith.constant 9603 : i32
    %add3A_431 = vector.broadcast %add3A_430 : i32 to vector<16xi32>
    %add3A_432 = arith.addi %mul3A_5, %add3A_431 : vector<16xi32>
    %gather3A_433 = tpu.vector_load_idx %arg6[%add3A_432] : memref<25600xi32, #tpu.memory_space<vmem>>[vector<16xi32>], vector<16xi32>,
    %swap3A_434 = arith.constant 48 : index
    %swap3A_435 = tpu.vector_load %arg8[%swap3A_434] {strides = array<i32>} : memref<128xi32, #tpu.memory_space<vmem>>, vector<16xi32>,
    tpu.vector_store %arg8[%swap3A_434], %gather3A_433 {strides = array<i32>} : memref<128xi32, #tpu.memory_space<vmem>>, vector<16xi32>,
    %add3A_436 = arith.constant 12803 : i32
    %add3A_437 = vector.broadcast %add3A_436 : i32 to vector<16xi32>
    %add3A_438 = arith.addi %mul3A_5, %add3A_437 : vector<16xi32>
    %gather3A_439 = tpu.vector_load_idx %arg6[%add3A_438] : memref<25600xi32, #tpu.memory_space<vmem>>[vector<16xi32>], vector<16xi32>,
    %swap3A_440 = arith.constant 64 : index
    %swap3A_441 = tpu.vector_load %arg8[%swap3A_440] {strides = array<i32>} : memref<128xi32, #tpu.memory_space<vmem>>, vector<16xi32>,
    tpu.vector_store %arg8[%swap3A_440], %gather3A_439 {strides = array<i32>} : memref<128xi32, #tpu.memory_space<vmem>>, vector<16xi32>,
    %add3A_442 = arith.constant 16003 : i32
    %add3A_443 = vector.broadcast %add3A_442 : i32 to vector<16xi32>
    %add3A_444 = arith.addi %mul3A_5, %add3A_443 : vector<16xi32>
    %gather3A_445 = tpu.vector_load_idx %arg6[%add3A_444] : memref<25600xi32, #tpu.memory_space<vmem>>[vector<16xi32>], vector<16xi32>,
    %swap3A_446 = arith.constant 80 : index
    %swap3A_447 = tpu.vector_load %arg8[%swap3A_446] {strides = array<i32>} : memref<128xi32, #tpu.memory_space<vmem>>, vector<16xi32>,
    tpu.vector_store %arg8[%swap3A_446], %gather3A_445 {strides = array<i32>} : memref<128xi32, #tpu.memory_space<vmem>>, vector<16xi32>,
    %add3A_448 = arith.constant 19203 : i32
    %add3A_449 = vector.broadcast %add3A_448 : i32 to vector<16xi32>
    %add3A_450 = arith.addi %mul3A_5, %add3A_449 : vector<16xi32>
    %gather3A_451 = tpu.vector_load_idx %arg6[%add3A_450] : memref<25600xi32, #tpu.memory_space<vmem>>[vector<16xi32>], vector<16xi32>,
    %swap3A_452 = arith.constant 96 : index
    %swap3A_453 = tpu.vector_load %arg8[%swap3A_452] {strides = array<i32>} : memref<128xi32, #tpu.memory_space<vmem>>, vector<16xi32>,
    tpu.vector_store %arg8[%swap3A_452], %gather3A_451 {strides = array<i32>} : memref<128xi32, #tpu.memory_space<vmem>>, vector<16xi32>,
    %add3A_454 = arith.constant 22403 : i32
    %add3A_455 = vector.broadcast %add3A_454 : i32 to vector<16xi32>
    %add3A_456 = arith.addi %mul3A_5, %add3A_455 : vector<16xi32>
    %gather3A_457 = tpu.vector_load_idx %arg6[%add3A_456] : memref<25600xi32, #tpu.memory_space<vmem>>[vector<16xi32>], vector<16xi32>,
    %swap3A_458 = arith.constant 112 : index
    %swap3A_459 = tpu.vector_load %arg8[%swap3A_458] {strides = array<i32>} : memref<128xi32, #tpu.memory_space<vmem>>, vector<16xi32>,
    tpu.vector_store %arg8[%swap3A_458], %gather3A_457 {strides = array<i32>} : memref<128xi32, #tpu.memory_space<vmem>>, vector<16xi32>,
    %dma_start3A_460 = arith.constant 0 : i32
    %dma_start3A_461 = arith.constant 0 : i32
    %dma_start3A_462 = tpu.memref_slice %arg3[%dma_start3A_460, %dma_start3A_461] : memref<100000x64xf32, #tpu.memory_space<hbm>> -> memref<100000x64xf32, #tpu.memory_space<hbm>>
    tpu.enqueue_indirect_dma source(%dma_start3A_462 : memref<100000x64xf32, #tpu.memory_space<hbm>>) target(%arg11 : memref<128x64xf32, #tpu.memory_space<vmem>>) offsets(%arg8 : memref<128xi32, #tpu.memory_space<vmem>>) semaphore(%arg17 : memref<!tpu.dma_semaphore, #tpu.memory_space<semaphore_mem>>)
    %dma_wait3A_463 = arith.constant 0 : i32
    %dma_wait3A_464 = arith.constant 0 : i32
    %dma_wait3A_465 = tpu.memref_slice %arg3[%dma_wait3A_463, %dma_wait3A_464] : memref<100000x64xf32, #tpu.memory_space<hbm>> -> memref<100000x64xf32, #tpu.memory_space<hbm>>
    tpu.wait_indirect_dma semaphore(%arg18 : memref<!tpu.dma_semaphore, #tpu.memory_space<semaphore_mem>>) src(%dma_wait3A_465 : memref<100000x64xf32, #tpu.memory_space<hbm>>) dst(%arg12 : memref<128x64xf32, #tpu.memory_space<vmem>>)
    %get3A_466 = arith.constant 64 : index
    %get3A_467 = tpu.vector_load %arg7[%get3A_466] {strides = array<i32>} : memref<12800xf32, #tpu.memory_space<vmem>>, vector<16xf32>,
    %get3A_468 = arith.constant 80 : index
    %get3A_469 = tpu.vector_load %arg7[%get3A_468] {strides = array<i32>} : memref<12800xf32, #tpu.memory_space<vmem>>, vector<16xf32>,
    %get3A_470 = arith.constant 96 : index
    %get3A_471 = tpu.vector_load %arg7[%get3A_470] {strides = array<i32>} : memref<12800xf32, #tpu.memory_space<vmem>>, vector<16xf32>,
    %get3A_472 = arith.constant 112 : index
    %get3A_473 = tpu.vector_load %arg7[%get3A_472] {strides = array<i32>} : memref<12800xf32, #tpu.memory_space<vmem>>, vector<16xf32>,
    %parallel_loop3A_474 = arith.constant 0 : i32
    %parallel_loop3A_475 = arith.constant 128 : i32
    %parallel_loop3A_476 = arith.constant 1 : i32
    scf.for %parallel_loop3A_746 = %parallel_loop3A_474 to %parallel_loop3A_475 step %parallel_loop3A_476  : i32 {
      %parallel_loop3A_747 = vector.broadcast %parallel_loop3A_746 : i32 to vector<16xi32>
      %parallel_loop3A_748 = arith.index_cast %parallel_loop3A_746 : i32 to index
      %parallel_loop3A_749 = arith.constant 0 : index
      %parallel_loop3A_750 = tpu.vector_load %arg12[%parallel_loop3A_748, %parallel_loop3A_749] {strides = array<i32>} : memref<128x64xf32, #tpu.memory_space<vmem>>, vector<16xf32>,
      %parallel_loop3A_751 = arith.addf %parallel_loop3A_750, %get3A_467 : vector<16xf32>
      tpu.vector_store_idx %arg15[%select_n3A, %select_n3A_156, %parallel_loop3A_747], %parallel_loop3A_751 : memref<8x8x129xf32, #tpu.memory_space<vmem>>[vector<16xi32>, vector<16xi32>, vector<16xi32>], vector<16xf32>,
      %parallel_loop3A_752 = arith.index_cast %parallel_loop3A_746 : i32 to index
      %parallel_loop3A_753 = arith.constant 16 : index
      %parallel_loop3A_754 = tpu.vector_load %arg12[%parallel_loop3A_752, %parallel_loop3A_753] {strides = array<i32>} : memref<128x64xf32, #tpu.memory_space<vmem>>, vector<16xf32>,
      %parallel_loop3A_755 = arith.addf %parallel_loop3A_754, %get3A_469 : vector<16xf32>
      tpu.vector_store_idx %arg15[%select_n3A_65, %select_n3A_181, %parallel_loop3A_747], %parallel_loop3A_755 : memref<8x8x129xf32, #tpu.memory_space<vmem>>[vector<16xi32>, vector<16xi32>, vector<16xi32>], vector<16xf32>,
      %parallel_loop3A_756 = arith.index_cast %parallel_loop3A_746 : i32 to index
      %parallel_loop3A_757 = arith.constant 32 : index
      %parallel_loop3A_758 = tpu.vector_load %arg12[%parallel_loop3A_756, %parallel_loop3A_757] {strides = array<i32>} : memref<128x64xf32, #tpu.memory_space<vmem>>, vector<16xf32>,
      %parallel_loop3A_759 = arith.addf %parallel_loop3A_758, %get3A_471 : vector<16xf32>
      tpu.vector_store_idx %arg15[%select_n3A_99, %select_n3A_206, %parallel_loop3A_747], %parallel_loop3A_759 : memref<8x8x129xf32, #tpu.memory_space<vmem>>[vector<16xi32>, vector<16xi32>, vector<16xi32>], vector<16xf32>,
      %parallel_loop3A_760 = arith.index_cast %parallel_loop3A_746 : i32 to index
      %parallel_loop3A_761 = arith.constant 48 : index
      %parallel_loop3A_762 = tpu.vector_load %arg12[%parallel_loop3A_760, %parallel_loop3A_761] {strides = array<i32>} : memref<128x64xf32, #tpu.memory_space<vmem>>, vector<16xf32>,
      %parallel_loop3A_763 = arith.addf %parallel_loop3A_762, %get3A_473 : vector<16xf32>
      tpu.vector_store_idx %arg15[%select_n3A_133, %select_n3A_231, %parallel_loop3A_747], %parallel_loop3A_763 : memref<8x8x129xf32, #tpu.memory_space<vmem>>[vector<16xi32>, vector<16xi32>, vector<16xi32>], vector<16xf32>,
    } {sc.loop_unroll_factor = 4 : i64, sc.parallel_access}
    %dma_start3A_477 = arith.constant 1 : i32
    %dma_start3A_478 = arith.constant 0 : i32
    %dma_start3A_479 = arith.constant 0 : i32
    %dma_start3A_480 = arith.constant 0 : i32
    %dma_start3A_481 = tpu.memref_slice %arg15[%dma_start3A_478, %dma_start3A_479, %dma_start3A_480] : memref<8x8x129xf32, #tpu.memory_space<vmem>> -> memref<8x8x128xf32, #tpu.memory_space<vmem>>
    %dma_start3A_482 = arith.constant 0 : i32
    %dma_start3A_483 = arith.constant 0 : i32
    %dma_start3A_484 = arith.constant 0 : i32
    %dma_start3A_485 = tpu.memref_slice %arg5[%dma_start3A_477, %dma_start3A_482, %add3A, %dma_start3A_483, %dma_start3A_484] : memref<200x8x32x8x128xf32, #tpu.memory_space<hbm>> -> memref<1x8x1x8x128xf32, #tpu.memory_space<hbm>>
    %dma_start3A_486 = tpu.memref_squeeze %dma_start3A_485 : memref<1x8x1x8x128xf32, #tpu.memory_space<hbm>> -> memref<8x8x128xf32, #tpu.memory_space<hbm>>
    %dma_start3A_487 = arith.constant 0 : i32
    %dma_start3A_488 = arith.constant 0 : i32
    %dma_start3A_489 = arith.constant 0 : i32
    %dma_start3A_490 = tpu.memref_slice %arg5[%dma_start3A_477, %dma_start3A_487, %add3A, %dma_start3A_488, %dma_start3A_489] : memref<200x8x32x8x128xf32, #tpu.memory_space<hbm>> -> memref<1x8x1x8x128xf32, #tpu.memory_space<hbm>>
    %dma_start3A_491 = tpu.memref_squeeze %dma_start3A_490 : memref<1x8x1x8x128xf32, #tpu.memory_space<hbm>> -> memref<8x8x128xf32, #tpu.memory_space<hbm>>
    %dma_start3A_492 = arith.constant 0 : i32
    %dma_start3A_493 = arith.constant 0 : i32
    %dma_start3A_494 = arith.constant 0 : i32
    %dma_start3A_495 = tpu.memref_slice %arg15[%dma_start3A_492, %dma_start3A_493, %dma_start3A_494] : memref<8x8x129xf32, #tpu.memory_space<vmem>> -> memref<8x8x128xf32, #tpu.memory_space<vmem>>
    tpu.enqueue_dma source(%dma_start3A_495 : memref<8x8x128xf32, #tpu.memory_space<vmem>>) target(%dma_start3A_491 : memref<8x8x128xf32, #tpu.memory_space<hbm>>) target_semaphore(%arg21 : memref<!tpu.dma_semaphore, #tpu.memory_space<semaphore_mem>>)
    %add3A_496 = arith.constant 4 : i32
    %add3A_497 = vector.broadcast %add3A_496 : i32 to vector<16xi32>
    %add3A_498 = arith.addi %mul3A_5, %add3A_497 : vector<16xi32>
    %gather3A_499 = tpu.vector_load_idx %arg6[%add3A_498] : memref<25600xi32, #tpu.memory_space<vmem>>[vector<16xi32>], vector<16xi32>,
    %swap3A_500 = arith.constant 0 : index
    %swap3A_501 = tpu.vector_load %arg9[%swap3A_500] {strides = array<i32>} : memref<128xi32, #tpu.memory_space<vmem>>, vector<16xi32>,
    tpu.vector_store %arg9[%swap3A_500], %gather3A_499 {strides = array<i32>} : memref<128xi32, #tpu.memory_space<vmem>>, vector<16xi32>,
    %add3A_502 = arith.constant 3204 : i32
    %add3A_503 = vector.broadcast %add3A_502 : i32 to vector<16xi32>
    %add3A_504 = arith.addi %mul3A_5, %add3A_503 : vector<16xi32>
    %gather3A_505 = tpu.vector_load_idx %arg6[%add3A_504] : memref<25600xi32, #tpu.memory_space<vmem>>[vector<16xi32>], vector<16xi32>,
    %swap3A_506 = arith.constant 16 : index
    %swap3A_507 = tpu.vector_load %arg9[%swap3A_506] {strides = array<i32>} : memref<128xi32, #tpu.memory_space<vmem>>, vector<16xi32>,
    tpu.vector_store %arg9[%swap3A_506], %gather3A_505 {strides = array<i32>} : memref<128xi32, #tpu.memory_space<vmem>>, vector<16xi32>,
    %add3A_508 = arith.constant 6404 : i32
    %add3A_509 = vector.broadcast %add3A_508 : i32 to vector<16xi32>
    %add3A_510 = arith.addi %mul3A_5, %add3A_509 : vector<16xi32>
    %gather3A_511 = tpu.vector_load_idx %arg6[%add3A_510] : memref<25600xi32, #tpu.memory_space<vmem>>[vector<16xi32>], vector<16xi32>,
    %swap3A_512 = arith.constant 32 : index
    %swap3A_513 = tpu.vector_load %arg9[%swap3A_512] {strides = array<i32>} : memref<128xi32, #tpu.memory_space<vmem>>, vector<16xi32>,
    tpu.vector_store %arg9[%swap3A_512], %gather3A_511 {strides = array<i32>} : memref<128xi32, #tpu.memory_space<vmem>>, vector<16xi32>,
    %add3A_514 = arith.constant 9604 : i32
    %add3A_515 = vector.broadcast %add3A_514 : i32 to vector<16xi32>
    %add3A_516 = arith.addi %mul3A_5, %add3A_515 : vector<16xi32>
    %gather3A_517 = tpu.vector_load_idx %arg6[%add3A_516] : memref<25600xi32, #tpu.memory_space<vmem>>[vector<16xi32>], vector<16xi32>,
    %swap3A_518 = arith.constant 48 : index
    %swap3A_519 = tpu.vector_load %arg9[%swap3A_518] {strides = array<i32>} : memref<128xi32, #tpu.memory_space<vmem>>, vector<16xi32>,
    tpu.vector_store %arg9[%swap3A_518], %gather3A_517 {strides = array<i32>} : memref<128xi32, #tpu.memory_space<vmem>>, vector<16xi32>,
    %add3A_520 = arith.constant 12804 : i32
    %add3A_521 = vector.broadcast %add3A_520 : i32 to vector<16xi32>
    %add3A_522 = arith.addi %mul3A_5, %add3A_521 : vector<16xi32>
    %gather3A_523 = tpu.vector_load_idx %arg6[%add3A_522] : memref<25600xi32, #tpu.memory_space<vmem>>[vector<16xi32>], vector<16xi32>,
    %swap3A_524 = arith.constant 64 : index
    %swap3A_525 = tpu.vector_load %arg9[%swap3A_524] {strides = array<i32>} : memref<128xi32, #tpu.memory_space<vmem>>, vector<16xi32>,
    tpu.vector_store %arg9[%swap3A_524], %gather3A_523 {strides = array<i32>} : memref<128xi32, #tpu.memory_space<vmem>>, vector<16xi32>,
    %add3A_526 = arith.constant 16004 : i32
    %add3A_527 = vector.broadcast %add3A_526 : i32 to vector<16xi32>
    %add3A_528 = arith.addi %mul3A_5, %add3A_527 : vector<16xi32>
    %gather3A_529 = tpu.vector_load_idx %arg6[%add3A_528] : memref<25600xi32, #tpu.memory_space<vmem>>[vector<16xi32>], vector<16xi32>,
    %swap3A_530 = arith.constant 80 : index
    %swap3A_531 = tpu.vector_load %arg9[%swap3A_530] {strides = array<i32>} : memref<128xi32, #tpu.memory_space<vmem>>, vector<16xi32>,
    tpu.vector_store %arg9[%swap3A_530], %gather3A_529 {strides = array<i32>} : memref<128xi32, #tpu.memory_space<vmem>>, vector<16xi32>,
    %add3A_532 = arith.constant 19204 : i32
    %add3A_533 = vector.broadcast %add3A_532 : i32 to vector<16xi32>
    %add3A_534 = arith.addi %mul3A_5, %add3A_533 : vector<16xi32>
    %gather3A_535 = tpu.vector_load_idx %arg6[%add3A_534] : memref<25600xi32, #tpu.memory_space<vmem>>[vector<16xi32>], vector<16xi32>,
    %swap3A_536 = arith.constant 96 : index
    %swap3A_537 = tpu.vector_load %arg9[%swap3A_536] {strides = array<i32>} : memref<128xi32, #tpu.memory_space<vmem>>, vector<16xi32>,
    tpu.vector_store %arg9[%swap3A_536], %gather3A_535 {strides = array<i32>} : memref<128xi32, #tpu.memory_space<vmem>>, vector<16xi32>,
    %add3A_538 = arith.constant 22404 : i32
    %add3A_539 = vector.broadcast %add3A_538 : i32 to vector<16xi32>
    %add3A_540 = arith.addi %mul3A_5, %add3A_539 : vector<16xi32>
    %gather3A_541 = tpu.vector_load_idx %arg6[%add3A_540] : memref<25600xi32, #tpu.memory_space<vmem>>[vector<16xi32>], vector<16xi32>,
    %swap3A_542 = arith.constant 112 : index
    %swap3A_543 = tpu.vector_load %arg9[%swap3A_542] {strides = array<i32>} : memref<128xi32, #tpu.memory_space<vmem>>, vector<16xi32>,
    tpu.vector_store %arg9[%swap3A_542], %gather3A_541 {strides = array<i32>} : memref<128xi32, #tpu.memory_space<vmem>>, vector<16xi32>,
    %dma_start3A_544 = arith.constant 0 : i32
    %dma_start3A_545 = arith.constant 0 : i32
    %dma_start3A_546 = tpu.memref_slice %arg3[%dma_start3A_544, %dma_start3A_545] : memref<100000x64xf32, #tpu.memory_space<hbm>> -> memref<100000x64xf32, #tpu.memory_space<hbm>>
    tpu.enqueue_indirect_dma source(%dma_start3A_546 : memref<100000x64xf32, #tpu.memory_space<hbm>>) target(%arg12 : memref<128x64xf32, #tpu.memory_space<vmem>>) offsets(%arg9 : memref<128xi32, #tpu.memory_space<vmem>>) semaphore(%arg18 : memref<!tpu.dma_semaphore, #tpu.memory_space<semaphore_mem>>)
    %dma_wait3A_547 = arith.constant 0 : i32
    %dma_wait3A_548 = arith.constant 0 : i32
    %dma_wait3A_549 = tpu.memref_slice %arg3[%dma_wait3A_547, %dma_wait3A_548] : memref<100000x64xf32, #tpu.memory_space<hbm>> -> memref<100000x64xf32, #tpu.memory_space<hbm>>
    tpu.wait_indirect_dma semaphore(%arg19 : memref<!tpu.dma_semaphore, #tpu.memory_space<semaphore_mem>>) src(%dma_wait3A_549 : memref<100000x64xf32, #tpu.memory_space<hbm>>) dst(%arg13 : memref<128x64xf32, #tpu.memory_space<vmem>>)
    %get3A_550 = arith.constant 128 : index
    %get3A_551 = tpu.vector_load %arg7[%get3A_550] {strides = array<i32>} : memref<12800xf32, #tpu.memory_space<vmem>>, vector<16xf32>,
    %get3A_552 = arith.constant 144 : index
    %get3A_553 = tpu.vector_load %arg7[%get3A_552] {strides = array<i32>} : memref<12800xf32, #tpu.memory_space<vmem>>, vector<16xf32>,
    %get3A_554 = arith.constant 160 : index
    %get3A_555 = tpu.vector_load %arg7[%get3A_554] {strides = array<i32>} : memref<12800xf32, #tpu.memory_space<vmem>>, vector<16xf32>,
    %get3A_556 = arith.constant 176 : index
    %get3A_557 = tpu.vector_load %arg7[%get3A_556] {strides = array<i32>} : memref<12800xf32, #tpu.memory_space<vmem>>, vector<16xf32>,
    %parallel_loop3A_558 = arith.constant 0 : i32
    %parallel_loop3A_559 = arith.constant 128 : i32
    %parallel_loop3A_560 = arith.constant 1 : i32
    scf.for %parallel_loop3A_746 = %parallel_loop3A_558 to %parallel_loop3A_559 step %parallel_loop3A_560  : i32 {
      %parallel_loop3A_747 = vector.broadcast %parallel_loop3A_746 : i32 to vector<16xi32>
      %parallel_loop3A_748 = arith.index_cast %parallel_loop3A_746 : i32 to index
      %parallel_loop3A_749 = arith.constant 0 : index
      %parallel_loop3A_750 = tpu.vector_load %arg13[%parallel_loop3A_748, %parallel_loop3A_749] {strides = array<i32>} : memref<128x64xf32, #tpu.memory_space<vmem>>, vector<16xf32>,
      %parallel_loop3A_751 = arith.addf %parallel_loop3A_750, %get3A_551 : vector<16xf32>
      tpu.vector_store_idx %arg16[%select_n3A, %select_n3A_156, %parallel_loop3A_747], %parallel_loop3A_751 : memref<8x8x129xf32, #tpu.memory_space<vmem>>[vector<16xi32>, vector<16xi32>, vector<16xi32>], vector<16xf32>,
      %parallel_loop3A_752 = arith.index_cast %parallel_loop3A_746 : i32 to index
      %parallel_loop3A_753 = arith.constant 16 : index
      %parallel_loop3A_754 = tpu.vector_load %arg13[%parallel_loop3A_752, %parallel_loop3A_753] {strides = array<i32>} : memref<128x64xf32, #tpu.memory_space<vmem>>, vector<16xf32>,
      %parallel_loop3A_755 = arith.addf %parallel_loop3A_754, %get3A_553 : vector<16xf32>
      tpu.vector_store_idx %arg16[%select_n3A_65, %select_n3A_181, %parallel_loop3A_747], %parallel_loop3A_755 : memref<8x8x129xf32, #tpu.memory_space<vmem>>[vector<16xi32>, vector<16xi32>, vector<16xi32>], vector<16xf32>,
      %parallel_loop3A_756 = arith.index_cast %parallel_loop3A_746 : i32 to index
      %parallel_loop3A_757 = arith.constant 32 : index
      %parallel_loop3A_758 = tpu.vector_load %arg13[%parallel_loop3A_756, %parallel_loop3A_757] {strides = array<i32>} : memref<128x64xf32, #tpu.memory_space<vmem>>, vector<16xf32>,
      %parallel_loop3A_759 = arith.addf %parallel_loop3A_758, %get3A_555 : vector<16xf32>
      tpu.vector_store_idx %arg16[%select_n3A_99, %select_n3A_206, %parallel_loop3A_747], %parallel_loop3A_759 : memref<8x8x129xf32, #tpu.memory_space<vmem>>[vector<16xi32>, vector<16xi32>, vector<16xi32>], vector<16xf32>,
      %parallel_loop3A_760 = arith.index_cast %parallel_loop3A_746 : i32 to index
      %parallel_loop3A_761 = arith.constant 48 : index
      %parallel_loop3A_762 = tpu.vector_load %arg13[%parallel_loop3A_760, %parallel_loop3A_761] {strides = array<i32>} : memref<128x64xf32, #tpu.memory_space<vmem>>, vector<16xf32>,
      %parallel_loop3A_763 = arith.addf %parallel_loop3A_762, %get3A_557 : vector<16xf32>
      tpu.vector_store_idx %arg16[%select_n3A_133, %select_n3A_231, %parallel_loop3A_747], %parallel_loop3A_763 : memref<8x8x129xf32, #tpu.memory_space<vmem>>[vector<16xi32>, vector<16xi32>, vector<16xi32>], vector<16xf32>,
    } {sc.loop_unroll_factor = 4 : i64, sc.parallel_access}
    %dma_start3A_561 = arith.constant 2 : i32
    %dma_start3A_562 = arith.constant 0 : i32
    %dma_start3A_563 = arith.constant 0 : i32
    %dma_start3A_564 = arith.constant 0 : i32
    %dma_start3A_565 = tpu.memref_slice %arg16[%dma_start3A_562, %dma_start3A_563, %dma_start3A_564] : memref<8x8x129xf32, #tpu.memory_space<vmem>> -> memref<8x8x128xf32, #tpu.memory_space<vmem>>
    %dma_start3A_566 = arith.constant 0 : i32
    %dma_start3A_567 = arith.constant 0 : i32
    %dma_start3A_568 = arith.constant 0 : i32
    %dma_start3A_569 = tpu.memref_slice %arg5[%dma_start3A_561, %dma_start3A_566, %add3A, %dma_start3A_567, %dma_start3A_568] : memref<200x8x32x8x128xf32, #tpu.memory_space<hbm>> -> memref<1x8x1x8x128xf32, #tpu.memory_space<hbm>>
    %dma_start3A_570 = tpu.memref_squeeze %dma_start3A_569 : memref<1x8x1x8x128xf32, #tpu.memory_space<hbm>> -> memref<8x8x128xf32, #tpu.memory_space<hbm>>
    %dma_start3A_571 = arith.constant 0 : i32
    %dma_start3A_572 = arith.constant 0 : i32
    %dma_start3A_573 = arith.constant 0 : i32
    %dma_start3A_574 = tpu.memref_slice %arg5[%dma_start3A_561, %dma_start3A_571, %add3A, %dma_start3A_572, %dma_start3A_573] : memref<200x8x32x8x128xf32, #tpu.memory_space<hbm>> -> memref<1x8x1x8x128xf32, #tpu.memory_space<hbm>>
    %dma_start3A_575 = tpu.memref_squeeze %dma_start3A_574 : memref<1x8x1x8x128xf32, #tpu.memory_space<hbm>> -> memref<8x8x128xf32, #tpu.memory_space<hbm>>
    %dma_start3A_576 = arith.constant 0 : i32
    %dma_start3A_577 = arith.constant 0 : i32
    %dma_start3A_578 = arith.constant 0 : i32
    %dma_start3A_579 = tpu.memref_slice %arg16[%dma_start3A_576, %dma_start3A_577, %dma_start3A_578] : memref<8x8x129xf32, #tpu.memory_space<vmem>> -> memref<8x8x128xf32, #tpu.memory_space<vmem>>
    tpu.enqueue_dma source(%dma_start3A_579 : memref<8x8x128xf32, #tpu.memory_space<vmem>>) target(%dma_start3A_575 : memref<8x8x128xf32, #tpu.memory_space<hbm>>) target_semaphore(%arg22 : memref<!tpu.dma_semaphore, #tpu.memory_space<semaphore_mem>>)
    %scan3A = arith.constant 0 : i32
    %scan3A_580 = arith.constant 0 : i32
    %scan3A_581 = arith.constant 65 : i32
    %scan3A_582 = arith.addi %scan3A_580, %scan3A_581 : i32
    %scan3A_583 = arith.constant 1 : i32
    scf.for %scan3A_746 = %scan3A_580 to %scan3A_582 step %scan3A_583  : i32 {
      %mul3A_747 = arith.constant 3 : i32
      %mul3A_748 = arith.muli %scan3A_746, %mul3A_747 : i32
      %add3A_749 = arith.constant 3 : i32
      %add3A_750 = arith.addi %add3A_749, %mul3A_748 : i32
      %add3A_751 = arith.constant 0 : i32
      %add3A_752 = arith.addi %add3A_750, %add3A_751 : i32
      %add3A_753 = arith.constant 2 : i32
      %add3A_754 = arith.addi %add3A_752, %add3A_753 : i32
      %add3A_755 = arith.constant 0 : i32
      %add3A_756 = arith.addi %add3A_755, %add3A_754 : i32
      %add3A_757 = vector.broadcast %add3A_756 : i32 to vector<16xi32>
      %add3A_758 = arith.addi %mul3A_5, %add3A_757 : vector<16xi32>
      %gather3A_759 = tpu.vector_load_idx %arg6[%add3A_758] : memref<25600xi32, #tpu.memory_space<vmem>>[vector<16xi32>], vector<16xi32>,
      %swap3A_760 = arith.constant 0 : index
      %swap3A_761 = tpu.vector_load %arg10[%swap3A_760] {strides = array<i32>} : memref<128xi32, #tpu.memory_space<vmem>>, vector<16xi32>,
      tpu.vector_store %arg10[%swap3A_760], %gather3A_759 {strides = array<i32>} : memref<128xi32, #tpu.memory_space<vmem>>, vector<16xi32>,
      %add3A_762 = arith.constant 3200 : i32
      %add3A_763 = arith.addi %add3A_762, %add3A_754 : i32
      %add3A_764 = vector.broadcast %add3A_763 : i32 to vector<16xi32>
      %add3A_765 = arith.addi %mul3A_5, %add3A_764 : vector<16xi32>
      %gather3A_766 = tpu.vector_load_idx %arg6[%add3A_765] : memref<25600xi32, #tpu.memory_space<vmem>>[vector<16xi32>], vector<16xi32>,
      %swap3A_767 = arith.constant 16 : index
      %swap3A_768 = tpu.vector_load %arg10[%swap3A_767] {strides = array<i32>} : memref<128xi32, #tpu.memory_space<vmem>>, vector<16xi32>,
      tpu.vector_store %arg10[%swap3A_767], %gather3A_766 {strides = array<i32>} : memref<128xi32, #tpu.memory_space<vmem>>, vector<16xi32>,
      %add3A_769 = arith.constant 6400 : i32
      %add3A_770 = arith.addi %add3A_769, %add3A_754 : i32
      %add3A_771 = vector.broadcast %add3A_770 : i32 to vector<16xi32>
      %add3A_772 = arith.addi %mul3A_5, %add3A_771 : vector<16xi32>
      %gather3A_773 = tpu.vector_load_idx %arg6[%add3A_772] : memref<25600xi32, #tpu.memory_space<vmem>>[vector<16xi32>], vector<16xi32>,
      %swap3A_774 = arith.constant 32 : index
      %swap3A_775 = tpu.vector_load %arg10[%swap3A_774] {strides = array<i32>} : memref<128xi32, #tpu.memory_space<vmem>>, vector<16xi32>,
      tpu.vector_store %arg10[%swap3A_774], %gather3A_773 {strides = array<i32>} : memref<128xi32, #tpu.memory_space<vmem>>, vector<16xi32>,
      %add3A_776 = arith.constant 9600 : i32
      %add3A_777 = arith.addi %add3A_776, %add3A_754 : i32
      %add3A_778 = vector.broadcast %add3A_777 : i32 to vector<16xi32>
      %add3A_779 = arith.addi %mul3A_5, %add3A_778 : vector<16xi32>
      %gather3A_780 = tpu.vector_load_idx %arg6[%add3A_779] : memref<25600xi32, #tpu.memory_space<vmem>>[vector<16xi32>], vector<16xi32>,
      %swap3A_781 = arith.constant 48 : index
      %swap3A_782 = tpu.vector_load %arg10[%swap3A_781] {strides = array<i32>} : memref<128xi32, #tpu.memory_space<vmem>>, vector<16xi32>,
      tpu.vector_store %arg10[%swap3A_781], %gather3A_780 {strides = array<i32>} : memref<128xi32, #tpu.memory_space<vmem>>, vector<16xi32>,
      %add3A_783 = arith.constant 12800 : i32
      %add3A_784 = arith.addi %add3A_783, %add3A_754 : i32
      %add3A_785 = vector.broadcast %add3A_784 : i32 to vector<16xi32>
      %add3A_786 = arith.addi %mul3A_5, %add3A_785 : vector<16xi32>
      %gather3A_787 = tpu.vector_load_idx %arg6[%add3A_786] : memref<25600xi32, #tpu.memory_space<vmem>>[vector<16xi32>], vector<16xi32>,
      %swap3A_788 = arith.constant 64 : index
      %swap3A_789 = tpu.vector_load %arg10[%swap3A_788] {strides = array<i32>} : memref<128xi32, #tpu.memory_space<vmem>>, vector<16xi32>,
      tpu.vector_store %arg10[%swap3A_788], %gather3A_787 {strides = array<i32>} : memref<128xi32, #tpu.memory_space<vmem>>, vector<16xi32>,
      %add3A_790 = arith.constant 16000 : i32
      %add3A_791 = arith.addi %add3A_790, %add3A_754 : i32
      %add3A_792 = vector.broadcast %add3A_791 : i32 to vector<16xi32>
      %add3A_793 = arith.addi %mul3A_5, %add3A_792 : vector<16xi32>
      %gather3A_794 = tpu.vector_load_idx %arg6[%add3A_793] : memref<25600xi32, #tpu.memory_space<vmem>>[vector<16xi32>], vector<16xi32>,
      %swap3A_795 = arith.constant 80 : index
      %swap3A_796 = tpu.vector_load %arg10[%swap3A_795] {strides = array<i32>} : memref<128xi32, #tpu.memory_space<vmem>>, vector<16xi32>,
      tpu.vector_store %arg10[%swap3A_795], %gather3A_794 {strides = array<i32>} : memref<128xi32, #tpu.memory_space<vmem>>, vector<16xi32>,
      %add3A_797 = arith.constant 19200 : i32
      %add3A_798 = arith.addi %add3A_797, %add3A_754 : i32
      %add3A_799 = vector.broadcast %add3A_798 : i32 to vector<16xi32>
      %add3A_800 = arith.addi %mul3A_5, %add3A_799 : vector<16xi32>
      %gather3A_801 = tpu.vector_load_idx %arg6[%add3A_800] : memref<25600xi32, #tpu.memory_space<vmem>>[vector<16xi32>], vector<16xi32>,
      %swap3A_802 = arith.constant 96 : index
      %swap3A_803 = tpu.vector_load %arg10[%swap3A_802] {strides = array<i32>} : memref<128xi32, #tpu.memory_space<vmem>>, vector<16xi32>,
      tpu.vector_store %arg10[%swap3A_802], %gather3A_801 {strides = array<i32>} : memref<128xi32, #tpu.memory_space<vmem>>, vector<16xi32>,
      %add3A_804 = arith.constant 22400 : i32
      %add3A_805 = arith.addi %add3A_804, %add3A_754 : i32
      %add3A_806 = vector.broadcast %add3A_805 : i32 to vector<16xi32>
      %add3A_807 = arith.addi %mul3A_5, %add3A_806 : vector<16xi32>
      %gather3A_808 = tpu.vector_load_idx %arg6[%add3A_807] : memref<25600xi32, #tpu.memory_space<vmem>>[vector<16xi32>], vector<16xi32>,
      %swap3A_809 = arith.constant 112 : index
      %swap3A_810 = tpu.vector_load %arg10[%swap3A_809] {strides = array<i32>} : memref<128xi32, #tpu.memory_space<vmem>>, vector<16xi32>,
      tpu.vector_store %arg10[%swap3A_809], %gather3A_808 {strides = array<i32>} : memref<128xi32, #tpu.memory_space<vmem>>, vector<16xi32>,
      %dma_start3A_811 = arith.constant 0 : i32
      %dma_start3A_812 = arith.constant 0 : i32
      %dma_start3A_813 = tpu.memref_slice %arg3[%dma_start3A_811, %dma_start3A_812] : memref<100000x64xf32, #tpu.memory_space<hbm>> -> memref<100000x64xf32, #tpu.memory_space<hbm>>
      tpu.enqueue_indirect_dma source(%dma_start3A_813 : memref<100000x64xf32, #tpu.memory_space<hbm>>) target(%arg13 : memref<128x64xf32, #tpu.memory_space<vmem>>) offsets(%arg10 : memref<128xi32, #tpu.memory_space<vmem>>) semaphore(%arg19 : memref<!tpu.dma_semaphore, #tpu.memory_space<semaphore_mem>>)
      %dma_wait3A_814 = arith.constant 0 : i32
      %dma_wait3A_815 = arith.constant 0 : i32
      %dma_wait3A_816 = tpu.memref_slice %arg3[%dma_wait3A_814, %dma_wait3A_815] : memref<100000x64xf32, #tpu.memory_space<hbm>> -> memref<100000x64xf32, #tpu.memory_space<hbm>>
      tpu.wait_indirect_dma semaphore(%arg17 : memref<!tpu.dma_semaphore, #tpu.memory_space<semaphore_mem>>) src(%dma_wait3A_816 : memref<100000x64xf32, #tpu.memory_space<hbm>>) dst(%arg11 : memref<128x64xf32, #tpu.memory_space<vmem>>)
      %sub3A_817 = arith.constant 3 : i32
      %sub3A_818 = arith.subi %add3A_752, %sub3A_817 : i32
      %dma_wait3A_819 = arith.constant 0 : i32
      %dma_wait3A_820 = arith.constant 0 : i32
      %dma_wait3A_821 = arith.constant 0 : i32
      %dma_wait3A_822 = tpu.memref_slice %arg14[%dma_wait3A_819, %dma_wait3A_820, %dma_wait3A_821] : memref<8x8x129xf32, #tpu.memory_space<vmem>> -> memref<8x8x128xf32, #tpu.memory_space<vmem>>
      %dma_wait3A_823 = arith.constant 0 : i32
      %dma_wait3A_824 = arith.constant 0 : i32
      %dma_wait3A_825 = arith.constant 0 : i32
      %dma_wait3A_826 = tpu.memref_slice %arg5[%sub3A_818, %dma_wait3A_823, %add3A, %dma_wait3A_824, %dma_wait3A_825] : memref<200x8x32x8x128xf32, #tpu.memory_space<hbm>> -> memref<1x8x1x8x128xf32, #tpu.memory_space<hbm>>
      %dma_wait3A_827 = tpu.memref_squeeze %dma_wait3A_826 : memref<1x8x1x8x128xf32, #tpu.memory_space<hbm>> -> memref<8x8x128xf32, #tpu.memory_space<hbm>>
      %dma_wait3A_828 = arith.constant 0 : i32
      %dma_wait3A_829 = arith.constant 0 : i32
      %dma_wait3A_830 = arith.constant 0 : i32
      %dma_wait3A_831 = tpu.memref_slice %arg5[%sub3A_818, %dma_wait3A_828, %add3A, %dma_wait3A_829, %dma_wait3A_830] : memref<200x8x32x8x128xf32, #tpu.memory_space<hbm>> -> memref<1x8x1x8x128xf32, #tpu.memory_space<hbm>>
      %dma_wait3A_832 = tpu.memref_squeeze %dma_wait3A_831 : memref<1x8x1x8x128xf32, #tpu.memory_space<hbm>> -> memref<8x8x128xf32, #tpu.memory_space<hbm>>
      %dma_wait3A_833 = arith.constant 0 : i32
      %dma_wait3A_834 = arith.constant 0 : i32
      %dma_wait3A_835 = arith.constant 0 : i32
      %dma_wait3A_836 = tpu.memref_slice %arg14[%dma_wait3A_833, %dma_wait3A_834, %dma_wait3A_835] : memref<8x8x129xf32, #tpu.memory_space<vmem>> -> memref<8x8x128xf32, #tpu.memory_space<vmem>>
      tpu.wait_dma2 semaphore(%arg20 : memref<!tpu.dma_semaphore, #tpu.memory_space<semaphore_mem>>) src(%dma_wait3A_836 : memref<8x8x128xf32, #tpu.memory_space<vmem>>) dst(%dma_wait3A_832 : memref<8x8x128xf32, #tpu.memory_space<hbm>>)
      %mul3A_837 = arith.constant 64 : i32
      %mul3A_838 = arith.muli %add3A_752, %mul3A_837 : i32
      %add3A_839 = arith.constant 0 : i32
      %add3A_840 = arith.addi %mul3A_838, %add3A_839 : i32
      %get3A_841 = arith.index_cast %add3A_840 : i32 to index
      %get3A_842 = tpu.vector_load %arg7[%get3A_841] {strides = array<i32>} : memref<12800xf32, #tpu.memory_space<vmem>>, vector<16xf32>,
      %mul3A_843 = arith.constant 64 : i32
      %mul3A_844 = arith.muli %add3A_752, %mul3A_843 : i32
      %add3A_845 = arith.constant 16 : i32
      %add3A_846 = arith.addi %mul3A_844, %add3A_845 : i32
      %get3A_847 = arith.index_cast %add3A_846 : i32 to index
      %get3A_848 = tpu.vector_load %arg7[%get3A_847] {strides = array<i32>} : memref<12800xf32, #tpu.memory_space<vmem>>, vector<16xf32>,
      %mul3A_849 = arith.constant 64 : i32
      %mul3A_850 = arith.muli %add3A_752, %mul3A_849 : i32
      %add3A_851 = arith.constant 32 : i32
      %add3A_852 = arith.addi %mul3A_850, %add3A_851 : i32
      %get3A_853 = arith.index_cast %add3A_852 : i32 to index
      %get3A_854 = tpu.vector_load %arg7[%get3A_853] {strides = array<i32>} : memref<12800xf32, #tpu.memory_space<vmem>>, vector<16xf32>,
      %mul3A_855 = arith.constant 64 : i32
      %mul3A_856 = arith.muli %add3A_752, %mul3A_855 : i32
      %add3A_857 = arith.constant 48 : i32
      %add3A_858 = arith.addi %mul3A_856, %add3A_857 : i32
      %get3A_859 = arith.index_cast %add3A_858 : i32 to index
      %get3A_860 = tpu.vector_load %arg7[%get3A_859] {strides = array<i32>} : memref<12800xf32, #tpu.memory_space<vmem>>, vector<16xf32>,
      %parallel_loop3A_861 = arith.constant 0 : i32
      %parallel_loop3A_862 = arith.constant 128 : i32
      %parallel_loop3A_863 = arith.constant 1 : i32
      scf.for %parallel_loop3A_1144 = %parallel_loop3A_861 to %parallel_loop3A_862 step %parallel_loop3A_863  : i32 {
        %parallel_loop3A_1145 = vector.broadcast %parallel_loop3A_1144 : i32 to vector<16xi32>
        %parallel_loop3A_1146 = arith.index_cast %parallel_loop3A_1144 : i32 to index
        %parallel_loop3A_1147 = arith.constant 0 : index
        %parallel_loop3A_1148 = tpu.vector_load %arg11[%parallel_loop3A_1146, %parallel_loop3A_1147] {strides = array<i32>} : memref<128x64xf32, #tpu.memory_space<vmem>>, vector<16xf32>,
        %parallel_loop3A_1149 = arith.addf %parallel_loop3A_1148, %get3A_842 : vector<16xf32>
        tpu.vector_store_idx %arg14[%select_n3A, %select_n3A_156, %parallel_loop3A_1145], %parallel_loop3A_1149 : memref<8x8x129xf32, #tpu.memory_space<vmem>>[vector<16xi32>, vector<16xi32>, vector<16xi32>], vector<16xf32>,
        %parallel_loop3A_1150 = arith.index_cast %parallel_loop3A_1144 : i32 to index
        %parallel_loop3A_1151 = arith.constant 16 : index
        %parallel_loop3A_1152 = tpu.vector_load %arg11[%parallel_loop3A_1150, %parallel_loop3A_1151] {strides = array<i32>} : memref<128x64xf32, #tpu.memory_space<vmem>>, vector<16xf32>,
        %parallel_loop3A_1153 = arith.addf %parallel_loop3A_1152, %get3A_848 : vector<16xf32>
        tpu.vector_store_idx %arg14[%select_n3A_65, %select_n3A_181, %parallel_loop3A_1145], %parallel_loop3A_1153 : memref<8x8x129xf32, #tpu.memory_space<vmem>>[vector<16xi32>, vector<16xi32>, vector<16xi32>], vector<16xf32>,
        %parallel_loop3A_1154 = arith.index_cast %parallel_loop3A_1144 : i32 to index
        %parallel_loop3A_1155 = arith.constant 32 : index
        %parallel_loop3A_1156 = tpu.vector_load %arg11[%parallel_loop3A_1154, %parallel_loop3A_1155] {strides = array<i32>} : memref<128x64xf32, #tpu.memory_space<vmem>>, vector<16xf32>,
        %parallel_loop3A_1157 = arith.addf %parallel_loop3A_1156, %get3A_854 : vector<16xf32>
        tpu.vector_store_idx %arg14[%select_n3A_99, %select_n3A_206, %parallel_loop3A_1145], %parallel_loop3A_1157 : memref<8x8x129xf32, #tpu.memory_space<vmem>>[vector<16xi32>, vector<16xi32>, vector<16xi32>], vector<16xf32>,
        %parallel_loop3A_1158 = arith.index_cast %parallel_loop3A_1144 : i32 to index
        %parallel_loop3A_1159 = arith.constant 48 : index
        %parallel_loop3A_1160 = tpu.vector_load %arg11[%parallel_loop3A_1158, %parallel_loop3A_1159] {strides = array<i32>} : memref<128x64xf32, #tpu.memory_space<vmem>>, vector<16xf32>,
        %parallel_loop3A_1161 = arith.addf %parallel_loop3A_1160, %get3A_860 : vector<16xf32>
        tpu.vector_store_idx %arg14[%select_n3A_133, %select_n3A_231, %parallel_loop3A_1145], %parallel_loop3A_1161 : memref<8x8x129xf32, #tpu.memory_space<vmem>>[vector<16xi32>, vector<16xi32>, vector<16xi32>], vector<16xf32>,
      } {sc.loop_unroll_factor = 4 : i64, sc.parallel_access}
      %dma_start3A_864 = arith.constant 0 : i32
      %dma_start3A_865 = arith.constant 0 : i32
      %dma_start3A_866 = arith.constant 0 : i32
      %dma_start3A_867 = tpu.memref_slice %arg14[%dma_start3A_864, %dma_start3A_865, %dma_start3A_866] : memref<8x8x129xf32, #tpu.memory_space<vmem>> -> memref<8x8x128xf32, #tpu.memory_space<vmem>>
      %dma_start3A_868 = arith.constant 0 : i32
      %dma_start3A_869 = arith.constant 0 : i32
      %dma_start3A_870 = arith.constant 0 : i32
      %dma_start3A_871 = tpu.memref_slice %arg5[%add3A_752, %dma_start3A_868, %add3A, %dma_start3A_869, %dma_start3A_870] : memref<200x8x32x8x128xf32, #tpu.memory_space<hbm>> -> memref<1x8x1x8x128xf32, #tpu.memory_space<hbm>>
      %dma_start3A_872 = tpu.memref_squeeze %dma_start3A_871 : memref<1x8x1x8x128xf32, #tpu.memory_space<hbm>> -> memref<8x8x128xf32, #tpu.memory_space<hbm>>
      %dma_start3A_873 = arith.constant 0 : i32
      %dma_start3A_874 = arith.constant 0 : i32
      %dma_start3A_875 = arith.constant 0 : i32
      %dma_start3A_876 = tpu.memref_slice %arg5[%add3A_752, %dma_start3A_873, %add3A, %dma_start3A_874, %dma_start3A_875] : memref<200x8x32x8x128xf32, #tpu.memory_space<hbm>> -> memref<1x8x1x8x128xf32, #tpu.memory_space<hbm>>
      %dma_start3A_877 = tpu.memref_squeeze %dma_start3A_876 : memref<1x8x1x8x128xf32, #tpu.memory_space<hbm>> -> memref<8x8x128xf32, #tpu.memory_space<hbm>>
      %dma_start3A_878 = arith.constant 0 : i32
      %dma_start3A_879 = arith.constant 0 : i32
      %dma_start3A_880 = arith.constant 0 : i32
      %dma_start3A_881 = tpu.memref_slice %arg14[%dma_start3A_878, %dma_start3A_879, %dma_start3A_880] : memref<8x8x129xf32, #tpu.memory_space<vmem>> -> memref<8x8x128xf32, #tpu.memory_space<vmem>>
      tpu.enqueue_dma source(%dma_start3A_881 : memref<8x8x128xf32, #tpu.memory_space<vmem>>) target(%dma_start3A_877 : memref<8x8x128xf32, #tpu.memory_space<hbm>>) target_semaphore(%arg20 : memref<!tpu.dma_semaphore, #tpu.memory_space<semaphore_mem>>)
      %add3A_882 = arith.constant 1 : i32
      %add3A_883 = arith.addi %add3A_750, %add3A_882 : i32
      %add3A_884 = arith.constant 2 : i32
      %add3A_885 = arith.addi %add3A_883, %add3A_884 : i32
      %add3A_886 = arith.constant 0 : i32
      %add3A_887 = arith.addi %add3A_886, %add3A_885 : i32
      %add3A_888 = vector.broadcast %add3A_887 : i32 to vector<16xi32>
      %add3A_889 = arith.addi %mul3A_5, %add3A_888 : vector<16xi32>
      %gather3A_890 = tpu.vector_load_idx %arg6[%add3A_889] : memref<25600xi32, #tpu.memory_space<vmem>>[vector<16xi32>], vector<16xi32>,
      %swap3A_891 = arith.constant 0 : index
      %swap3A_892 = tpu.vector_load %arg8[%swap3A_891] {strides = array<i32>} : memref<128xi32, #tpu.memory_space<vmem>>, vector<16xi32>,
      tpu.vector_store %arg8[%swap3A_891], %gather3A_890 {strides = array<i32>} : memref<128xi32, #tpu.memory_space<vmem>>, vector<16xi32>,
      %add3A_893 = arith.constant 3200 : i32
      %add3A_894 = arith.addi %add3A_893, %add3A_885 : i32
      %add3A_895 = vector.broadcast %add3A_894 : i32 to vector<16xi32>
      %add3A_896 = arith.addi %mul3A_5, %add3A_895 : vector<16xi32>
      %gather3A_897 = tpu.vector_load_idx %arg6[%add3A_896] : memref<25600xi32, #tpu.memory_space<vmem>>[vector<16xi32>], vector<16xi32>,
      %swap3A_898 = arith.constant 16 : index
      %swap3A_899 = tpu.vector_load %arg8[%swap3A_898] {strides = array<i32>} : memref<128xi32, #tpu.memory_space<vmem>>, vector<16xi32>,
      tpu.vector_store %arg8[%swap3A_898], %gather3A_897 {strides = array<i32>} : memref<128xi32, #tpu.memory_space<vmem>>, vector<16xi32>,
      %add3A_900 = arith.constant 6400 : i32
      %add3A_901 = arith.addi %add3A_900, %add3A_885 : i32
      %add3A_902 = vector.broadcast %add3A_901 : i32 to vector<16xi32>
      %add3A_903 = arith.addi %mul3A_5, %add3A_902 : vector<16xi32>
      %gather3A_904 = tpu.vector_load_idx %arg6[%add3A_903] : memref<25600xi32, #tpu.memory_space<vmem>>[vector<16xi32>], vector<16xi32>,
      %swap3A_905 = arith.constant 32 : index
      %swap3A_906 = tpu.vector_load %arg8[%swap3A_905] {strides = array<i32>} : memref<128xi32, #tpu.memory_space<vmem>>, vector<16xi32>,
      tpu.vector_store %arg8[%swap3A_905], %gather3A_904 {strides = array<i32>} : memref<128xi32, #tpu.memory_space<vmem>>, vector<16xi32>,
      %add3A_907 = arith.constant 9600 : i32
      %add3A_908 = arith.addi %add3A_907, %add3A_885 : i32
      %add3A_909 = vector.broadcast %add3A_908 : i32 to vector<16xi32>
      %add3A_910 = arith.addi %mul3A_5, %add3A_909 : vector<16xi32>
      %gather3A_911 = tpu.vector_load_idx %arg6[%add3A_910] : memref<25600xi32, #tpu.memory_space<vmem>>[vector<16xi32>], vector<16xi32>,
      %swap3A_912 = arith.constant 48 : index
      %swap3A_913 = tpu.vector_load %arg8[%swap3A_912] {strides = array<i32>} : memref<128xi32, #tpu.memory_space<vmem>>, vector<16xi32>,
      tpu.vector_store %arg8[%swap3A_912], %gather3A_911 {strides = array<i32>} : memref<128xi32, #tpu.memory_space<vmem>>, vector<16xi32>,
      %add3A_914 = arith.constant 12800 : i32
      %add3A_915 = arith.addi %add3A_914, %add3A_885 : i32
      %add3A_916 = vector.broadcast %add3A_915 : i32 to vector<16xi32>
      %add3A_917 = arith.addi %mul3A_5, %add3A_916 : vector<16xi32>
      %gather3A_918 = tpu.vector_load_idx %arg6[%add3A_917] : memref<25600xi32, #tpu.memory_space<vmem>>[vector<16xi32>], vector<16xi32>,
      %swap3A_919 = arith.constant 64 : index
      %swap3A_920 = tpu.vector_load %arg8[%swap3A_919] {strides = array<i32>} : memref<128xi32, #tpu.memory_space<vmem>>, vector<16xi32>,
      tpu.vector_store %arg8[%swap3A_919], %gather3A_918 {strides = array<i32>} : memref<128xi32, #tpu.memory_space<vmem>>, vector<16xi32>,
      %add3A_921 = arith.constant 16000 : i32
      %add3A_922 = arith.addi %add3A_921, %add3A_885 : i32
      %add3A_923 = vector.broadcast %add3A_922 : i32 to vector<16xi32>
      %add3A_924 = arith.addi %mul3A_5, %add3A_923 : vector<16xi32>
      %gather3A_925 = tpu.vector_load_idx %arg6[%add3A_924] : memref<25600xi32, #tpu.memory_space<vmem>>[vector<16xi32>], vector<16xi32>,
      %swap3A_926 = arith.constant 80 : index
      %swap3A_927 = tpu.vector_load %arg8[%swap3A_926] {strides = array<i32>} : memref<128xi32, #tpu.memory_space<vmem>>, vector<16xi32>,
      tpu.vector_store %arg8[%swap3A_926], %gather3A_925 {strides = array<i32>} : memref<128xi32, #tpu.memory_space<vmem>>, vector<16xi32>,
      %add3A_928 = arith.constant 19200 : i32
      %add3A_929 = arith.addi %add3A_928, %add3A_885 : i32
      %add3A_930 = vector.broadcast %add3A_929 : i32 to vector<16xi32>
      %add3A_931 = arith.addi %mul3A_5, %add3A_930 : vector<16xi32>
      %gather3A_932 = tpu.vector_load_idx %arg6[%add3A_931] : memref<25600xi32, #tpu.memory_space<vmem>>[vector<16xi32>], vector<16xi32>,
      %swap3A_933 = arith.constant 96 : index
      %swap3A_934 = tpu.vector_load %arg8[%swap3A_933] {strides = array<i32>} : memref<128xi32, #tpu.memory_space<vmem>>, vector<16xi32>,
      tpu.vector_store %arg8[%swap3A_933], %gather3A_932 {strides = array<i32>} : memref<128xi32, #tpu.memory_space<vmem>>, vector<16xi32>,
      %add3A_935 = arith.constant 22400 : i32
      %add3A_936 = arith.addi %add3A_935, %add3A_885 : i32
      %add3A_937 = vector.broadcast %add3A_936 : i32 to vector<16xi32>
      %add3A_938 = arith.addi %mul3A_5, %add3A_937 : vector<16xi32>
      %gather3A_939 = tpu.vector_load_idx %arg6[%add3A_938] : memref<25600xi32, #tpu.memory_space<vmem>>[vector<16xi32>], vector<16xi32>,
      %swap3A_940 = arith.constant 112 : index
      %swap3A_941 = tpu.vector_load %arg8[%swap3A_940] {strides = array<i32>} : memref<128xi32, #tpu.memory_space<vmem>>, vector<16xi32>,
      tpu.vector_store %arg8[%swap3A_940], %gather3A_939 {strides = array<i32>} : memref<128xi32, #tpu.memory_space<vmem>>, vector<16xi32>,
      %dma_start3A_942 = arith.constant 0 : i32
      %dma_start3A_943 = arith.constant 0 : i32
      %dma_start3A_944 = tpu.memref_slice %arg3[%dma_start3A_942, %dma_start3A_943] : memref<100000x64xf32, #tpu.memory_space<hbm>> -> memref<100000x64xf32, #tpu.memory_space<hbm>>
      tpu.enqueue_indirect_dma source(%dma_start3A_944 : memref<100000x64xf32, #tpu.memory_space<hbm>>) target(%arg11 : memref<128x64xf32, #tpu.memory_space<vmem>>) offsets(%arg8 : memref<128xi32, #tpu.memory_space<vmem>>) semaphore(%arg17 : memref<!tpu.dma_semaphore, #tpu.memory_space<semaphore_mem>>)
      %dma_wait3A_945 = arith.constant 0 : i32
      %dma_wait3A_946 = arith.constant 0 : i32
      %dma_wait3A_947 = tpu.memref_slice %arg3[%dma_wait3A_945, %dma_wait3A_946] : memref<100000x64xf32, #tpu.memory_space<hbm>> -> memref<100000x64xf32, #tpu.memory_space<hbm>>
      tpu.wait_indirect_dma semaphore(%arg18 : memref<!tpu.dma_semaphore, #tpu.memory_space<semaphore_mem>>) src(%dma_wait3A_947 : memref<100000x64xf32, #tpu.memory_space<hbm>>) dst(%arg12 : memref<128x64xf32, #tpu.memory_space<vmem>>)
      %sub3A_948 = arith.constant 3 : i32
      %sub3A_949 = arith.subi %add3A_883, %sub3A_948 : i32
      %dma_wait3A_950 = arith.constant 0 : i32
      %dma_wait3A_951 = arith.constant 0 : i32
      %dma_wait3A_952 = arith.constant 0 : i32
      %dma_wait3A_953 = tpu.memref_slice %arg15[%dma_wait3A_950, %dma_wait3A_951, %dma_wait3A_952] : memref<8x8x129xf32, #tpu.memory_space<vmem>> -> memref<8x8x128xf32, #tpu.memory_space<vmem>>
      %dma_wait3A_954 = arith.constant 0 : i32
      %dma_wait3A_955 = arith.constant 0 : i32
      %dma_wait3A_956 = arith.constant 0 : i32
      %dma_wait3A_957 = tpu.memref_slice %arg5[%sub3A_949, %dma_wait3A_954, %add3A, %dma_wait3A_955, %dma_wait3A_956] : memref<200x8x32x8x128xf32, #tpu.memory_space<hbm>> -> memref<1x8x1x8x128xf32, #tpu.memory_space<hbm>>
      %dma_wait3A_958 = tpu.memref_squeeze %dma_wait3A_957 : memref<1x8x1x8x128xf32, #tpu.memory_space<hbm>> -> memref<8x8x128xf32, #tpu.memory_space<hbm>>
      %dma_wait3A_959 = arith.constant 0 : i32
      %dma_wait3A_960 = arith.constant 0 : i32
      %dma_wait3A_961 = arith.constant 0 : i32
      %dma_wait3A_962 = tpu.memref_slice %arg5[%sub3A_949, %dma_wait3A_959, %add3A, %dma_wait3A_960, %dma_wait3A_961] : memref<200x8x32x8x128xf32, #tpu.memory_space<hbm>> -> memref<1x8x1x8x128xf32, #tpu.memory_space<hbm>>
      %dma_wait3A_963 = tpu.memref_squeeze %dma_wait3A_962 : memref<1x8x1x8x128xf32, #tpu.memory_space<hbm>> -> memref<8x8x128xf32, #tpu.memory_space<hbm>>
      %dma_wait3A_964 = arith.constant 0 : i32
      %dma_wait3A_965 = arith.constant 0 : i32
      %dma_wait3A_966 = arith.constant 0 : i32
      %dma_wait3A_967 = tpu.memref_slice %arg15[%dma_wait3A_964, %dma_wait3A_965, %dma_wait3A_966] : memref<8x8x129xf32, #tpu.memory_space<vmem>> -> memref<8x8x128xf32, #tpu.memory_space<vmem>>
      tpu.wait_dma2 semaphore(%arg21 : memref<!tpu.dma_semaphore, #tpu.memory_space<semaphore_mem>>) src(%dma_wait3A_967 : memref<8x8x128xf32, #tpu.memory_space<vmem>>) dst(%dma_wait3A_963 : memref<8x8x128xf32, #tpu.memory_space<hbm>>)
      %mul3A_968 = arith.constant 64 : i32
      %mul3A_969 = arith.muli %add3A_883, %mul3A_968 : i32
      %add3A_970 = arith.constant 0 : i32
      %add3A_971 = arith.addi %mul3A_969, %add3A_970 : i32
      %get3A_972 = arith.index_cast %add3A_971 : i32 to index
      %get3A_973 = tpu.vector_load %arg7[%get3A_972] {strides = array<i32>} : memref<12800xf32, #tpu.memory_space<vmem>>, vector<16xf32>,
      %mul3A_974 = arith.constant 64 : i32
      %mul3A_975 = arith.muli %add3A_883, %mul3A_974 : i32
      %add3A_976 = arith.constant 16 : i32
      %add3A_977 = arith.addi %mul3A_975, %add3A_976 : i32
      %get3A_978 = arith.index_cast %add3A_977 : i32 to index
      %get3A_979 = tpu.vector_load %arg7[%get3A_978] {strides = array<i32>} : memref<12800xf32, #tpu.memory_space<vmem>>, vector<16xf32>,
      %mul3A_980 = arith.constant 64 : i32
      %mul3A_981 = arith.muli %add3A_883, %mul3A_980 : i32
      %add3A_982 = arith.constant 32 : i32
      %add3A_983 = arith.addi %mul3A_981, %add3A_982 : i32
      %get3A_984 = arith.index_cast %add3A_983 : i32 to index
      %get3A_985 = tpu.vector_load %arg7[%get3A_984] {strides = array<i32>} : memref<12800xf32, #tpu.memory_space<vmem>>, vector<16xf32>,
      %mul3A_986 = arith.constant 64 : i32
      %mul3A_987 = arith.muli %add3A_883, %mul3A_986 : i32
      %add3A_988 = arith.constant 48 : i32
      %add3A_989 = arith.addi %mul3A_987, %add3A_988 : i32
      %get3A_990 = arith.index_cast %add3A_989 : i32 to index
      %get3A_991 = tpu.vector_load %arg7[%get3A_990] {strides = array<i32>} : memref<12800xf32, #tpu.memory_space<vmem>>, vector<16xf32>,
      %parallel_loop3A_992 = arith.constant 0 : i32
      %parallel_loop3A_993 = arith.constant 128 : i32
      %parallel_loop3A_994 = arith.constant 1 : i32
      scf.for %parallel_loop3A_1144 = %parallel_loop3A_992 to %parallel_loop3A_993 step %parallel_loop3A_994  : i32 {
        %parallel_loop3A_1145 = vector.broadcast %parallel_loop3A_1144 : i32 to vector<16xi32>
        %parallel_loop3A_1146 = arith.index_cast %parallel_loop3A_1144 : i32 to index
        %parallel_loop3A_1147 = arith.constant 0 : index
        %parallel_loop3A_1148 = tpu.vector_load %arg12[%parallel_loop3A_1146, %parallel_loop3A_1147] {strides = array<i32>} : memref<128x64xf32, #tpu.memory_space<vmem>>, vector<16xf32>,
        %parallel_loop3A_1149 = arith.addf %parallel_loop3A_1148, %get3A_973 : vector<16xf32>
        tpu.vector_store_idx %arg15[%select_n3A, %select_n3A_156, %parallel_loop3A_1145], %parallel_loop3A_1149 : memref<8x8x129xf32, #tpu.memory_space<vmem>>[vector<16xi32>, vector<16xi32>, vector<16xi32>], vector<16xf32>,
        %parallel_loop3A_1150 = arith.index_cast %parallel_loop3A_1144 : i32 to index
        %parallel_loop3A_1151 = arith.constant 16 : index
        %parallel_loop3A_1152 = tpu.vector_load %arg12[%parallel_loop3A_1150, %parallel_loop3A_1151] {strides = array<i32>} : memref<128x64xf32, #tpu.memory_space<vmem>>, vector<16xf32>,
        %parallel_loop3A_1153 = arith.addf %parallel_loop3A_1152, %get3A_979 : vector<16xf32>
        tpu.vector_store_idx %arg15[%select_n3A_65, %select_n3A_181, %parallel_loop3A_1145], %parallel_loop3A_1153 : memref<8x8x129xf32, #tpu.memory_space<vmem>>[vector<16xi32>, vector<16xi32>, vector<16xi32>], vector<16xf32>,
        %parallel_loop3A_1154 = arith.index_cast %parallel_loop3A_1144 : i32 to index
        %parallel_loop3A_1155 = arith.constant 32 : index
        %parallel_loop3A_1156 = tpu.vector_load %arg12[%parallel_loop3A_1154, %parallel_loop3A_1155] {strides = array<i32>} : memref<128x64xf32, #tpu.memory_space<vmem>>, vector<16xf32>,
        %parallel_loop3A_1157 = arith.addf %parallel_loop3A_1156, %get3A_985 : vector<16xf32>
        tpu.vector_store_idx %arg15[%select_n3A_99, %select_n3A_206, %parallel_loop3A_1145], %parallel_loop3A_1157 : memref<8x8x129xf32, #tpu.memory_space<vmem>>[vector<16xi32>, vector<16xi32>, vector<16xi32>], vector<16xf32>,
        %parallel_loop3A_1158 = arith.index_cast %parallel_loop3A_1144 : i32 to index
        %parallel_loop3A_1159 = arith.constant 48 : index
        %parallel_loop3A_1160 = tpu.vector_load %arg12[%parallel_loop3A_1158, %parallel_loop3A_1159] {strides = array<i32>} : memref<128x64xf32, #tpu.memory_space<vmem>>, vector<16xf32>,
        %parallel_loop3A_1161 = arith.addf %parallel_loop3A_1160, %get3A_991 : vector<16xf32>
        tpu.vector_store_idx %arg15[%select_n3A_133, %select_n3A_231, %parallel_loop3A_1145], %parallel_loop3A_1161 : memref<8x8x129xf32, #tpu.memory_space<vmem>>[vector<16xi32>, vector<16xi32>, vector<16xi32>], vector<16xf32>,
      } {sc.loop_unroll_factor = 4 : i64, sc.parallel_access}
      %dma_start3A_995 = arith.constant 0 : i32
      %dma_start3A_996 = arith.constant 0 : i32
      %dma_start3A_997 = arith.constant 0 : i32
      %dma_start3A_998 = tpu.memref_slice %arg15[%dma_start3A_995, %dma_start3A_996, %dma_start3A_997] : memref<8x8x129xf32, #tpu.memory_space<vmem>> -> memref<8x8x128xf32, #tpu.memory_space<vmem>>
      %dma_start3A_999 = arith.constant 0 : i32
      %dma_start3A_1000 = arith.constant 0 : i32
      %dma_start3A_1001 = arith.constant 0 : i32
      %dma_start3A_1002 = tpu.memref_slice %arg5[%add3A_883, %dma_start3A_999, %add3A, %dma_start3A_1000, %dma_start3A_1001] : memref<200x8x32x8x128xf32, #tpu.memory_space<hbm>> -> memref<1x8x1x8x128xf32, #tpu.memory_space<hbm>>
      %dma_start3A_1003 = tpu.memref_squeeze %dma_start3A_1002 : memref<1x8x1x8x128xf32, #tpu.memory_space<hbm>> -> memref<8x8x128xf32, #tpu.memory_space<hbm>>
      %dma_start3A_1004 = arith.constant 0 : i32
      %dma_start3A_1005 = arith.constant 0 : i32
      %dma_start3A_1006 = arith.constant 0 : i32
      %dma_start3A_1007 = tpu.memref_slice %arg5[%add3A_883, %dma_start3A_1004, %add3A, %dma_start3A_1005, %dma_start3A_1006] : memref<200x8x32x8x128xf32, #tpu.memory_space<hbm>> -> memref<1x8x1x8x128xf32, #tpu.memory_space<hbm>>
      %dma_start3A_1008 = tpu.memref_squeeze %dma_start3A_1007 : memref<1x8x1x8x128xf32, #tpu.memory_space<hbm>> -> memref<8x8x128xf32, #tpu.memory_space<hbm>>
      %dma_start3A_1009 = arith.constant 0 : i32
      %dma_start3A_1010 = arith.constant 0 : i32
      %dma_start3A_1011 = arith.constant 0 : i32
      %dma_start3A_1012 = tpu.memref_slice %arg15[%dma_start3A_1009, %dma_start3A_1010, %dma_start3A_1011] : memref<8x8x129xf32, #tpu.memory_space<vmem>> -> memref<8x8x128xf32, #tpu.memory_space<vmem>>
      tpu.enqueue_dma source(%dma_start3A_1012 : memref<8x8x128xf32, #tpu.memory_space<vmem>>) target(%dma_start3A_1008 : memref<8x8x128xf32, #tpu.memory_space<hbm>>) target_semaphore(%arg21 : memref<!tpu.dma_semaphore, #tpu.memory_space<semaphore_mem>>)
      %add3A_1013 = arith.constant 2 : i32
      %add3A_1014 = arith.addi %add3A_750, %add3A_1013 : i32
      %add3A_1015 = arith.constant 2 : i32
      %add3A_1016 = arith.addi %add3A_1014, %add3A_1015 : i32
      %add3A_1017 = arith.constant 0 : i32
      %add3A_1018 = arith.addi %add3A_1017, %add3A_1016 : i32
      %add3A_1019 = vector.broadcast %add3A_1018 : i32 to vector<16xi32>
      %add3A_1020 = arith.addi %mul3A_5, %add3A_1019 : vector<16xi32>
      %gather3A_1021 = tpu.vector_load_idx %arg6[%add3A_1020] : memref<25600xi32, #tpu.memory_space<vmem>>[vector<16xi32>], vector<16xi32>,
      %swap3A_1022 = arith.constant 0 : index
      %swap3A_1023 = tpu.vector_load %arg9[%swap3A_1022] {strides = array<i32>} : memref<128xi32, #tpu.memory_space<vmem>>, vector<16xi32>,
      tpu.vector_store %arg9[%swap3A_1022], %gather3A_1021 {strides = array<i32>} : memref<128xi32, #tpu.memory_space<vmem>>, vector<16xi32>,
      %add3A_1024 = arith.constant 3200 : i32
      %add3A_1025 = arith.addi %add3A_1024, %add3A_1016 : i32
      %add3A_1026 = vector.broadcast %add3A_1025 : i32 to vector<16xi32>
      %add3A_1027 = arith.addi %mul3A_5, %add3A_1026 : vector<16xi32>
      %gather3A_1028 = tpu.vector_load_idx %arg6[%add3A_1027] : memref<25600xi32, #tpu.memory_space<vmem>>[vector<16xi32>], vector<16xi32>,
      %swap3A_1029 = arith.constant 16 : index
      %swap3A_1030 = tpu.vector_load %arg9[%swap3A_1029] {strides = array<i32>} : memref<128xi32, #tpu.memory_space<vmem>>, vector<16xi32>,
      tpu.vector_store %arg9[%swap3A_1029], %gather3A_1028 {strides = array<i32>} : memref<128xi32, #tpu.memory_space<vmem>>, vector<16xi32>,
      %add3A_1031 = arith.constant 6400 : i32
      %add3A_1032 = arith.addi %add3A_1031, %add3A_1016 : i32
      %add3A_1033 = vector.broadcast %add3A_1032 : i32 to vector<16xi32>
      %add3A_1034 = arith.addi %mul3A_5, %add3A_1033 : vector<16xi32>
      %gather3A_1035 = tpu.vector_load_idx %arg6[%add3A_1034] : memref<25600xi32, #tpu.memory_space<vmem>>[vector<16xi32>], vector<16xi32>,
      %swap3A_1036 = arith.constant 32 : index
      %swap3A_1037 = tpu.vector_load %arg9[%swap3A_1036] {strides = array<i32>} : memref<128xi32, #tpu.memory_space<vmem>>, vector<16xi32>,
      tpu.vector_store %arg9[%swap3A_1036], %gather3A_1035 {strides = array<i32>} : memref<128xi32, #tpu.memory_space<vmem>>, vector<16xi32>,
      %add3A_1038 = arith.constant 9600 : i32
      %add3A_1039 = arith.addi %add3A_1038, %add3A_1016 : i32
      %add3A_1040 = vector.broadcast %add3A_1039 : i32 to vector<16xi32>
      %add3A_1041 = arith.addi %mul3A_5, %add3A_1040 : vector<16xi32>
      %gather3A_1042 = tpu.vector_load_idx %arg6[%add3A_1041] : memref<25600xi32, #tpu.memory_space<vmem>>[vector<16xi32>], vector<16xi32>,
      %swap3A_1043 = arith.constant 48 : index
      %swap3A_1044 = tpu.vector_load %arg9[%swap3A_1043] {strides = array<i32>} : memref<128xi32, #tpu.memory_space<vmem>>, vector<16xi32>,
      tpu.vector_store %arg9[%swap3A_1043], %gather3A_1042 {strides = array<i32>} : memref<128xi32, #tpu.memory_space<vmem>>, vector<16xi32>,
      %add3A_1045 = arith.constant 12800 : i32
      %add3A_1046 = arith.addi %add3A_1045, %add3A_1016 : i32
      %add3A_1047 = vector.broadcast %add3A_1046 : i32 to vector<16xi32>
      %add3A_1048 = arith.addi %mul3A_5, %add3A_1047 : vector<16xi32>
      %gather3A_1049 = tpu.vector_load_idx %arg6[%add3A_1048] : memref<25600xi32, #tpu.memory_space<vmem>>[vector<16xi32>], vector<16xi32>,
      %swap3A_1050 = arith.constant 64 : index
      %swap3A_1051 = tpu.vector_load %arg9[%swap3A_1050] {strides = array<i32>} : memref<128xi32, #tpu.memory_space<vmem>>, vector<16xi32>,
      tpu.vector_store %arg9[%swap3A_1050], %gather3A_1049 {strides = array<i32>} : memref<128xi32, #tpu.memory_space<vmem>>, vector<16xi32>,
      %add3A_1052 = arith.constant 16000 : i32
      %add3A_1053 = arith.addi %add3A_1052, %add3A_1016 : i32
      %add3A_1054 = vector.broadcast %add3A_1053 : i32 to vector<16xi32>
      %add3A_1055 = arith.addi %mul3A_5, %add3A_1054 : vector<16xi32>
      %gather3A_1056 = tpu.vector_load_idx %arg6[%add3A_1055] : memref<25600xi32, #tpu.memory_space<vmem>>[vector<16xi32>], vector<16xi32>,
      %swap3A_1057 = arith.constant 80 : index
      %swap3A_1058 = tpu.vector_load %arg9[%swap3A_1057] {strides = array<i32>} : memref<128xi32, #tpu.memory_space<vmem>>, vector<16xi32>,
      tpu.vector_store %arg9[%swap3A_1057], %gather3A_1056 {strides = array<i32>} : memref<128xi32, #tpu.memory_space<vmem>>, vector<16xi32>,
      %add3A_1059 = arith.constant 19200 : i32
      %add3A_1060 = arith.addi %add3A_1059, %add3A_1016 : i32
      %add3A_1061 = vector.broadcast %add3A_1060 : i32 to vector<16xi32>
      %add3A_1062 = arith.addi %mul3A_5, %add3A_1061 : vector<16xi32>
      %gather3A_1063 = tpu.vector_load_idx %arg6[%add3A_1062] : memref<25600xi32, #tpu.memory_space<vmem>>[vector<16xi32>], vector<16xi32>,
      %swap3A_1064 = arith.constant 96 : index
      %swap3A_1065 = tpu.vector_load %arg9[%swap3A_1064] {strides = array<i32>} : memref<128xi32, #tpu.memory_space<vmem>>, vector<16xi32>,
      tpu.vector_store %arg9[%swap3A_1064], %gather3A_1063 {strides = array<i32>} : memref<128xi32, #tpu.memory_space<vmem>>, vector<16xi32>,
      %add3A_1066 = arith.constant 22400 : i32
      %add3A_1067 = arith.addi %add3A_1066, %add3A_1016 : i32
      %add3A_1068 = vector.broadcast %add3A_1067 : i32 to vector<16xi32>
      %add3A_1069 = arith.addi %mul3A_5, %add3A_1068 : vector<16xi32>
      %gather3A_1070 = tpu.vector_load_idx %arg6[%add3A_1069] : memref<25600xi32, #tpu.memory_space<vmem>>[vector<16xi32>], vector<16xi32>,
      %swap3A_1071 = arith.constant 112 : index
      %swap3A_1072 = tpu.vector_load %arg9[%swap3A_1071] {strides = array<i32>} : memref<128xi32, #tpu.memory_space<vmem>>, vector<16xi32>,
      tpu.vector_store %arg9[%swap3A_1071], %gather3A_1070 {strides = array<i32>} : memref<128xi32, #tpu.memory_space<vmem>>, vector<16xi32>,
      %dma_start3A_1073 = arith.constant 0 : i32
      %dma_start3A_1074 = arith.constant 0 : i32
      %dma_start3A_1075 = tpu.memref_slice %arg3[%dma_start3A_1073, %dma_start3A_1074] : memref<100000x64xf32, #tpu.memory_space<hbm>> -> memref<100000x64xf32, #tpu.memory_space<hbm>>
      tpu.enqueue_indirect_dma source(%dma_start3A_1075 : memref<100000x64xf32, #tpu.memory_space<hbm>>) target(%arg12 : memref<128x64xf32, #tpu.memory_space<vmem>>) offsets(%arg9 : memref<128xi32, #tpu.memory_space<vmem>>) semaphore(%arg18 : memref<!tpu.dma_semaphore, #tpu.memory_space<semaphore_mem>>)
      %dma_wait3A_1076 = arith.constant 0 : i32
      %dma_wait3A_1077 = arith.constant 0 : i32
      %dma_wait3A_1078 = tpu.memref_slice %arg3[%dma_wait3A_1076, %dma_wait3A_1077] : memref<100000x64xf32, #tpu.memory_space<hbm>> -> memref<100000x64xf32, #tpu.memory_space<hbm>>
      tpu.wait_indirect_dma semaphore(%arg19 : memref<!tpu.dma_semaphore, #tpu.memory_space<semaphore_mem>>) src(%dma_wait3A_1078 : memref<100000x64xf32, #tpu.memory_space<hbm>>) dst(%arg13 : memref<128x64xf32, #tpu.memory_space<vmem>>)
      %sub3A_1079 = arith.constant 3 : i32
      %sub3A_1080 = arith.subi %add3A_1014, %sub3A_1079 : i32
      %dma_wait3A_1081 = arith.constant 0 : i32
      %dma_wait3A_1082 = arith.constant 0 : i32
      %dma_wait3A_1083 = arith.constant 0 : i32
      %dma_wait3A_1084 = tpu.memref_slice %arg16[%dma_wait3A_1081, %dma_wait3A_1082, %dma_wait3A_1083] : memref<8x8x129xf32, #tpu.memory_space<vmem>> -> memref<8x8x128xf32, #tpu.memory_space<vmem>>
      %dma_wait3A_1085 = arith.constant 0 : i32
      %dma_wait3A_1086 = arith.constant 0 : i32
      %dma_wait3A_1087 = arith.constant 0 : i32
      %dma_wait3A_1088 = tpu.memref_slice %arg5[%sub3A_1080, %dma_wait3A_1085, %add3A, %dma_wait3A_1086, %dma_wait3A_1087] : memref<200x8x32x8x128xf32, #tpu.memory_space<hbm>> -> memref<1x8x1x8x128xf32, #tpu.memory_space<hbm>>
      %dma_wait3A_1089 = tpu.memref_squeeze %dma_wait3A_1088 : memref<1x8x1x8x128xf32, #tpu.memory_space<hbm>> -> memref<8x8x128xf32, #tpu.memory_space<hbm>>
      %dma_wait3A_1090 = arith.constant 0 : i32
      %dma_wait3A_1091 = arith.constant 0 : i32
      %dma_wait3A_1092 = arith.constant 0 : i32
      %dma_wait3A_1093 = tpu.memref_slice %arg5[%sub3A_1080, %dma_wait3A_1090, %add3A, %dma_wait3A_1091, %dma_wait3A_1092] : memref<200x8x32x8x128xf32, #tpu.memory_space<hbm>> -> memref<1x8x1x8x128xf32, #tpu.memory_space<hbm>>
      %dma_wait3A_1094 = tpu.memref_squeeze %dma_wait3A_1093 : memref<1x8x1x8x128xf32, #tpu.memory_space<hbm>> -> memref<8x8x128xf32, #tpu.memory_space<hbm>>
      %dma_wait3A_1095 = arith.constant 0 : i32
      %dma_wait3A_1096 = arith.constant 0 : i32
      %dma_wait3A_1097 = arith.constant 0 : i32
      %dma_wait3A_1098 = tpu.memref_slice %arg16[%dma_wait3A_1095, %dma_wait3A_1096, %dma_wait3A_1097] : memref<8x8x129xf32, #tpu.memory_space<vmem>> -> memref<8x8x128xf32, #tpu.memory_space<vmem>>
      tpu.wait_dma2 semaphore(%arg22 : memref<!tpu.dma_semaphore, #tpu.memory_space<semaphore_mem>>) src(%dma_wait3A_1098 : memref<8x8x128xf32, #tpu.memory_space<vmem>>) dst(%dma_wait3A_1094 : memref<8x8x128xf32, #tpu.memory_space<hbm>>)
      %mul3A_1099 = arith.constant 64 : i32
      %mul3A_1100 = arith.muli %add3A_1014, %mul3A_1099 : i32
      %add3A_1101 = arith.constant 0 : i32
      %add3A_1102 = arith.addi %mul3A_1100, %add3A_1101 : i32
      %get3A_1103 = arith.index_cast %add3A_1102 : i32 to index
      %get3A_1104 = tpu.vector_load %arg7[%get3A_1103] {strides = array<i32>} : memref<12800xf32, #tpu.memory_space<vmem>>, vector<16xf32>,
      %mul3A_1105 = arith.constant 64 : i32
      %mul3A_1106 = arith.muli %add3A_1014, %mul3A_1105 : i32
      %add3A_1107 = arith.constant 16 : i32
      %add3A_1108 = arith.addi %mul3A_1106, %add3A_1107 : i32
      %get3A_1109 = arith.index_cast %add3A_1108 : i32 to index
      %get3A_1110 = tpu.vector_load %arg7[%get3A_1109] {strides = array<i32>} : memref<12800xf32, #tpu.memory_space<vmem>>, vector<16xf32>,
      %mul3A_1111 = arith.constant 64 : i32
      %mul3A_1112 = arith.muli %add3A_1014, %mul3A_1111 : i32
      %add3A_1113 = arith.constant 32 : i32
      %add3A_1114 = arith.addi %mul3A_1112, %add3A_1113 : i32
      %get3A_1115 = arith.index_cast %add3A_1114 : i32 to index
      %get3A_1116 = tpu.vector_load %arg7[%get3A_1115] {strides = array<i32>} : memref<12800xf32, #tpu.memory_space<vmem>>, vector<16xf32>,
      %mul3A_1117 = arith.constant 64 : i32
      %mul3A_1118 = arith.muli %add3A_1014, %mul3A_1117 : i32
      %add3A_1119 = arith.constant 48 : i32
      %add3A_1120 = arith.addi %mul3A_1118, %add3A_1119 : i32
      %get3A_1121 = arith.index_cast %add3A_1120 : i32 to index
      %get3A_1122 = tpu.vector_load %arg7[%get3A_1121] {strides = array<i32>} : memref<12800xf32, #tpu.memory_space<vmem>>, vector<16xf32>,
      %parallel_loop3A_1123 = arith.constant 0 : i32
      %parallel_loop3A_1124 = arith.constant 128 : i32
      %parallel_loop3A_1125 = arith.constant 1 : i32
      scf.for %parallel_loop3A_1144 = %parallel_loop3A_1123 to %parallel_loop3A_1124 step %parallel_loop3A_1125  : i32 {
        %parallel_loop3A_1145 = vector.broadcast %parallel_loop3A_1144 : i32 to vector<16xi32>
        %parallel_loop3A_1146 = arith.index_cast %parallel_loop3A_1144 : i32 to index
        %parallel_loop3A_1147 = arith.constant 0 : index
        %parallel_loop3A_1148 = tpu.vector_load %arg13[%parallel_loop3A_1146, %parallel_loop3A_1147] {strides = array<i32>} : memref<128x64xf32, #tpu.memory_space<vmem>>, vector<16xf32>,
        %parallel_loop3A_1149 = arith.addf %parallel_loop3A_1148, %get3A_1104 : vector<16xf32>
        tpu.vector_store_idx %arg16[%select_n3A, %select_n3A_156, %parallel_loop3A_1145], %parallel_loop3A_1149 : memref<8x8x129xf32, #tpu.memory_space<vmem>>[vector<16xi32>, vector<16xi32>, vector<16xi32>], vector<16xf32>,
        %parallel_loop3A_1150 = arith.index_cast %parallel_loop3A_1144 : i32 to index
        %parallel_loop3A_1151 = arith.constant 16 : index
        %parallel_loop3A_1152 = tpu.vector_load %arg13[%parallel_loop3A_1150, %parallel_loop3A_1151] {strides = array<i32>} : memref<128x64xf32, #tpu.memory_space<vmem>>, vector<16xf32>,
        %parallel_loop3A_1153 = arith.addf %parallel_loop3A_1152, %get3A_1110 : vector<16xf32>
        tpu.vector_store_idx %arg16[%select_n3A_65, %select_n3A_181, %parallel_loop3A_1145], %parallel_loop3A_1153 : memref<8x8x129xf32, #tpu.memory_space<vmem>>[vector<16xi32>, vector<16xi32>, vector<16xi32>], vector<16xf32>,
        %parallel_loop3A_1154 = arith.index_cast %parallel_loop3A_1144 : i32 to index
        %parallel_loop3A_1155 = arith.constant 32 : index
        %parallel_loop3A_1156 = tpu.vector_load %arg13[%parallel_loop3A_1154, %parallel_loop3A_1155] {strides = array<i32>} : memref<128x64xf32, #tpu.memory_space<vmem>>, vector<16xf32>,
        %parallel_loop3A_1157 = arith.addf %parallel_loop3A_1156, %get3A_1116 : vector<16xf32>
        tpu.vector_store_idx %arg16[%select_n3A_99, %select_n3A_206, %parallel_loop3A_1145], %parallel_loop3A_1157 : memref<8x8x129xf32, #tpu.memory_space<vmem>>[vector<16xi32>, vector<16xi32>, vector<16xi32>], vector<16xf32>,
        %parallel_loop3A_1158 = arith.index_cast %parallel_loop3A_1144 : i32 to index
        %parallel_loop3A_1159 = arith.constant 48 : index
        %parallel_loop3A_1160 = tpu.vector_load %arg13[%parallel_loop3A_1158, %parallel_loop3A_1159] {strides = array<i32>} : memref<128x64xf32, #tpu.memory_space<vmem>>, vector<16xf32>,
        %parallel_loop3A_1161 = arith.addf %parallel_loop3A_1160, %get3A_1122 : vector<16xf32>
        tpu.vector_store_idx %arg16[%select_n3A_133, %select_n3A_231, %parallel_loop3A_1145], %parallel_loop3A_1161 : memref<8x8x129xf32, #tpu.memory_space<vmem>>[vector<16xi32>, vector<16xi32>, vector<16xi32>], vector<16xf32>,
      } {sc.loop_unroll_factor = 4 : i64, sc.parallel_access}
      %dma_start3A_1126 = arith.constant 0 : i32
      %dma_start3A_1127 = arith.constant 0 : i32
      %dma_start3A_1128 = arith.constant 0 : i32
      %dma_start3A_1129 = tpu.memref_slice %arg16[%dma_start3A_1126, %dma_start3A_1127, %dma_start3A_1128] : memref<8x8x129xf32, #tpu.memory_space<vmem>> -> memref<8x8x128xf32, #tpu.memory_space<vmem>>
      %dma_start3A_1130 = arith.constant 0 : i32
      %dma_start3A_1131 = arith.constant 0 : i32
      %dma_start3A_1132 = arith.constant 0 : i32
      %dma_start3A_1133 = tpu.memref_slice %arg5[%add3A_1014, %dma_start3A_1130, %add3A, %dma_start3A_1131, %dma_start3A_1132] : memref<200x8x32x8x128xf32, #tpu.memory_space<hbm>> -> memref<1x8x1x8x128xf32, #tpu.memory_space<hbm>>
      %dma_start3A_1134 = tpu.memref_squeeze %dma_start3A_1133 : memref<1x8x1x8x128xf32, #tpu.memory_space<hbm>> -> memref<8x8x128xf32, #tpu.memory_space<hbm>>
      %dma_start3A_1135 = arith.constant 0 : i32
      %dma_start3A_1136 = arith.constant 0 : i32
      %dma_start3A_1137 = arith.constant 0 : i32
      %dma_start3A_1138 = tpu.memref_slice %arg5[%add3A_1014, %dma_start3A_1135, %add3A, %dma_start3A_1136, %dma_start3A_1137] : memref<200x8x32x8x128xf32, #tpu.memory_space<hbm>> -> memref<1x8x1x8x128xf32, #tpu.memory_space<hbm>>
      %dma_start3A_1139 = tpu.memref_squeeze %dma_start3A_1138 : memref<1x8x1x8x128xf32, #tpu.memory_space<hbm>> -> memref<8x8x128xf32, #tpu.memory_space<hbm>>
      %dma_start3A_1140 = arith.constant 0 : i32
      %dma_start3A_1141 = arith.constant 0 : i32
      %dma_start3A_1142 = arith.constant 0 : i32
      %dma_start3A_1143 = tpu.memref_slice %arg16[%dma_start3A_1140, %dma_start3A_1141, %dma_start3A_1142] : memref<8x8x129xf32, #tpu.memory_space<vmem>> -> memref<8x8x128xf32, #tpu.memory_space<vmem>>
      tpu.enqueue_dma source(%dma_start3A_1143 : memref<8x8x128xf32, #tpu.memory_space<vmem>>) target(%dma_start3A_1139 : memref<8x8x128xf32, #tpu.memory_space<hbm>>) target_semaphore(%arg22 : memref<!tpu.dma_semaphore, #tpu.memory_space<semaphore_mem>>)
    }
    %scan3A_584 = arith.constant 65 : i32
    %dma_wait3A_585 = arith.constant 0 : i32
    %dma_wait3A_586 = arith.constant 0 : i32
    %dma_wait3A_587 = tpu.memref_slice %arg3[%dma_wait3A_585, %dma_wait3A_586] : memref<100000x64xf32, #tpu.memory_space<hbm>> -> memref<100000x64xf32, #tpu.memory_space<hbm>>
    tpu.wait_indirect_dma semaphore(%arg17 : memref<!tpu.dma_semaphore, #tpu.memory_space<semaphore_mem>>) src(%dma_wait3A_587 : memref<100000x64xf32, #tpu.memory_space<hbm>>) dst(%arg11 : memref<128x64xf32, #tpu.memory_space<vmem>>)
    %dma_wait3A_588 = arith.constant 195 : i32
    %dma_wait3A_589 = arith.constant 0 : i32
    %dma_wait3A_590 = arith.constant 0 : i32
    %dma_wait3A_591 = arith.constant 0 : i32
    %dma_wait3A_592 = tpu.memref_slice %arg14[%dma_wait3A_589, %dma_wait3A_590, %dma_wait3A_591] : memref<8x8x129xf32, #tpu.memory_space<vmem>> -> memref<8x8x128xf32, #tpu.memory_space<vmem>>
    %dma_wait3A_593 = arith.constant 0 : i32
    %dma_wait3A_594 = arith.constant 0 : i32
    %dma_wait3A_595 = arith.constant 0 : i32
    %dma_wait3A_596 = tpu.memref_slice %arg5[%dma_wait3A_588, %dma_wait3A_593, %add3A, %dma_wait3A_594, %dma_wait3A_595] : memref<200x8x32x8x128xf32, #tpu.memory_space<hbm>> -> memref<1x8x1x8x128xf32, #tpu.memory_space<hbm>>
    %dma_wait3A_597 = tpu.memref_squeeze %dma_wait3A_596 : memref<1x8x1x8x128xf32, #tpu.memory_space<hbm>> -> memref<8x8x128xf32, #tpu.memory_space<hbm>>
    %dma_wait3A_598 = arith.constant 0 : i32
    %dma_wait3A_599 = arith.constant 0 : i32
    %dma_wait3A_600 = arith.constant 0 : i32
    %dma_wait3A_601 = tpu.memref_slice %arg5[%dma_wait3A_588, %dma_wait3A_598, %add3A, %dma_wait3A_599, %dma_wait3A_600] : memref<200x8x32x8x128xf32, #tpu.memory_space<hbm>> -> memref<1x8x1x8x128xf32, #tpu.memory_space<hbm>>
    %dma_wait3A_602 = tpu.memref_squeeze %dma_wait3A_601 : memref<1x8x1x8x128xf32, #tpu.memory_space<hbm>> -> memref<8x8x128xf32, #tpu.memory_space<hbm>>
    %dma_wait3A_603 = arith.constant 0 : i32
    %dma_wait3A_604 = arith.constant 0 : i32
    %dma_wait3A_605 = arith.constant 0 : i32
    %dma_wait3A_606 = tpu.memref_slice %arg14[%dma_wait3A_603, %dma_wait3A_604, %dma_wait3A_605] : memref<8x8x129xf32, #tpu.memory_space<vmem>> -> memref<8x8x128xf32, #tpu.memory_space<vmem>>
    tpu.wait_dma2 semaphore(%arg20 : memref<!tpu.dma_semaphore, #tpu.memory_space<semaphore_mem>>) src(%dma_wait3A_606 : memref<8x8x128xf32, #tpu.memory_space<vmem>>) dst(%dma_wait3A_602 : memref<8x8x128xf32, #tpu.memory_space<hbm>>)
    %get3A_607 = arith.constant 12672 : index
    %get3A_608 = tpu.vector_load %arg7[%get3A_607] {strides = array<i32>} : memref<12800xf32, #tpu.memory_space<vmem>>, vector<16xf32>,
    %get3A_609 = arith.constant 12688 : index
    %get3A_610 = tpu.vector_load %arg7[%get3A_609] {strides = array<i32>} : memref<12800xf32, #tpu.memory_space<vmem>>, vector<16xf32>,
    %get3A_611 = arith.constant 12704 : index
    %get3A_612 = tpu.vector_load %arg7[%get3A_611] {strides = array<i32>} : memref<12800xf32, #tpu.memory_space<vmem>>, vector<16xf32>,
    %get3A_613 = arith.constant 12720 : index
    %get3A_614 = tpu.vector_load %arg7[%get3A_613] {strides = array<i32>} : memref<12800xf32, #tpu.memory_space<vmem>>, vector<16xf32>,
    %parallel_loop3A_615 = arith.constant 0 : i32
    %parallel_loop3A_616 = arith.constant 128 : i32
    %parallel_loop3A_617 = arith.constant 1 : i32
    scf.for %parallel_loop3A_746 = %parallel_loop3A_615 to %parallel_loop3A_616 step %parallel_loop3A_617  : i32 {
      %parallel_loop3A_747 = vector.broadcast %parallel_loop3A_746 : i32 to vector<16xi32>
      %parallel_loop3A_748 = arith.index_cast %parallel_loop3A_746 : i32 to index
      %parallel_loop3A_749 = arith.constant 0 : index
      %parallel_loop3A_750 = tpu.vector_load %arg11[%parallel_loop3A_748, %parallel_loop3A_749] {strides = array<i32>} : memref<128x64xf32, #tpu.memory_space<vmem>>, vector<16xf32>,
      %parallel_loop3A_751 = arith.addf %parallel_loop3A_750, %get3A_608 : vector<16xf32>
      tpu.vector_store_idx %arg14[%select_n3A, %select_n3A_156, %parallel_loop3A_747], %parallel_loop3A_751 : memref<8x8x129xf32, #tpu.memory_space<vmem>>[vector<16xi32>, vector<16xi32>, vector<16xi32>], vector<16xf32>,
      %parallel_loop3A_752 = arith.index_cast %parallel_loop3A_746 : i32 to index
      %parallel_loop3A_753 = arith.constant 16 : index
      %parallel_loop3A_754 = tpu.vector_load %arg11[%parallel_loop3A_752, %parallel_loop3A_753] {strides = array<i32>} : memref<128x64xf32, #tpu.memory_space<vmem>>, vector<16xf32>,
      %parallel_loop3A_755 = arith.addf %parallel_loop3A_754, %get3A_610 : vector<16xf32>
      tpu.vector_store_idx %arg14[%select_n3A_65, %select_n3A_181, %parallel_loop3A_747], %parallel_loop3A_755 : memref<8x8x129xf32, #tpu.memory_space<vmem>>[vector<16xi32>, vector<16xi32>, vector<16xi32>], vector<16xf32>,
      %parallel_loop3A_756 = arith.index_cast %parallel_loop3A_746 : i32 to index
      %parallel_loop3A_757 = arith.constant 32 : index
      %parallel_loop3A_758 = tpu.vector_load %arg11[%parallel_loop3A_756, %parallel_loop3A_757] {strides = array<i32>} : memref<128x64xf32, #tpu.memory_space<vmem>>, vector<16xf32>,
      %parallel_loop3A_759 = arith.addf %parallel_loop3A_758, %get3A_612 : vector<16xf32>
      tpu.vector_store_idx %arg14[%select_n3A_99, %select_n3A_206, %parallel_loop3A_747], %parallel_loop3A_759 : memref<8x8x129xf32, #tpu.memory_space<vmem>>[vector<16xi32>, vector<16xi32>, vector<16xi32>], vector<16xf32>,
      %parallel_loop3A_760 = arith.index_cast %parallel_loop3A_746 : i32 to index
      %parallel_loop3A_761 = arith.constant 48 : index
      %parallel_loop3A_762 = tpu.vector_load %arg11[%parallel_loop3A_760, %parallel_loop3A_761] {strides = array<i32>} : memref<128x64xf32, #tpu.memory_space<vmem>>, vector<16xf32>,
      %parallel_loop3A_763 = arith.addf %parallel_loop3A_762, %get3A_614 : vector<16xf32>
      tpu.vector_store_idx %arg14[%select_n3A_133, %select_n3A_231, %parallel_loop3A_747], %parallel_loop3A_763 : memref<8x8x129xf32, #tpu.memory_space<vmem>>[vector<16xi32>, vector<16xi32>, vector<16xi32>], vector<16xf32>,
    } {sc.loop_unroll_factor = 4 : i64, sc.parallel_access}
    %dma_start3A_618 = arith.constant 198 : i32
    %dma_start3A_619 = arith.constant 0 : i32
    %dma_start3A_620 = arith.constant 0 : i32
    %dma_start3A_621 = arith.constant 0 : i32
    %dma_start3A_622 = tpu.memref_slice %arg14[%dma_start3A_619, %dma_start3A_620, %dma_start3A_621] : memref<8x8x129xf32, #tpu.memory_space<vmem>> -> memref<8x8x128xf32, #tpu.memory_space<vmem>>
    %dma_start3A_623 = arith.constant 0 : i32
    %dma_start3A_624 = arith.constant 0 : i32
    %dma_start3A_625 = arith.constant 0 : i32
    %dma_start3A_626 = tpu.memref_slice %arg5[%dma_start3A_618, %dma_start3A_623, %add3A, %dma_start3A_624, %dma_start3A_625] : memref<200x8x32x8x128xf32, #tpu.memory_space<hbm>> -> memref<1x8x1x8x128xf32, #tpu.memory_space<hbm>>
    %dma_start3A_627 = tpu.memref_squeeze %dma_start3A_626 : memref<1x8x1x8x128xf32, #tpu.memory_space<hbm>> -> memref<8x8x128xf32, #tpu.memory_space<hbm>>
    %dma_start3A_628 = arith.constant 0 : i32
    %dma_start3A_629 = arith.constant 0 : i32
    %dma_start3A_630 = arith.constant 0 : i32
    %dma_start3A_631 = tpu.memref_slice %arg5[%dma_start3A_618, %dma_start3A_628, %add3A, %dma_start3A_629, %dma_start3A_630] : memref<200x8x32x8x128xf32, #tpu.memory_space<hbm>> -> memref<1x8x1x8x128xf32, #tpu.memory_space<hbm>>
    %dma_start3A_632 = tpu.memref_squeeze %dma_start3A_631 : memref<1x8x1x8x128xf32, #tpu.memory_space<hbm>> -> memref<8x8x128xf32, #tpu.memory_space<hbm>>
    %dma_start3A_633 = arith.constant 0 : i32
    %dma_start3A_634 = arith.constant 0 : i32
    %dma_start3A_635 = arith.constant 0 : i32
    %dma_start3A_636 = tpu.memref_slice %arg14[%dma_start3A_633, %dma_start3A_634, %dma_start3A_635] : memref<8x8x129xf32, #tpu.memory_space<vmem>> -> memref<8x8x128xf32, #tpu.memory_space<vmem>>
    tpu.enqueue_dma source(%dma_start3A_636 : memref<8x8x128xf32, #tpu.memory_space<vmem>>) target(%dma_start3A_632 : memref<8x8x128xf32, #tpu.memory_space<hbm>>) target_semaphore(%arg20 : memref<!tpu.dma_semaphore, #tpu.memory_space<semaphore_mem>>)
    %dma_wait3A_637 = arith.constant 0 : i32
    %dma_wait3A_638 = arith.constant 0 : i32
    %dma_wait3A_639 = tpu.memref_slice %arg3[%dma_wait3A_637, %dma_wait3A_638] : memref<100000x64xf32, #tpu.memory_space<hbm>> -> memref<100000x64xf32, #tpu.memory_space<hbm>>
    tpu.wait_indirect_dma semaphore(%arg18 : memref<!tpu.dma_semaphore, #tpu.memory_space<semaphore_mem>>) src(%dma_wait3A_639 : memref<100000x64xf32, #tpu.memory_space<hbm>>) dst(%arg12 : memref<128x64xf32, #tpu.memory_space<vmem>>)
    %dma_wait3A_640 = arith.constant 196 : i32
    %dma_wait3A_641 = arith.constant 0 : i32
    %dma_wait3A_642 = arith.constant 0 : i32
    %dma_wait3A_643 = arith.constant 0 : i32
    %dma_wait3A_644 = tpu.memref_slice %arg15[%dma_wait3A_641, %dma_wait3A_642, %dma_wait3A_643] : memref<8x8x129xf32, #tpu.memory_space<vmem>> -> memref<8x8x128xf32, #tpu.memory_space<vmem>>
    %dma_wait3A_645 = arith.constant 0 : i32
    %dma_wait3A_646 = arith.constant 0 : i32
    %dma_wait3A_647 = arith.constant 0 : i32
    %dma_wait3A_648 = tpu.memref_slice %arg5[%dma_wait3A_640, %dma_wait3A_645, %add3A, %dma_wait3A_646, %dma_wait3A_647] : memref<200x8x32x8x128xf32, #tpu.memory_space<hbm>> -> memref<1x8x1x8x128xf32, #tpu.memory_space<hbm>>
    %dma_wait3A_649 = tpu.memref_squeeze %dma_wait3A_648 : memref<1x8x1x8x128xf32, #tpu.memory_space<hbm>> -> memref<8x8x128xf32, #tpu.memory_space<hbm>>
    %dma_wait3A_650 = arith.constant 0 : i32
    %dma_wait3A_651 = arith.constant 0 : i32
    %dma_wait3A_652 = arith.constant 0 : i32
    %dma_wait3A_653 = tpu.memref_slice %arg5[%dma_wait3A_640, %dma_wait3A_650, %add3A, %dma_wait3A_651, %dma_wait3A_652] : memref<200x8x32x8x128xf32, #tpu.memory_space<hbm>> -> memref<1x8x1x8x128xf32, #tpu.memory_space<hbm>>
    %dma_wait3A_654 = tpu.memref_squeeze %dma_wait3A_653 : memref<1x8x1x8x128xf32, #tpu.memory_space<hbm>> -> memref<8x8x128xf32, #tpu.memory_space<hbm>>
    %dma_wait3A_655 = arith.constant 0 : i32
    %dma_wait3A_656 = arith.constant 0 : i32
    %dma_wait3A_657 = arith.constant 0 : i32
    %dma_wait3A_658 = tpu.memref_slice %arg15[%dma_wait3A_655, %dma_wait3A_656, %dma_wait3A_657] : memref<8x8x129xf32, #tpu.memory_space<vmem>> -> memref<8x8x128xf32, #tpu.memory_space<vmem>>
    tpu.wait_dma2 semaphore(%arg21 : memref<!tpu.dma_semaphore, #tpu.memory_space<semaphore_mem>>) src(%dma_wait3A_658 : memref<8x8x128xf32, #tpu.memory_space<vmem>>) dst(%dma_wait3A_654 : memref<8x8x128xf32, #tpu.memory_space<hbm>>)
    %get3A_659 = arith.constant 12736 : index
    %get3A_660 = tpu.vector_load %arg7[%get3A_659] {strides = array<i32>} : memref<12800xf32, #tpu.memory_space<vmem>>, vector<16xf32>,
    %get3A_661 = arith.constant 12752 : index
    %get3A_662 = tpu.vector_load %arg7[%get3A_661] {strides = array<i32>} : memref<12800xf32, #tpu.memory_space<vmem>>, vector<16xf32>,
    %get3A_663 = arith.constant 12768 : index
    %get3A_664 = tpu.vector_load %arg7[%get3A_663] {strides = array<i32>} : memref<12800xf32, #tpu.memory_space<vmem>>, vector<16xf32>,
    %get3A_665 = arith.constant 12784 : index
    %get3A_666 = tpu.vector_load %arg7[%get3A_665] {strides = array<i32>} : memref<12800xf32, #tpu.memory_space<vmem>>, vector<16xf32>,
    %parallel_loop3A_667 = arith.constant 0 : i32
    %parallel_loop3A_668 = arith.constant 128 : i32
    %parallel_loop3A_669 = arith.constant 1 : i32
    scf.for %parallel_loop3A_746 = %parallel_loop3A_667 to %parallel_loop3A_668 step %parallel_loop3A_669  : i32 {
      %parallel_loop3A_747 = vector.broadcast %parallel_loop3A_746 : i32 to vector<16xi32>
      %parallel_loop3A_748 = arith.index_cast %parallel_loop3A_746 : i32 to index
      %parallel_loop3A_749 = arith.constant 0 : index
      %parallel_loop3A_750 = tpu.vector_load %arg12[%parallel_loop3A_748, %parallel_loop3A_749] {strides = array<i32>} : memref<128x64xf32, #tpu.memory_space<vmem>>, vector<16xf32>,
      %parallel_loop3A_751 = arith.addf %parallel_loop3A_750, %get3A_660 : vector<16xf32>
      tpu.vector_store_idx %arg15[%select_n3A, %select_n3A_156, %parallel_loop3A_747], %parallel_loop3A_751 : memref<8x8x129xf32, #tpu.memory_space<vmem>>[vector<16xi32>, vector<16xi32>, vector<16xi32>], vector<16xf32>,
      %parallel_loop3A_752 = arith.index_cast %parallel_loop3A_746 : i32 to index
      %parallel_loop3A_753 = arith.constant 16 : index
      %parallel_loop3A_754 = tpu.vector_load %arg12[%parallel_loop3A_752, %parallel_loop3A_753] {strides = array<i32>} : memref<128x64xf32, #tpu.memory_space<vmem>>, vector<16xf32>,
      %parallel_loop3A_755 = arith.addf %parallel_loop3A_754, %get3A_662 : vector<16xf32>
      tpu.vector_store_idx %arg15[%select_n3A_65, %select_n3A_181, %parallel_loop3A_747], %parallel_loop3A_755 : memref<8x8x129xf32, #tpu.memory_space<vmem>>[vector<16xi32>, vector<16xi32>, vector<16xi32>], vector<16xf32>,
      %parallel_loop3A_756 = arith.index_cast %parallel_loop3A_746 : i32 to index
      %parallel_loop3A_757 = arith.constant 32 : index
      %parallel_loop3A_758 = tpu.vector_load %arg12[%parallel_loop3A_756, %parallel_loop3A_757] {strides = array<i32>} : memref<128x64xf32, #tpu.memory_space<vmem>>, vector<16xf32>,
      %parallel_loop3A_759 = arith.addf %parallel_loop3A_758, %get3A_664 : vector<16xf32>
      tpu.vector_store_idx %arg15[%select_n3A_99, %select_n3A_206, %parallel_loop3A_747], %parallel_loop3A_759 : memref<8x8x129xf32, #tpu.memory_space<vmem>>[vector<16xi32>, vector<16xi32>, vector<16xi32>], vector<16xf32>,
      %parallel_loop3A_760 = arith.index_cast %parallel_loop3A_746 : i32 to index
      %parallel_loop3A_761 = arith.constant 48 : index
      %parallel_loop3A_762 = tpu.vector_load %arg12[%parallel_loop3A_760, %parallel_loop3A_761] {strides = array<i32>} : memref<128x64xf32, #tpu.memory_space<vmem>>, vector<16xf32>,
      %parallel_loop3A_763 = arith.addf %parallel_loop3A_762, %get3A_666 : vector<16xf32>
      tpu.vector_store_idx %arg15[%select_n3A_133, %select_n3A_231, %parallel_loop3A_747], %parallel_loop3A_763 : memref<8x8x129xf32, #tpu.memory_space<vmem>>[vector<16xi32>, vector<16xi32>, vector<16xi32>], vector<16xf32>,
    } {sc.loop_unroll_factor = 4 : i64, sc.parallel_access}
    %dma_start3A_670 = arith.constant 199 : i32
    %dma_start3A_671 = arith.constant 0 : i32
    %dma_start3A_672 = arith.constant 0 : i32
    %dma_start3A_673 = arith.constant 0 : i32
    %dma_start3A_674 = tpu.memref_slice %arg15[%dma_start3A_671, %dma_start3A_672, %dma_start3A_673] : memref<8x8x129xf32, #tpu.memory_space<vmem>> -> memref<8x8x128xf32, #tpu.memory_space<vmem>>
    %dma_start3A_675 = arith.constant 0 : i32
    %dma_start3A_676 = arith.constant 0 : i32
    %dma_start3A_677 = arith.constant 0 : i32
    %dma_start3A_678 = tpu.memref_slice %arg5[%dma_start3A_670, %dma_start3A_675, %add3A, %dma_start3A_676, %dma_start3A_677] : memref<200x8x32x8x128xf32, #tpu.memory_space<hbm>> -> memref<1x8x1x8x128xf32, #tpu.memory_space<hbm>>
    %dma_start3A_679 = tpu.memref_squeeze %dma_start3A_678 : memref<1x8x1x8x128xf32, #tpu.memory_space<hbm>> -> memref<8x8x128xf32, #tpu.memory_space<hbm>>
    %dma_start3A_680 = arith.constant 0 : i32
    %dma_start3A_681 = arith.constant 0 : i32
    %dma_start3A_682 = arith.constant 0 : i32
    %dma_start3A_683 = tpu.memref_slice %arg5[%dma_start3A_670, %dma_start3A_680, %add3A, %dma_start3A_681, %dma_start3A_682] : memref<200x8x32x8x128xf32, #tpu.memory_space<hbm>> -> memref<1x8x1x8x128xf32, #tpu.memory_space<hbm>>
    %dma_start3A_684 = tpu.memref_squeeze %dma_start3A_683 : memref<1x8x1x8x128xf32, #tpu.memory_space<hbm>> -> memref<8x8x128xf32, #tpu.memory_space<hbm>>
    %dma_start3A_685 = arith.constant 0 : i32
    %dma_start3A_686 = arith.constant 0 : i32
    %dma_start3A_687 = arith.constant 0 : i32
    %dma_start3A_688 = tpu.memref_slice %arg15[%dma_start3A_685, %dma_start3A_686, %dma_start3A_687] : memref<8x8x129xf32, #tpu.memory_space<vmem>> -> memref<8x8x128xf32, #tpu.memory_space<vmem>>
    tpu.enqueue_dma source(%dma_start3A_688 : memref<8x8x128xf32, #tpu.memory_space<vmem>>) target(%dma_start3A_684 : memref<8x8x128xf32, #tpu.memory_space<hbm>>) target_semaphore(%arg21 : memref<!tpu.dma_semaphore, #tpu.memory_space<semaphore_mem>>)
    %dma_wait3A_689 = arith.constant 197 : i32
    %dma_wait3A_690 = arith.constant 0 : i32
    %dma_wait3A_691 = arith.constant 0 : i32
    %dma_wait3A_692 = arith.constant 0 : i32
    %dma_wait3A_693 = tpu.memref_slice %arg16[%dma_wait3A_690, %dma_wait3A_691, %dma_wait3A_692] : memref<8x8x129xf32, #tpu.memory_space<vmem>> -> memref<8x8x128xf32, #tpu.memory_space<vmem>>
    %dma_wait3A_694 = arith.constant 0 : i32
    %dma_wait3A_695 = arith.constant 0 : i32
    %dma_wait3A_696 = arith.constant 0 : i32
    %dma_wait3A_697 = tpu.memref_slice %arg5[%dma_wait3A_689, %dma_wait3A_694, %add3A, %dma_wait3A_695, %dma_wait3A_696] : memref<200x8x32x8x128xf32, #tpu.memory_space<hbm>> -> memref<1x8x1x8x128xf32, #tpu.memory_space<hbm>>
    %dma_wait3A_698 = tpu.memref_squeeze %dma_wait3A_697 : memref<1x8x1x8x128xf32, #tpu.memory_space<hbm>> -> memref<8x8x128xf32, #tpu.memory_space<hbm>>
    %dma_wait3A_699 = arith.constant 0 : i32
    %dma_wait3A_700 = arith.constant 0 : i32
    %dma_wait3A_701 = arith.constant 0 : i32
    %dma_wait3A_702 = tpu.memref_slice %arg5[%dma_wait3A_689, %dma_wait3A_699, %add3A, %dma_wait3A_700, %dma_wait3A_701] : memref<200x8x32x8x128xf32, #tpu.memory_space<hbm>> -> memref<1x8x1x8x128xf32, #tpu.memory_space<hbm>>
    %dma_wait3A_703 = tpu.memref_squeeze %dma_wait3A_702 : memref<1x8x1x8x128xf32, #tpu.memory_space<hbm>> -> memref<8x8x128xf32, #tpu.memory_space<hbm>>
    %dma_wait3A_704 = arith.constant 0 : i32
    %dma_wait3A_705 = arith.constant 0 : i32
    %dma_wait3A_706 = arith.constant 0 : i32
    %dma_wait3A_707 = tpu.memref_slice %arg16[%dma_wait3A_704, %dma_wait3A_705, %dma_wait3A_706] : memref<8x8x129xf32, #tpu.memory_space<vmem>> -> memref<8x8x128xf32, #tpu.memory_space<vmem>>
    tpu.wait_dma2 semaphore(%arg22 : memref<!tpu.dma_semaphore, #tpu.memory_space<semaphore_mem>>) src(%dma_wait3A_707 : memref<8x8x128xf32, #tpu.memory_space<vmem>>) dst(%dma_wait3A_703 : memref<8x8x128xf32, #tpu.memory_space<hbm>>)
    %dma_wait3A_708 = arith.constant 198 : i32
    %dma_wait3A_709 = arith.constant 0 : i32
    %dma_wait3A_710 = arith.constant 0 : i32
    %dma_wait3A_711 = arith.constant 0 : i32
    %dma_wait3A_712 = tpu.memref_slice %arg14[%dma_wait3A_709, %dma_wait3A_710, %dma_wait3A_711] : memref<8x8x129xf32, #tpu.memory_space<vmem>> -> memref<8x8x128xf32, #tpu.memory_space<vmem>>
    %dma_wait3A_713 = arith.constant 0 : i32
    %dma_wait3A_714 = arith.constant 0 : i32
    %dma_wait3A_715 = arith.constant 0 : i32
    %dma_wait3A_716 = tpu.memref_slice %arg5[%dma_wait3A_708, %dma_wait3A_713, %add3A, %dma_wait3A_714, %dma_wait3A_715] : memref<200x8x32x8x128xf32, #tpu.memory_space<hbm>> -> memref<1x8x1x8x128xf32, #tpu.memory_space<hbm>>
    %dma_wait3A_717 = tpu.memref_squeeze %dma_wait3A_716 : memref<1x8x1x8x128xf32, #tpu.memory_space<hbm>> -> memref<8x8x128xf32, #tpu.memory_space<hbm>>
    %dma_wait3A_718 = arith.constant 0 : i32
    %dma_wait3A_719 = arith.constant 0 : i32
    %dma_wait3A_720 = arith.constant 0 : i32
    %dma_wait3A_721 = tpu.memref_slice %arg5[%dma_wait3A_708, %dma_wait3A_718, %add3A, %dma_wait3A_719, %dma_wait3A_720] : memref<200x8x32x8x128xf32, #tpu.memory_space<hbm>> -> memref<1x8x1x8x128xf32, #tpu.memory_space<hbm>>
    %dma_wait3A_722 = tpu.memref_squeeze %dma_wait3A_721 : memref<1x8x1x8x128xf32, #tpu.memory_space<hbm>> -> memref<8x8x128xf32, #tpu.memory_space<hbm>>
    %dma_wait3A_723 = arith.constant 0 : i32
    %dma_wait3A_724 = arith.constant 0 : i32
    %dma_wait3A_725 = arith.constant 0 : i32
    %dma_wait3A_726 = tpu.memref_slice %arg14[%dma_wait3A_723, %dma_wait3A_724, %dma_wait3A_725] : memref<8x8x129xf32, #tpu.memory_space<vmem>> -> memref<8x8x128xf32, #tpu.memory_space<vmem>>
    tpu.wait_dma2 semaphore(%arg20 : memref<!tpu.dma_semaphore, #tpu.memory_space<semaphore_mem>>) src(%dma_wait3A_726 : memref<8x8x128xf32, #tpu.memory_space<vmem>>) dst(%dma_wait3A_722 : memref<8x8x128xf32, #tpu.memory_space<hbm>>)
    %dma_wait3A_727 = arith.constant 199 : i32
    %dma_wait3A_728 = arith.constant 0 : i32
    %dma_wait3A_729 = arith.constant 0 : i32
    %dma_wait3A_730 = arith.constant 0 : i32
    %dma_wait3A_731 = tpu.memref_slice %arg15[%dma_wait3A_728, %dma_wait3A_729, %dma_wait3A_730] : memref<8x8x129xf32, #tpu.memory_space<vmem>> -> memref<8x8x128xf32, #tpu.memory_space<vmem>>
    %dma_wait3A_732 = arith.constant 0 : i32
    %dma_wait3A_733 = arith.constant 0 : i32
    %dma_wait3A_734 = arith.constant 0 : i32
    %dma_wait3A_735 = tpu.memref_slice %arg5[%dma_wait3A_727, %dma_wait3A_732, %add3A, %dma_wait3A_733, %dma_wait3A_734] : memref<200x8x32x8x128xf32, #tpu.memory_space<hbm>> -> memref<1x8x1x8x128xf32, #tpu.memory_space<hbm>>
    %dma_wait3A_736 = tpu.memref_squeeze %dma_wait3A_735 : memref<1x8x1x8x128xf32, #tpu.memory_space<hbm>> -> memref<8x8x128xf32, #tpu.memory_space<hbm>>
    %dma_wait3A_737 = arith.constant 0 : i32
    %dma_wait3A_738 = arith.constant 0 : i32
    %dma_wait3A_739 = arith.constant 0 : i32
    %dma_wait3A_740 = tpu.memref_slice %arg5[%dma_wait3A_727, %dma_wait3A_737, %add3A, %dma_wait3A_738, %dma_wait3A_739] : memref<200x8x32x8x128xf32, #tpu.memory_space<hbm>> -> memref<1x8x1x8x128xf32, #tpu.memory_space<hbm>>
    %dma_wait3A_741 = tpu.memref_squeeze %dma_wait3A_740 : memref<1x8x1x8x128xf32, #tpu.memory_space<hbm>> -> memref<8x8x128xf32, #tpu.memory_space<hbm>>
    %dma_wait3A_742 = arith.constant 0 : i32
    %dma_wait3A_743 = arith.constant 0 : i32
    %dma_wait3A_744 = arith.constant 0 : i32
    %dma_wait3A_745 = tpu.memref_slice %arg15[%dma_wait3A_742, %dma_wait3A_743, %dma_wait3A_744] : memref<8x8x129xf32, #tpu.memory_space<vmem>> -> memref<8x8x128xf32, #tpu.memory_space<vmem>>
    tpu.wait_dma2 semaphore(%arg21 : memref<!tpu.dma_semaphore, #tpu.memory_space<semaphore_mem>>) src(%dma_wait3A_745 : memref<8x8x128xf32, #tpu.memory_space<vmem>>) dst(%dma_wait3A_741 : memref<8x8x128xf32, #tpu.memory_space<hbm>>)
    return
  }
}

</mosaic_0001>

<sc_bundles>
// kernel: kernel.3.cloned.1.call-start
scs
__scs_entry_jumppad:
0x0: {  	(pc) =	sbr.rel $0x88, $3  }
0x1: {  	(tag) =	ssettag $0x0;
	lr =	simm.s32 $0x1  }
0x2: {  	[smem:$0x3F9F] =	sst lr;
	_ =	strace $0xD0000000  }
0x3: {  	_ = 	snop  }
0x4: {  	_ = 	snop  }
0x5: {  	_ = 	snop  }
0x6: {  	_ = 	snop  }
0x7: {  	_ = 	snop  }
__scs_overlays_trampoline_lowered:
0x8: {  	[smem:$0x3FAE] =	sst s0  }
0x9: {  	[smem:$0x3FAF] =	sst s1  }
0xa: {  	[smem:$0x3FB0] =	sst s2  }
0xb: {  	[smem:$0x3FB1] =	sst s3  }
0xc: {  	[smem:$0x3FB2] =	sst s4  }
0xd: {  	[smem:$0x3FB3] =	sst s5  }
0xe: {  	[smem:$0x3FB4] =	sst s6  }
0xf: {  	[smem:$0x3FB5] =	sst s7  }
0x10: {  	[smem:$0x3FB6] =	sst s8  }
0x11: {  	[smem:$0x3FB7] =	sst s9;
	s0 =	simm.s32 @!p0 $0x0  }
0x12: {  	s1 =	sld [smem:$0x3F9D];
	s0 =	simm.s32 @p0 $0x1  }
0x13: {  	[smem:$0x3FB8] =	sst s0;
	s0 =	simm.s32 @!p1 $0x0  }
0x14: {  	s2 =	sld [smem:$0x3F9C];
	s0 =	simm.s32 @p1 $0x1  }
0x15: {  	[smem:$0x3FB9] =	sst s0;
	s0 =	simm.s32 @!p2 $0x0  }
0x16: {  	s3 =	sld [smem:$0x3FDB];
	s0 =	simm.s32 @p2 $0x1  }
0x17: {  	s4 =	simm.s32 $0x1BF5;
	[smem:$0x3FBB] =	sst s0  }
0x18: {  	s0 =	sld [smem:$0x3F9E];
	_ =	swait.ge [sflag:s4], $0x0  }
0x19: {  	s7 =	sld [smem:$0x3F9F]  }
0x1a: {  	s8 =	sadd.s32 $0xFFFFE003, lr  }
0x1b: {  	s9 =	sadd.s32 $0xFFFFFEF7, lr;
	s5 =	simm.s32 $0xFFFFFFFF;
	p2 =	slt.u32 s8, $0xFFFFF086  }
0x1c: {  	p1 =	slt.u32 s9, $0xF7A;
	s5 =	simm.s32 @!p2 $0x0  }
0x1d: {  	s5 =	simm.s32 @p1 $0x1;
	p0 =	seq.s32 s7, s2  }
0x1e: {  	s7 =	smul.u32 @!p0 $0xF7A, s2;
	p2 =	seq.s32 @!p0 s5, $0x0  }
0x1f: {  	s9 =	smul.u32 $0xF7A, s1;
	s8 =	simm.s32 @!p0 $0x1BF5;
	p2 =	por !p2, p0  }
0x20: {  	[sflag:s8] =	ssyncset.s32 @!p0 $0xFFFFF086;
	s6 =	sadd.s32 @!p0 s3, s7;
	s7 =	simm.s32 @!p0 $0x108  }
0x21: {  	s3 =	sadd.s32 s3, s9;
	s6 =	sadd.s32 @!p0 $0x88, s6;
	s7 =	simm.s32 @p2 $0x1082  }
0x22: {  	[simem:s7], [sflag:s8] =	dma.local @!p0 [hbm:s6], $0xF7A  }
0x23: {  	s9 =	sor.u32 $0xD0000000, s2;
	s6 =	simm.s32 $0x108;
	_ =	swait.ge @!p0 [sflag:s8], $0x0  }
0x24: {  	s3 =	sadd.s32 $0x88, s3;
	s6 =	simm.s32 @!p1 $0x1082;
	[sflag:s4] =	ssyncset.s32 $0xFFFFF086  }
0x25: {  	[simem:s6], [sflag:s4] =	dma.local [hbm:s3], $0xF7A  }
0x26: {  	[smem:$0x3F9F] =	sst s1;
	(tag) =	ssettag s2;
	_ =	strace s9  }
0x27: {  	s1 =	sld [smem:$0x3FAF]  }
0x28: {  	s2 =	sld [smem:$0x3FB0]  }
0x29: {  	s4 =	sld [smem:$0x3FB2]  }
0x2a: {  	p0 =	seq.s32 s5, $0x0;
	s5 =	sld [smem:$0x3FB3]  }
0x2b: {  	s6 =	sld [smem:$0x3FB4]  }
0x2c: {  	s7 =	sld [smem:$0x3FB5]  }
0x2d: {  	s3 =	simm.s32 $0x108;
	s8 =	sld [smem:$0x3FB6]  }
0x2e: {  	s3 =	simm.s32 @!p0 $0x1082;
	s9 =	sld [smem:$0x3FB7]  }
0x2f: {  	lr =	sadd.s32 s0, s3;
	s0 =	sld [smem:$0x3FAE]  }
0x30: {  	s3 =	sld [smem:$0x3FB1]  }
0x31: {  	[smem:$0x3FBA] =	sst s10  }
0x32: {  	s10 =	sld [smem:$0x3FB8];
	_ =	sdelay $0x3  }
0x33: {  	p0 =	seq.s32 s10, $0x1;
	s10 =	sld [smem:$0x3FBA];
	_ =	sdelay $0x3  }
0x34: {  	[smem:$0x3FBA] =	sst s10  }
0x35: {  	s10 =	sld [smem:$0x3FB9];
	_ =	sdelay $0x3  }
0x36: {  	p1 =	seq.s32 s10, $0x1;
	s10 =	sld [smem:$0x3FBA];
	_ =	sdelay $0x3  }
0x37: {  	[smem:$0x3FBA] =	sst s10  }
0x38: {  	s10 =	sld [smem:$0x3FBB]  }
0x39: {  	_ = 	snop;
	(pc) =	sbr.ind lr, $3  }
0x3a: {  	_ = 	snop  }
0x3b: {  	_ = 	snop  }
0x3c: {  	p2 =	seq.s32 s10, $0x1;
	s10 =	sld [smem:$0x3FBA]  }
0x3d: {  	_ =	shalt  }
0x3e: {  	_ =	shalt  }
0x3f: {  	_ =	shalt  }
0x40: {  	_ =	shalt  }
0x41: {  	_ =	shalt  }
0x42: {  	_ =	shalt  }
0x43: {  	_ =	shalt  }
0x44: {  	_ =	shalt  }
0x45: {  	_ =	shalt  }
0x46: {  	_ =	shalt  }
0x47: {  	_ =	shalt  }
0x48: {  	_ =	shalt  }
0x49: {  	_ =	shalt  }
0x4a: {  	_ =	shalt  }
0x4b: {  	_ =	shalt  }
0x4c: {  	_ =	shalt  }
0x4d: {  	_ =	shalt  }
0x4e: {  	_ =	shalt  }
0x4f: {  	_ =	shalt  }
0x50: {  	_ =	shalt  }
0x51: {  	_ =	shalt  }
0x52: {  	_ =	shalt  }
0x53: {  	_ =	shalt  }
0x54: {  	_ =	shalt  }
0x55: {  	_ =	shalt  }
0x56: {  	_ =	shalt  }
0x57: {  	_ =	shalt  }
0x58: {  	_ =	shalt  }
0x59: {  	_ =	shalt  }
0x5a: {  	_ =	shalt  }
0x5b: {  	_ =	shalt  }
0x5c: {  	_ =	shalt  }
0x5d: {  	_ =	shalt  }
0x5e: {  	_ =	shalt  }
0x5f: {  	_ =	shalt  }
0x60: {  	_ =	shalt  }
0x61: {  	_ =	shalt  }
0x62: {  	_ =	shalt  }
0x63: {  	_ =	shalt  }
0x64: {  	_ =	shalt  }
0x65: {  	_ =	shalt  }
0x66: {  	_ =	shalt  }
0x67: {  	_ =	shalt  }
0x68: {  	_ =	shalt  }
0x69: {  	_ =	shalt  }
0x6a: {  	_ =	shalt  }
0x6b: {  	_ =	shalt  }
0x6c: {  	_ =	shalt  }
0x6d: {  	_ =	shalt  }
0x6e: {  	_ =	shalt  }
0x6f: {  	_ =	shalt  }
0x70: {  	_ =	shalt  }
0x71: {  	_ =	shalt  }
0x72: {  	_ =	shalt  }
0x73: {  	_ =	shalt  }
0x74: {  	_ =	shalt  }
0x75: {  	_ =	shalt  }
0x76: {  	_ =	shalt  }
0x77: {  	_ =	shalt  }
0x78: {  	_ =	shalt  }
0x79: {  	_ =	shalt  }
0x7a: {  	_ =	shalt  }
0x7b: {  	_ =	shalt  }
0x7c: {  	_ =	shalt  }
0x7d: {  	_ =	shalt  }
0x7e: {  	_ =	shalt  }
0x7f: {  	_ =	shalt  }
0x80: {  	_ =	shalt  }
0x81: {  	_ =	shalt  }
0x82: {  	_ =	shalt  }
0x83: {  	_ =	shalt  }
0x84: {  	_ =	shalt  }
0x85: {  	_ =	shalt  }
0x86: {  	_ =	shalt  }
0x87: {  	_ =	shalt  }
.Lfunc_end0:
.L_simem_size_0:
called_computation_lowered:
.L_overlay_start_0:
0x88: {  	s2 =	sld [smem:$0x3FD9]  }
0x89: {  	s3 =	sld [smem:$0x3FFE];
	_ =	sdelay $0x1  }
0x8a: {  	s1 =	srdreg.scid  }
0x8b: {  	s0 =	sand.u32 $0x1, s1  }
0x8c: {  	s17 =	sshll.u32 s0, $0xA;
	s2 =	sadd.s32 s3, s2  }
0x8d: {  	s2 =	sadd.s32 s2, s17  }
0x8e: {  	[smem:$0x3FC6] =	sst s2  }
0x8f: {  	_ = 	snop  }
0x90: {  	s2 =	sld [smem:$0x3FD0];
	(tm) =	ssettm $0x1  }
0x91: {  	s18 =	sld [smem:$0x3FFB];
	_ =	sdelay $0x3  }
0x92: {  	_ =	strace s18  }
0x93: {  	s3 =	sld [smem:$0x3FFC];
	_ =	sdelay $0x3  }
0x94: {  	_ =	strace s3  }
0x95: {  	s3 =	sld [smem:$0x3FFD];
	_ =	sdelay $0x3  }
0x96: {  	_ =	strace s3  }
0x97: {  	_ =	strace $0x8FFFFFFF  }
0x98: {  	s19 =	sld [smem:$0x3FDB];
	_ =	sdelay $0x1  }
0x99: {  	s4 =	simm.s32 $_scs_section_size  }
0x9a: {  	s5 =	simm.s32 $_size__tile_overlayer_lowered;
	s6 =	simm.s32 $_tile_overlayer_lowered  }
0x9b: {  	s22 =	simm.s32 $0x1BFF;
	s21 =	sshll.u32 s6, $0x1;
	s3 =	sadd.s32 s4, s19  }
0x9c: {  	s7 =	simm.s32 $0x0;
	s20 =	sshll.u32 s5, $0x1;
	s5 =	sadd.s32 s21, s3  }
0x9d: {  	[timem:s7], [sflag:s22] =	dma.local [hbm:s5], s20  }
0x9e: {  	_ =	swait.ge [sflag:s22], s20  }
0x9f: {  	s4 =	ssub.s32 $0x0, s20;
	[sflag:s22] =	ssyncset.done $0x0  }
0xa0: {  	[sflag:s22] =	ssyncadd.s32 s4;
	_ =	sdelay $0x1  }
0xa1: {  	s23 =	simm.s32 $0x1B8B  }
0xa2: {  	_ =	swait.ge [sflag:s23], $0x1  }
0xa3: {  	[sflag:s23] =	ssyncset.done $0x0  }
0xa4: {  	s25 =	simm.s32 $0x1B8E;
	s24 =	sld [smem:$0x3FFE];
	[sflag:s23] =	ssyncadd.s32 $0xFFFFFFFF  }
0xa5: {  	s26 =	simm.s32 $execute0_lowered;
	[smem:$0x3FD2] =	sst s25  }
0xa6: {  	s5 =	sshll.u32 s26, $0x1;
	_ =	strace $0x80000046;
	[dreg:$0x1] =	wrdreg $0xFFFFFFFF  }
0xa7: {  	s28 =	simm.s32 $_size_execute0_lowered;
	s3 =	sadd.s32 s3, s5;
	[dreg:$0x0] =	wrdreg $0x0  }
0xa8: {  	s5 =	sshll.u32 s28, $0x1;
	[dreg:$0x2] =	wrdreg s3  }
0xa9: {  	[dreg:$0x3] =	wrdreg s5  }
0xaa: {  	[dreg:$0x4] =	wrdreg $0xC0  }
0xab: {  	_ =	task [dreg:s7], $0x5FFFF  }
0xac: {  	[dreg:$0x1] =	wrdreg $0xFFFFFFFF  }
0xad: {  	[dreg:$0x0] =	wrdreg $0x60  }
0xae: {  	[dreg:$0x2] =	wrdreg s24  }
0xaf: {  	[dreg:$0x3] =	wrdreg s2  }
0xb0: {  	[dreg:$0x4] =	wrdreg $0x9  }
0xb1: {  	_ =	task.clear_ibuf [dreg:s7], $0x5FFFF;
	_ =	strace $0x90000046  }
0xb2: {  	s29 =	simm.s32 $0x9;
	_ =	strace $0x80000048  }
0xb3: {  	_ =	swait.ge [sflag:s29], $0x1  }
0xb4: {  	[sflag:s29] =	ssyncadd.s32 $0xFFFFFFFF  }
0xb5: {  	_ =	strace $0x90000048  }
0xb6: {  	_ =	sfence  }
0xb7: {  	s30 =	sld [smem:$0x0];
	_ =	sdelay $0x2  }
0xb8: {  	s31 =	sshll.u32 s1, $0xD;
	s1 =	sshrl.u32 s1, $0x2  }
0xb9: {  	s3 =	sand.u32 $0x4000, s31;
	s1 =	sadd.s32 s1, s30  }
0xba: {  	s0 =	sor.u32 s3, s0;
	s1 =	sshll.u32 s1, $0x11  }
0xbb: {  	s0 =	sor.u32 s1, s0  }
0xbc: {  	s0 =	sadd.s32 $0x8F2B, s0  }
0xbd: {  	[sflag:s0] =	ssyncadd.remote.s32 $0x1  }
0xbe: {  	_ =	sfence.sel $0xFFFF  }
0xbf: {  	[dreg:$0x0] =	wrdreg $0xFFFFFFFF;
	(pc) =	sbr.abs _section_cstart, $3  }
0xc0: {  	[dreg:$0x1] =	wrdreg $0xFFFFFFFF  }
0xc1: {  	_ =	task.clear_ibuf [dreg:s7], $0x2FFFF;
	_ =	strace $0x9FFFFFFF  }
0xc2: {  	(tm) =	ssettm $0x7FFFFFFF  }
0xc3: {  	_ =	shalt  }
tec
execute0_lowered:
.L_overlay_start_1:
0x0: {  	(tag) =	ssettag $0x1  }
0x1: {  	v1 =	vlaneseq.u32  }
0x2: {  	v0 =	vmul.u32 $0xC8, v1  }
0x3: {  	s0 =	rddreg [dreg:$0x0];
	s1 =	srdreg.scid  }
0x4: {  	s3 =	stileid.u32;
	s2 =	rddreg [dreg:$0x1];
	s16 =	simm.s32 $0x80;
	v2 =	vadd.s32 $0xC80, v0  }
0x5: {  	s17 =	simm.s32 $0x9600;
	s18 =	simm.s32 $0x9780;
	s19 =	simm.s32 $0x9680;
	[tilespmem:$0x1FF40] =	vst v2;
	v2 =	vadd.s32 $0x1900, v0  }
0x6: {  	s20 =	simm.s32 $0xB780;
	s21 =	simm.s32 $0x9700;
	s28 =	simm.s32 $0x3;
	v19 =	vmul.u32 $0x88, v1;
	[tilespmem:$0x1FF50] =	vst v2;
	v2 =	vadd.s32 $0x2580, v0  }
0x7: {  	s29 =	simm.s32 $0x13B80;
	s1 =	sand.u32 $0x1, s1;
	s4 =	sshll.u32 s3, $0x1;
	v13 =	vadd.s32 $0x3E81, v0;
	v14 =	vadd.s32 $0x4B01, v0;
	[tilespmem:$0x1FF60] =	vst v2;
	v2 =	vadd.s32 $0x3200, v0  }
0x8: {  	s30 =	simm.s32 $0x4;
	s3 =	simm.s32 $0x0;
	s5 =	sor.u32 s1, s4;
	v15 =	vadd.s32 $0x5781, v0;
	v16 =	vor.u32 $0x2, v0;
	[tilespmem:$0x1FF70] =	vst v2;
	v2 =	vadd.s32 $0x3E80, v0  }
0x9: {  	s1 =	ssub.s32 $0x2, s1;
	s4 =	smul.u32 $0xC80, s5;
	s23 =	sshll.u32 s5, $0x7;
	v17 =	vadd.s32 $0xC82, v0;
	v18 =	vadd.s32 $0x1902, v0;
	[tilespmem:$0x1FF80] =	vst v2;
	v2 =	vadd.s32 $0x4B00, v0  }
0xa: {  	[smem:$0x7FF] =	sst s3;
	s7 =	sshrl.u32 s1, $0x1;
	v20 =	vadd.s32 $0x2582, v0;
	v21 =	vadd.s32 $0x3202, v0;
	s8 =	sadd.s32 s2, s23;
	[tilespmem:$0x1FF90] =	vst v2;
	v2 =	vadd.s32 $0x5780, v0  }
0xb: {  	v22 =	vadd.s32 $0x3E82, v0;
	v23 =	vadd.s32 $0x4B02, v0;
	v24 =	vadd.s32 $0x5782, v0;
	s6 =	sadd.s32 s4, s0;
	s4 =	sadd.s32 $0x19600, s0;
	s0 =	sadd.s32 $0xDCC00, s0;
	[tilespmem:$0x1FFA0] =	vst v2  }
0xc: {  	v25 =	vadd.s32 $0x880, v19;
	v26 =	vadd.s32 $0x1100, v19;
	v27 =	vadd.s32 $0x1980, v19;
	s6 =	sadd.s32 $0x600, s6;
	_ =	strace $0x80000047;
	[dreg:$0x3] =	wrdreg s0  }
0xd: {  	v28 =	vor.u32 $0x3, v0;
	v29 =	vadd.s32 $0xC83, v0;
	v30 =	vadd.s32 $0x1903, v0;
	s22 =	ssub.s32 s1, s7;
	s1 =	sadd.s32 $0x8000, s8;
	[dreg:$0x4] =	wrdreg s6  }
0xe: {  	s31 =	simm.s32 $0x5;
	v31 =	vadd.s32 $0x2583, v0;
	v32 =	vadd.s32 $0x3203, v0;
	s24 =	sadd.s32 $0x10000, s8;
	v2 =	vor.u32 $0x1, v0;
	[dreg:$0x5] =	wrdreg s1  }
0xf: {  	v33 =	vadd.s32 $0x3E83, v0;
	v34 =	vadd.s32 $0x4B03, v0;
	s7 =	sshll.u32 s5, $0xA;
	s25 =	sadd.s32 $0x630000, s8;
	[tilespmem:$0x1FFB0] =	vst v2;
	v2 =	vadd.s32 $0xC81, v0;
	[dreg:$0x6] =	wrdreg s24  }
0x10: {  	v35 =	vadd.s32 $0x5783, v0;
	v36 =	vor.u32 $0x4, v0;
	s23 =	simm.s32 $0x1;
	s26 =	sadd.s32 $0x638000, s8;
	[dreg:$0x7] =	wrdreg s25;
	[tilespmem:$0x1FFC0] =	vst v2;
	v2 =	vadd.s32 $0x1901, v0  }
0x11: {  	v37 =	vadd.s32 $0xC84, v0;
	v38 =	vadd.s32 $0x1904, v0;
	s5 =	simm.s32 $0x0;
	[dreg:$0x8] =	wrdreg s26;
	s0 =	smax.u32 s22, $0x1;
	[tilespmem:$0x1FFD0] =	vst v2;
	v2 =	vadd.s32 $0x2581, v0  }
0x12: {  	v39 =	vadd.s32 $0x2584, v0;
	v40 =	vadd.s32 $0x3204, v0;
	s22 =	simm.s32 $0xD780;
	s24 =	simm.s32 $0xF780;
	s25 =	simm.s32 $0x2;
	[tilespmem:$0x1FFE0] =	vst v2;
	v2 =	vadd.s32 $0x3201, v0  }
0x13: {  	v41 =	vadd.s32 $0x3E84, v0;
	v42 =	vadd.s32 $0x4B04, v0;
	v43 =	vadd.s32 $0x5784, v0;
	s26 =	simm.s32 $0x11980;
	s1 =	simm.s32 $0x6;
	[dreg:$0x9] =	wrdreg s0;
	[tilespmem:$0x1FFF0] =	vst v2  }
.LBB2_1:
0x14: {  	[dreg:$0xa] =	wrdreg s5  }
0x15: {  	s0 =	rddreg [dreg:$0x4];
	s14 =	simm.s32 $0x7  }
0x16: {  	[tilespmem:s3], [sflag:$0x7] =	stream.linear.gather [hbm4b:s0+s3], $0x6400, $0x38;
	[tilespmem:$0x15D80] =	vst v63  }
0x17: {  	_ =	swait.ge [sflag:s14], $0x6400  }
0x18: {  	[sflag:s14] =	ssyncset.done $0x0  }
0x19: {  	s6 =	simm.s32 $0x6400;
	s15 =	rddreg [dreg:$0x3];
	[sflag:s14] =	ssyncadd.s32 $0xFFFF9C00  }
0x1a: {  	[tilespmem:s6], [sflag:$0x7] =	stream.linear.gather [hbm4b:s15+s3], $0x3200, $0x38;
	[tilespmem:$0x15D80] =	vst v63  }
0x1b: {  	_ =	swait.ge [sflag:s14], $0x3200  }
0x1c: {  	[sflag:s14] =	ssyncset.done $0x0  }
0x1d: {  	[sflag:s14] =	ssyncadd.s32 $0xFFFFCE00  }
0x1e: {  	v1 =	vld.idx.msk [tilespmem:v0+s3+$0x0], $0xffff;
	_ =	sdelay $0x4  }
0x1f: {  	[tilespmem:$0x9600] =	vst v1;
	v1 =	vld [tilespmem:$0x1FF40];
	_ =	sdelay $0x7  }
0x20: {  	v1 =	vld.idx.msk [tilespmem:v1+s3+$0x0], $0xffff;
	_ =	sdelay $0x4  }
0x21: {  	[tilespmem:$0x9610] =	vst v1;
	v1 =	vld [tilespmem:$0x1FF50];
	_ =	sdelay $0x7  }
0x22: {  	v1 =	vld.idx.msk [tilespmem:v1+s3+$0x0], $0xffff;
	_ =	sdelay $0x4  }
0x23: {  	[tilespmem:$0x9620] =	vst v1;
	v1 =	vld [tilespmem:$0x1FF60];
	_ =	sdelay $0x7  }
0x24: {  	v1 =	vld.idx.msk [tilespmem:v1+s3+$0x0], $0xffff;
	_ =	sdelay $0x4  }
0x25: {  	[tilespmem:$0x9630] =	vst v1;
	v1 =	vld [tilespmem:$0x1FF70];
	_ =	sdelay $0x7  }
0x26: {  	v1 =	vld.idx.msk [tilespmem:v1+s3+$0x0], $0xffff;
	_ =	sdelay $0x4  }
0x27: {  	[tilespmem:$0x9640] =	vst v1;
	v1 =	vld [tilespmem:$0x1FF80];
	_ =	sdelay $0x7  }
0x28: {  	v1 =	vld.idx.msk [tilespmem:v1+s3+$0x0], $0xffff;
	_ =	sdelay $0x4  }
0x29: {  	[tilespmem:$0x9650] =	vst v1;
	v1 =	vld [tilespmem:$0x1FF90];
	_ =	sdelay $0x7  }
0x2a: {  	v1 =	vld.idx.msk [tilespmem:v1+s3+$0x0], $0xffff;
	_ =	sdelay $0x4  }
0x2b: {  	[tilespmem:$0x9660] =	vst v1;
	v1 =	vld [tilespmem:$0x1FFA0];
	_ =	sdelay $0x7  }
0x2c: {  	v1 =	vld.idx.msk [tilespmem:v1+s3+$0x0], $0xffff;
	_ =	sdelay $0x4  }
0x2d: {  	[tilespmem:$0x9670] =	vst v1;
	v1 =	vld [tilespmem:$0x1FFB0];
	_ =	sdelay $0x6  }
0x2e: {  	[tilespmem:s18], [sflag:$0x1] =	stream.indirect.gather [hbm4b:s4+s16], $0x40, s17, s16, $0xb8;
	[tilespmem:$0x15D80] =	vst v63  }
0x2f: {  	v1 =	vld.idx.msk [tilespmem:v1+s3+$0x0], $0xffff;
	_ =	sdelay $0x4  }
0x30: {  	[tilespmem:$0x9680] =	vst v1;
	v1 =	vld [tilespmem:$0x1FFC0];
	_ =	sdelay $0x7  }
0x31: {  	v1 =	vld.idx.msk [tilespmem:v1+s3+$0x0], $0xffff;
	_ =	sdelay $0x4  }
0x32: {  	[tilespmem:$0x9690] =	vst v1;
	v1 =	vld [tilespmem:$0x1FFD0];
	_ =	sdelay $0x7  }
0x33: {  	v1 =	vld.idx.msk [tilespmem:v1+s3+$0x0], $0xffff;
	_ =	sdelay $0x4  }
0x34: {  	[tilespmem:$0x96A0] =	vst v1;
	v1 =	vld [tilespmem:$0x1FFE0];
	_ =	sdelay $0x7  }
0x35: {  	v1 =	vld.idx.msk [tilespmem:v1+s3+$0x0], $0xffff;
	_ =	sdelay $0x4  }
0x36: {  	[tilespmem:$0x96B0] =	vst v1;
	v1 =	vld [tilespmem:$0x1FFF0];
	_ =	sdelay $0x7  }
0x37: {  	v1 =	vld.idx.msk [tilespmem:v1+s3+$0x0], $0xffff;
	_ =	sdelay $0x4  }
0x38: {  	[tilespmem:$0x96C0] =	vst v1  }
0x39: {  	v1 =	vld.idx.msk [tilespmem:v13+s3+$0x0], $0xffff;
	_ =	sdelay $0x4  }
0x3a: {  	[tilespmem:$0x96D0] =	vst v1  }
0x3b: {  	v1 =	vld.idx.msk [tilespmem:v14+s3+$0x0], $0xffff;
	_ =	sdelay $0x4  }
0x3c: {  	[tilespmem:$0x96E0] =	vst v1  }
0x3d: {  	v1 =	vld.idx.msk [tilespmem:v15+s3+$0x0], $0xffff;
	_ =	sdelay $0x4  }
0x3e: {  	[tilespmem:$0x96F0] =	vst v1  }
0x3f: {  	[tilespmem:s20], [sflag:$0x2] =	stream.indirect.gather [hbm4b:s4+s16], $0x40, s19, s16, $0xb8;
	[tilespmem:$0x15D80] =	vst v63  }
0x40: {  	v1 =	vld.idx.msk [tilespmem:v16+s3+$0x0], $0xffff;
	_ =	sdelay $0x4  }
0x41: {  	[tilespmem:$0x9700] =	vst v1  }
0x42: {  	v1 =	vld.idx.msk [tilespmem:v17+s3+$0x0], $0xffff;
	_ =	sdelay $0x4  }
0x43: {  	[tilespmem:$0x9710] =	vst v1  }
0x44: {  	v1 =	vld.idx.msk [tilespmem:v18+s3+$0x0], $0xffff;
	_ =	sdelay $0x4  }
0x45: {  	[tilespmem:$0x9720] =	vst v1  }
0x46: {  	v1 =	vld.idx.msk [tilespmem:v20+s3+$0x0], $0xffff;
	_ =	sdelay $0x4  }
0x47: {  	[tilespmem:$0x9730] =	vst v1  }
0x48: {  	v1 =	vld.idx.msk [tilespmem:v21+s3+$0x0], $0xffff;
	_ =	sdelay $0x4  }
0x49: {  	[tilespmem:$0x9740] =	vst v1  }
0x4a: {  	v1 =	vld.idx.msk [tilespmem:v22+s3+$0x0], $0xffff;
	_ =	sdelay $0x4  }
0x4b: {  	[tilespmem:$0x9750] =	vst v1  }
0x4c: {  	v1 =	vld.idx.msk [tilespmem:v23+s3+$0x0], $0xffff;
	_ =	sdelay $0x4  }
0x4d: {  	[tilespmem:$0x9760] =	vst v1  }
0x4e: {  	v1 =	vld.idx.msk [tilespmem:v24+s3+$0x0], $0xffff;
	_ =	sdelay $0x4  }
0x4f: {  	[tilespmem:$0x9770] =	vst v1  }
0x50: {  	[tilespmem:s22], [sflag:$0x3] =	stream.indirect.gather [hbm4b:s4+s16], $0x40, s21, s16, $0xb8;
	[tilespmem:$0x15D80] =	vst v63  }
0x51: {  	_ =	swait.ge [sflag:s23], $0x2000  }
0x52: {  	[sflag:s23] =	ssyncset.done $0x0  }
0x53: {  	[sflag:s23] =	ssyncadd.s32 $0xFFFFE000  }
0x54: {  	s9 =	simm.s32 $0x9800;
	s6 =	simm.s32 $0x3;
	v49 =	vld [tilespmem:$0x6400]  }
0x55: {  	v1 =	vmov s6;
	v2 =	vld [tilespmem:s9+$0x40]  }
0x56: {  	v1 =	vand.u32 $0x7F, v1  }
0x57: {  	v3 =	vadd.s32 v19, v1;
	v46 =	vld [tilespmem:$0x6410]  }
0x58: {  	v44 =	vmov s3;
	s10 =	simm.s32 $0x1;
	s11 =	simm.s32 $0x2;
	v47 =	vld [tilespmem:s9+$0xFFFFFF80]  }
0x59: {  	v52 =	vand.u32 $0x7C, v44;
	v61 =	vmov s10;
	v50 =	vmov s11;
	v48 =	vld [tilespmem:s9+$0xFFFFFFC0]  }
0x5a: {  	v51 =	vadd.s32 v19, v52;
	v59 =	vand.u32 $0x7D, v61;
	v53 =	vld [tilespmem:s9+$0x0];
	v2 =	vadd.f32 v2, v49  }
0x5b: {  	v60 =	vand.u32 $0x7E, v50;
	v54 =	vadd.s32 v19, v59;
	v45 =	vld [tilespmem:$0x6420]  }
0x5c: {  	v50 =	vadd.s32 v19, v60;
	v44 =	vld [tilespmem:$0x6430];
	[tilespmem:v3+s24+$0x0] =	vst.idx.msk $0xffff, v2  }
0x5d: {  	v2 =	vadd.f32 v47, v49;
	v3 =	vld [tilespmem:s9+$0x50]  }
0x5e: {  	v62 =	vadd.f32 v48, v49  }
0x5f: {  	s5 =	simm.s32 $0x9900;
	v63 =	vadd.s32 v25, v1;
	[tilespmem:v51+s24+$0x0] =	vst.idx.msk $0xffff, v2;
	v2 =	vadd.f32 v53, v49  }
0x60: {  	v55 =	vld [tilespmem:s5+$0x40];
	[tilespmem:v54+s24+$0x0] =	vst.idx.msk $0xffff, v62  }
0x61: {  	v6 =	vld [tilespmem:s9+$0xFFFFFFD0];
	[tilespmem:v50+s24+$0x0] =	vst.idx.msk $0xffff, v2  }
0x62: {  	s12 =	simm.s32 $0x4;
	v2 =	vld [tilespmem:s9+$0x10];
	v3 =	vadd.f32 v3, v46  }
0x63: {  	s13 =	simm.s32 $0x7;
	v8 =	vmov s12;
	v7 =	vadd.s32 v25, v59;
	v51 =	vld [tilespmem:s9+$0xFFFFFF90]  }
0x64: {  	v56 =	vadd.s32 v25, v52;
	v9 =	vadd.s32 v25, v60;
	s15 =	simm.s32 $0x6;
	s14 =	simm.s32 $0x5;
	v62 =	vld [tilespmem:s5+$0xFFFFFFC0];
	[tilespmem:v63+s24+$0x0] =	vst.idx.msk $0xffff, v3;
	v3 =	vmov s13  }
0x65: {  	v11 =	vmov s15;
	v61 =	vmov s14;
	v47 =	vand.u32 $0x7F, v3;
	v3 =	vld [tilespmem:s9+$0x60]  }
0x66: {  	v48 =	vand.u32 $0x7C, v8;
	v53 =	vld [tilespmem:s5+$0xFFFFFF80];
	v10 =	vadd.f32 v6, v46;
	v58 =	vadd.s32 v19, v47  }
0x67: {  	v8 =	vadd.f32 v55, v49;
	v63 =	vadd.s32 v26, v1;
	v2 =	vadd.f32 v2, v46  }
0x68: {  	v4 =	vadd.s32 v19, v48;
	v50 =	vand.u32 $0x7D, v61;
	v61 =	vld [tilespmem:s5+$0x0];
	v57 =	vadd.f32 v51, v46;
	[tilespmem:v7+s24+$0x0] =	vst.idx.msk $0xffff, v10  }
0x69: {  	v62 =	vadd.f32 v62, v49;
	v51 =	vand.u32 $0x7E, v11;
	[tilespmem:v9+s24+$0x0] =	vst.idx.msk $0xffff, v2;
	v2 =	vadd.s32 v19, v50;
	v9 =	vld [tilespmem:s9+$0xFFFFFFE0]  }
0x6a: {  	v10 =	vadd.s32 v19, v51;
	[tilespmem:v56+s24+$0x0] =	vst.idx.msk $0xffff, v57;
	v11 =	vld [tilespmem:s9+$0x20];
	v3 =	vadd.f32 v3, v45  }
0x6b: {  	v53 =	vadd.f32 v53, v49;
	v54 =	vld [tilespmem:s9+$0xFFFFFFA0];
	[tilespmem:v58+s24+$0x0] =	vst.idx.msk $0xffff, v8;
	v58 =	vadd.s32 v26, v59  }
0x6c: {  	v6 =	vadd.s32 v26, v60;
	v60 =	vadd.s32 v27, v60;
	v5 =	vld [tilespmem:s5+$0x50];
	[tilespmem:v63+s24+$0x0] =	vst.idx.msk $0xffff, v3  }
0x6d: {  	[tilespmem:v4+s24+$0x0] =	vst.idx.msk $0xffff, v53;
	v4 =	vadd.s32 v26, v52;
	v3 =	vadd.f32 v61, v49;
	v53 =	vld [tilespmem:s9+$0x70]  }
0x6e: {  	v63 =	vld [tilespmem:s5+$0xFFFFFF90];
	[tilespmem:v2+s24+$0x0] =	vst.idx.msk $0xffff, v62;
	v2 =	vadd.s32 v25, v47;
	v55 =	vadd.f32 v9, v45  }
0x6f: {  	v8 =	vadd.s32 v27, v1;
	v7 =	vld [tilespmem:s5+$0xFFFFFFD0];
	[tilespmem:v10+s24+$0x0] =	vst.idx.msk $0xffff, v3;
	v3 =	vadd.f32 v11, v45  }
0x70: {  	v1 =	vadd.f32 v54, v45;
	v62 =	vadd.s32 v25, v48;
	v57 =	vld [tilespmem:s5+$0x10];
	[tilespmem:v58+s24+$0x0] =	vst.idx.msk $0xffff, v55  }
0x71: {  	v61 =	vadd.s32 v25, v50;
	[tilespmem:v6+s24+$0x0] =	vst.idx.msk $0xffff, v3;
	v5 =	vadd.f32 v5, v46;
	v56 =	vld [tilespmem:s9+$0xFFFFFFF0]  }
0x72: {  	s0 =	simm.s32 $0x8;
	v54 =	vadd.s32 v25, v51;
	[tilespmem:v4+s24+$0x0] =	vst.idx.msk $0xffff, v1;
	v55 =	vld [tilespmem:s9+$0x30];
	v4 =	vadd.f32 v53, v44  }
0x73: {  	s10 =	simm.s32 $0xB;
	s6 =	simm.s32 $0x9A00;
	v59 =	vadd.s32 v27, v59;
	v3 =	vmov s0;
	v58 =	vld [tilespmem:s9+$0xFFFFFFB0];
	v1 =	vadd.f32 v63, v46;
	[tilespmem:v2+s24+$0x0] =	vst.idx.msk $0xffff, v5  }
0x74: {  	v63 =	vld [tilespmem:s6+$0x40];
	s9 =	simm.s32 $0xC;
	v53 =	vand.u32 $0x7C, v3;
	v3 =	vmov s10;
	v2 =	vadd.f32 v7, v46;
	[tilespmem:v8+s24+$0x0] =	vst.idx.msk $0xffff, v4  }
.LBB2_2:
0x75: {  	p0 =	slt.u32 s9, $0x7C;
	s10 =	sadd.s32 $0x1, s0;
	v3 =	vand.u32 $0x7F, v3;
	[tilespmem:v62+s24+$0x0] =	vst.idx.msk $0xffff, v1;
	v1 =	vadd.f32 v57, v46;
	v4 =	vld [tilespmem:s5+$0x60];
	v5 =	vadd.s32 v27, v52  }
0x76: {  	v9 =	vmovc v51;
	v6 =	vld [tilespmem:s6+$0xFFFFFF80];
	v7 =	vmov s10;
	s10 =	sadd.s32 $0x2, s0;
	v8 =	vadd.s32 v19, v3;
	[tilespmem:v61+s24+$0x0] =	vst.idx.msk $0xffff, v2;
	v2 =	vadd.f32 v56, v44;
	s0 =	smov.u32 s9  }
0x77: {  	v52 =	vmovc v48;
	v56 =	vld [tilespmem:s6+$0xFFFFFFC0];
	v51 =	vmov s10;
	[tilespmem:v54+s24+$0x0] =	vst.idx.msk $0xffff, v1;
	v1 =	vadd.s32 v26, v47;
	v54 =	vadd.f32 v55, v44  }
0x78: {  	v55 =	vadd.s32 v19, v53;
	v7 =	vand.u32 $0x7D, v7;
	v57 =	vld [tilespmem:s6+$0x0];
	v10 =	vadd.f32 v58, v44;
	[tilespmem:v59+s24+$0x0] =	vst.idx.msk $0xffff, v2  }
0x79: {  	v2 =	vadd.s32 v19, v7;
	v51 =	vand.u32 $0x7E, v51;
	v58 =	vadd.f32 v63, v49;
	v59 =	vld [tilespmem:s5+$0xFFFFFFE0];
	[tilespmem:v60+s24+$0x0] =	vst.idx.msk $0xffff, v54  }
0x7a: {  	v48 =	vmov v53;
	v54 =	vadd.s32 v19, v51;
	v60 =	vld [tilespmem:s5+$0x20];
	v4 =	vadd.f32 v4, v45;
	[tilespmem:v5+s24+$0x0] =	vst.idx.msk $0xffff, v10  }
0x7b: {  	v5 =	vadd.f32 v6, v49;
	[tilespmem:v8+s24+$0x0] =	vst.idx.msk $0xffff, v58;
	v6 =	vld [tilespmem:s5+$0xFFFFFFA0];
	v8 =	vadd.s32 v26, v50  }
0x7c: {  	v58 =	vadd.s32 v26, v9;
	v53 =	vadd.f32 v56, v49;
	v56 =	vld [tilespmem:s6+$0x50];
	[tilespmem:v1+s24+$0x0] =	vst.idx.msk $0xffff, v4  }
0x7d: {  	v4 =	vadd.s32 v26, v52;
	[tilespmem:v55+s24+$0x0] =	vst.idx.msk $0xffff, v5;
	v1 =	vadd.f32 v57, v49;
	v5 =	vld [tilespmem:s5+$0x70]  }
0x7e: {  	v63 =	vld [tilespmem:s6+$0xFFFFFF90];
	[tilespmem:v2+s24+$0x0] =	vst.idx.msk $0xffff, v53;
	v2 =	vadd.s32 v25, v3;
	v53 =	vadd.f32 v59, v45  }
0x7f: {  	v11 =	vadd.s32 v27, v47;
	v47 =	vmov v3;
	v10 =	vld [tilespmem:s6+$0xFFFFFFD0];
	[tilespmem:v54+s24+$0x0] =	vst.idx.msk $0xffff, v1;
	v1 =	vadd.f32 v60, v45  }
.Ltmp0:
0x80: {  	v62 =	vadd.s32 v25, v48;
	v57 =	vld [tilespmem:s6+$0x10];
	v3 =	vadd.f32 v6, v45;
	[tilespmem:v8+s24+$0x0] =	vst.idx.msk $0xffff, v53;
	(pc) =	sbr.rel @p0 .LBB2_2-.Ltmp0, $4  }
0x81: {  	v61 =	vadd.s32 v25, v7;
	v6 =	vadd.f32 v56, v46;
	v56 =	vld [tilespmem:s5+$0xFFFFFFF0];
	[tilespmem:v58+s24+$0x0] =	vst.idx.msk $0xffff, v1  }
0x82: {  	v54 =	vadd.s32 v25, v51;
	v1 =	vmov s9;
	[tilespmem:v4+s24+$0x0] =	vst.idx.msk $0xffff, v3;
	v55 =	vld [tilespmem:s5+$0x30];
	v4 =	vadd.f32 v5, v44  }
0x83: {  	s10 =	sadd.s32 $0x3, s9;
	v59 =	vadd.s32 v27, v50;
	v53 =	vand.u32 $0x7C, v1;
	v1 =	vadd.f32 v63, v46;
	[tilespmem:v2+s24+$0x0] =	vst.idx.msk $0xffff, v6;
	v58 =	vld [tilespmem:s5+$0xFFFFFFB0];
	s5 =	smov.u32 s6;
	s6 =	sadd.s32 $0x100, s6  }
0x84: {  	v50 =	vmovc v7;
	v60 =	vadd.s32 v27, v9;
	s9 =	sadd.s32 $0x4, s9;
	v3 =	vmov s10;
	v63 =	vld [tilespmem:s6+$0x40];
	v2 =	vadd.f32 v10, v46;
	[tilespmem:v11+s24+$0x0] =	vst.idx.msk $0xffff, v4  }
0x85: {  	s9 =	sadd.s32 $0x1, s0  }
0x86: {  	v3 =	vand.u32 $0x7F, v3;
	s10 =	sadd.s32 $0x2, s0;
	v5 =	vld [tilespmem:s6+$0xFFFFFFC0];
	v4 =	vmov s9  }
0x87: {  	v8 =	vld [tilespmem:s6+$0x0];
	v6 =	vadd.s32 v19, v3;
	v7 =	vmov s10;
	v4 =	vand.u32 $0x7D, v4  }
0x88: {  	v9 =	vld [tilespmem:s6+$0xFFFFFF80];
	v7 =	vand.u32 $0x7E, v7;
	v10 =	vadd.s32 v19, v4  }
0x89: {  	v11 =	vadd.s32 v19, v7  }
0x8a: {  	[tilespmem:v62+s24+$0x0] =	vst.idx.msk $0xffff, v1;
	v1 =	vadd.s32 v19, v53;
	v62 =	vadd.f32 v63, v49  }
0x8b: {  	[tilespmem:v61+s24+$0x0] =	vst.idx.msk $0xffff, v2;
	v2 =	vadd.f32 v5, v49  }
0x8c: {  	v63 =	vadd.f32 v8, v49;
	[tilespmem:v6+s24+$0x0] =	vst.idx.msk $0xffff, v62  }
0x8d: {  	v49 =	vadd.f32 v9, v49;
	v8 =	vld [tilespmem:s6+$0x50];
	[tilespmem:v10+s24+$0x0] =	vst.idx.msk $0xffff, v2  }
0x8e: {  	v9 =	vadd.s32 v27, v52;
	v2 =	vadd.f32 v57, v46;
	[tilespmem:v11+s24+$0x0] =	vst.idx.msk $0xffff, v63;
	v10 =	vld [tilespmem:s6+$0xFFFFFFD0]  }
0x8f: {  	[tilespmem:v1+s24+$0x0] =	vst.idx.msk $0xffff, v49;
	v1 =	vadd.s32 v25, v3;
	v57 =	vadd.f32 v56, v44;
	v6 =	vld [tilespmem:s6+$0x10]  }
0x90: {  	v49 =	vadd.s32 v25, v4;
	v11 =	vld [tilespmem:s6+$0xFFFFFF90];
	[tilespmem:v54+s24+$0x0] =	vst.idx.msk $0xffff, v2;
	v2 =	vadd.f32 v55, v44  }
0x91: {  	v61 =	vld [tilespmem:s5+$0x60];
	v5 =	vadd.s32 v25, v7;
	v62 =	vadd.f32 v58, v44;
	[tilespmem:v59+s24+$0x0] =	vst.idx.msk $0xffff, v57  }
0x92: {  	v63 =	vld [tilespmem:s5+$0xFFFFFFE0];
	[tilespmem:v60+s24+$0x0] =	vst.idx.msk $0xffff, v2;
	v2 =	vadd.s32 v25, v53;
	v8 =	vadd.f32 v8, v46  }
0x93: {  	v56 =	vadd.s32 v26, v47;
	[tilespmem:v9+s24+$0x0] =	vst.idx.msk $0xffff, v62;
	v57 =	vld [tilespmem:s5+$0x20];
	v58 =	vadd.f32 v10, v46  }
0x94: {  	v54 =	vadd.s32 v26, v50;
	v10 =	vld [tilespmem:s5+$0xFFFFFFA0];
	[tilespmem:v1+s24+$0x0] =	vst.idx.msk $0xffff, v8;
	v1 =	vadd.f32 v6, v46  }
0x95: {  	v59 =	vadd.f32 v11, v46;
	v6 =	vadd.s32 v26, v51;
	v60 =	vld [tilespmem:s6+$0x60];
	[tilespmem:v49+s24+$0x0] =	vst.idx.msk $0xffff, v58  }
0x96: {  	v61 =	vadd.f32 v61, v45;
	v62 =	vadd.s32 v26, v48;
	[tilespmem:v5+s24+$0x0] =	vst.idx.msk $0xffff, v1;
	v1 =	vld [tilespmem:s6+$0xFFFFFFE0]  }
0x97: {  	v63 =	vadd.f32 v63, v45;
	[tilespmem:v2+s24+$0x0] =	vst.idx.msk $0xffff, v59;
	v2 =	vadd.s32 v26, v3;
	v8 =	vld [tilespmem:s6+$0x20]  }
0x98: {  	v52 =	vadd.s32 v26, v4;
	[tilespmem:v56+s24+$0x0] =	vst.idx.msk $0xffff, v61;
	v57 =	vadd.f32 v57, v45;
	v58 =	vld [tilespmem:s6+$0xFFFFFFA0]  }
0x99: {  	[tilespmem:v54+s24+$0x0] =	vst.idx.msk $0xffff, v63;
	v5 =	vadd.s32 v26, v7;
	v59 =	vld [tilespmem:s5+$0x70];
	v10 =	vadd.f32 v10, v45  }
0x9a: {  	v9 =	vadd.s32 v26, v53;
	v54 =	vld [tilespmem:s5+$0xFFFFFFF0];
	[tilespmem:v6+s24+$0x0] =	vst.idx.msk $0xffff, v57;
	v60 =	vadd.f32 v60, v45  }
0x9b: {  	v61 =	vadd.s32 v27, v47;
	[tilespmem:v62+s24+$0x0] =	vst.idx.msk $0xffff, v10;
	v62 =	vld [tilespmem:s5+$0x30];
	v1 =	vadd.f32 v1, v45  }
0x9c: {  	v63 =	vadd.s32 v27, v50;
	v46 =	vld [tilespmem:s5+$0xFFFFFFB0];
	[tilespmem:v2+s24+$0x0] =	vst.idx.msk $0xffff, v60;
	v2 =	vadd.f32 v8, v45  }
0x9d: {  	v56 =	vadd.s32 v27, v51;
	v57 =	vld [tilespmem:s6+$0x70];
	v58 =	vadd.f32 v58, v45;
	[tilespmem:v52+s24+$0x0] =	vst.idx.msk $0xffff, v1  }
0x9e: {  	v1 =	vadd.f32 v59, v44;
	v59 =	vadd.s32 v27, v48;
	[tilespmem:v5+s24+$0x0] =	vst.idx.msk $0xffff, v2;
	v60 =	vld [tilespmem:s6+$0xFFFFFFF0]  }
0x9f: {  	v3 =	vadd.s32 v27, v3;
	v2 =	vadd.f32 v54, v44;
	[tilespmem:v9+s24+$0x0] =	vst.idx.msk $0xffff, v58;
	v5 =	vld [tilespmem:s6+$0x30]  }
0xa0: {  	v4 =	vadd.s32 v27, v4;
	[tilespmem:v61+s24+$0x0] =	vst.idx.msk $0xffff, v1;
	v1 =	vadd.f32 v62, v44;
	v9 =	vld [tilespmem:s6+$0xFFFFFFB0]  }
0xa1: {  	[tilespmem:v63+s24+$0x0] =	vst.idx.msk $0xffff, v2;
	v2 =	vadd.s32 v27, v7;
	v61 =	vadd.f32 v46, v44  }
0xa2: {  	v62 =	vadd.s32 v27, v53;
	[tilespmem:v56+s24+$0x0] =	vst.idx.msk $0xffff, v1;
	v1 =	vadd.f32 v57, v44  }
0xa3: {  	[tilespmem:v59+s24+$0x0] =	vst.idx.msk $0xffff, v61;
	v63 =	vadd.f32 v60, v44  }
0xa4: {  	[tilespmem:v3+s24+$0x0] =	vst.idx.msk $0xffff, v1;
	v1 =	vadd.f32 v5, v44  }
0xa5: {  	v3 =	vadd.f32 v9, v44;
	[tilespmem:v4+s24+$0x0] =	vst.idx.msk $0xffff, v63  }
0xa6: {  	[tilespmem:v2+s24+$0x0] =	vst.idx.msk $0xffff, v1  }
0xa7: {  	s11 =	simm.s32 $0xF780;
	[tilespmem:v62+s24+$0x0] =	vst.idx.msk $0xffff, v3  }
0xa8: {  	[hbm4b:s8+s3] =	stream.linear.scatter [tilespmem:s11], [sflag:$0x4], $0x80, $0x38;
	[tilespmem:$0x15D80] =	vst v63  }
0xa9: {  	s12 =	simm.s32 $0xF808;
	s13 =	sadd.s32 $0x10, s8  }
0xaa: {  	[hbm4b:s13+s3] =	stream.linear.scatter [tilespmem:s12], [sflag:$0x4], $0x80, $0x38;
	[tilespmem:$0x15D80] =	vst v63  }
0xab: {  	s14 =	simm.s32 $0xF890;
	s15 =	sadd.s32 $0x20, s8;
	s0 =	simm.s32 $0x440  }
0xac: {  	[hbm4b:s15+s3] =	stream.linear.scatter [tilespmem:s14], [sflag:$0x4], $0x80, $0x38;
	[tilespmem:$0x15D80] =	vst v63  }
0xad: {  	s9 =	sadd.s32 $0x30, s8;
	s10 =	simm.s32 $0xF9A0;
	s6 =	simm.s32 $0xF918  }
0xae: {  	[hbm4b:s9+s3] =	stream.linear.scatter [tilespmem:s6], [sflag:$0x4], $0x80, $0x38;
	[tilespmem:$0x15D80] =	vst v63  }
0xaf: {  	s5 =	sadd.s32 $0x1000, s8;
	s11 =	sadd.s32 $0x40, s8;
	s12 =	simm.s32 $0xFA28  }
0xb0: {  	[hbm4b:s11+s3] =	stream.linear.scatter [tilespmem:s10], [sflag:$0x4], $0x80, $0x38;
	[tilespmem:$0x15D80] =	vst v63  }
0xb1: {  	s13 =	sadd.s32 $0x50, s8;
	s14 =	simm.s32 $0xFAB0;
	s15 =	sadd.s32 $0x60, s8  }
0xb2: {  	[hbm4b:s13+s3] =	stream.linear.scatter [tilespmem:s12], [sflag:$0x4], $0x80, $0x38;
	[tilespmem:$0x15D80] =	vst v63  }
0xb3: {  	s6 =	simm.s32 $0x2200;
	s9 =	simm.s32 $0xFB38;
	s10 =	sadd.s32 $0x70, s8  }
0xb4: {  	[hbm4b:s15+s3] =	stream.linear.scatter [tilespmem:s14], [sflag:$0x4], $0x80, $0x38;
	[tilespmem:$0x15D80] =	vst v63  }
.LBB2_4:
0xb5: {  	[hbm4b:s10+s3] =	stream.linear.scatter [tilespmem:s9], [sflag:$0x4], $0x80, $0x38;
	[tilespmem:$0x15D80] =	vst v63  }
0xb6: {  	s9 =	smov.u32 s0;
	s0 =	smov.u32 s6  }
0xb7: {  	s13 =	sadd.s32 $0x1100, s6;
	s0 =	sshra.s32 s0, $0x2;
	s10 =	sadd.s32 $0xF780, s9  }
0xb8: {  	[hbm4b:s5+s3] =	stream.linear.scatter [tilespmem:s10], [sflag:$0x4], $0x80, $0x38;
	[tilespmem:$0x15D80] =	vst v63  }
0xb9: {  	p0 =	sne.s32 s6, $0x7700;
	s6 =	sadd.s32 $0xF808, s9;
	s10 =	sadd.s32 $0x10, s5  }
0xba: {  	[hbm4b:s10+s3] =	stream.linear.scatter [tilespmem:s6], [sflag:$0x4], $0x80, $0x38;
	[tilespmem:$0x15D80] =	vst v63  }
0xbb: {  	s6 =	sadd.s32 $0xF890, s9;
	s10 =	sadd.s32 $0x20, s5  }
0xbc: {  	[hbm4b:s10+s3] =	stream.linear.scatter [tilespmem:s6], [sflag:$0x4], $0x80, $0x38;
	[tilespmem:$0x15D80] =	vst v63  }
0xbd: {  	s6 =	sadd.s32 $0xF918, s9;
	s10 =	sadd.s32 $0x30, s5  }
0xbe: {  	[hbm4b:s10+s3] =	stream.linear.scatter [tilespmem:s6], [sflag:$0x4], $0x80, $0x38;
	[tilespmem:$0x15D80] =	vst v63  }
0xbf: {  	s6 =	sadd.s32 $0xF9A0, s9;
	s10 =	sadd.s32 $0x40, s5  }
0xc0: {  	[hbm4b:s10+s3] =	stream.linear.scatter [tilespmem:s6], [sflag:$0x4], $0x80, $0x38;
	[tilespmem:$0x15D80] =	vst v63  }
.Ltmp1:
0xc1: {  	s6 =	sadd.s32 $0xFA28, s9;
	s10 =	sadd.s32 $0x50, s5;
	(pc) =	sbr.rel @p0 .LBB2_4-.Ltmp1, $4  }
0xc2: {  	[hbm4b:s10+s3] =	stream.linear.scatter [tilespmem:s6], [sflag:$0x4], $0x80, $0x38;
	[tilespmem:$0x15D80] =	vst v63  }
0xc3: {  	s6 =	sadd.s32 $0xFAB0, s9;
	s10 =	sadd.s32 $0x60, s5;
	s9 =	sadd.s32 $0xFB38, s9  }
0xc4: {  	[hbm4b:s10+s3] =	stream.linear.scatter [tilespmem:s6], [sflag:$0x4], $0x80, $0x38;
	[tilespmem:$0x15D80] =	vst v63  }
0xc5: {  	s10 =	sadd.s32 $0x70, s5;
	s5 =	sadd.s32 $0x1000, s5;
	s6 =	smov.u32 s13  }
0xc6: {  	[hbm4b:s10+s3] =	stream.linear.scatter [tilespmem:s9], [sflag:$0x4], $0x80, $0x38;
	[tilespmem:$0x15D80] =	vst v63  }
0xc7: {  	s6 =	sadd.s32 $0xF780, s0  }
0xc8: {  	[hbm4b:s5+s3] =	stream.linear.scatter [tilespmem:s6], [sflag:$0x4], $0x80, $0x38;
	[tilespmem:$0x15D80] =	vst v63  }
0xc9: {  	s12 =	sadd.s32 $0xF808, s0;
	s13 =	sadd.s32 $0x10, s5  }
0xca: {  	[hbm4b:s13+s3] =	stream.linear.scatter [tilespmem:s12], [sflag:$0x4], $0x80, $0x38;
	[tilespmem:$0x15D80] =	vst v63  }
0xcb: {  	s14 =	sadd.s32 $0xF890, s0;
	s15 =	sadd.s32 $0x20, s5  }
0xcc: {  	[hbm4b:s15+s3] =	stream.linear.scatter [tilespmem:s14], [sflag:$0x4], $0x80, $0x38;
	[tilespmem:$0x15D80] =	vst v63  }
0xcd: {  	s10 =	sadd.s32 $0xF918, s0;
	s11 =	sadd.s32 $0x30, s5  }
0xce: {  	[hbm4b:s11+s3] =	stream.linear.scatter [tilespmem:s10], [sflag:$0x4], $0x80, $0x38;
	[tilespmem:$0x15D80] =	vst v63  }
0xcf: {  	s12 =	sadd.s32 $0xF9A0, s0;
	s13 =	sadd.s32 $0x40, s5  }
0xd0: {  	[hbm4b:s13+s3] =	stream.linear.scatter [tilespmem:s12], [sflag:$0x4], $0x80, $0x38;
	[tilespmem:$0x15D80] =	vst v63  }
0xd1: {  	s14 =	sadd.s32 $0xFA28, s0;
	s15 =	sadd.s32 $0x50, s5  }
0xd2: {  	[hbm4b:s15+s3] =	stream.linear.scatter [tilespmem:s14], [sflag:$0x4], $0x80, $0x38;
	[tilespmem:$0x15D80] =	vst v63  }
0xd3: {  	s10 =	sadd.s32 $0xFAB0, s0;
	s11 =	sadd.s32 $0x60, s5  }
0xd4: {  	[hbm4b:s11+s3] =	stream.linear.scatter [tilespmem:s10], [sflag:$0x4], $0x80, $0x38;
	[tilespmem:$0x15D80] =	vst v63  }
0xd5: {  	s12 =	sadd.s32 $0xFB38, s0;
	s13 =	sadd.s32 $0x70, s5;
	s14 =	simm.s32 $0x0  }
0xd6: {  	[hbm4b:s13+s3] =	stream.linear.scatter [tilespmem:s12], [sflag:$0x4], $0x80, $0x38;
	[tilespmem:$0x15D80] =	vst v63  }
0xd7: {  	v1 =	vld.idx.msk [tilespmem:v28+s14+$0x0], $0xffff;
	_ =	sdelay $0x4  }
0xd8: {  	[tilespmem:$0x9600] =	vst v1  }
0xd9: {  	v1 =	vld.idx.msk [tilespmem:v29+s14+$0x0], $0xffff;
	_ =	sdelay $0x4  }
0xda: {  	[tilespmem:$0x9610] =	vst v1  }
0xdb: {  	v1 =	vld.idx.msk [tilespmem:v30+s14+$0x0], $0xffff;
	_ =	sdelay $0x4  }
0xdc: {  	[tilespmem:$0x9620] =	vst v1  }
0xdd: {  	v1 =	vld.idx.msk [tilespmem:v31+s14+$0x0], $0xffff;
	_ =	sdelay $0x4  }
0xde: {  	[tilespmem:$0x9630] =	vst v1  }
0xdf: {  	v1 =	vld.idx.msk [tilespmem:v32+s14+$0x0], $0xffff;
	_ =	sdelay $0x4  }
0xe0: {  	[tilespmem:$0x9640] =	vst v1  }
0xe1: {  	v1 =	vld.idx.msk [tilespmem:v33+s14+$0x0], $0xffff;
	_ =	sdelay $0x4  }
0xe2: {  	[tilespmem:$0x9650] =	vst v1  }
0xe3: {  	v1 =	vld.idx.msk [tilespmem:v34+s14+$0x0], $0xffff;
	_ =	sdelay $0x4  }
0xe4: {  	[tilespmem:$0x9660] =	vst v1  }
0xe5: {  	v1 =	vld.idx.msk [tilespmem:v35+s14+$0x0], $0xffff;
	_ =	sdelay $0x4  }
0xe6: {  	[tilespmem:$0x9670] =	vst v1  }
0xe7: {  	[tilespmem:s18], [sflag:$0x1] =	stream.indirect.gather [hbm4b:s4+s16], $0x40, s17, s16, $0xb8;
	[tilespmem:$0x15D80] =	vst v63  }
0xe8: {  	_ =	swait.ge [sflag:s25], $0x2000  }
0xe9: {  	[sflag:s25] =	ssyncset.done $0x0  }
0xea: {  	[sflag:s25] =	ssyncadd.s32 $0xFFFFE000  }
0xeb: {  	s9 =	simm.s32 $0xB800;
	s15 =	simm.s32 $0x3;
	v49 =	vld [tilespmem:$0x6440]  }
0xec: {  	v1 =	vmov s15;
	v2 =	vld [tilespmem:s9+$0x40]  }
0xed: {  	v1 =	vand.u32 $0x7F, v1  }
0xee: {  	v3 =	vadd.s32 v19, v1;
	v46 =	vld [tilespmem:$0x6450]  }
0xef: {  	s6 =	simm.s32 $0x1;
	v4 =	vmov s14;
	s10 =	simm.s32 $0x2;
	v5 =	vld [tilespmem:s9+$0xFFFFFF80]  }
0xf0: {  	v52 =	vand.u32 $0x7C, v4;
	v4 =	vmov s6;
	v7 =	vmov s10;
	v6 =	vld [tilespmem:s9+$0xFFFFFFC0]  }
0xf1: {  	v8 =	vadd.s32 v19, v52;
	v4 =	vand.u32 $0x7D, v4;
	v9 =	vld [tilespmem:s9+$0x0];
	v2 =	vadd.f32 v2, v49  }
0xf2: {  	v10 =	vadd.s32 v19, v4;
	v7 =	vand.u32 $0x7E, v7;
	v45 =	vld [tilespmem:$0x6460]  }
0xf3: {  	v11 =	vadd.s32 v19, v7;
	v44 =	vld [tilespmem:$0x6470];
	[tilespmem:v3+s26+$0x0] =	vst.idx.msk $0xffff, v2  }
0xf4: {  	v2 =	vadd.f32 v5, v49;
	v3 =	vld [tilespmem:s9+$0x50]  }
0xf5: {  	v5 =	vadd.f32 v6, v49  }
0xf6: {  	v60 =	vadd.s32 v25, v1;
	[tilespmem:v8+s26+$0x0] =	vst.idx.msk $0xffff, v2;
	v2 =	vadd.f32 v9, v49  }
0xf7: {  	[tilespmem:v10+s26+$0x0] =	vst.idx.msk $0xffff, v5  }
0xf8: {  	v5 =	vld [tilespmem:s9+$0xFFFFFFD0];
	[tilespmem:v11+s26+$0x0] =	vst.idx.msk $0xffff, v2  }
0xf9: {  	v2 =	vld [tilespmem:s9+$0x10];
	v3 =	vadd.f32 v3, v46  }
0xfa: {  	s5 =	simm.s32 $0xB900;
	s11 =	simm.s32 $0x4;
	s12 =	simm.s32 $0x7;
	v9 =	vadd.s32 v25, v4;
	v8 =	vld [tilespmem:s9+$0xFFFFFF90]  }
0xfb: {  	v61 =	vmov s11;
	v62 =	vadd.s32 v25, v7;
	v63 =	vld [tilespmem:s5+$0x40];
	[tilespmem:v60+s26+$0x0] =	vst.idx.msk $0xffff, v3;
	v3 =	vmov s12  }
0xfc: {  	v53 =	vadd.s32 v25, v52;
	v48 =	vand.u32 $0x7C, v61;
	s13 =	simm.s32 $0x5;
	v47 =	vand.u32 $0x7F, v3;
	v3 =	vld [tilespmem:s9+$0x60]  }
0xfd: {  	v50 =	vmov s13;
	v5 =	vadd.f32 v5, v46;
	v60 =	vld [tilespmem:s5+$0xFFFFFF80];
	v54 =	vadd.s32 v19, v47  }
0xfe: {  	v61 =	vadd.s32 v19, v48;
	s14 =	simm.s32 $0x6;
	v56 =	vadd.s32 v26, v1;
	v55 =	vld [tilespmem:s5+$0xFFFFFFC0];
	v2 =	vadd.f32 v2, v46  }
0xff: {  	v50 =	vand.u32 $0x7D, v50;
	v57 =	vld [tilespmem:s5+$0x0];
	v8 =	vadd.f32 v8, v46;
	[tilespmem:v9+s26+$0x0] =	vst.idx.msk $0xffff, v5;
	v5 =	vmov s14  }
0x100: {  	v51 =	vand.u32 $0x7E, v5;
	v5 =	vadd.f32 v63, v49;
	[tilespmem:v62+s26+$0x0] =	vst.idx.msk $0xffff, v2;
	v2 =	vadd.s32 v19, v50;
	v62 =	vld [tilespmem:s9+$0xFFFFFFE0]  }
0x101: {  	[tilespmem:v53+s26+$0x0] =	vst.idx.msk $0xffff, v8;
	v8 =	vadd.s32 v19, v51;
	v11 =	vld [tilespmem:s9+$0x20];
	v3 =	vadd.f32 v3, v45  }
0x102: {  	v53 =	vadd.s32 v26, v4;
	v10 =	vadd.f32 v60, v49;
	[tilespmem:v54+s26+$0x0] =	vst.idx.msk $0xffff, v5;
	v5 =	vld [tilespmem:s9+$0xFFFFFFA0]  }
0x103: {  	v58 =	vadd.s32 v26, v7;
	v63 =	vadd.f32 v55, v49;
	v55 =	vld [tilespmem:s5+$0x50];
	[tilespmem:v56+s26+$0x0] =	vst.idx.msk $0xffff, v3  }
0x104: {  	v9 =	vadd.s32 v26, v52;
	[tilespmem:v61+s26+$0x0] =	vst.idx.msk $0xffff, v10;
	v3 =	vadd.f32 v57, v49;
	v10 =	vld [tilespmem:s9+$0x70]  }
0x105: {  	v59 =	vld [tilespmem:s5+$0xFFFFFF90];
	[tilespmem:v2+s26+$0x0] =	vst.idx.msk $0xffff, v63;
	v2 =	vadd.s32 v25, v47;
	v6 =	vadd.f32 v62, v45  }
0x106: {  	v60 =	vld [tilespmem:s5+$0xFFFFFFD0];
	[tilespmem:v8+s26+$0x0] =	vst.idx.msk $0xffff, v3;
	v3 =	vadd.f32 v11, v45;
	v8 =	vadd.s32 v27, v1  }
0x107: {  	v62 =	vadd.s32 v25, v48;
	v57 =	vld [tilespmem:s5+$0x10];
	[tilespmem:v53+s26+$0x0] =	vst.idx.msk $0xffff, v6;
	v1 =	vadd.f32 v5, v45  }
0x108: {  	s0 =	simm.s32 $0x8;
	v61 =	vadd.s32 v25, v50;
	v56 =	vld [tilespmem:s9+$0xFFFFFFF0];
	[tilespmem:v58+s26+$0x0] =	vst.idx.msk $0xffff, v3;
	v5 =	vadd.f32 v55, v46  }
0x109: {  	v54 =	vadd.s32 v25, v51;
	v3 =	vmov s0;
	v55 =	vld [tilespmem:s9+$0x30];
	[tilespmem:v9+s26+$0x0] =	vst.idx.msk $0xffff, v1;
	v11 =	vadd.f32 v10, v44  }
0x10a: {  	s6 =	simm.s32 $0xBA00;
	s15 =	simm.s32 $0xB;
	v53 =	vand.u32 $0x7C, v3;
	v1 =	vadd.f32 v59, v46;
	v59 =	vadd.s32 v27, v4;
	[tilespmem:v2+s26+$0x0] =	vst.idx.msk $0xffff, v5;
	v58 =	vld [tilespmem:s9+$0xFFFFFFB0]  }
0x10b: {  	v63 =	vld [tilespmem:s6+$0x40];
	v3 =	vmov s15;
	s9 =	simm.s32 $0xC;
	v2 =	vadd.f32 v60, v46;
	v60 =	vadd.s32 v27, v7;
	[tilespmem:v8+s26+$0x0] =	vst.idx.msk $0xffff, v11  }
.LBB2_6:
0x10c: {  	p0 =	slt.u32 s9, $0x7C;
	s10 =	sadd.s32 $0x1, s0;
	v3 =	vand.u32 $0x7F, v3;
	[tilespmem:v62+s26+$0x0] =	vst.idx.msk $0xffff, v1;
	v1 =	vadd.f32 v57, v46;
	v4 =	vld [tilespmem:s5+$0x60];
	v5 =	vadd.s32 v27, v52  }
0x10d: {  	v9 =	vmovc v51;
	v6 =	vld [tilespmem:s6+$0xFFFFFF80];
	v7 =	vmov s10;
	s10 =	sadd.s32 $0x2, s0;
	v8 =	vadd.s32 v19, v3;
	[tilespmem:v61+s26+$0x0] =	vst.idx.msk $0xffff, v2;
	v2 =	vadd.f32 v56, v44;
	s0 =	smov.u32 s9  }
0x10e: {  	v52 =	vmovc v48;
	v10 =	vld [tilespmem:s6+$0xFFFFFFC0];
	v11 =	vmov s10;
	[tilespmem:v54+s26+$0x0] =	vst.idx.msk $0xffff, v1;
	v1 =	vadd.s32 v26, v47;
	v54 =	vadd.f32 v55, v44  }
0x10f: {  	v55 =	vadd.s32 v19, v53;
	v7 =	vand.u32 $0x7D, v7;
	v56 =	vld [tilespmem:s6+$0x0];
	v12 =	vadd.f32 v58, v44;
	[tilespmem:v59+s26+$0x0] =	vst.idx.msk $0xffff, v2  }
0x110: {  	v2 =	vadd.s32 v19, v7;
	v51 =	vand.u32 $0x7E, v11;
	v11 =	vadd.f32 v63, v49;
	v57 =	vld [tilespmem:s5+$0xFFFFFFE0];
	[tilespmem:v60+s26+$0x0] =	vst.idx.msk $0xffff, v54  }
0x111: {  	v48 =	vmov v53;
	v54 =	vadd.s32 v19, v51;
	v58 =	vld [tilespmem:s5+$0x20];
	v4 =	vadd.f32 v4, v45;
	[tilespmem:v5+s26+$0x0] =	vst.idx.msk $0xffff, v12  }
0x112: {  	v5 =	vadd.f32 v6, v49;
	[tilespmem:v8+s26+$0x0] =	vst.idx.msk $0xffff, v11;
	v6 =	vld [tilespmem:s5+$0xFFFFFFA0];
	v8 =	vadd.s32 v26, v50  }
0x113: {  	v53 =	vadd.s32 v26, v9;
	v10 =	vadd.f32 v10, v49;
	v11 =	vld [tilespmem:s6+$0x50];
	[tilespmem:v1+s26+$0x0] =	vst.idx.msk $0xffff, v4  }
0x114: {  	v4 =	vadd.s32 v26, v52;
	[tilespmem:v55+s26+$0x0] =	vst.idx.msk $0xffff, v5;
	v1 =	vadd.f32 v56, v49;
	v5 =	vld [tilespmem:s5+$0x70]  }
0x115: {  	v59 =	vld [tilespmem:s6+$0xFFFFFF90];
	[tilespmem:v2+s26+$0x0] =	vst.idx.msk $0xffff, v10;
	v2 =	vadd.s32 v25, v3;
	v10 =	vadd.f32 v57, v45  }
0x116: {  	v12 =	vadd.s32 v27, v47;
	v47 =	vmov v3;
	v60 =	vld [tilespmem:s6+$0xFFFFFFD0];
	[tilespmem:v54+s26+$0x0] =	vst.idx.msk $0xffff, v1;
	v1 =	vadd.f32 v58, v45  }
.Ltmp2:
0x117: {  	v62 =	vadd.s32 v25, v48;
	v57 =	vld [tilespmem:s6+$0x10];
	v3 =	vadd.f32 v6, v45;
	[tilespmem:v8+s26+$0x0] =	vst.idx.msk $0xffff, v10;
	(pc) =	sbr.rel @p0 .LBB2_6-.Ltmp2, $4  }
0x118: {  	v61 =	vadd.s32 v25, v7;
	v6 =	vadd.f32 v11, v46;
	v56 =	vld [tilespmem:s5+$0xFFFFFFF0];
	[tilespmem:v53+s26+$0x0] =	vst.idx.msk $0xffff, v1  }
0x119: {  	v54 =	vadd.s32 v25, v51;
	v1 =	vmov s9;
	[tilespmem:v4+s26+$0x0] =	vst.idx.msk $0xffff, v3;
	v55 =	vld [tilespmem:s5+$0x30];
	v4 =	vadd.f32 v5, v44  }
0x11a: {  	s10 =	sadd.s32 $0x3, s9;
	v53 =	vand.u32 $0x7C, v1;
	v1 =	vadd.f32 v59, v46;
	[tilespmem:v2+s26+$0x0] =	vst.idx.msk $0xffff, v6;
	v58 =	vld [tilespmem:s5+$0xFFFFFFB0];
	v59 =	vadd.s32 v27, v50;
	s5 =	smov.u32 s6;
	s6 =	sadd.s32 $0x100, s6  }
0x11b: {  	s9 =	sadd.s32 $0x4, s9;
	v3 =	vmov s10;
	v50 =	vmovc v7;
	v63 =	vld [tilespmem:s6+$0x40];
	v2 =	vadd.f32 v60, v46;
	v60 =	vadd.s32 v27, v9;
	[tilespmem:v12+s26+$0x0] =	vst.idx.msk $0xffff, v4  }
0x11c: {  	s9 =	sadd.s32 $0x1, s0  }
0x11d: {  	v3 =	vand.u32 $0x7F, v3;
	v5 =	vld [tilespmem:s6+$0xFFFFFFC0];
	v4 =	vmov s9;
	s9 =	sadd.s32 $0x2, s0  }
0x11e: {  	v8 =	vld [tilespmem:s6+$0x0];
	v6 =	vadd.s32 v19, v3;
	v7 =	vmov s9;
	v4 =	vand.u32 $0x7D, v4  }
0x11f: {  	v9 =	vld [tilespmem:s6+$0xFFFFFF80];
	v10 =	vadd.s32 v19, v4;
	v7 =	vand.u32 $0x7E, v7  }
0x120: {  	v11 =	vadd.s32 v19, v7  }
0x121: {  	[tilespmem:v62+s26+$0x0] =	vst.idx.msk $0xffff, v1;
	v1 =	vadd.s32 v19, v53;
	v12 =	vadd.f32 v63, v49  }
0x122: {  	[tilespmem:v61+s26+$0x0] =	vst.idx.msk $0xffff, v2;
	v2 =	vadd.f32 v5, v49  }
0x123: {  	v63 =	vadd.f32 v8, v49;
	[tilespmem:v6+s26+$0x0] =	vst.idx.msk $0xffff, v12  }
0x124: {  	v49 =	vadd.f32 v9, v49;
	v8 =	vld [tilespmem:s6+$0x50];
	[tilespmem:v10+s26+$0x0] =	vst.idx.msk $0xffff, v2  }
0x125: {  	v9 =	vadd.s32 v27, v52;
	v2 =	vadd.f32 v57, v46;
	v10 =	vld [tilespmem:s6+$0xFFFFFFD0];
	[tilespmem:v11+s26+$0x0] =	vst.idx.msk $0xffff, v63  }
0x126: {  	[tilespmem:v1+s26+$0x0] =	vst.idx.msk $0xffff, v49;
	v1 =	vadd.s32 v25, v3;
	v57 =	vadd.f32 v56, v44;
	v6 =	vld [tilespmem:s6+$0x10]  }
0x127: {  	v12 =	vadd.s32 v25, v4;
	v61 =	vld [tilespmem:s6+$0xFFFFFF90];
	[tilespmem:v54+s26+$0x0] =	vst.idx.msk $0xffff, v2;
	v2 =	vadd.f32 v55, v44  }
0x128: {  	v62 =	vadd.f32 v58, v44;
	v5 =	vadd.s32 v25, v7;
	v49 =	vld [tilespmem:s5+$0x60];
	[tilespmem:v59+s26+$0x0] =	vst.idx.msk $0xffff, v57  }
0x129: {  	v63 =	vld [tilespmem:s5+$0xFFFFFFE0];
	[tilespmem:v60+s26+$0x0] =	vst.idx.msk $0xffff, v2;
	v2 =	vadd.s32 v25, v53;
	v8 =	vadd.f32 v8, v46  }
0x12a: {  	v55 =	vadd.s32 v26, v47;
	[tilespmem:v9+s26+$0x0] =	vst.idx.msk $0xffff, v62;
	v56 =	vld [tilespmem:s5+$0x20];
	v59 =	vadd.f32 v10, v46  }
0x12b: {  	v52 =	vadd.s32 v26, v50;
	v10 =	vld [tilespmem:s5+$0xFFFFFFA0];
	[tilespmem:v1+s26+$0x0] =	vst.idx.msk $0xffff, v8;
	v1 =	vadd.f32 v6, v46  }
0x12c: {  	v60 =	vadd.f32 v61, v46;
	v6 =	vadd.s32 v26, v51;
	v61 =	vld [tilespmem:s6+$0x60];
	[tilespmem:v12+s26+$0x0] =	vst.idx.msk $0xffff, v59  }
0x12d: {  	v62 =	vadd.f32 v49, v45;
	v12 =	vadd.s32 v26, v48;
	[tilespmem:v5+s26+$0x0] =	vst.idx.msk $0xffff, v1;
	v1 =	vld [tilespmem:s6+$0xFFFFFFE0]  }
0x12e: {  	v63 =	vadd.f32 v63, v45;
	[tilespmem:v2+s26+$0x0] =	vst.idx.msk $0xffff, v60;
	v2 =	vadd.s32 v26, v3;
	v8 =	vld [tilespmem:s6+$0x20]  }
0x12f: {  	v49 =	vadd.s32 v26, v4;
	[tilespmem:v55+s26+$0x0] =	vst.idx.msk $0xffff, v62;
	v57 =	vadd.f32 v56, v45;
	v58 =	vld [tilespmem:s6+$0xFFFFFFA0]  }
0x130: {  	v59 =	vld [tilespmem:s5+$0x70];
	[tilespmem:v52+s26+$0x0] =	vst.idx.msk $0xffff, v63;
	v5 =	vadd.s32 v26, v7;
	v10 =	vadd.f32 v10, v45  }
0x131: {  	v52 =	vld [tilespmem:s5+$0xFFFFFFF0];
	[tilespmem:v6+s26+$0x0] =	vst.idx.msk $0xffff, v57;
	v60 =	vadd.f32 v61, v45;
	v61 =	vadd.s32 v26, v53  }
0x132: {  	v62 =	vadd.s32 v27, v47;
	[tilespmem:v12+s26+$0x0] =	vst.idx.msk $0xffff, v10;
	v63 =	vld [tilespmem:s5+$0x30];
	v1 =	vadd.f32 v1, v45  }
0x133: {  	v55 =	vadd.s32 v27, v50;
	v12 =	vld [tilespmem:s5+$0xFFFFFFB0];
	[tilespmem:v2+s26+$0x0] =	vst.idx.msk $0xffff, v60;
	v2 =	vadd.f32 v8, v45  }
0x134: {  	v56 =	vadd.s32 v27, v51;
	v57 =	vld [tilespmem:s6+$0x70];
	v58 =	vadd.f32 v58, v45;
	[tilespmem:v49+s26+$0x0] =	vst.idx.msk $0xffff, v1  }
0x135: {  	v1 =	vadd.f32 v59, v44;
	v59 =	vadd.s32 v27, v48;
	v60 =	vld [tilespmem:s6+$0xFFFFFFF0];
	[tilespmem:v5+s26+$0x0] =	vst.idx.msk $0xffff, v2  }
0x136: {  	v3 =	vadd.s32 v27, v3;
	v2 =	vadd.f32 v52, v44;
	[tilespmem:v61+s26+$0x0] =	vst.idx.msk $0xffff, v58;
	v5 =	vld [tilespmem:s6+$0x30]  }
0x137: {  	v4 =	vadd.s32 v27, v4;
	[tilespmem:v62+s26+$0x0] =	vst.idx.msk $0xffff, v1;
	v1 =	vadd.f32 v63, v44;
	v9 =	vld [tilespmem:s6+$0xFFFFFFB0]  }
0x138: {  	v61 =	vadd.f32 v12, v44;
	[tilespmem:v55+s26+$0x0] =	vst.idx.msk $0xffff, v2;
	v2 =	vadd.s32 v27, v7  }
0x139: {  	v62 =	vadd.s32 v27, v53;
	[tilespmem:v56+s26+$0x0] =	vst.idx.msk $0xffff, v1;
	v1 =	vadd.f32 v57, v44  }
0x13a: {  	[tilespmem:v59+s26+$0x0] =	vst.idx.msk $0xffff, v61;
	v63 =	vadd.f32 v60, v44  }
0x13b: {  	[tilespmem:v3+s26+$0x0] =	vst.idx.msk $0xffff, v1;
	v1 =	vadd.f32 v5, v44  }
0x13c: {  	v3 =	vadd.f32 v9, v44;
	[tilespmem:v4+s26+$0x0] =	vst.idx.msk $0xffff, v63  }
0x13d: {  	[tilespmem:v2+s26+$0x0] =	vst.idx.msk $0xffff, v1  }
0x13e: {  	[tilespmem:v62+s26+$0x0] =	vst.idx.msk $0xffff, v3  }
0x13f: {  	s10 =	simm.s32 $0x11980;
	s11 =	rddreg [dreg:$0x5]  }
0x140: {  	[hbm4b:s11+s3] =	stream.linear.scatter [tilespmem:s10], [sflag:$0x5], $0x80, $0x38;
	[tilespmem:$0x15D80] =	vst v63  }
0x141: {  	s12 =	simm.s32 $0x11A08;
	s13 =	sadd.s32 $0x10, s11  }
0x142: {  	[hbm4b:s13+s3] =	stream.linear.scatter [tilespmem:s12], [sflag:$0x5], $0x80, $0x38;
	[tilespmem:$0x15D80] =	vst v63  }
0x143: {  	s14 =	simm.s32 $0x11A90;
	s0 =	simm.s32 $0x440;
	s15 =	sadd.s32 $0x20, s11  }
0x144: {  	[hbm4b:s15+s3] =	stream.linear.scatter [tilespmem:s14], [sflag:$0x5], $0x80, $0x38;
	[tilespmem:$0x15D80] =	vst v63  }
0x145: {  	s9 =	simm.s32 $0x11BA0;
	s5 =	simm.s32 $0x11B18;
	s6 =	sadd.s32 $0x30, s11  }
0x146: {  	[hbm4b:s6+s3] =	stream.linear.scatter [tilespmem:s5], [sflag:$0x5], $0x80, $0x38;
	[tilespmem:$0x15D80] =	vst v63  }
0x147: {  	s10 =	sadd.s32 $0x40, s11;
	s12 =	simm.s32 $0x11C28;
	s13 =	sadd.s32 $0x50, s11  }
0x148: {  	[hbm4b:s10+s3] =	stream.linear.scatter [tilespmem:s9], [sflag:$0x5], $0x80, $0x38;
	[tilespmem:$0x15D80] =	vst v63  }
0x149: {  	s14 =	simm.s32 $0x11CB0;
	s15 =	sadd.s32 $0x60, s11;
	s6 =	simm.s32 $0x2200  }
0x14a: {  	[hbm4b:s13+s3] =	stream.linear.scatter [tilespmem:s12], [sflag:$0x5], $0x80, $0x38;
	[tilespmem:$0x15D80] =	vst v63  }
0x14b: {  	s5 =	sadd.s32 $0x1000, s11;
	s9 =	simm.s32 $0x11D38;
	s10 =	sadd.s32 $0x70, s11  }
0x14c: {  	[hbm4b:s15+s3] =	stream.linear.scatter [tilespmem:s14], [sflag:$0x5], $0x80, $0x38;
	[tilespmem:$0x15D80] =	vst v63  }
.LBB2_8:
0x14d: {  	[hbm4b:s10+s3] =	stream.linear.scatter [tilespmem:s9], [sflag:$0x5], $0x80, $0x38;
	[tilespmem:$0x15D80] =	vst v63  }
0x14e: {  	s9 =	smov.u32 s0;
	s0 =	smov.u32 s6  }
0x14f: {  	s13 =	sadd.s32 $0x1100, s6;
	s0 =	sshra.s32 s0, $0x2;
	s10 =	sadd.s32 $0x11980, s9  }
0x150: {  	[hbm4b:s5+s3] =	stream.linear.scatter [tilespmem:s10], [sflag:$0x5], $0x80, $0x38;
	[tilespmem:$0x15D80] =	vst v63  }
0x151: {  	p0 =	sne.s32 s6, $0x7700;
	s6 =	sadd.s32 $0x11A08, s9;
	s10 =	sadd.s32 $0x10, s5  }
0x152: {  	[hbm4b:s10+s3] =	stream.linear.scatter [tilespmem:s6], [sflag:$0x5], $0x80, $0x38;
	[tilespmem:$0x15D80] =	vst v63  }
0x153: {  	s6 =	sadd.s32 $0x11A90, s9;
	s10 =	sadd.s32 $0x20, s5  }
0x154: {  	[hbm4b:s10+s3] =	stream.linear.scatter [tilespmem:s6], [sflag:$0x5], $0x80, $0x38;
	[tilespmem:$0x15D80] =	vst v63  }
0x155: {  	s6 =	sadd.s32 $0x11B18, s9;
	s10 =	sadd.s32 $0x30, s5  }
0x156: {  	[hbm4b:s10+s3] =	stream.linear.scatter [tilespmem:s6], [sflag:$0x5], $0x80, $0x38;
	[tilespmem:$0x15D80] =	vst v63  }
0x157: {  	s6 =	sadd.s32 $0x11BA0, s9;
	s10 =	sadd.s32 $0x40, s5  }
0x158: {  	[hbm4b:s10+s3] =	stream.linear.scatter [tilespmem:s6], [sflag:$0x5], $0x80, $0x38;
	[tilespmem:$0x15D80] =	vst v63  }
.Ltmp3:
0x159: {  	s6 =	sadd.s32 $0x11C28, s9;
	s10 =	sadd.s32 $0x50, s5;
	(pc) =	sbr.rel @p0 .LBB2_8-.Ltmp3, $4  }
0x15a: {  	[hbm4b:s10+s3] =	stream.linear.scatter [tilespmem:s6], [sflag:$0x5], $0x80, $0x38;
	[tilespmem:$0x15D80] =	vst v63  }
0x15b: {  	s6 =	sadd.s32 $0x11CB0, s9;
	s10 =	sadd.s32 $0x60, s5;
	s9 =	sadd.s32 $0x11D38, s9  }
0x15c: {  	[hbm4b:s10+s3] =	stream.linear.scatter [tilespmem:s6], [sflag:$0x5], $0x80, $0x38;
	[tilespmem:$0x15D80] =	vst v63  }
0x15d: {  	s10 =	sadd.s32 $0x70, s5;
	s5 =	sadd.s32 $0x1000, s5;
	s6 =	smov.u32 s13  }
0x15e: {  	[hbm4b:s10+s3] =	stream.linear.scatter [tilespmem:s9], [sflag:$0x5], $0x80, $0x38;
	[tilespmem:$0x15D80] =	vst v63  }
0x15f: {  	s6 =	sadd.s32 $0x11980, s0  }
0x160: {  	[hbm4b:s5+s3] =	stream.linear.scatter [tilespmem:s6], [sflag:$0x5], $0x80, $0x38;
	[tilespmem:$0x15D80] =	vst v63  }
0x161: {  	s12 =	sadd.s32 $0x11A08, s0;
	s13 =	sadd.s32 $0x10, s5  }
0x162: {  	[hbm4b:s13+s3] =	stream.linear.scatter [tilespmem:s12], [sflag:$0x5], $0x80, $0x38;
	[tilespmem:$0x15D80] =	vst v63  }
0x163: {  	s14 =	sadd.s32 $0x11A90, s0;
	s15 =	sadd.s32 $0x20, s5  }
0x164: {  	[hbm4b:s15+s3] =	stream.linear.scatter [tilespmem:s14], [sflag:$0x5], $0x80, $0x38;
	[tilespmem:$0x15D80] =	vst v63  }
0x165: {  	s10 =	sadd.s32 $0x11B18, s0;
	s11 =	sadd.s32 $0x30, s5  }
0x166: {  	[hbm4b:s11+s3] =	stream.linear.scatter [tilespmem:s10], [sflag:$0x5], $0x80, $0x38;
	[tilespmem:$0x15D80] =	vst v63  }
0x167: {  	s12 =	sadd.s32 $0x11BA0, s0;
	s13 =	sadd.s32 $0x40, s5  }
0x168: {  	[hbm4b:s13+s3] =	stream.linear.scatter [tilespmem:s12], [sflag:$0x5], $0x80, $0x38;
	[tilespmem:$0x15D80] =	vst v63  }
0x169: {  	s14 =	sadd.s32 $0x11C28, s0;
	s15 =	sadd.s32 $0x50, s5  }
0x16a: {  	[hbm4b:s15+s3] =	stream.linear.scatter [tilespmem:s14], [sflag:$0x5], $0x80, $0x38;
	[tilespmem:$0x15D80] =	vst v63  }
0x16b: {  	s10 =	sadd.s32 $0x11CB0, s0;
	s11 =	sadd.s32 $0x60, s5  }
0x16c: {  	[hbm4b:s11+s3] =	stream.linear.scatter [tilespmem:s10], [sflag:$0x5], $0x80, $0x38;
	[tilespmem:$0x15D80] =	vst v63  }
0x16d: {  	s12 =	sadd.s32 $0x11D38, s0;
	s13 =	sadd.s32 $0x70, s5;
	s14 =	simm.s32 $0x0  }
0x16e: {  	[hbm4b:s13+s3] =	stream.linear.scatter [tilespmem:s12], [sflag:$0x5], $0x80, $0x38;
	[tilespmem:$0x15D80] =	vst v63  }
0x16f: {  	v1 =	vld.idx.msk [tilespmem:v36+s14+$0x0], $0xffff;
	_ =	sdelay $0x4  }
0x170: {  	[tilespmem:$0x9680] =	vst v1  }
0x171: {  	v1 =	vld.idx.msk [tilespmem:v37+s14+$0x0], $0xffff;
	_ =	sdelay $0x4  }
0x172: {  	[tilespmem:$0x9690] =	vst v1  }
0x173: {  	v1 =	vld.idx.msk [tilespmem:v38+s14+$0x0], $0xffff;
	_ =	sdelay $0x4  }
0x174: {  	[tilespmem:$0x96A0] =	vst v1  }
0x175: {  	v1 =	vld.idx.msk [tilespmem:v39+s14+$0x0], $0xffff;
	_ =	sdelay $0x4  }
0x176: {  	[tilespmem:$0x96B0] =	vst v1  }
0x177: {  	v1 =	vld.idx.msk [tilespmem:v40+s14+$0x0], $0xffff;
	_ =	sdelay $0x4  }
0x178: {  	[tilespmem:$0x96C0] =	vst v1  }
0x179: {  	v1 =	vld.idx.msk [tilespmem:v41+s14+$0x0], $0xffff;
	_ =	sdelay $0x4  }
0x17a: {  	[tilespmem:$0x96D0] =	vst v1  }
0x17b: {  	v1 =	vld.idx.msk [tilespmem:v42+s14+$0x0], $0xffff;
	_ =	sdelay $0x4  }
0x17c: {  	[tilespmem:$0x96E0] =	vst v1  }
0x17d: {  	v1 =	vld.idx.msk [tilespmem:v43+s14+$0x0], $0xffff;
	_ =	sdelay $0x4  }
0x17e: {  	[tilespmem:$0x96F0] =	vst v1  }
0x17f: {  	[tilespmem:s20], [sflag:$0x2] =	stream.indirect.gather [hbm4b:s4+s16], $0x40, s19, s16, $0xb8;
	[tilespmem:$0x15D80] =	vst v63  }
0x180: {  	_ =	swait.ge [sflag:s28], $0x2000  }
0x181: {  	[sflag:s28] =	ssyncset.done $0x0  }
0x182: {  	[sflag:s28] =	ssyncadd.s32 $0xFFFFE000  }
0x183: {  	s9 =	simm.s32 $0xD800;
	s15 =	simm.s32 $0x3;
	v49 =	vld [tilespmem:$0x6480]  }
0x184: {  	v1 =	vmov s15;
	v2 =	vld [tilespmem:s9+$0x40]  }
0x185: {  	v1 =	vand.u32 $0x7F, v1  }
0x186: {  	v3 =	vadd.s32 v19, v1;
	v46 =	vld [tilespmem:$0x6490]  }
0x187: {  	s6 =	simm.s32 $0x1;
	v4 =	vmov s14;
	s10 =	simm.s32 $0x2;
	v5 =	vld [tilespmem:s9+$0xFFFFFF80]  }
0x188: {  	v52 =	vand.u32 $0x7C, v4;
	v4 =	vmov s6;
	v7 =	vmov s10;
	v6 =	vld [tilespmem:s9+$0xFFFFFFC0]  }
0x189: {  	v8 =	vadd.s32 v19, v52;
	v4 =	vand.u32 $0x7D, v4;
	v9 =	vld [tilespmem:s9+$0x0];
	v2 =	vadd.f32 v2, v49  }
0x18a: {  	v10 =	vadd.s32 v19, v4;
	v7 =	vand.u32 $0x7E, v7;
	v45 =	vld [tilespmem:$0x64A0]  }
0x18b: {  	v11 =	vadd.s32 v19, v7;
	v44 =	vld [tilespmem:$0x64B0];
	[tilespmem:v3+s29+$0x0] =	vst.idx.msk $0xffff, v2  }
0x18c: {  	v2 =	vadd.f32 v5, v49;
	v3 =	vld [tilespmem:s9+$0x50]  }
0x18d: {  	v5 =	vadd.f32 v6, v49  }
0x18e: {  	v58 =	vadd.s32 v25, v1;
	[tilespmem:v8+s29+$0x0] =	vst.idx.msk $0xffff, v2;
	v2 =	vadd.f32 v9, v49  }
0x18f: {  	[tilespmem:v10+s29+$0x0] =	vst.idx.msk $0xffff, v5  }
0x190: {  	v5 =	vld [tilespmem:s9+$0xFFFFFFD0];
	[tilespmem:v11+s29+$0x0] =	vst.idx.msk $0xffff, v2  }
0x191: {  	v2 =	vld [tilespmem:s9+$0x10];
	v3 =	vadd.f32 v3, v46  }
0x192: {  	s5 =	simm.s32 $0xD900;
	s11 =	simm.s32 $0x4;
	v59 =	vadd.s32 v25, v4;
	s12 =	simm.s32 $0x7;
	v8 =	vld [tilespmem:s9+$0xFFFFFF90]  }
0x193: {  	v61 =	vmov s11;
	v62 =	vadd.s32 v25, v7;
	v63 =	vld [tilespmem:s5+$0x40];
	[tilespmem:v58+s29+$0x0] =	vst.idx.msk $0xffff, v3;
	v3 =	vmov s12  }
0x194: {  	v12 =	vadd.s32 v25, v52;
	v48 =	vand.u32 $0x7C, v61;
	s13 =	simm.s32 $0x5;
	v47 =	vand.u32 $0x7F, v3;
	v3 =	vld [tilespmem:s9+$0x60]  }
0x195: {  	v50 =	vmov s13;
	v60 =	vld [tilespmem:s5+$0xFFFFFF80];
	v5 =	vadd.f32 v5, v46;
	v53 =	vadd.s32 v19, v47  }
0x196: {  	v61 =	vadd.s32 v19, v48;
	s14 =	simm.s32 $0x6;
	v55 =	vadd.s32 v26, v1;
	v54 =	vld [tilespmem:s5+$0xFFFFFFC0];
	v2 =	vadd.f32 v2, v46  }
0x197: {  	v50 =	vand.u32 $0x7D, v50;
	v56 =	vld [tilespmem:s5+$0x0];
	v8 =	vadd.f32 v8, v46;
	[tilespmem:v59+s29+$0x0] =	vst.idx.msk $0xffff, v5;
	v5 =	vmov s14  }
0x198: {  	v51 =	vand.u32 $0x7E, v5;
	v5 =	vadd.f32 v63, v49;
	[tilespmem:v62+s29+$0x0] =	vst.idx.msk $0xffff, v2;
	v2 =	vadd.s32 v19, v50;
	v62 =	vld [tilespmem:s9+$0xFFFFFFE0]  }
0x199: {  	[tilespmem:v12+s29+$0x0] =	vst.idx.msk $0xffff, v8;
	v8 =	vadd.s32 v19, v51;
	v11 =	vld [tilespmem:s9+$0x20];
	v3 =	vadd.f32 v3, v45  }
0x19a: {  	v10 =	vadd.f32 v60, v49;
	v12 =	vadd.s32 v26, v4;
	[tilespmem:v53+s29+$0x0] =	vst.idx.msk $0xffff, v5;
	v5 =	vld [tilespmem:s9+$0xFFFFFFA0]  }
0x19b: {  	v58 =	vadd.s32 v26, v7;
	v63 =	vadd.f32 v54, v49;
	v54 =	vld [tilespmem:s5+$0x50];
	[tilespmem:v55+s29+$0x0] =	vst.idx.msk $0xffff, v3  }
0x19c: {  	v9 =	vadd.s32 v26, v52;
	[tilespmem:v61+s29+$0x0] =	vst.idx.msk $0xffff, v10;
	v3 =	vadd.f32 v56, v49;
	v10 =	vld [tilespmem:s9+$0x70]  }
0x19d: {  	v59 =	vld [tilespmem:s5+$0xFFFFFF90];
	[tilespmem:v2+s29+$0x0] =	vst.idx.msk $0xffff, v63;
	v2 =	vadd.s32 v25, v47;
	v6 =	vadd.f32 v62, v45  }
0x19e: {  	v60 =	vld [tilespmem:s5+$0xFFFFFFD0];
	[tilespmem:v8+s29+$0x0] =	vst.idx.msk $0xffff, v3;
	v3 =	vadd.f32 v11, v45;
	v8 =	vadd.s32 v27, v1  }
0x19f: {  	v62 =	vadd.s32 v25, v48;
	v57 =	vld [tilespmem:s5+$0x10];
	[tilespmem:v12+s29+$0x0] =	vst.idx.msk $0xffff, v6;
	v1 =	vadd.f32 v5, v45  }
0x1a0: {  	s0 =	simm.s32 $0x8;
	v61 =	vadd.s32 v25, v50;
	v56 =	vld [tilespmem:s9+$0xFFFFFFF0];
	[tilespmem:v58+s29+$0x0] =	vst.idx.msk $0xffff, v3;
	v5 =	vadd.f32 v54, v46  }
0x1a1: {  	v3 =	vmov s0;
	v54 =	vadd.s32 v25, v51;
	v55 =	vld [tilespmem:s9+$0x30];
	[tilespmem:v9+s29+$0x0] =	vst.idx.msk $0xffff, v1;
	v11 =	vadd.f32 v10, v44  }
0x1a2: {  	s6 =	simm.s32 $0xDA00;
	s15 =	simm.s32 $0xB;
	v53 =	vand.u32 $0x7C, v3;
	v1 =	vadd.f32 v59, v46;
	v59 =	vadd.s32 v27, v4;
	[tilespmem:v2+s29+$0x0] =	vst.idx.msk $0xffff, v5;
	v58 =	vld [tilespmem:s9+$0xFFFFFFB0]  }
0x1a3: {  	v63 =	vld [tilespmem:s6+$0x40];
	v3 =	vmov s15;
	s9 =	simm.s32 $0xC;
	v2 =	vadd.f32 v60, v46;
	v60 =	vadd.s32 v27, v7;
	[tilespmem:v8+s29+$0x0] =	vst.idx.msk $0xffff, v11  }
.LBB2_10:
0x1a4: {  	p0 =	slt.u32 s9, $0x7C;
	s10 =	sadd.s32 $0x1, s0;
	v3 =	vand.u32 $0x7F, v3;
	[tilespmem:v62+s29+$0x0] =	vst.idx.msk $0xffff, v1;
	v1 =	vadd.f32 v57, v46;
	v4 =	vld [tilespmem:s5+$0x60];
	v5 =	vadd.s32 v27, v52  }
0x1a5: {  	v9 =	vmovc v51;
	v6 =	vld [tilespmem:s6+$0xFFFFFF80];
	v7 =	vmov s10;
	s10 =	sadd.s32 $0x2, s0;
	v8 =	vadd.s32 v19, v3;
	[tilespmem:v61+s29+$0x0] =	vst.idx.msk $0xffff, v2;
	v2 =	vadd.f32 v56, v44;
	s0 =	smov.u32 s9  }
0x1a6: {  	v52 =	vmovc v48;
	v10 =	vld [tilespmem:s6+$0xFFFFFFC0];
	v11 =	vmov s10;
	[tilespmem:v54+s29+$0x0] =	vst.idx.msk $0xffff, v1;
	v1 =	vadd.s32 v26, v47;
	v12 =	vadd.f32 v55, v44  }
0x1a7: {  	v54 =	vadd.s32 v19, v53;
	v7 =	vand.u32 $0x7D, v7;
	v55 =	vld [tilespmem:s6+$0x0];
	v58 =	vadd.f32 v58, v44;
	[tilespmem:v59+s29+$0x0] =	vst.idx.msk $0xffff, v2  }
0x1a8: {  	v2 =	vadd.s32 v19, v7;
	v51 =	vand.u32 $0x7E, v11;
	v11 =	vadd.f32 v63, v49;
	v56 =	vld [tilespmem:s5+$0xFFFFFFE0];
	[tilespmem:v60+s29+$0x0] =	vst.idx.msk $0xffff, v12  }
0x1a9: {  	v48 =	vmov v53;
	v12 =	vadd.s32 v19, v51;
	v57 =	vld [tilespmem:s5+$0x20];
	v4 =	vadd.f32 v4, v45;
	[tilespmem:v5+s29+$0x0] =	vst.idx.msk $0xffff, v58  }
0x1aa: {  	v5 =	vadd.f32 v6, v49;
	[tilespmem:v8+s29+$0x0] =	vst.idx.msk $0xffff, v11;
	v6 =	vld [tilespmem:s5+$0xFFFFFFA0];
	v8 =	vadd.s32 v26, v50  }
0x1ab: {  	v53 =	vadd.s32 v26, v9;
	v10 =	vadd.f32 v10, v49;
	v11 =	vld [tilespmem:s6+$0x50];
	[tilespmem:v1+s29+$0x0] =	vst.idx.msk $0xffff, v4  }
0x1ac: {  	v4 =	vadd.s32 v26, v52;
	[tilespmem:v54+s29+$0x0] =	vst.idx.msk $0xffff, v5;
	v1 =	vadd.f32 v55, v49;
	v5 =	vld [tilespmem:s5+$0x70]  }
0x1ad: {  	v58 =	vld [tilespmem:s6+$0xFFFFFF90];
	[tilespmem:v2+s29+$0x0] =	vst.idx.msk $0xffff, v10;
	v2 =	vadd.s32 v25, v3;
	v10 =	vadd.f32 v56, v45  }
0x1ae: {  	v60 =	vld [tilespmem:s6+$0xFFFFFFD0];
	[tilespmem:v12+s29+$0x0] =	vst.idx.msk $0xffff, v1;
	v1 =	vadd.f32 v57, v45;
	v12 =	vadd.s32 v27, v47;
	v47 =	vmov v3  }
.Ltmp4:
0x1af: {  	v62 =	vadd.s32 v25, v48;
	v57 =	vld [tilespmem:s6+$0x10];
	v3 =	vadd.f32 v6, v45;
	[tilespmem:v8+s29+$0x0] =	vst.idx.msk $0xffff, v10;
	(pc) =	sbr.rel @p0 .LBB2_10-.Ltmp4, $4  }
0x1b0: {  	v61 =	vadd.s32 v25, v7;
	v6 =	vadd.f32 v11, v46;
	v56 =	vld [tilespmem:s5+$0xFFFFFFF0];
	[tilespmem:v53+s29+$0x0] =	vst.idx.msk $0xffff, v1  }
0x1b1: {  	v54 =	vadd.s32 v25, v51;
	v1 =	vmov s9;
	[tilespmem:v4+s29+$0x0] =	vst.idx.msk $0xffff, v3;
	v55 =	vld [tilespmem:s5+$0x30];
	v4 =	vadd.f32 v5, v44  }
0x1b2: {  	s10 =	sadd.s32 $0x3, s9;
	v59 =	vadd.s32 v27, v50;
	v53 =	vand.u32 $0x7C, v1;
	v1 =	vadd.f32 v58, v46;
	[tilespmem:v2+s29+$0x0] =	vst.idx.msk $0xffff, v6;
	v58 =	vld [tilespmem:s5+$0xFFFFFFB0];
	s5 =	smov.u32 s6;
	s6 =	sadd.s32 $0x100, s6  }
0x1b3: {  	v50 =	vmovc v7;
	s9 =	sadd.s32 $0x4, s9;
	v3 =	vmov s10;
	v63 =	vld [tilespmem:s6+$0x40];
	v2 =	vadd.f32 v60, v46;
	v60 =	vadd.s32 v27, v9;
	[tilespmem:v12+s29+$0x0] =	vst.idx.msk $0xffff, v4  }
0x1b4: {  	s9 =	sadd.s32 $0x1, s0  }
0x1b5: {  	v3 =	vand.u32 $0x7F, v3;
	s15 =	sadd.s32 $0x2, s0;
	v5 =	vld [tilespmem:s6+$0xFFFFFFC0];
	v4 =	vmov s9  }
0x1b6: {  	v8 =	vld [tilespmem:s6+$0x0];
	v6 =	vadd.s32 v19, v3;
	v7 =	vmov s15;
	v4 =	vand.u32 $0x7D, v4  }
0x1b7: {  	v9 =	vld [tilespmem:s6+$0xFFFFFF80];
	v7 =	vand.u32 $0x7E, v7;
	v10 =	vadd.s32 v19, v4  }
0x1b8: {  	v11 =	vadd.s32 v19, v7  }
0x1b9: {  	[tilespmem:v62+s29+$0x0] =	vst.idx.msk $0xffff, v1;
	v1 =	vadd.s32 v19, v53;
	v12 =	vadd.f32 v63, v49  }
0x1ba: {  	[tilespmem:v61+s29+$0x0] =	vst.idx.msk $0xffff, v2;
	v2 =	vadd.f32 v5, v49  }
0x1bb: {  	v63 =	vadd.f32 v8, v49;
	[tilespmem:v6+s29+$0x0] =	vst.idx.msk $0xffff, v12  }
0x1bc: {  	v49 =	vadd.f32 v9, v49;
	v8 =	vld [tilespmem:s6+$0x50];
	[tilespmem:v10+s29+$0x0] =	vst.idx.msk $0xffff, v2  }
0x1bd: {  	v9 =	vadd.s32 v27, v52;
	v2 =	vadd.f32 v57, v46;
	[tilespmem:v11+s29+$0x0] =	vst.idx.msk $0xffff, v63;
	v10 =	vld [tilespmem:s6+$0xFFFFFFD0]  }
0x1be: {  	[tilespmem:v1+s29+$0x0] =	vst.idx.msk $0xffff, v49;
	v1 =	vadd.s32 v25, v3;
	v57 =	vadd.f32 v56, v44;
	v6 =	vld [tilespmem:s6+$0x10]  }
0x1bf: {  	v12 =	vadd.s32 v25, v4;
	v61 =	vld [tilespmem:s6+$0xFFFFFF90];
	[tilespmem:v54+s29+$0x0] =	vst.idx.msk $0xffff, v2;
	v2 =	vadd.f32 v55, v44  }
0x1c0: {  	v62 =	vadd.f32 v58, v44;
	v5 =	vadd.s32 v25, v7;
	v49 =	vld [tilespmem:s5+$0x60];
	[tilespmem:v59+s29+$0x0] =	vst.idx.msk $0xffff, v57  }
0x1c1: {  	v63 =	vld [tilespmem:s5+$0xFFFFFFE0];
	[tilespmem:v60+s29+$0x0] =	vst.idx.msk $0xffff, v2;
	v2 =	vadd.s32 v25, v53;
	v8 =	vadd.f32 v8, v46  }
0x1c2: {  	v55 =	vadd.s32 v26, v47;
	[tilespmem:v9+s29+$0x0] =	vst.idx.msk $0xffff, v62;
	v56 =	vld [tilespmem:s5+$0x20];
	v59 =	vadd.f32 v10, v46  }
0x1c3: {  	v52 =	vadd.s32 v26, v50;
	v10 =	vld [tilespmem:s5+$0xFFFFFFA0];
	[tilespmem:v1+s29+$0x0] =	vst.idx.msk $0xffff, v8;
	v1 =	vadd.f32 v6, v46  }
0x1c4: {  	v60 =	vadd.f32 v61, v46;
	v6 =	vadd.s32 v26, v51;
	v61 =	vld [tilespmem:s6+$0x60];
	[tilespmem:v12+s29+$0x0] =	vst.idx.msk $0xffff, v59  }
0x1c5: {  	v62 =	vadd.f32 v49, v45;
	v12 =	vadd.s32 v26, v48;
	[tilespmem:v5+s29+$0x0] =	vst.idx.msk $0xffff, v1;
	v1 =	vld [tilespmem:s6+$0xFFFFFFE0]  }
0x1c6: {  	v63 =	vadd.f32 v63, v45;
	[tilespmem:v2+s29+$0x0] =	vst.idx.msk $0xffff, v60;
	v2 =	vadd.s32 v26, v3;
	v8 =	vld [tilespmem:s6+$0x20]  }
0x1c7: {  	v49 =	vadd.s32 v26, v4;
	[tilespmem:v55+s29+$0x0] =	vst.idx.msk $0xffff, v62;
	v57 =	vadd.f32 v56, v45;
	v58 =	vld [tilespmem:s6+$0xFFFFFFA0]  }
0x1c8: {  	[tilespmem:v52+s29+$0x0] =	vst.idx.msk $0xffff, v63;
	v59 =	vld [tilespmem:s5+$0x70];
	v5 =	vadd.s32 v26, v7;
	v10 =	vadd.f32 v10, v45  }
0x1c9: {  	v52 =	vld [tilespmem:s5+$0xFFFFFFF0];
	[tilespmem:v6+s29+$0x0] =	vst.idx.msk $0xffff, v57;
	v60 =	vadd.f32 v61, v45;
	v61 =	vadd.s32 v26, v53  }
0x1ca: {  	v62 =	vadd.s32 v27, v47;
	v63 =	vld [tilespmem:s5+$0x30];
	[tilespmem:v12+s29+$0x0] =	vst.idx.msk $0xffff, v10;
	v1 =	vadd.f32 v1, v45  }
0x1cb: {  	v55 =	vadd.s32 v27, v50;
	v12 =	vld [tilespmem:s5+$0xFFFFFFB0];
	[tilespmem:v2+s29+$0x0] =	vst.idx.msk $0xffff, v60;
	v2 =	vadd.f32 v8, v45  }
0x1cc: {  	v56 =	vadd.s32 v27, v51;
	v57 =	vld [tilespmem:s6+$0x70];
	v58 =	vadd.f32 v58, v45;
	[tilespmem:v49+s29+$0x0] =	vst.idx.msk $0xffff, v1  }
0x1cd: {  	v1 =	vadd.f32 v59, v44;
	v59 =	vadd.s32 v27, v48;
	[tilespmem:v5+s29+$0x0] =	vst.idx.msk $0xffff, v2;
	v60 =	vld [tilespmem:s6+$0xFFFFFFF0]  }
0x1ce: {  	v3 =	vadd.s32 v27, v3;
	v2 =	vadd.f32 v52, v44;
	[tilespmem:v61+s29+$0x0] =	vst.idx.msk $0xffff, v58;
	v5 =	vld [tilespmem:s6+$0x30]  }
0x1cf: {  	v4 =	vadd.s32 v27, v4;
	[tilespmem:v62+s29+$0x0] =	vst.idx.msk $0xffff, v1;
	v1 =	vadd.f32 v63, v44;
	v9 =	vld [tilespmem:s6+$0xFFFFFFB0]  }
0x1d0: {  	[tilespmem:v55+s29+$0x0] =	vst.idx.msk $0xffff, v2;
	v2 =	vadd.s32 v27, v7;
	v61 =	vadd.f32 v12, v44  }
0x1d1: {  	v62 =	vadd.s32 v27, v53;
	[tilespmem:v56+s29+$0x0] =	vst.idx.msk $0xffff, v1;
	v1 =	vadd.f32 v57, v44  }
0x1d2: {  	[tilespmem:v59+s29+$0x0] =	vst.idx.msk $0xffff, v61;
	v63 =	vadd.f32 v60, v44  }
0x1d3: {  	[tilespmem:v3+s29+$0x0] =	vst.idx.msk $0xffff, v1;
	v1 =	vadd.f32 v5, v44  }
0x1d4: {  	v3 =	vadd.f32 v9, v44;
	[tilespmem:v4+s29+$0x0] =	vst.idx.msk $0xffff, v63  }
0x1d5: {  	[tilespmem:v2+s29+$0x0] =	vst.idx.msk $0xffff, v1  }
0x1d6: {  	[tilespmem:v62+s29+$0x0] =	vst.idx.msk $0xffff, v3  }
0x1d7: {  	s15 =	simm.s32 $0x0;
	s5 =	simm.s32 $0x13B80;
	s11 =	rddreg [dreg:$0x6]  }
0x1d8: {  	[hbm4b:s11+s15] =	stream.linear.scatter [tilespmem:s5], [sflag:$0x6], $0x80, $0x38;
	[tilespmem:$0x15D80] =	vst v63  }
0x1d9: {  	s6 =	simm.s32 $0x13C08;
	s9 =	sadd.s32 $0x10, s11  }
0x1da: {  	[hbm4b:s9+s15] =	stream.linear.scatter [tilespmem:s6], [sflag:$0x6], $0x80, $0x38;
	[tilespmem:$0x15D80] =	vst v63  }
0x1db: {  	s10 =	simm.s32 $0x13C90;
	s13 =	simm.s32 $0x13D18;
	s12 =	sadd.s32 $0x20, s11  }
0x1dc: {  	[hbm4b:s12+s15] =	stream.linear.scatter [tilespmem:s10], [sflag:$0x6], $0x80, $0x38;
	[tilespmem:$0x15D80] =	vst v63  }
0x1dd: {  	s0 =	simm.s32 $0x440;
	s14 =	sadd.s32 $0x30, s11;
	s5 =	sadd.s32 $0x1000, s11  }
0x1de: {  	[hbm4b:s14+s15] =	stream.linear.scatter [tilespmem:s13], [sflag:$0x6], $0x80, $0x38;
	[tilespmem:$0x15D80] =	vst v63  }
0x1df: {  	s6 =	simm.s32 $0x13DA0;
	s9 =	sadd.s32 $0x40, s11;
	s10 =	simm.s32 $0x13E28  }
0x1e0: {  	[hbm4b:s9+s15] =	stream.linear.scatter [tilespmem:s6], [sflag:$0x6], $0x80, $0x38;
	[tilespmem:$0x15D80] =	vst v63  }
0x1e1: {  	s12 =	sadd.s32 $0x50, s11;
	s13 =	simm.s32 $0x13EB0;
	s14 =	sadd.s32 $0x60, s11  }
0x1e2: {  	[hbm4b:s12+s15] =	stream.linear.scatter [tilespmem:s10], [sflag:$0x6], $0x80, $0x38;
	[tilespmem:$0x15D80] =	vst v63  }
0x1e3: {  	s6 =	simm.s32 $0x2200;
	s9 =	simm.s32 $0x13F38;
	s10 =	sadd.s32 $0x70, s11  }
0x1e4: {  	[hbm4b:s14+s15] =	stream.linear.scatter [tilespmem:s13], [sflag:$0x6], $0x80, $0x38;
	[tilespmem:$0x15D80] =	vst v63  }
.LBB2_12:
0x1e5: {  	[hbm4b:s10+s15] =	stream.linear.scatter [tilespmem:s9], [sflag:$0x6], $0x80, $0x38;
	[tilespmem:$0x15D80] =	vst v63  }
0x1e6: {  	s9 =	smov.u32 s0;
	s0 =	smov.u32 s6  }
0x1e7: {  	s13 =	sadd.s32 $0x1100, s6;
	s0 =	sshra.s32 s0, $0x2;
	s10 =	sadd.s32 $0x13B80, s9  }
0x1e8: {  	[hbm4b:s5+s15] =	stream.linear.scatter [tilespmem:s10], [sflag:$0x6], $0x80, $0x38;
	[tilespmem:$0x15D80] =	vst v63  }
0x1e9: {  	p0 =	sne.s32 s6, $0x7700;
	s6 =	sadd.s32 $0x13C08, s9;
	s10 =	sadd.s32 $0x10, s5  }
0x1ea: {  	[hbm4b:s10+s15] =	stream.linear.scatter [tilespmem:s6], [sflag:$0x6], $0x80, $0x38;
	[tilespmem:$0x15D80] =	vst v63  }
0x1eb: {  	s6 =	sadd.s32 $0x13C90, s9;
	s10 =	sadd.s32 $0x20, s5  }
0x1ec: {  	[hbm4b:s10+s15] =	stream.linear.scatter [tilespmem:s6], [sflag:$0x6], $0x80, $0x38;
	[tilespmem:$0x15D80] =	vst v63  }
0x1ed: {  	s6 =	sadd.s32 $0x13D18, s9;
	s10 =	sadd.s32 $0x30, s5  }
0x1ee: {  	[hbm4b:s10+s15] =	stream.linear.scatter [tilespmem:s6], [sflag:$0x6], $0x80, $0x38;
	[tilespmem:$0x15D80] =	vst v63  }
0x1ef: {  	s6 =	sadd.s32 $0x13DA0, s9;
	s10 =	sadd.s32 $0x40, s5  }
0x1f0: {  	[hbm4b:s10+s15] =	stream.linear.scatter [tilespmem:s6], [sflag:$0x6], $0x80, $0x38;
	[tilespmem:$0x15D80] =	vst v63  }
.Ltmp5:
0x1f1: {  	s6 =	sadd.s32 $0x13E28, s9;
	s10 =	sadd.s32 $0x50, s5;
	(pc) =	sbr.rel @p0 .LBB2_12-.Ltmp5, $4  }
0x1f2: {  	[hbm4b:s10+s15] =	stream.linear.scatter [tilespmem:s6], [sflag:$0x6], $0x80, $0x38;
	[tilespmem:$0x15D80] =	vst v63  }
0x1f3: {  	s6 =	sadd.s32 $0x13EB0, s9;
	s10 =	sadd.s32 $0x60, s5;
	s9 =	sadd.s32 $0x13F38, s9  }
0x1f4: {  	[hbm4b:s10+s15] =	stream.linear.scatter [tilespmem:s6], [sflag:$0x6], $0x80, $0x38;
	[tilespmem:$0x15D80] =	vst v63  }
0x1f5: {  	s10 =	sadd.s32 $0x70, s5;
	s5 =	sadd.s32 $0x1000, s5;
	s6 =	smov.u32 s13  }
0x1f6: {  	[hbm4b:s10+s15] =	stream.linear.scatter [tilespmem:s9], [sflag:$0x6], $0x80, $0x38;
	[tilespmem:$0x15D80] =	vst v63  }
0x1f7: {  	s6 =	sadd.s32 $0x13B80, s0  }
0x1f8: {  	[hbm4b:s5+s15] =	stream.linear.scatter [tilespmem:s6], [sflag:$0x6], $0x80, $0x38;
	[tilespmem:$0x15D80] =	vst v63  }
0x1f9: {  	s13 =	sadd.s32 $0x13C08, s0;
	s14 =	sadd.s32 $0x10, s5  }
0x1fa: {  	[hbm4b:s14+s15] =	stream.linear.scatter [tilespmem:s13], [sflag:$0x6], $0x80, $0x38;
	[tilespmem:$0x15D80] =	vst v63  }
0x1fb: {  	s9 =	sadd.s32 $0x13C90, s0;
	s10 =	sadd.s32 $0x20, s5  }
0x1fc: {  	[hbm4b:s10+s15] =	stream.linear.scatter [tilespmem:s9], [sflag:$0x6], $0x80, $0x38;
	[tilespmem:$0x15D80] =	vst v63  }
0x1fd: {  	s11 =	sadd.s32 $0x13D18, s0;
	s12 =	sadd.s32 $0x30, s5  }
0x1fe: {  	[hbm4b:s12+s15] =	stream.linear.scatter [tilespmem:s11], [sflag:$0x6], $0x80, $0x38;
	[tilespmem:$0x15D80] =	vst v63  }
0x1ff: {  	s13 =	sadd.s32 $0x13DA0, s0;
	s14 =	sadd.s32 $0x40, s5  }
0x200: {  	[hbm4b:s14+s15] =	stream.linear.scatter [tilespmem:s13], [sflag:$0x6], $0x80, $0x38;
	[tilespmem:$0x15D80] =	vst v63  }
0x201: {  	s9 =	sadd.s32 $0x13E28, s0;
	s10 =	sadd.s32 $0x50, s5  }
0x202: {  	[hbm4b:s10+s15] =	stream.linear.scatter [tilespmem:s9], [sflag:$0x6], $0x80, $0x38;
	[tilespmem:$0x15D80] =	vst v63  }
0x203: {  	s11 =	sadd.s32 $0x13EB0, s0;
	s12 =	sadd.s32 $0x60, s5  }
0x204: {  	[hbm4b:s12+s15] =	stream.linear.scatter [tilespmem:s11], [sflag:$0x6], $0x80, $0x38;
	[tilespmem:$0x15D80] =	vst v63  }
0x205: {  	s13 =	sadd.s32 $0x13F38, s0;
	s14 =	sadd.s32 $0x70, s5  }
0x206: {  	[hbm4b:s14+s15] =	stream.linear.scatter [tilespmem:s13], [sflag:$0x6], $0x80, $0x38;
	[tilespmem:$0x15D80] =	vst v63  }
.LBB2_14:
0x207: {  	s6 =	smul.u32 $0x3, s15;
	_ =	sdelay $0x1  }
0x208: {  	s5 =	sadd.s32 $0x5, s6  }
0x209: {  	v1 =	vadd.s32 s5, v0;
	_ =	sdelay $0x3  }
0x20a: {  	s0 =	simm.s32 $0x0  }
0x20b: {  	s9 =	sadd.s32 $0xC85, s6;
	v1 =	vld.idx.msk [tilespmem:v1+s0+$0x0], $0xffff  }
0x20c: {  	v2 =	vadd.s32 s9, v0;
	_ =	sdelay $0x3  }
0x20d: {  	[tilespmem:$0x9700] =	vst v1  }
0x20e: {  	s14 =	sadd.s32 $0x1905, s6;
	v1 =	vld.idx.msk [tilespmem:v2+s0+$0x0], $0xffff  }
0x20f: {  	v2 =	vadd.s32 s14, v0;
	_ =	sdelay $0x3  }
0x210: {  	[tilespmem:$0x9710] =	vst v1  }
0x211: {  	s10 =	sadd.s32 $0x2585, s6;
	v1 =	vld.idx.msk [tilespmem:v2+s0+$0x0], $0xffff  }
0x212: {  	v2 =	vadd.s32 s10, v0;
	_ =	sdelay $0x3  }
0x213: {  	[tilespmem:$0x9720] =	vst v1  }
0x214: {  	s11 =	sadd.s32 $0x3205, s6;
	v1 =	vld.idx.msk [tilespmem:v2+s0+$0x0], $0xffff  }
0x215: {  	v2 =	vadd.s32 s11, v0;
	_ =	sdelay $0x3  }
0x216: {  	[tilespmem:$0x9730] =	vst v1  }
0x217: {  	s12 =	sadd.s32 $0x3E85, s6;
	v1 =	vld.idx.msk [tilespmem:v2+s0+$0x0], $0xffff  }
0x218: {  	v2 =	vadd.s32 s12, v0;
	_ =	sdelay $0x3  }
0x219: {  	[tilespmem:$0x9740] =	vst v1  }
0x21a: {  	s13 =	sadd.s32 $0x4B05, s6;
	v1 =	vld.idx.msk [tilespmem:v2+s0+$0x0], $0xffff  }
0x21b: {  	v2 =	vadd.s32 s13, v0;
	_ =	sdelay $0x3  }
0x21c: {  	[tilespmem:$0x9750] =	vst v1  }
0x21d: {  	s14 =	sadd.s32 $0x5785, s6;
	v1 =	vld.idx.msk [tilespmem:v2+s0+$0x0], $0xffff  }
0x21e: {  	v2 =	vadd.s32 s14, v0;
	_ =	sdelay $0x3  }
0x21f: {  	[tilespmem:$0x9760] =	vst v1  }
0x220: {  	v1 =	vld.idx.msk [tilespmem:v2+s0+$0x0], $0xffff;
	_ =	sdelay $0x4  }
0x221: {  	[tilespmem:$0x9770] =	vst v1  }
0x222: {  	[tilespmem:s22], [sflag:$0x3] =	stream.indirect.gather [hbm4b:s4+s16], $0x40, s21, s16, $0xb8;
	[tilespmem:$0x15D80] =	vst v63  }
0x223: {  	_ =	swait.ge [sflag:s23], $0x2000  }
0x224: {  	[sflag:s23] =	ssyncset.done $0x0  }
0x225: {  	[sflag:s23] =	ssyncadd.s32 $0xFFFFE000  }
0x226: {  	s13 =	sadd.s32 $0x3, s6;
	_ =	swait.ge [sflag:s30], $0x2000  }
0x227: {  	s10 =	sshll.u32 s13, $0x6;
	[sflag:s30] =	ssyncset.done $0x0  }
0x228: {  	s9 =	sand.u32 $0x3FFFFFC0, s10;
	[sflag:s30] =	ssyncadd.s32 $0xFFFFE000  }
0x229: {  	s10 =	simm.s32 $0x9800;
	s14 =	simm.s32 $0x3;
	v49 =	vld [tilespmem:s9+$0x6400]  }
0x22a: {  	v1 =	vmov s14;
	v2 =	vld [tilespmem:s10+$0x40]  }
0x22b: {  	v1 =	vand.u32 $0x7F, v1  }
0x22c: {  	v4 =	vmov s0;
	v3 =	vadd.s32 v19, v1;
	v46 =	vld [tilespmem:s9+$0x6410]  }
0x22d: {  	v52 =	vand.u32 $0x7C, v4;
	s11 =	simm.s32 $0x1;
	v5 =	vld [tilespmem:s10+$0xFFFFFF80]  }
0x22e: {  	v8 =	vadd.s32 v19, v52;
	v4 =	vmov s11;
	s12 =	simm.s32 $0x2;
	v6 =	vld [tilespmem:s10+$0xFFFFFFC0]  }
0x22f: {  	v4 =	vand.u32 $0x7D, v4;
	v7 =	vmov s12;
	v9 =	vld [tilespmem:s10+$0x0];
	v2 =	vadd.f32 v2, v49  }
0x230: {  	v10 =	vadd.s32 v19, v4;
	v7 =	vand.u32 $0x7E, v7;
	v45 =	vld [tilespmem:s9+$0x6420]  }
0x231: {  	v11 =	vadd.s32 v19, v7;
	v44 =	vld [tilespmem:s9+$0x6430];
	[tilespmem:v3+s24+$0x0] =	vst.idx.msk $0xffff, v2  }
0x232: {  	v2 =	vadd.f32 v5, v49;
	v3 =	vld [tilespmem:s10+$0x50]  }
0x233: {  	v5 =	vadd.f32 v6, v49  }
0x234: {  	v58 =	vadd.s32 v25, v1;
	[tilespmem:v8+s24+$0x0] =	vst.idx.msk $0xffff, v2;
	v2 =	vadd.f32 v9, v49  }
0x235: {  	[tilespmem:v10+s24+$0x0] =	vst.idx.msk $0xffff, v5  }
0x236: {  	v5 =	vld [tilespmem:s10+$0xFFFFFFD0];
	[tilespmem:v11+s24+$0x0] =	vst.idx.msk $0xffff, v2  }
0x237: {  	v2 =	vld [tilespmem:s10+$0x10];
	v3 =	vadd.f32 v3, v46  }
0x238: {  	s11 =	simm.s32 $0x4;
	v59 =	vadd.s32 v25, v4;
	s12 =	simm.s32 $0x7;
	s14 =	simm.s32 $0x9900;
	v8 =	vld [tilespmem:s10+$0xFFFFFF90]  }
0x239: {  	v61 =	vmov s11;
	v62 =	vadd.s32 v25, v7;
	v63 =	vld [tilespmem:s14+$0x40];
	[tilespmem:v58+s24+$0x0] =	vst.idx.msk $0xffff, v3;
	v3 =	vmov s12  }
0x23a: {  	v12 =	vadd.s32 v25, v52;
	s11 =	simm.s32 $0x5;
	v48 =	vand.u32 $0x7C, v61;
	v47 =	vand.u32 $0x7F, v3;
	v3 =	vld [tilespmem:s10+$0x60]  }
0x23b: {  	v50 =	vmov s11;
	v60 =	vld [tilespmem:s14+$0xFFFFFF80];
	v5 =	vadd.f32 v5, v46;
	v53 =	vadd.s32 v19, v47  }
0x23c: {  	v61 =	vadd.s32 v19, v48;
	v55 =	vadd.s32 v26, v1;
	v54 =	vld [tilespmem:s14+$0xFFFFFFC0];
	s12 =	simm.s32 $0x6;
	v2 =	vadd.f32 v2, v46  }
0x23d: {  	v50 =	vand.u32 $0x7D, v50;
	v56 =	vld [tilespmem:s14+$0x0];
	v8 =	vadd.f32 v8, v46;
	[tilespmem:v59+s24+$0x0] =	vst.idx.msk $0xffff, v5;
	v5 =	vmov s12  }
0x23e: {  	v51 =	vand.u32 $0x7E, v5;
	v5 =	vadd.f32 v63, v49;
	[tilespmem:v62+s24+$0x0] =	vst.idx.msk $0xffff, v2;
	v2 =	vadd.s32 v19, v50;
	v62 =	vld [tilespmem:s10+$0xFFFFFFE0]  }
0x23f: {  	[tilespmem:v12+s24+$0x0] =	vst.idx.msk $0xffff, v8;
	v8 =	vadd.s32 v19, v51;
	v11 =	vld [tilespmem:s10+$0x20];
	v3 =	vadd.f32 v3, v45  }
0x240: {  	v10 =	vadd.f32 v60, v49;
	v12 =	vadd.s32 v26, v4;
	[tilespmem:v53+s24+$0x0] =	vst.idx.msk $0xffff, v5;
	v5 =	vld [tilespmem:s10+$0xFFFFFFA0]  }
0x241: {  	v58 =	vadd.s32 v26, v7;
	v63 =	vadd.f32 v54, v49;
	v54 =	vld [tilespmem:s14+$0x50];
	[tilespmem:v55+s24+$0x0] =	vst.idx.msk $0xffff, v3  }
0x242: {  	v9 =	vadd.s32 v26, v52;
	[tilespmem:v61+s24+$0x0] =	vst.idx.msk $0xffff, v10;
	v3 =	vadd.f32 v56, v49;
	v10 =	vld [tilespmem:s10+$0x70]  }
0x243: {  	v59 =	vld [tilespmem:s14+$0xFFFFFF90];
	[tilespmem:v2+s24+$0x0] =	vst.idx.msk $0xffff, v63;
	v2 =	vadd.s32 v25, v47;
	v6 =	vadd.f32 v62, v45  }
0x244: {  	v60 =	vld [tilespmem:s14+$0xFFFFFFD0];
	[tilespmem:v8+s24+$0x0] =	vst.idx.msk $0xffff, v3;
	v3 =	vadd.f32 v11, v45;
	v8 =	vadd.s32 v27, v1  }
0x245: {  	v62 =	vadd.s32 v25, v48;
	v57 =	vld [tilespmem:s14+$0x10];
	[tilespmem:v12+s24+$0x0] =	vst.idx.msk $0xffff, v6;
	v1 =	vadd.f32 v5, v45  }
0x246: {  	s9 =	simm.s32 $0x8;
	v61 =	vadd.s32 v25, v50;
	v56 =	vld [tilespmem:s10+$0xFFFFFFF0];
	[tilespmem:v58+s24+$0x0] =	vst.idx.msk $0xffff, v3;
	v5 =	vadd.f32 v54, v46  }
0x247: {  	v3 =	vmov s9;
	v54 =	vadd.s32 v25, v51;
	v55 =	vld [tilespmem:s10+$0x30];
	[tilespmem:v9+s24+$0x0] =	vst.idx.msk $0xffff, v1;
	v11 =	vadd.f32 v10, v44  }
0x248: {  	s11 =	simm.s32 $0xB;
	s0 =	simm.s32 $0x9A00;
	v53 =	vand.u32 $0x7C, v3;
	v1 =	vadd.f32 v59, v46;
	v59 =	vadd.s32 v27, v4;
	[tilespmem:v2+s24+$0x0] =	vst.idx.msk $0xffff, v5;
	v58 =	vld [tilespmem:s10+$0xFFFFFFB0]  }
0x249: {  	v63 =	vld [tilespmem:s0+$0x40];
	v3 =	vmov s11;
	s10 =	simm.s32 $0xC;
	v2 =	vadd.f32 v60, v46;
	v60 =	vadd.s32 v27, v7;
	[tilespmem:v8+s24+$0x0] =	vst.idx.msk $0xffff, v11  }
.LBB2_15:
0x24a: {  	p0 =	slt.u32 s10, $0x7C;
	s11 =	sadd.s32 $0x1, s9;
	v3 =	vand.u32 $0x7F, v3;
	[tilespmem:v62+s24+$0x0] =	vst.idx.msk $0xffff, v1;
	v1 =	vadd.f32 v57, v46;
	v4 =	vld [tilespmem:s14+$0x60];
	v5 =	vadd.s32 v27, v52  }
0x24b: {  	v9 =	vmovc v51;
	v6 =	vld [tilespmem:s0+$0xFFFFFF80];
	v7 =	vmov s11;
	s11 =	sadd.s32 $0x2, s9;
	v8 =	vadd.s32 v19, v3;
	[tilespmem:v61+s24+$0x0] =	vst.idx.msk $0xffff, v2;
	v2 =	vadd.f32 v56, v44;
	s9 =	smov.u32 s10  }
0x24c: {  	v52 =	vmovc v48;
	v10 =	vld [tilespmem:s0+$0xFFFFFFC0];
	v11 =	vmov s11;
	[tilespmem:v54+s24+$0x0] =	vst.idx.msk $0xffff, v1;
	v1 =	vadd.s32 v26, v47;
	v12 =	vadd.f32 v55, v44  }
0x24d: {  	v54 =	vadd.s32 v19, v53;
	v7 =	vand.u32 $0x7D, v7;
	v55 =	vld [tilespmem:s0+$0x0];
	v58 =	vadd.f32 v58, v44;
	[tilespmem:v59+s24+$0x0] =	vst.idx.msk $0xffff, v2  }
0x24e: {  	v2 =	vadd.s32 v19, v7;
	v51 =	vand.u32 $0x7E, v11;
	v11 =	vadd.f32 v63, v49;
	v56 =	vld [tilespmem:s14+$0xFFFFFFE0];
	[tilespmem:v60+s24+$0x0] =	vst.idx.msk $0xffff, v12  }
0x24f: {  	v48 =	vmov v53;
	v12 =	vadd.s32 v19, v51;
	v57 =	vld [tilespmem:s14+$0x20];
	v4 =	vadd.f32 v4, v45;
	[tilespmem:v5+s24+$0x0] =	vst.idx.msk $0xffff, v58  }
0x250: {  	v5 =	vadd.f32 v6, v49;
	[tilespmem:v8+s24+$0x0] =	vst.idx.msk $0xffff, v11;
	v6 =	vld [tilespmem:s14+$0xFFFFFFA0];
	v8 =	vadd.s32 v26, v50  }
0x251: {  	v53 =	vadd.s32 v26, v9;
	v10 =	vadd.f32 v10, v49;
	v11 =	vld [tilespmem:s0+$0x50];
	[tilespmem:v1+s24+$0x0] =	vst.idx.msk $0xffff, v4  }
0x252: {  	v4 =	vadd.s32 v26, v52;
	[tilespmem:v54+s24+$0x0] =	vst.idx.msk $0xffff, v5;
	v1 =	vadd.f32 v55, v49;
	v5 =	vld [tilespmem:s14+$0x70]  }
0x253: {  	v58 =	vld [tilespmem:s0+$0xFFFFFF90];
	[tilespmem:v2+s24+$0x0] =	vst.idx.msk $0xffff, v10;
	v2 =	vadd.s32 v25, v3;
	v10 =	vadd.f32 v56, v45  }
0x254: {  	v60 =	vld [tilespmem:s0+$0xFFFFFFD0];
	[tilespmem:v12+s24+$0x0] =	vst.idx.msk $0xffff, v1;
	v1 =	vadd.f32 v57, v45;
	v12 =	vadd.s32 v27, v47;
	v47 =	vmov v3  }
.Ltmp6:
0x255: {  	v62 =	vadd.s32 v25, v48;
	v57 =	vld [tilespmem:s0+$0x10];
	v3 =	vadd.f32 v6, v45;
	[tilespmem:v8+s24+$0x0] =	vst.idx.msk $0xffff, v10;
	(pc) =	sbr.rel @p0 .LBB2_15-.Ltmp6, $4  }
0x256: {  	v61 =	vadd.s32 v25, v7;
	v6 =	vadd.f32 v11, v46;
	v56 =	vld [tilespmem:s14+$0xFFFFFFF0];
	[tilespmem:v53+s24+$0x0] =	vst.idx.msk $0xffff, v1  }
0x257: {  	v54 =	vadd.s32 v25, v51;
	v1 =	vmov s10;
	[tilespmem:v4+s24+$0x0] =	vst.idx.msk $0xffff, v3;
	v55 =	vld [tilespmem:s14+$0x30];
	v4 =	vadd.f32 v5, v44  }
0x258: {  	s11 =	sadd.s32 $0x3, s10;
	v59 =	vadd.s32 v27, v50;
	v53 =	vand.u32 $0x7C, v1;
	v1 =	vadd.f32 v58, v46;
	[tilespmem:v2+s24+$0x0] =	vst.idx.msk $0xffff, v6;
	v58 =	vld [tilespmem:s14+$0xFFFFFFB0];
	s14 =	smov.u32 s0;
	s0 =	sadd.s32 $0x100, s0  }
0x259: {  	v50 =	vmovc v7;
	s10 =	sadd.s32 $0x4, s10;
	v3 =	vmov s11;
	v63 =	vld [tilespmem:s0+$0x40];
	v2 =	vadd.f32 v60, v46;
	v60 =	vadd.s32 v27, v9;
	[tilespmem:v12+s24+$0x0] =	vst.idx.msk $0xffff, v4  }
0x25a: {  	s10 =	sadd.s32 $0x1, s9  }
0x25b: {  	v3 =	vand.u32 $0x7F, v3;
	s12 =	sadd.s32 $0x2, s9;
	v5 =	vld [tilespmem:s0+$0xFFFFFFC0];
	v4 =	vmov s10  }
0x25c: {  	v8 =	vld [tilespmem:s0+$0x0];
	v6 =	vadd.s32 v19, v3;
	v7 =	vmov s12;
	v4 =	vand.u32 $0x7D, v4  }
0x25d: {  	v9 =	vld [tilespmem:s0+$0xFFFFFF80];
	v7 =	vand.u32 $0x7E, v7;
	v10 =	vadd.s32 v19, v4  }
0x25e: {  	v11 =	vadd.s32 v19, v7  }
0x25f: {  	[tilespmem:v62+s24+$0x0] =	vst.idx.msk $0xffff, v1;
	v1 =	vadd.s32 v19, v53;
	v12 =	vadd.f32 v63, v49  }
0x260: {  	[tilespmem:v61+s24+$0x0] =	vst.idx.msk $0xffff, v2;
	v2 =	vadd.f32 v5, v49  }
0x261: {  	v63 =	vadd.f32 v8, v49;
	[tilespmem:v6+s24+$0x0] =	vst.idx.msk $0xffff, v12  }
0x262: {  	v49 =	vadd.f32 v9, v49;
	v8 =	vld [tilespmem:s0+$0x50];
	[tilespmem:v10+s24+$0x0] =	vst.idx.msk $0xffff, v2  }
0x263: {  	v9 =	vadd.s32 v27, v52;
	v2 =	vadd.f32 v57, v46;
	[tilespmem:v11+s24+$0x0] =	vst.idx.msk $0xffff, v63;
	v10 =	vld [tilespmem:s0+$0xFFFFFFD0]  }
0x264: {  	[tilespmem:v1+s24+$0x0] =	vst.idx.msk $0xffff, v49;
	v1 =	vadd.s32 v25, v3;
	v57 =	vadd.f32 v56, v44;
	v6 =	vld [tilespmem:s0+$0x10]  }
0x265: {  	v12 =	vadd.s32 v25, v4;
	v61 =	vld [tilespmem:s0+$0xFFFFFF90];
	[tilespmem:v54+s24+$0x0] =	vst.idx.msk $0xffff, v2;
	v2 =	vadd.f32 v55, v44  }
0x266: {  	v62 =	vadd.f32 v58, v44;
	v5 =	vadd.s32 v25, v7;
	v49 =	vld [tilespmem:s14+$0x60];
	[tilespmem:v59+s24+$0x0] =	vst.idx.msk $0xffff, v57  }
0x267: {  	v63 =	vld [tilespmem:s14+$0xFFFFFFE0];
	[tilespmem:v60+s24+$0x0] =	vst.idx.msk $0xffff, v2;
	v2 =	vadd.s32 v25, v53;
	v8 =	vadd.f32 v8, v46  }
0x268: {  	v55 =	vadd.s32 v26, v47;
	[tilespmem:v9+s24+$0x0] =	vst.idx.msk $0xffff, v62;
	v56 =	vld [tilespmem:s14+$0x20];
	v59 =	vadd.f32 v10, v46  }
0x269: {  	v52 =	vadd.s32 v26, v50;
	v10 =	vld [tilespmem:s14+$0xFFFFFFA0];
	[tilespmem:v1+s24+$0x0] =	vst.idx.msk $0xffff, v8;
	v1 =	vadd.f32 v6, v46  }
0x26a: {  	v60 =	vadd.f32 v61, v46;
	v6 =	vadd.s32 v26, v51;
	v61 =	vld [tilespmem:s0+$0x60];
	[tilespmem:v12+s24+$0x0] =	vst.idx.msk $0xffff, v59  }
0x26b: {  	v62 =	vadd.f32 v49, v45;
	v12 =	vadd.s32 v26, v48;
	[tilespmem:v5+s24+$0x0] =	vst.idx.msk $0xffff, v1;
	v1 =	vld [tilespmem:s0+$0xFFFFFFE0]  }
0x26c: {  	v63 =	vadd.f32 v63, v45;
	[tilespmem:v2+s24+$0x0] =	vst.idx.msk $0xffff, v60;
	v2 =	vadd.s32 v26, v3;
	v8 =	vld [tilespmem:s0+$0x20]  }
0x26d: {  	v49 =	vadd.s32 v26, v4;
	[tilespmem:v55+s24+$0x0] =	vst.idx.msk $0xffff, v62;
	v57 =	vadd.f32 v56, v45;
	v58 =	vld [tilespmem:s0+$0xFFFFFFA0]  }
0x26e: {  	[tilespmem:v52+s24+$0x0] =	vst.idx.msk $0xffff, v63;
	v59 =	vld [tilespmem:s14+$0x70];
	v5 =	vadd.s32 v26, v7;
	v10 =	vadd.f32 v10, v45  }
0x26f: {  	v52 =	vld [tilespmem:s14+$0xFFFFFFF0];
	[tilespmem:v6+s24+$0x0] =	vst.idx.msk $0xffff, v57;
	v60 =	vadd.f32 v61, v45;
	v61 =	vadd.s32 v26, v53  }
0x270: {  	v62 =	vadd.s32 v27, v47;
	v63 =	vld [tilespmem:s14+$0x30];
	[tilespmem:v12+s24+$0x0] =	vst.idx.msk $0xffff, v10;
	v1 =	vadd.f32 v1, v45  }
0x271: {  	v55 =	vadd.s32 v27, v50;
	v12 =	vld [tilespmem:s14+$0xFFFFFFB0];
	[tilespmem:v2+s24+$0x0] =	vst.idx.msk $0xffff, v60;
	v2 =	vadd.f32 v8, v45  }
0x272: {  	v56 =	vadd.s32 v27, v51;
	v57 =	vld [tilespmem:s0+$0x70];
	v58 =	vadd.f32 v58, v45;
	[tilespmem:v49+s24+$0x0] =	vst.idx.msk $0xffff, v1  }
0x273: {  	v1 =	vadd.f32 v59, v44;
	v59 =	vadd.s32 v27, v48;
	[tilespmem:v5+s24+$0x0] =	vst.idx.msk $0xffff, v2;
	v60 =	vld [tilespmem:s0+$0xFFFFFFF0]  }
0x274: {  	v3 =	vadd.s32 v27, v3;
	v2 =	vadd.f32 v52, v44;
	[tilespmem:v61+s24+$0x0] =	vst.idx.msk $0xffff, v58;
	v5 =	vld [tilespmem:s0+$0x30]  }
0x275: {  	v4 =	vadd.s32 v27, v4;
	[tilespmem:v62+s24+$0x0] =	vst.idx.msk $0xffff, v1;
	v1 =	vadd.f32 v63, v44;
	v9 =	vld [tilespmem:s0+$0xFFFFFFB0]  }
0x276: {  	[tilespmem:v55+s24+$0x0] =	vst.idx.msk $0xffff, v2;
	v2 =	vadd.s32 v27, v7;
	v61 =	vadd.f32 v12, v44  }
0x277: {  	v62 =	vadd.s32 v27, v53;
	[tilespmem:v56+s24+$0x0] =	vst.idx.msk $0xffff, v1;
	v1 =	vadd.f32 v57, v44  }
0x278: {  	[tilespmem:v59+s24+$0x0] =	vst.idx.msk $0xffff, v61;
	v63 =	vadd.f32 v60, v44  }
0x279: {  	s9 =	sshll.u32 s13, $0x12;
	[tilespmem:v3+s24+$0x0] =	vst.idx.msk $0xffff, v1;
	v1 =	vadd.f32 v5, v44  }
0x27a: {  	s0 =	sor.u32 s7, s9;
	v3 =	vadd.f32 v9, v44;
	[tilespmem:v4+s24+$0x0] =	vst.idx.msk $0xffff, v63  }
0x27b: {  	s0 =	sshrl.u32 s0, $0x3;
	[tilespmem:v2+s24+$0x0] =	vst.idx.msk $0xffff, v1  }
0x27c: {  	s10 =	simm.s32 $0xF780;
	s9 =	sadd.s32 s2, s0;
	[tilespmem:v62+s24+$0x0] =	vst.idx.msk $0xffff, v3  }
0x27d: {  	[hbm4b:s9+s3] =	stream.linear.scatter [tilespmem:s10], [sflag:$0x4], $0x80, $0x38;
	[tilespmem:$0x15D80] =	vst v63  }
0x27e: {  	s11 =	simm.s32 $0xF808;
	s12 =	sadd.s32 $0x10, s9  }
0x27f: {  	[hbm4b:s12+s3] =	stream.linear.scatter [tilespmem:s11], [sflag:$0x4], $0x80, $0x38;
	[tilespmem:$0x15D80] =	vst v63  }
0x280: {  	s13 =	simm.s32 $0xF890;
	s14 =	sadd.s32 $0x20, s9  }
0x281: {  	[hbm4b:s14+s3] =	stream.linear.scatter [tilespmem:s13], [sflag:$0x4], $0x80, $0x38;
	[tilespmem:$0x15D80] =	vst v63  }
0x282: {  	s11 =	simm.s32 $0xF918;
	s12 =	sadd.s32 $0x30, s9  }
0x283: {  	[hbm4b:s12+s3] =	stream.linear.scatter [tilespmem:s11], [sflag:$0x4], $0x80, $0x38;
	[tilespmem:$0x15D80] =	vst v63  }
0x284: {  	s13 =	simm.s32 $0xF9A0;
	s14 =	sadd.s32 $0x40, s9  }
0x285: {  	[hbm4b:s14+s3] =	stream.linear.scatter [tilespmem:s13], [sflag:$0x4], $0x80, $0x38;
	[tilespmem:$0x15D80] =	vst v63  }
0x286: {  	s0 =	simm.s32 $0x440;
	s11 =	simm.s32 $0xFA28;
	s12 =	sadd.s32 $0x50, s9  }
0x287: {  	[hbm4b:s12+s3] =	stream.linear.scatter [tilespmem:s11], [sflag:$0x4], $0x80, $0x38;
	[tilespmem:$0x15D80] =	vst v63  }
0x288: {  	s10 =	simm.s32 $0x2200;
	s13 =	simm.s32 $0xFAB0;
	s14 =	sadd.s32 $0x60, s9  }
0x289: {  	[hbm4b:s14+s3] =	stream.linear.scatter [tilespmem:s13], [sflag:$0x4], $0x80, $0x38;
	[tilespmem:$0x15D80] =	vst v63  }
0x28a: {  	s13 =	simm.s32 $0xFB38;
	s14 =	sadd.s32 $0x70, s9;
	s9 =	sadd.s32 $0x1000, s9  }
.LBB2_17:
0x28b: {  	[hbm4b:s14+s3] =	stream.linear.scatter [tilespmem:s13], [sflag:$0x4], $0x80, $0x38;
	[tilespmem:$0x15D80] =	vst v63  }
0x28c: {  	s11 =	smov.u32 s0;
	s0 =	smov.u32 s10  }
0x28d: {  	s12 =	sadd.s32 $0x1100, s10;
	s0 =	sshra.s32 s0, $0x2;
	s13 =	sadd.s32 $0xF780, s11  }
0x28e: {  	[hbm4b:s9+s3] =	stream.linear.scatter [tilespmem:s13], [sflag:$0x4], $0x80, $0x38;
	[tilespmem:$0x15D80] =	vst v63  }
0x28f: {  	p0 =	sne.s32 s10, $0x7700;
	s10 =	sadd.s32 $0xF808, s11;
	s13 =	sadd.s32 $0x10, s9  }
0x290: {  	[hbm4b:s13+s3] =	stream.linear.scatter [tilespmem:s10], [sflag:$0x4], $0x80, $0x38;
	[tilespmem:$0x15D80] =	vst v63  }
0x291: {  	s10 =	sadd.s32 $0xF890, s11;
	s13 =	sadd.s32 $0x20, s9  }
0x292: {  	[hbm4b:s13+s3] =	stream.linear.scatter [tilespmem:s10], [sflag:$0x4], $0x80, $0x38;
	[tilespmem:$0x15D80] =	vst v63  }
0x293: {  	s10 =	sadd.s32 $0xF918, s11;
	s13 =	sadd.s32 $0x30, s9  }
0x294: {  	[hbm4b:s13+s3] =	stream.linear.scatter [tilespmem:s10], [sflag:$0x4], $0x80, $0x38;
	[tilespmem:$0x15D80] =	vst v63  }
0x295: {  	s10 =	sadd.s32 $0xF9A0, s11;
	s13 =	sadd.s32 $0x40, s9  }
0x296: {  	[hbm4b:s13+s3] =	stream.linear.scatter [tilespmem:s10], [sflag:$0x4], $0x80, $0x38;
	[tilespmem:$0x15D80] =	vst v63  }
.Ltmp7:
0x297: {  	s10 =	sadd.s32 $0xFA28, s11;
	s13 =	sadd.s32 $0x50, s9;
	(pc) =	sbr.rel @p0 .LBB2_17-.Ltmp7, $4  }
0x298: {  	[hbm4b:s13+s3] =	stream.linear.scatter [tilespmem:s10], [sflag:$0x4], $0x80, $0x38;
	[tilespmem:$0x15D80] =	vst v63  }
0x299: {  	s14 =	sadd.s32 $0x70, s9;
	s10 =	sadd.s32 $0xFAB0, s11;
	s13 =	sadd.s32 $0x60, s9  }
0x29a: {  	[hbm4b:s13+s3] =	stream.linear.scatter [tilespmem:s10], [sflag:$0x4], $0x80, $0x38;
	[tilespmem:$0x15D80] =	vst v63  }
0x29b: {  	s9 =	sadd.s32 $0x1000, s9;
	s13 =	sadd.s32 $0xFB38, s11;
	s10 =	smov.u32 s12  }
0x29c: {  	[hbm4b:s14+s3] =	stream.linear.scatter [tilespmem:s13], [sflag:$0x4], $0x80, $0x38;
	[tilespmem:$0x15D80] =	vst v63  }
0x29d: {  	s10 =	sadd.s32 $0xF780, s0  }
0x29e: {  	[hbm4b:s9+s3] =	stream.linear.scatter [tilespmem:s10], [sflag:$0x4], $0x80, $0x38;
	[tilespmem:$0x15D80] =	vst v63  }
0x29f: {  	s12 =	sadd.s32 $0xF808, s0;
	s11 =	sadd.s32 $0x10, s9  }
0x2a0: {  	[hbm4b:s11+s3] =	stream.linear.scatter [tilespmem:s12], [sflag:$0x4], $0x80, $0x38;
	[tilespmem:$0x15D80] =	vst v63  }
0x2a1: {  	s13 =	sadd.s32 $0xF890, s0;
	s14 =	sadd.s32 $0x20, s9  }
0x2a2: {  	[hbm4b:s14+s3] =	stream.linear.scatter [tilespmem:s13], [sflag:$0x4], $0x80, $0x38;
	[tilespmem:$0x15D80] =	vst v63  }
0x2a3: {  	s11 =	sadd.s32 $0xF918, s0;
	s12 =	sadd.s32 $0x30, s9  }
0x2a4: {  	[hbm4b:s12+s3] =	stream.linear.scatter [tilespmem:s11], [sflag:$0x4], $0x80, $0x38;
	[tilespmem:$0x15D80] =	vst v63  }
0x2a5: {  	s13 =	sadd.s32 $0xF9A0, s0;
	s14 =	sadd.s32 $0x40, s9  }
0x2a6: {  	[hbm4b:s14+s3] =	stream.linear.scatter [tilespmem:s13], [sflag:$0x4], $0x80, $0x38;
	[tilespmem:$0x15D80] =	vst v63  }
0x2a7: {  	s11 =	sadd.s32 $0xFA28, s0;
	s12 =	sadd.s32 $0x50, s9;
	s13 =	sadd.s32 $0x6, s6  }
0x2a8: {  	v1 =	vadd.s32 s13, v0;
	[hbm4b:s12+s3] =	stream.linear.scatter [tilespmem:s11], [sflag:$0x4], $0x80, $0x38;
	[tilespmem:$0x15D80] =	vst v63  }
0x2a9: {  	s14 =	sadd.s32 $0xFAB0, s0;
	s12 =	sadd.s32 $0x60, s9  }
0x2aa: {  	[hbm4b:s12+s3] =	stream.linear.scatter [tilespmem:s14], [sflag:$0x4], $0x80, $0x38;
	[tilespmem:$0x15D80] =	vst v63  }
0x2ab: {  	s13 =	sadd.s32 $0xFB38, s0;
	s0 =	simm.s32 $0x0;
	s14 =	sadd.s32 $0x70, s9  }
0x2ac: {  	[hbm4b:s14+s3] =	stream.linear.scatter [tilespmem:s13], [sflag:$0x4], $0x80, $0x38;
	[tilespmem:$0x15D80] =	vst v63  }
0x2ad: {  	s10 =	sadd.s32 $0xC86, s6;
	v1 =	vld.idx.msk [tilespmem:v1+s0+$0x0], $0xffff  }
0x2ae: {  	v2 =	vadd.s32 s10, v0;
	_ =	sdelay $0x3  }
0x2af: {  	[tilespmem:$0x9600] =	vst v1  }
0x2b0: {  	s11 =	sadd.s32 $0x1906, s6;
	v1 =	vld.idx.msk [tilespmem:v2+s0+$0x0], $0xffff  }
0x2b1: {  	v2 =	vadd.s32 s11, v0;
	_ =	sdelay $0x3  }
0x2b2: {  	[tilespmem:$0x9610] =	vst v1  }
0x2b3: {  	s12 =	sadd.s32 $0x2586, s6;
	v1 =	vld.idx.msk [tilespmem:v2+s0+$0x0], $0xffff  }
0x2b4: {  	v2 =	vadd.s32 s12, v0;
	_ =	sdelay $0x3  }
0x2b5: {  	[tilespmem:$0x9620] =	vst v1  }
0x2b6: {  	s13 =	sadd.s32 $0x3206, s6;
	v1 =	vld.idx.msk [tilespmem:v2+s0+$0x0], $0xffff  }
0x2b7: {  	v2 =	vadd.s32 s13, v0;
	_ =	sdelay $0x3  }
0x2b8: {  	[tilespmem:$0x9630] =	vst v1  }
0x2b9: {  	s14 =	sadd.s32 $0x3E86, s6;
	v1 =	vld.idx.msk [tilespmem:v2+s0+$0x0], $0xffff  }
0x2ba: {  	v2 =	vadd.s32 s14, v0;
	_ =	sdelay $0x3  }
0x2bb: {  	[tilespmem:$0x9640] =	vst v1  }
0x2bc: {  	s10 =	sadd.s32 $0x4B06, s6;
	v1 =	vld.idx.msk [tilespmem:v2+s0+$0x0], $0xffff  }
0x2bd: {  	v2 =	vadd.s32 s10, v0;
	_ =	sdelay $0x3  }
0x2be: {  	[tilespmem:$0x9650] =	vst v1  }
0x2bf: {  	s11 =	sadd.s32 $0x5786, s6;
	v1 =	vld.idx.msk [tilespmem:v2+s0+$0x0], $0xffff  }
0x2c0: {  	v2 =	vadd.s32 s11, v0;
	_ =	sdelay $0x3  }
0x2c1: {  	[tilespmem:$0x9660] =	vst v1  }
0x2c2: {  	v1 =	vld.idx.msk [tilespmem:v2+s0+$0x0], $0xffff;
	_ =	sdelay $0x4  }
0x2c3: {  	[tilespmem:$0x9670] =	vst v1  }
0x2c4: {  	[tilespmem:s18], [sflag:$0x1] =	stream.indirect.gather [hbm4b:s4+s16], $0x40, s17, s16, $0xb8;
	[tilespmem:$0x15D80] =	vst v63  }
0x2c5: {  	_ =	swait.ge [sflag:s25], $0x2000  }
0x2c6: {  	[sflag:s25] =	ssyncset.done $0x0  }
0x2c7: {  	[sflag:s25] =	ssyncadd.s32 $0xFFFFE000  }
0x2c8: {  	s13 =	sadd.s32 $0x4, s6;
	_ =	swait.ge [sflag:s31], $0x2000  }
0x2c9: {  	s12 =	sshll.u32 s13, $0x6;
	[sflag:s31] =	ssyncset.done $0x0  }
0x2ca: {  	s9 =	sand.u32 $0x3FFFFFC0, s12;
	[sflag:s31] =	ssyncadd.s32 $0xFFFFE000  }
0x2cb: {  	s14 =	simm.s32 $0x3;
	s10 =	simm.s32 $0xB800;
	v49 =	vld [tilespmem:s9+$0x6400]  }
0x2cc: {  	v1 =	vmov s14;
	v2 =	vld [tilespmem:s10+$0x40]  }
0x2cd: {  	v1 =	vand.u32 $0x7F, v1  }
0x2ce: {  	v4 =	vmov s0;
	v3 =	vadd.s32 v19, v1;
	v46 =	vld [tilespmem:s9+$0x6410]  }
0x2cf: {  	v52 =	vand.u32 $0x7C, v4;
	s12 =	simm.s32 $0x1;
	v5 =	vld [tilespmem:s10+$0xFFFFFF80]  }
0x2d0: {  	v8 =	vadd.s32 v19, v52;
	v4 =	vmov s12;
	s14 =	simm.s32 $0x2;
	v6 =	vld [tilespmem:s10+$0xFFFFFFC0]  }
0x2d1: {  	v4 =	vand.u32 $0x7D, v4;
	v7 =	vmov s14;
	v9 =	vld [tilespmem:s10+$0x0];
	v2 =	vadd.f32 v2, v49  }
0x2d2: {  	v10 =	vadd.s32 v19, v4;
	v7 =	vand.u32 $0x7E, v7;
	v45 =	vld [tilespmem:s9+$0x6420]  }
0x2d3: {  	v11 =	vadd.s32 v19, v7;
	v44 =	vld [tilespmem:s9+$0x6430];
	[tilespmem:v3+s26+$0x0] =	vst.idx.msk $0xffff, v2  }
0x2d4: {  	v2 =	vadd.f32 v5, v49;
	v3 =	vld [tilespmem:s10+$0x50]  }
0x2d5: {  	v5 =	vadd.f32 v6, v49  }
0x2d6: {  	v58 =	vadd.s32 v25, v1;
	[tilespmem:v8+s26+$0x0] =	vst.idx.msk $0xffff, v2;
	v2 =	vadd.f32 v9, v49  }
0x2d7: {  	[tilespmem:v10+s26+$0x0] =	vst.idx.msk $0xffff, v5  }
0x2d8: {  	v5 =	vld [tilespmem:s10+$0xFFFFFFD0];
	[tilespmem:v11+s26+$0x0] =	vst.idx.msk $0xffff, v2  }
0x2d9: {  	v2 =	vld [tilespmem:s10+$0x10];
	v3 =	vadd.f32 v3, v46  }
0x2da: {  	s12 =	simm.s32 $0x7;
	v59 =	vadd.s32 v25, v4;
	s11 =	simm.s32 $0x4;
	s14 =	simm.s32 $0xB900;
	v8 =	vld [tilespmem:s10+$0xFFFFFF90]  }
0x2db: {  	v61 =	vmov s11;
	v62 =	vadd.s32 v25, v7;
	v63 =	vld [tilespmem:s14+$0x40];
	[tilespmem:v58+s26+$0x0] =	vst.idx.msk $0xffff, v3;
	v3 =	vmov s12  }
0x2dc: {  	v12 =	vadd.s32 v25, v52;
	v48 =	vand.u32 $0x7C, v61;
	v47 =	vand.u32 $0x7F, v3;
	v3 =	vld [tilespmem:s10+$0x60]  }
0x2dd: {  	v61 =	vadd.s32 v19, v48;
	s9 =	simm.s32 $0x5;
	v60 =	vld [tilespmem:s14+$0xFFFFFF80];
	v5 =	vadd.f32 v5, v46;
	v53 =	vadd.s32 v19, v47  }
0x2de: {  	s11 =	simm.s32 $0x6;
	v55 =	vadd.s32 v26, v1;
	v54 =	vld [tilespmem:s14+$0xFFFFFFC0];
	v50 =	vmov s9;
	v2 =	vadd.f32 v2, v46  }
0x2df: {  	v56 =	vld [tilespmem:s14+$0x0];
	v50 =	vand.u32 $0x7D, v50;
	v8 =	vadd.f32 v8, v46;
	[tilespmem:v59+s26+$0x0] =	vst.idx.msk $0xffff, v5;
	v5 =	vmov s11  }
0x2e0: {  	v51 =	vand.u32 $0x7E, v5;
	v5 =	vadd.f32 v63, v49;
	[tilespmem:v62+s26+$0x0] =	vst.idx.msk $0xffff, v2;
	v2 =	vadd.s32 v19, v50;
	v62 =	vld [tilespmem:s10+$0xFFFFFFE0]  }
0x2e1: {  	[tilespmem:v12+s26+$0x0] =	vst.idx.msk $0xffff, v8;
	v8 =	vadd.s32 v19, v51;
	v11 =	vld [tilespmem:s10+$0x20];
	v3 =	vadd.f32 v3, v45  }
0x2e2: {  	v10 =	vadd.f32 v60, v49;
	v12 =	vadd.s32 v26, v4;
	[tilespmem:v53+s26+$0x0] =	vst.idx.msk $0xffff, v5;
	v5 =	vld [tilespmem:s10+$0xFFFFFFA0]  }
0x2e3: {  	v58 =	vadd.s32 v26, v7;
	v63 =	vadd.f32 v54, v49;
	v54 =	vld [tilespmem:s14+$0x50];
	[tilespmem:v55+s26+$0x0] =	vst.idx.msk $0xffff, v3  }
0x2e4: {  	v9 =	vadd.s32 v26, v52;
	[tilespmem:v61+s26+$0x0] =	vst.idx.msk $0xffff, v10;
	v3 =	vadd.f32 v56, v49;
	v10 =	vld [tilespmem:s10+$0x70]  }
0x2e5: {  	v59 =	vld [tilespmem:s14+$0xFFFFFF90];
	[tilespmem:v2+s26+$0x0] =	vst.idx.msk $0xffff, v63;
	v2 =	vadd.s32 v25, v47;
	v6 =	vadd.f32 v62, v45  }
0x2e6: {  	v60 =	vld [tilespmem:s14+$0xFFFFFFD0];
	[tilespmem:v8+s26+$0x0] =	vst.idx.msk $0xffff, v3;
	v3 =	vadd.f32 v11, v45;
	v8 =	vadd.s32 v27, v1  }
0x2e7: {  	v62 =	vadd.s32 v25, v48;
	v57 =	vld [tilespmem:s14+$0x10];
	[tilespmem:v12+s26+$0x0] =	vst.idx.msk $0xffff, v6;
	v1 =	vadd.f32 v5, v45  }
0x2e8: {  	s9 =	simm.s32 $0x8;
	v61 =	vadd.s32 v25, v50;
	v56 =	vld [tilespmem:s10+$0xFFFFFFF0];
	[tilespmem:v58+s26+$0x0] =	vst.idx.msk $0xffff, v3;
	v5 =	vadd.f32 v54, v46  }
0x2e9: {  	v3 =	vmov s9;
	v54 =	vadd.s32 v25, v51;
	v55 =	vld [tilespmem:s10+$0x30];
	[tilespmem:v9+s26+$0x0] =	vst.idx.msk $0xffff, v1;
	v11 =	vadd.f32 v10, v44  }
0x2ea: {  	s0 =	simm.s32 $0xBA00;
	s12 =	simm.s32 $0xB;
	v53 =	vand.u32 $0x7C, v3;
	v1 =	vadd.f32 v59, v46;
	v59 =	vadd.s32 v27, v4;
	[tilespmem:v2+s26+$0x0] =	vst.idx.msk $0xffff, v5;
	v58 =	vld [tilespmem:s10+$0xFFFFFFB0]  }
0x2eb: {  	v63 =	vld [tilespmem:s0+$0x40];
	v3 =	vmov s12;
	s10 =	simm.s32 $0xC;
	v2 =	vadd.f32 v60, v46;
	v60 =	vadd.s32 v27, v7;
	[tilespmem:v8+s26+$0x0] =	vst.idx.msk $0xffff, v11  }
.LBB2_19:
0x2ec: {  	p0 =	slt.u32 s10, $0x7C;
	s11 =	sadd.s32 $0x1, s9;
	v3 =	vand.u32 $0x7F, v3;
	[tilespmem:v62+s26+$0x0] =	vst.idx.msk $0xffff, v1;
	v1 =	vadd.f32 v57, v46;
	v4 =	vld [tilespmem:s14+$0x60];
	v5 =	vadd.s32 v27, v52  }
0x2ed: {  	v9 =	vmovc v51;
	v6 =	vld [tilespmem:s0+$0xFFFFFF80];
	v7 =	vmov s11;
	s11 =	sadd.s32 $0x2, s9;
	v8 =	vadd.s32 v19, v3;
	[tilespmem:v61+s26+$0x0] =	vst.idx.msk $0xffff, v2;
	v2 =	vadd.f32 v56, v44;
	s9 =	smov.u32 s10  }
0x2ee: {  	v52 =	vmovc v48;
	v10 =	vld [tilespmem:s0+$0xFFFFFFC0];
	v11 =	vmov s11;
	[tilespmem:v54+s26+$0x0] =	vst.idx.msk $0xffff, v1;
	v1 =	vadd.s32 v26, v47;
	v12 =	vadd.f32 v55, v44  }
0x2ef: {  	v54 =	vadd.s32 v19, v53;
	v7 =	vand.u32 $0x7D, v7;
	v55 =	vld [tilespmem:s0+$0x0];
	v58 =	vadd.f32 v58, v44;
	[tilespmem:v59+s26+$0x0] =	vst.idx.msk $0xffff, v2  }
0x2f0: {  	v2 =	vadd.s32 v19, v7;
	v51 =	vand.u32 $0x7E, v11;
	v11 =	vadd.f32 v63, v49;
	v56 =	vld [tilespmem:s14+$0xFFFFFFE0];
	[tilespmem:v60+s26+$0x0] =	vst.idx.msk $0xffff, v12  }
0x2f1: {  	v48 =	vmov v53;
	v12 =	vadd.s32 v19, v51;
	v57 =	vld [tilespmem:s14+$0x20];
	v4 =	vadd.f32 v4, v45;
	[tilespmem:v5+s26+$0x0] =	vst.idx.msk $0xffff, v58  }
0x2f2: {  	v5 =	vadd.f32 v6, v49;
	[tilespmem:v8+s26+$0x0] =	vst.idx.msk $0xffff, v11;
	v6 =	vld [tilespmem:s14+$0xFFFFFFA0];
	v8 =	vadd.s32 v26, v50  }
0x2f3: {  	v53 =	vadd.s32 v26, v9;
	v10 =	vadd.f32 v10, v49;
	v11 =	vld [tilespmem:s0+$0x50];
	[tilespmem:v1+s26+$0x0] =	vst.idx.msk $0xffff, v4  }
0x2f4: {  	v4 =	vadd.s32 v26, v52;
	[tilespmem:v54+s26+$0x0] =	vst.idx.msk $0xffff, v5;
	v1 =	vadd.f32 v55, v49;
	v5 =	vld [tilespmem:s14+$0x70]  }
0x2f5: {  	v58 =	vld [tilespmem:s0+$0xFFFFFF90];
	[tilespmem:v2+s26+$0x0] =	vst.idx.msk $0xffff, v10;
	v2 =	vadd.s32 v25, v3;
	v10 =	vadd.f32 v56, v45  }
0x2f6: {  	v60 =	vld [tilespmem:s0+$0xFFFFFFD0];
	[tilespmem:v12+s26+$0x0] =	vst.idx.msk $0xffff, v1;
	v1 =	vadd.f32 v57, v45;
	v12 =	vadd.s32 v27, v47;
	v47 =	vmov v3  }
.Ltmp8:
0x2f7: {  	v62 =	vadd.s32 v25, v48;
	v57 =	vld [tilespmem:s0+$0x10];
	v3 =	vadd.f32 v6, v45;
	[tilespmem:v8+s26+$0x0] =	vst.idx.msk $0xffff, v10;
	(pc) =	sbr.rel @p0 .LBB2_19-.Ltmp8, $4  }
0x2f8: {  	v61 =	vadd.s32 v25, v7;
	v6 =	vadd.f32 v11, v46;
	v56 =	vld [tilespmem:s14+$0xFFFFFFF0];
	[tilespmem:v53+s26+$0x0] =	vst.idx.msk $0xffff, v1  }
0x2f9: {  	v54 =	vadd.s32 v25, v51;
	v1 =	vmov s10;
	[tilespmem:v4+s26+$0x0] =	vst.idx.msk $0xffff, v3;
	v55 =	vld [tilespmem:s14+$0x30];
	v4 =	vadd.f32 v5, v44  }
0x2fa: {  	s11 =	sadd.s32 $0x3, s10;
	v59 =	vadd.s32 v27, v50;
	v53 =	vand.u32 $0x7C, v1;
	v1 =	vadd.f32 v58, v46;
	[tilespmem:v2+s26+$0x0] =	vst.idx.msk $0xffff, v6;
	v58 =	vld [tilespmem:s14+$0xFFFFFFB0];
	s14 =	smov.u32 s0;
	s0 =	sadd.s32 $0x100, s0  }
0x2fb: {  	v50 =	vmovc v7;
	s10 =	sadd.s32 $0x4, s10;
	v3 =	vmov s11;
	v63 =	vld [tilespmem:s0+$0x40];
	v2 =	vadd.f32 v60, v46;
	v60 =	vadd.s32 v27, v9;
	[tilespmem:v12+s26+$0x0] =	vst.idx.msk $0xffff, v4  }
0x2fc: {  	s10 =	sadd.s32 $0x1, s9  }
0x2fd: {  	v3 =	vand.u32 $0x7F, v3;
	s12 =	sadd.s32 $0x2, s9;
	v5 =	vld [tilespmem:s0+$0xFFFFFFC0];
	v4 =	vmov s10  }
0x2fe: {  	v8 =	vld [tilespmem:s0+$0x0];
	v6 =	vadd.s32 v19, v3;
	v7 =	vmov s12;
	v4 =	vand.u32 $0x7D, v4  }
0x2ff: {  	v9 =	vld [tilespmem:s0+$0xFFFFFF80];
	v7 =	vand.u32 $0x7E, v7;
	v10 =	vadd.s32 v19, v4  }
0x300: {  	v11 =	vadd.s32 v19, v7  }
0x301: {  	[tilespmem:v62+s26+$0x0] =	vst.idx.msk $0xffff, v1;
	v1 =	vadd.s32 v19, v53;
	v12 =	vadd.f32 v63, v49  }
0x302: {  	[tilespmem:v61+s26+$0x0] =	vst.idx.msk $0xffff, v2;
	v2 =	vadd.f32 v5, v49  }
0x303: {  	v63 =	vadd.f32 v8, v49;
	[tilespmem:v6+s26+$0x0] =	vst.idx.msk $0xffff, v12  }
0x304: {  	v49 =	vadd.f32 v9, v49;
	v8 =	vld [tilespmem:s0+$0x50];
	[tilespmem:v10+s26+$0x0] =	vst.idx.msk $0xffff, v2  }
0x305: {  	v9 =	vadd.s32 v27, v52;
	v2 =	vadd.f32 v57, v46;
	[tilespmem:v11+s26+$0x0] =	vst.idx.msk $0xffff, v63;
	v10 =	vld [tilespmem:s0+$0xFFFFFFD0]  }
0x306: {  	[tilespmem:v1+s26+$0x0] =	vst.idx.msk $0xffff, v49;
	v1 =	vadd.s32 v25, v3;
	v57 =	vadd.f32 v56, v44;
	v6 =	vld [tilespmem:s0+$0x10]  }
0x307: {  	v12 =	vadd.s32 v25, v4;
	v61 =	vld [tilespmem:s0+$0xFFFFFF90];
	[tilespmem:v54+s26+$0x0] =	vst.idx.msk $0xffff, v2;
	v2 =	vadd.f32 v55, v44  }
0x308: {  	v62 =	vadd.f32 v58, v44;
	v5 =	vadd.s32 v25, v7;
	v49 =	vld [tilespmem:s14+$0x60];
	[tilespmem:v59+s26+$0x0] =	vst.idx.msk $0xffff, v57  }
0x309: {  	v63 =	vld [tilespmem:s14+$0xFFFFFFE0];
	[tilespmem:v60+s26+$0x0] =	vst.idx.msk $0xffff, v2;
	v2 =	vadd.s32 v25, v53;
	v8 =	vadd.f32 v8, v46  }
0x30a: {  	v55 =	vadd.s32 v26, v47;
	[tilespmem:v9+s26+$0x0] =	vst.idx.msk $0xffff, v62;
	v56 =	vld [tilespmem:s14+$0x20];
	v59 =	vadd.f32 v10, v46  }
0x30b: {  	v52 =	vadd.s32 v26, v50;
	v10 =	vld [tilespmem:s14+$0xFFFFFFA0];
	[tilespmem:v1+s26+$0x0] =	vst.idx.msk $0xffff, v8;
	v1 =	vadd.f32 v6, v46  }
0x30c: {  	v60 =	vadd.f32 v61, v46;
	v6 =	vadd.s32 v26, v51;
	v61 =	vld [tilespmem:s0+$0x60];
	[tilespmem:v12+s26+$0x0] =	vst.idx.msk $0xffff, v59  }
0x30d: {  	v62 =	vadd.f32 v49, v45;
	v12 =	vadd.s32 v26, v48;
	[tilespmem:v5+s26+$0x0] =	vst.idx.msk $0xffff, v1;
	v1 =	vld [tilespmem:s0+$0xFFFFFFE0]  }
0x30e: {  	v63 =	vadd.f32 v63, v45;
	[tilespmem:v2+s26+$0x0] =	vst.idx.msk $0xffff, v60;
	v2 =	vadd.s32 v26, v3;
	v8 =	vld [tilespmem:s0+$0x20]  }
0x30f: {  	v49 =	vadd.s32 v26, v4;
	[tilespmem:v55+s26+$0x0] =	vst.idx.msk $0xffff, v62;
	v57 =	vadd.f32 v56, v45;
	v58 =	vld [tilespmem:s0+$0xFFFFFFA0]  }
0x310: {  	[tilespmem:v52+s26+$0x0] =	vst.idx.msk $0xffff, v63;
	v59 =	vld [tilespmem:s14+$0x70];
	v5 =	vadd.s32 v26, v7;
	v10 =	vadd.f32 v10, v45  }
0x311: {  	v52 =	vld [tilespmem:s14+$0xFFFFFFF0];
	[tilespmem:v6+s26+$0x0] =	vst.idx.msk $0xffff, v57;
	v60 =	vadd.f32 v61, v45;
	v61 =	vadd.s32 v26, v53  }
0x312: {  	v62 =	vadd.s32 v27, v47;
	v63 =	vld [tilespmem:s14+$0x30];
	[tilespmem:v12+s26+$0x0] =	vst.idx.msk $0xffff, v10;
	v1 =	vadd.f32 v1, v45  }
0x313: {  	v55 =	vadd.s32 v27, v50;
	v12 =	vld [tilespmem:s14+$0xFFFFFFB0];
	[tilespmem:v2+s26+$0x0] =	vst.idx.msk $0xffff, v60;
	v2 =	vadd.f32 v8, v45  }
0x314: {  	v56 =	vadd.s32 v27, v51;
	v57 =	vld [tilespmem:s0+$0x70];
	v58 =	vadd.f32 v58, v45;
	[tilespmem:v49+s26+$0x0] =	vst.idx.msk $0xffff, v1  }
0x315: {  	v1 =	vadd.f32 v59, v44;
	v59 =	vadd.s32 v27, v48;
	[tilespmem:v5+s26+$0x0] =	vst.idx.msk $0xffff, v2;
	v60 =	vld [tilespmem:s0+$0xFFFFFFF0]  }
0x316: {  	v3 =	vadd.s32 v27, v3;
	v2 =	vadd.f32 v52, v44;
	[tilespmem:v61+s26+$0x0] =	vst.idx.msk $0xffff, v58;
	v5 =	vld [tilespmem:s0+$0x30]  }
0x317: {  	v4 =	vadd.s32 v27, v4;
	[tilespmem:v62+s26+$0x0] =	vst.idx.msk $0xffff, v1;
	v1 =	vadd.f32 v63, v44;
	v9 =	vld [tilespmem:s0+$0xFFFFFFB0]  }
0x318: {  	[tilespmem:v55+s26+$0x0] =	vst.idx.msk $0xffff, v2;
	v2 =	vadd.s32 v27, v7;
	v61 =	vadd.f32 v12, v44  }
0x319: {  	v62 =	vadd.s32 v27, v53;
	[tilespmem:v56+s26+$0x0] =	vst.idx.msk $0xffff, v1;
	v1 =	vadd.f32 v57, v44  }
0x31a: {  	[tilespmem:v59+s26+$0x0] =	vst.idx.msk $0xffff, v61;
	v63 =	vadd.f32 v60, v44  }
0x31b: {  	s9 =	sshll.u32 s13, $0x12;
	[tilespmem:v3+s26+$0x0] =	vst.idx.msk $0xffff, v1;
	v1 =	vadd.f32 v5, v44  }
0x31c: {  	s0 =	sor.u32 s7, s9;
	v3 =	vadd.f32 v9, v44;
	[tilespmem:v4+s26+$0x0] =	vst.idx.msk $0xffff, v63  }
0x31d: {  	s0 =	sshrl.u32 s0, $0x3;
	[tilespmem:v2+s26+$0x0] =	vst.idx.msk $0xffff, v1  }
0x31e: {  	s10 =	simm.s32 $0x11980;
	s9 =	sadd.s32 s2, s0;
	[tilespmem:v62+s26+$0x0] =	vst.idx.msk $0xffff, v3  }
0x31f: {  	[hbm4b:s9+s3] =	stream.linear.scatter [tilespmem:s10], [sflag:$0x5], $0x80, $0x38;
	[tilespmem:$0x15D80] =	vst v63  }
0x320: {  	s11 =	simm.s32 $0x11A08;
	s12 =	sadd.s32 $0x10, s9  }
0x321: {  	[hbm4b:s12+s3] =	stream.linear.scatter [tilespmem:s11], [sflag:$0x5], $0x80, $0x38;
	[tilespmem:$0x15D80] =	vst v63  }
0x322: {  	s13 =	simm.s32 $0x11A90;
	s14 =	sadd.s32 $0x20, s9  }
0x323: {  	[hbm4b:s14+s3] =	stream.linear.scatter [tilespmem:s13], [sflag:$0x5], $0x80, $0x38;
	[tilespmem:$0x15D80] =	vst v63  }
0x324: {  	s11 =	simm.s32 $0x11B18;
	s12 =	sadd.s32 $0x30, s9  }
0x325: {  	[hbm4b:s12+s3] =	stream.linear.scatter [tilespmem:s11], [sflag:$0x5], $0x80, $0x38;
	[tilespmem:$0x15D80] =	vst v63  }
0x326: {  	s13 =	simm.s32 $0x11BA0;
	s14 =	sadd.s32 $0x40, s9  }
0x327: {  	[hbm4b:s14+s3] =	stream.linear.scatter [tilespmem:s13], [sflag:$0x5], $0x80, $0x38;
	[tilespmem:$0x15D80] =	vst v63  }
0x328: {  	s0 =	simm.s32 $0x440;
	s11 =	simm.s32 $0x11C28;
	s12 =	sadd.s32 $0x50, s9  }
0x329: {  	[hbm4b:s12+s3] =	stream.linear.scatter [tilespmem:s11], [sflag:$0x5], $0x80, $0x38;
	[tilespmem:$0x15D80] =	vst v63  }
0x32a: {  	s10 =	simm.s32 $0x2200;
	s13 =	simm.s32 $0x11CB0;
	s14 =	sadd.s32 $0x60, s9  }
0x32b: {  	[hbm4b:s14+s3] =	stream.linear.scatter [tilespmem:s13], [sflag:$0x5], $0x80, $0x38;
	[tilespmem:$0x15D80] =	vst v63  }
0x32c: {  	s13 =	simm.s32 $0x11D38;
	s14 =	sadd.s32 $0x70, s9;
	s9 =	sadd.s32 $0x1000, s9  }
.LBB2_21:
0x32d: {  	[hbm4b:s14+s3] =	stream.linear.scatter [tilespmem:s13], [sflag:$0x5], $0x80, $0x38;
	[tilespmem:$0x15D80] =	vst v63  }
0x32e: {  	s11 =	smov.u32 s0;
	s0 =	smov.u32 s10  }
0x32f: {  	s12 =	sadd.s32 $0x1100, s10;
	s0 =	sshra.s32 s0, $0x2;
	s13 =	sadd.s32 $0x11980, s11  }
0x330: {  	[hbm4b:s9+s3] =	stream.linear.scatter [tilespmem:s13], [sflag:$0x5], $0x80, $0x38;
	[tilespmem:$0x15D80] =	vst v63  }
0x331: {  	p0 =	sne.s32 s10, $0x7700;
	s10 =	sadd.s32 $0x11A08, s11;
	s13 =	sadd.s32 $0x10, s9  }
0x332: {  	[hbm4b:s13+s3] =	stream.linear.scatter [tilespmem:s10], [sflag:$0x5], $0x80, $0x38;
	[tilespmem:$0x15D80] =	vst v63  }
0x333: {  	s10 =	sadd.s32 $0x11A90, s11;
	s13 =	sadd.s32 $0x20, s9  }
0x334: {  	[hbm4b:s13+s3] =	stream.linear.scatter [tilespmem:s10], [sflag:$0x5], $0x80, $0x38;
	[tilespmem:$0x15D80] =	vst v63  }
0x335: {  	s10 =	sadd.s32 $0x11B18, s11;
	s13 =	sadd.s32 $0x30, s9  }
0x336: {  	[hbm4b:s13+s3] =	stream.linear.scatter [tilespmem:s10], [sflag:$0x5], $0x80, $0x38;
	[tilespmem:$0x15D80] =	vst v63  }
0x337: {  	s10 =	sadd.s32 $0x11BA0, s11;
	s13 =	sadd.s32 $0x40, s9  }
0x338: {  	[hbm4b:s13+s3] =	stream.linear.scatter [tilespmem:s10], [sflag:$0x5], $0x80, $0x38;
	[tilespmem:$0x15D80] =	vst v63  }
.Ltmp9:
0x339: {  	s10 =	sadd.s32 $0x11C28, s11;
	s13 =	sadd.s32 $0x50, s9;
	(pc) =	sbr.rel @p0 .LBB2_21-.Ltmp9, $4  }
0x33a: {  	[hbm4b:s13+s3] =	stream.linear.scatter [tilespmem:s10], [sflag:$0x5], $0x80, $0x38;
	[tilespmem:$0x15D80] =	vst v63  }
0x33b: {  	s14 =	sadd.s32 $0x70, s9;
	s10 =	sadd.s32 $0x11CB0, s11;
	s13 =	sadd.s32 $0x60, s9  }
0x33c: {  	[hbm4b:s13+s3] =	stream.linear.scatter [tilespmem:s10], [sflag:$0x5], $0x80, $0x38;
	[tilespmem:$0x15D80] =	vst v63  }
0x33d: {  	s9 =	sadd.s32 $0x1000, s9;
	s13 =	sadd.s32 $0x11D38, s11;
	s10 =	smov.u32 s12  }
0x33e: {  	[hbm4b:s14+s3] =	stream.linear.scatter [tilespmem:s13], [sflag:$0x5], $0x80, $0x38;
	[tilespmem:$0x15D80] =	vst v63  }
0x33f: {  	s10 =	sadd.s32 $0x11980, s0  }
0x340: {  	[hbm4b:s9+s3] =	stream.linear.scatter [tilespmem:s10], [sflag:$0x5], $0x80, $0x38;
	[tilespmem:$0x15D80] =	vst v63  }
0x341: {  	s14 =	sadd.s32 $0x11A08, s0;
	s11 =	sadd.s32 $0x10, s9  }
0x342: {  	[hbm4b:s11+s3] =	stream.linear.scatter [tilespmem:s14], [sflag:$0x5], $0x80, $0x38;
	[tilespmem:$0x15D80] =	vst v63  }
0x343: {  	s12 =	sadd.s32 $0x20, s9;
	s11 =	sadd.s32 $0x11A90, s0  }
0x344: {  	[hbm4b:s12+s3] =	stream.linear.scatter [tilespmem:s11], [sflag:$0x5], $0x80, $0x38;
	[tilespmem:$0x15D80] =	vst v63  }
0x345: {  	s13 =	sadd.s32 $0x11B18, s0;
	s14 =	sadd.s32 $0x30, s9  }
0x346: {  	[hbm4b:s14+s3] =	stream.linear.scatter [tilespmem:s13], [sflag:$0x5], $0x80, $0x38;
	[tilespmem:$0x15D80] =	vst v63  }
0x347: {  	s11 =	sadd.s32 $0x11BA0, s0;
	s12 =	sadd.s32 $0x40, s9  }
0x348: {  	[hbm4b:s12+s3] =	stream.linear.scatter [tilespmem:s11], [sflag:$0x5], $0x80, $0x38;
	[tilespmem:$0x15D80] =	vst v63  }
0x349: {  	s13 =	sadd.s32 $0x11C28, s0;
	s14 =	sadd.s32 $0x50, s9;
	s12 =	sadd.s32 $0x7, s6  }
0x34a: {  	v1 =	vadd.s32 s12, v0;
	[hbm4b:s14+s3] =	stream.linear.scatter [tilespmem:s13], [sflag:$0x5], $0x80, $0x38;
	[tilespmem:$0x15D80] =	vst v63  }
0x34b: {  	s13 =	sadd.s32 $0x11CB0, s0;
	s14 =	sadd.s32 $0x60, s9  }
0x34c: {  	[hbm4b:s14+s3] =	stream.linear.scatter [tilespmem:s13], [sflag:$0x5], $0x80, $0x38;
	[tilespmem:$0x15D80] =	vst v63  }
0x34d: {  	s12 =	sadd.s32 $0x11D38, s0;
	s0 =	simm.s32 $0x0;
	s13 =	sadd.s32 $0x70, s9  }
0x34e: {  	[hbm4b:s13+s3] =	stream.linear.scatter [tilespmem:s12], [sflag:$0x5], $0x80, $0x38;
	[tilespmem:$0x15D80] =	vst v63  }
0x34f: {  	s14 =	sadd.s32 $0xC87, s6;
	v1 =	vld.idx.msk [tilespmem:v1+s0+$0x0], $0xffff  }
0x350: {  	v2 =	vadd.s32 s14, v0;
	_ =	sdelay $0x3  }
0x351: {  	[tilespmem:$0x9680] =	vst v1  }
0x352: {  	s10 =	sadd.s32 $0x1907, s6;
	v1 =	vld.idx.msk [tilespmem:v2+s0+$0x0], $0xffff  }
0x353: {  	v2 =	vadd.s32 s10, v0;
	_ =	sdelay $0x3  }
0x354: {  	[tilespmem:$0x9690] =	vst v1  }
0x355: {  	s11 =	sadd.s32 $0x2587, s6;
	v1 =	vld.idx.msk [tilespmem:v2+s0+$0x0], $0xffff  }
0x356: {  	v2 =	vadd.s32 s11, v0;
	_ =	sdelay $0x3  }
0x357: {  	[tilespmem:$0x96A0] =	vst v1  }
0x358: {  	s12 =	sadd.s32 $0x3207, s6;
	v1 =	vld.idx.msk [tilespmem:v2+s0+$0x0], $0xffff  }
0x359: {  	v2 =	vadd.s32 s12, v0;
	_ =	sdelay $0x3  }
0x35a: {  	[tilespmem:$0x96B0] =	vst v1  }
0x35b: {  	s13 =	sadd.s32 $0x3E87, s6;
	v1 =	vld.idx.msk [tilespmem:v2+s0+$0x0], $0xffff  }
0x35c: {  	v2 =	vadd.s32 s13, v0;
	_ =	sdelay $0x3  }
0x35d: {  	[tilespmem:$0x96C0] =	vst v1  }
0x35e: {  	s14 =	sadd.s32 $0x4B07, s6;
	v1 =	vld.idx.msk [tilespmem:v2+s0+$0x0], $0xffff  }
0x35f: {  	v2 =	vadd.s32 s14, v0;
	_ =	sdelay $0x3  }
0x360: {  	[tilespmem:$0x96D0] =	vst v1  }
0x361: {  	s10 =	sadd.s32 $0x5787, s6;
	v1 =	vld.idx.msk [tilespmem:v2+s0+$0x0], $0xffff  }
0x362: {  	v2 =	vadd.s32 s10, v0;
	_ =	sdelay $0x3  }
0x363: {  	[tilespmem:$0x96E0] =	vst v1  }
0x364: {  	v1 =	vld.idx.msk [tilespmem:v2+s0+$0x0], $0xffff;
	_ =	sdelay $0x4  }
0x365: {  	[tilespmem:$0x96F0] =	vst v1  }
0x366: {  	[tilespmem:s20], [sflag:$0x2] =	stream.indirect.gather [hbm4b:s4+s16], $0x40, s19, s16, $0xb8;
	[tilespmem:$0x15D80] =	vst v63  }
0x367: {  	_ =	swait.ge [sflag:s28], $0x2000  }
0x368: {  	[sflag:s28] =	ssyncset.done $0x0  }
0x369: {  	[sflag:s28] =	ssyncadd.s32 $0xFFFFE000  }
0x36a: {  	_ =	swait.ge [sflag:s1], $0x2000  }
0x36b: {  	s11 =	sshll.u32 s5, $0x6;
	[sflag:s1] =	ssyncset.done $0x0  }
0x36c: {  	s6 =	sand.u32 $0x3FFFFFC0, s11;
	[sflag:s1] =	ssyncadd.s32 $0xFFFFE000  }
0x36d: {  	s12 =	simm.s32 $0x3;
	s10 =	simm.s32 $0xD800;
	v49 =	vld [tilespmem:s6+$0x6400]  }
0x36e: {  	v1 =	vmov s12;
	v2 =	vld [tilespmem:s10+$0x40]  }
0x36f: {  	v1 =	vand.u32 $0x7F, v1  }
0x370: {  	v4 =	vmov s0;
	v3 =	vadd.s32 v19, v1;
	v46 =	vld [tilespmem:s6+$0x6410]  }
0x371: {  	v52 =	vand.u32 $0x7C, v4;
	s13 =	simm.s32 $0x1;
	v5 =	vld [tilespmem:s10+$0xFFFFFF80]  }
0x372: {  	v8 =	vadd.s32 v19, v52;
	v4 =	vmov s13;
	s14 =	simm.s32 $0x2;
	v6 =	vld [tilespmem:s10+$0xFFFFFFC0]  }
0x373: {  	v4 =	vand.u32 $0x7D, v4;
	v7 =	vmov s14;
	v9 =	vld [tilespmem:s10+$0x0];
	v2 =	vadd.f32 v2, v49  }
0x374: {  	v10 =	vadd.s32 v19, v4;
	v7 =	vand.u32 $0x7E, v7;
	v45 =	vld [tilespmem:s6+$0x6420]  }
0x375: {  	v11 =	vadd.s32 v19, v7;
	v44 =	vld [tilespmem:s6+$0x6430];
	[tilespmem:v3+s29+$0x0] =	vst.idx.msk $0xffff, v2  }
0x376: {  	v2 =	vadd.f32 v5, v49;
	v3 =	vld [tilespmem:s10+$0x50]  }
0x377: {  	v5 =	vadd.f32 v6, v49  }
0x378: {  	v58 =	vadd.s32 v25, v1;
	[tilespmem:v8+s29+$0x0] =	vst.idx.msk $0xffff, v2;
	v2 =	vadd.f32 v9, v49  }
0x379: {  	[tilespmem:v10+s29+$0x0] =	vst.idx.msk $0xffff, v5  }
0x37a: {  	v5 =	vld [tilespmem:s10+$0xFFFFFFD0];
	[tilespmem:v11+s29+$0x0] =	vst.idx.msk $0xffff, v2  }
0x37b: {  	v2 =	vld [tilespmem:s10+$0x10];
	v3 =	vadd.f32 v3, v46  }
0x37c: {  	s9 =	simm.s32 $0x4;
	s11 =	simm.s32 $0x7;
	v59 =	vadd.s32 v25, v4;
	s6 =	simm.s32 $0xD900;
	v8 =	vld [tilespmem:s10+$0xFFFFFF90]  }
0x37d: {  	v61 =	vmov s9;
	v62 =	vadd.s32 v25, v7;
	v63 =	vld [tilespmem:s6+$0x40];
	[tilespmem:v58+s29+$0x0] =	vst.idx.msk $0xffff, v3;
	v3 =	vmov s11  }
0x37e: {  	v12 =	vadd.s32 v25, v52;
	v48 =	vand.u32 $0x7C, v61;
	v47 =	vand.u32 $0x7F, v3;
	v3 =	vld [tilespmem:s10+$0x60]  }
0x37f: {  	v61 =	vadd.s32 v19, v48;
	s12 =	simm.s32 $0x5;
	v60 =	vld [tilespmem:s6+$0xFFFFFF80];
	v5 =	vadd.f32 v5, v46;
	v53 =	vadd.s32 v19, v47  }
0x380: {  	s13 =	simm.s32 $0x6;
	v50 =	vmov s12;
	v55 =	vadd.s32 v26, v1;
	v54 =	vld [tilespmem:s6+$0xFFFFFFC0];
	v2 =	vadd.f32 v2, v46  }
0x381: {  	v50 =	vand.u32 $0x7D, v50;
	v56 =	vld [tilespmem:s6+$0x0];
	v8 =	vadd.f32 v8, v46;
	[tilespmem:v59+s29+$0x0] =	vst.idx.msk $0xffff, v5;
	v5 =	vmov s13  }
0x382: {  	v51 =	vand.u32 $0x7E, v5;
	v5 =	vadd.f32 v63, v49;
	[tilespmem:v62+s29+$0x0] =	vst.idx.msk $0xffff, v2;
	v2 =	vadd.s32 v19, v50;
	v62 =	vld [tilespmem:s10+$0xFFFFFFE0]  }
0x383: {  	[tilespmem:v12+s29+$0x0] =	vst.idx.msk $0xffff, v8;
	v8 =	vadd.s32 v19, v51;
	v11 =	vld [tilespmem:s10+$0x20];
	v3 =	vadd.f32 v3, v45  }
0x384: {  	v10 =	vadd.f32 v60, v49;
	v12 =	vadd.s32 v26, v4;
	[tilespmem:v53+s29+$0x0] =	vst.idx.msk $0xffff, v5;
	v5 =	vld [tilespmem:s10+$0xFFFFFFA0]  }
0x385: {  	v58 =	vadd.s32 v26, v7;
	v63 =	vadd.f32 v54, v49;
	v54 =	vld [tilespmem:s6+$0x50];
	[tilespmem:v55+s29+$0x0] =	vst.idx.msk $0xffff, v3  }
0x386: {  	v9 =	vadd.s32 v26, v52;
	[tilespmem:v61+s29+$0x0] =	vst.idx.msk $0xffff, v10;
	v3 =	vadd.f32 v56, v49;
	v10 =	vld [tilespmem:s10+$0x70]  }
0x387: {  	v59 =	vld [tilespmem:s6+$0xFFFFFF90];
	[tilespmem:v2+s29+$0x0] =	vst.idx.msk $0xffff, v63;
	v2 =	vadd.s32 v25, v47;
	v6 =	vadd.f32 v62, v45  }
0x388: {  	v60 =	vld [tilespmem:s6+$0xFFFFFFD0];
	[tilespmem:v8+s29+$0x0] =	vst.idx.msk $0xffff, v3;
	v3 =	vadd.f32 v11, v45;
	v8 =	vadd.s32 v27, v1  }
0x389: {  	v62 =	vadd.s32 v25, v48;
	v57 =	vld [tilespmem:s6+$0x10];
	[tilespmem:v12+s29+$0x0] =	vst.idx.msk $0xffff, v6;
	v1 =	vadd.f32 v5, v45  }
0x38a: {  	s9 =	simm.s32 $0x8;
	v61 =	vadd.s32 v25, v50;
	v56 =	vld [tilespmem:s10+$0xFFFFFFF0];
	[tilespmem:v58+s29+$0x0] =	vst.idx.msk $0xffff, v3;
	v5 =	vadd.f32 v54, v46  }
0x38b: {  	v3 =	vmov s9;
	v54 =	vadd.s32 v25, v51;
	v55 =	vld [tilespmem:s10+$0x30];
	[tilespmem:v9+s29+$0x0] =	vst.idx.msk $0xffff, v1;
	v11 =	vadd.f32 v10, v44  }
0x38c: {  	s14 =	simm.s32 $0xB;
	s0 =	simm.s32 $0xDA00;
	v53 =	vand.u32 $0x7C, v3;
	v1 =	vadd.f32 v59, v46;
	v59 =	vadd.s32 v27, v4;
	[tilespmem:v2+s29+$0x0] =	vst.idx.msk $0xffff, v5;
	v58 =	vld [tilespmem:s10+$0xFFFFFFB0]  }
0x38d: {  	v63 =	vld [tilespmem:s0+$0x40];
	v3 =	vmov s14;
	s10 =	simm.s32 $0xC;
	v2 =	vadd.f32 v60, v46;
	v60 =	vadd.s32 v27, v7;
	[tilespmem:v8+s29+$0x0] =	vst.idx.msk $0xffff, v11  }
.LBB2_23:
0x38e: {  	p0 =	slt.u32 s10, $0x7C;
	s11 =	sadd.s32 $0x1, s9;
	v3 =	vand.u32 $0x7F, v3;
	[tilespmem:v62+s29+$0x0] =	vst.idx.msk $0xffff, v1;
	v1 =	vadd.f32 v57, v46;
	v4 =	vld [tilespmem:s6+$0x60];
	v5 =	vadd.s32 v27, v52  }
0x38f: {  	v9 =	vmovc v51;
	v6 =	vld [tilespmem:s0+$0xFFFFFF80];
	v7 =	vmov s11;
	s11 =	sadd.s32 $0x2, s9;
	v8 =	vadd.s32 v19, v3;
	[tilespmem:v61+s29+$0x0] =	vst.idx.msk $0xffff, v2;
	v2 =	vadd.f32 v56, v44;
	s9 =	smov.u32 s10  }
0x390: {  	v52 =	vmovc v48;
	v10 =	vld [tilespmem:s0+$0xFFFFFFC0];
	v11 =	vmov s11;
	[tilespmem:v54+s29+$0x0] =	vst.idx.msk $0xffff, v1;
	v1 =	vadd.s32 v26, v47;
	v12 =	vadd.f32 v55, v44  }
0x391: {  	v54 =	vadd.s32 v19, v53;
	v7 =	vand.u32 $0x7D, v7;
	v55 =	vld [tilespmem:s0+$0x0];
	v58 =	vadd.f32 v58, v44;
	[tilespmem:v59+s29+$0x0] =	vst.idx.msk $0xffff, v2  }
0x392: {  	v2 =	vadd.s32 v19, v7;
	v51 =	vand.u32 $0x7E, v11;
	v11 =	vadd.f32 v63, v49;
	v56 =	vld [tilespmem:s6+$0xFFFFFFE0];
	[tilespmem:v60+s29+$0x0] =	vst.idx.msk $0xffff, v12  }
0x393: {  	v48 =	vmov v53;
	v12 =	vadd.s32 v19, v51;
	v57 =	vld [tilespmem:s6+$0x20];
	v4 =	vadd.f32 v4, v45;
	[tilespmem:v5+s29+$0x0] =	vst.idx.msk $0xffff, v58  }
0x394: {  	v5 =	vadd.f32 v6, v49;
	[tilespmem:v8+s29+$0x0] =	vst.idx.msk $0xffff, v11;
	v6 =	vld [tilespmem:s6+$0xFFFFFFA0];
	v8 =	vadd.s32 v26, v50  }
0x395: {  	v53 =	vadd.s32 v26, v9;
	v10 =	vadd.f32 v10, v49;
	v11 =	vld [tilespmem:s0+$0x50];
	[tilespmem:v1+s29+$0x0] =	vst.idx.msk $0xffff, v4  }
0x396: {  	v4 =	vadd.s32 v26, v52;
	[tilespmem:v54+s29+$0x0] =	vst.idx.msk $0xffff, v5;
	v1 =	vadd.f32 v55, v49;
	v5 =	vld [tilespmem:s6+$0x70]  }
0x397: {  	v58 =	vld [tilespmem:s0+$0xFFFFFF90];
	[tilespmem:v2+s29+$0x0] =	vst.idx.msk $0xffff, v10;
	v2 =	vadd.s32 v25, v3;
	v10 =	vadd.f32 v56, v45  }
0x398: {  	v60 =	vld [tilespmem:s0+$0xFFFFFFD0];
	[tilespmem:v12+s29+$0x0] =	vst.idx.msk $0xffff, v1;
	v1 =	vadd.f32 v57, v45;
	v12 =	vadd.s32 v27, v47;
	v47 =	vmov v3  }
.Ltmp10:
0x399: {  	v62 =	vadd.s32 v25, v48;
	v57 =	vld [tilespmem:s0+$0x10];
	v3 =	vadd.f32 v6, v45;
	[tilespmem:v8+s29+$0x0] =	vst.idx.msk $0xffff, v10;
	(pc) =	sbr.rel @p0 .LBB2_23-.Ltmp10, $4  }
0x39a: {  	v61 =	vadd.s32 v25, v7;
	v6 =	vadd.f32 v11, v46;
	v56 =	vld [tilespmem:s6+$0xFFFFFFF0];
	[tilespmem:v53+s29+$0x0] =	vst.idx.msk $0xffff, v1  }
0x39b: {  	v54 =	vadd.s32 v25, v51;
	v1 =	vmov s10;
	[tilespmem:v4+s29+$0x0] =	vst.idx.msk $0xffff, v3;
	v55 =	vld [tilespmem:s6+$0x30];
	v4 =	vadd.f32 v5, v44  }
0x39c: {  	s11 =	sadd.s32 $0x3, s10;
	v59 =	vadd.s32 v27, v50;
	v53 =	vand.u32 $0x7C, v1;
	v1 =	vadd.f32 v58, v46;
	[tilespmem:v2+s29+$0x0] =	vst.idx.msk $0xffff, v6;
	v58 =	vld [tilespmem:s6+$0xFFFFFFB0];
	s6 =	smov.u32 s0;
	s0 =	sadd.s32 $0x100, s0  }
0x39d: {  	v50 =	vmovc v7;
	s10 =	sadd.s32 $0x4, s10;
	v3 =	vmov s11;
	v63 =	vld [tilespmem:s0+$0x40];
	v2 =	vadd.f32 v60, v46;
	v60 =	vadd.s32 v27, v9;
	[tilespmem:v12+s29+$0x0] =	vst.idx.msk $0xffff, v4  }
0x39e: {  	s10 =	sadd.s32 $0x1, s9  }
0x39f: {  	v3 =	vand.u32 $0x7F, v3;
	s14 =	sadd.s32 $0x2, s9;
	v5 =	vld [tilespmem:s0+$0xFFFFFFC0];
	v4 =	vmov s10  }
0x3a0: {  	v8 =	vld [tilespmem:s0+$0x0];
	v6 =	vadd.s32 v19, v3;
	v7 =	vmov s14;
	v4 =	vand.u32 $0x7D, v4  }
0x3a1: {  	v9 =	vld [tilespmem:s0+$0xFFFFFF80];
	v7 =	vand.u32 $0x7E, v7;
	v10 =	vadd.s32 v19, v4  }
0x3a2: {  	v11 =	vadd.s32 v19, v7  }
0x3a3: {  	[tilespmem:v62+s29+$0x0] =	vst.idx.msk $0xffff, v1;
	v1 =	vadd.s32 v19, v53;
	v12 =	vadd.f32 v63, v49  }
0x3a4: {  	[tilespmem:v61+s29+$0x0] =	vst.idx.msk $0xffff, v2;
	v2 =	vadd.f32 v5, v49  }
0x3a5: {  	v63 =	vadd.f32 v8, v49;
	[tilespmem:v6+s29+$0x0] =	vst.idx.msk $0xffff, v12  }
0x3a6: {  	v49 =	vadd.f32 v9, v49;
	v8 =	vld [tilespmem:s0+$0x50];
	[tilespmem:v10+s29+$0x0] =	vst.idx.msk $0xffff, v2  }
0x3a7: {  	v9 =	vadd.s32 v27, v52;
	v2 =	vadd.f32 v57, v46;
	[tilespmem:v11+s29+$0x0] =	vst.idx.msk $0xffff, v63;
	v10 =	vld [tilespmem:s0+$0xFFFFFFD0]  }
0x3a8: {  	[tilespmem:v1+s29+$0x0] =	vst.idx.msk $0xffff, v49;
	v1 =	vadd.s32 v25, v3;
	v57 =	vadd.f32 v56, v44;
	v6 =	vld [tilespmem:s0+$0x10]  }
0x3a9: {  	v12 =	vadd.s32 v25, v4;
	v61 =	vld [tilespmem:s0+$0xFFFFFF90];
	[tilespmem:v54+s29+$0x0] =	vst.idx.msk $0xffff, v2;
	v2 =	vadd.f32 v55, v44  }
0x3aa: {  	v62 =	vadd.f32 v58, v44;
	v5 =	vadd.s32 v25, v7;
	v49 =	vld [tilespmem:s6+$0x60];
	[tilespmem:v59+s29+$0x0] =	vst.idx.msk $0xffff, v57  }
0x3ab: {  	v63 =	vld [tilespmem:s6+$0xFFFFFFE0];
	[tilespmem:v60+s29+$0x0] =	vst.idx.msk $0xffff, v2;
	v2 =	vadd.s32 v25, v53;
	v8 =	vadd.f32 v8, v46  }
0x3ac: {  	v55 =	vadd.s32 v26, v47;
	[tilespmem:v9+s29+$0x0] =	vst.idx.msk $0xffff, v62;
	v56 =	vld [tilespmem:s6+$0x20];
	v59 =	vadd.f32 v10, v46  }
0x3ad: {  	v52 =	vadd.s32 v26, v50;
	v10 =	vld [tilespmem:s6+$0xFFFFFFA0];
	[tilespmem:v1+s29+$0x0] =	vst.idx.msk $0xffff, v8;
	v1 =	vadd.f32 v6, v46  }
0x3ae: {  	v60 =	vadd.f32 v61, v46;
	v6 =	vadd.s32 v26, v51;
	v61 =	vld [tilespmem:s0+$0x60];
	[tilespmem:v12+s29+$0x0] =	vst.idx.msk $0xffff, v59  }
0x3af: {  	v62 =	vadd.f32 v49, v45;
	v12 =	vadd.s32 v26, v48;
	[tilespmem:v5+s29+$0x0] =	vst.idx.msk $0xffff, v1;
	v1 =	vld [tilespmem:s0+$0xFFFFFFE0]  }
0x3b0: {  	v63 =	vadd.f32 v63, v45;
	[tilespmem:v2+s29+$0x0] =	vst.idx.msk $0xffff, v60;
	v2 =	vadd.s32 v26, v3;
	v8 =	vld [tilespmem:s0+$0x20]  }
0x3b1: {  	v49 =	vadd.s32 v26, v4;
	[tilespmem:v55+s29+$0x0] =	vst.idx.msk $0xffff, v62;
	v57 =	vadd.f32 v56, v45;
	v58 =	vld [tilespmem:s0+$0xFFFFFFA0]  }
0x3b2: {  	[tilespmem:v52+s29+$0x0] =	vst.idx.msk $0xffff, v63;
	v59 =	vld [tilespmem:s6+$0x70];
	v5 =	vadd.s32 v26, v7;
	v10 =	vadd.f32 v10, v45  }
0x3b3: {  	v52 =	vld [tilespmem:s6+$0xFFFFFFF0];
	[tilespmem:v6+s29+$0x0] =	vst.idx.msk $0xffff, v57;
	v60 =	vadd.f32 v61, v45;
	v61 =	vadd.s32 v26, v53  }
0x3b4: {  	v62 =	vadd.s32 v27, v47;
	v63 =	vld [tilespmem:s6+$0x30];
	[tilespmem:v12+s29+$0x0] =	vst.idx.msk $0xffff, v10;
	v1 =	vadd.f32 v1, v45  }
0x3b5: {  	v55 =	vadd.s32 v27, v50;
	v12 =	vld [tilespmem:s6+$0xFFFFFFB0];
	[tilespmem:v2+s29+$0x0] =	vst.idx.msk $0xffff, v60;
	v2 =	vadd.f32 v8, v45  }
0x3b6: {  	v56 =	vadd.s32 v27, v51;
	v57 =	vld [tilespmem:s0+$0x70];
	v58 =	vadd.f32 v58, v45;
	[tilespmem:v49+s29+$0x0] =	vst.idx.msk $0xffff, v1  }
0x3b7: {  	v1 =	vadd.f32 v59, v44;
	v59 =	vadd.s32 v27, v48;
	[tilespmem:v5+s29+$0x0] =	vst.idx.msk $0xffff, v2;
	v60 =	vld [tilespmem:s0+$0xFFFFFFF0]  }
0x3b8: {  	v3 =	vadd.s32 v27, v3;
	v2 =	vadd.f32 v52, v44;
	[tilespmem:v61+s29+$0x0] =	vst.idx.msk $0xffff, v58;
	v5 =	vld [tilespmem:s0+$0x30]  }
0x3b9: {  	v4 =	vadd.s32 v27, v4;
	[tilespmem:v62+s29+$0x0] =	vst.idx.msk $0xffff, v1;
	v1 =	vadd.f32 v63, v44;
	v9 =	vld [tilespmem:s0+$0xFFFFFFB0]  }
0x3ba: {  	[tilespmem:v55+s29+$0x0] =	vst.idx.msk $0xffff, v2;
	v2 =	vadd.s32 v27, v7;
	v61 =	vadd.f32 v12, v44  }
0x3bb: {  	v62 =	vadd.s32 v27, v53;
	[tilespmem:v56+s29+$0x0] =	vst.idx.msk $0xffff, v1;
	v1 =	vadd.f32 v57, v44  }
0x3bc: {  	[tilespmem:v59+s29+$0x0] =	vst.idx.msk $0xffff, v61;
	v63 =	vadd.f32 v60, v44  }
0x3bd: {  	s5 =	sshll.u32 s5, $0x12;
	[tilespmem:v3+s29+$0x0] =	vst.idx.msk $0xffff, v1;
	v1 =	vadd.f32 v5, v44  }
0x3be: {  	s0 =	sor.u32 s7, s5;
	v3 =	vadd.f32 v9, v44;
	[tilespmem:v4+s29+$0x0] =	vst.idx.msk $0xffff, v63  }
0x3bf: {  	s0 =	sshrl.u32 s0, $0x3;
	[tilespmem:v2+s29+$0x0] =	vst.idx.msk $0xffff, v1  }
0x3c0: {  	s6 =	simm.s32 $0x13B80;
	s5 =	sadd.s32 s2, s0;
	[tilespmem:v62+s29+$0x0] =	vst.idx.msk $0xffff, v3  }
0x3c1: {  	[hbm4b:s5+s3] =	stream.linear.scatter [tilespmem:s6], [sflag:$0x6], $0x80, $0x38;
	[tilespmem:$0x15D80] =	vst v63  }
0x3c2: {  	s9 =	simm.s32 $0x13C08;
	s10 =	sadd.s32 $0x10, s5  }
0x3c3: {  	[hbm4b:s10+s3] =	stream.linear.scatter [tilespmem:s9], [sflag:$0x6], $0x80, $0x38;
	[tilespmem:$0x15D80] =	vst v63  }
0x3c4: {  	s11 =	simm.s32 $0x13C90;
	s13 =	simm.s32 $0x13D18;
	s12 =	sadd.s32 $0x20, s5  }
0x3c5: {  	[hbm4b:s12+s3] =	stream.linear.scatter [tilespmem:s11], [sflag:$0x6], $0x80, $0x38;
	[tilespmem:$0x15D80] =	vst v63  }
0x3c6: {  	s0 =	simm.s32 $0x440;
	s14 =	sadd.s32 $0x30, s5;
	s6 =	simm.s32 $0x2200  }
0x3c7: {  	[hbm4b:s14+s3] =	stream.linear.scatter [tilespmem:s13], [sflag:$0x6], $0x80, $0x38;
	[tilespmem:$0x15D80] =	vst v63  }
0x3c8: {  	s9 =	simm.s32 $0x13DA0;
	s10 =	sadd.s32 $0x40, s5;
	s11 =	simm.s32 $0x13E28  }
0x3c9: {  	[hbm4b:s10+s3] =	stream.linear.scatter [tilespmem:s9], [sflag:$0x6], $0x80, $0x38;
	[tilespmem:$0x15D80] =	vst v63  }
0x3ca: {  	s12 =	sadd.s32 $0x50, s5;
	s13 =	simm.s32 $0x13EB0;
	s14 =	sadd.s32 $0x60, s5  }
0x3cb: {  	[hbm4b:s12+s3] =	stream.linear.scatter [tilespmem:s11], [sflag:$0x6], $0x80, $0x38;
	[tilespmem:$0x15D80] =	vst v63  }
0x3cc: {  	s9 =	simm.s32 $0x13F38;
	s10 =	sadd.s32 $0x70, s5;
	s5 =	sadd.s32 $0x1000, s5  }
0x3cd: {  	[hbm4b:s14+s3] =	stream.linear.scatter [tilespmem:s13], [sflag:$0x6], $0x80, $0x38;
	[tilespmem:$0x15D80] =	vst v63  }
.LBB2_25:
0x3ce: {  	[hbm4b:s10+s3] =	stream.linear.scatter [tilespmem:s9], [sflag:$0x6], $0x80, $0x38;
	[tilespmem:$0x15D80] =	vst v63  }
0x3cf: {  	s9 =	smov.u32 s0;
	s0 =	smov.u32 s6  }
0x3d0: {  	s11 =	sadd.s32 $0x1100, s6;
	s0 =	sshra.s32 s0, $0x2;
	s10 =	sadd.s32 $0x13B80, s9  }
0x3d1: {  	[hbm4b:s5+s3] =	stream.linear.scatter [tilespmem:s10], [sflag:$0x6], $0x80, $0x38;
	[tilespmem:$0x15D80] =	vst v63  }
0x3d2: {  	p0 =	sne.s32 s6, $0x7700;
	s6 =	sadd.s32 $0x13C08, s9;
	s10 =	sadd.s32 $0x10, s5  }
0x3d3: {  	[hbm4b:s10+s3] =	stream.linear.scatter [tilespmem:s6], [sflag:$0x6], $0x80, $0x38;
	[tilespmem:$0x15D80] =	vst v63  }
0x3d4: {  	s6 =	sadd.s32 $0x13C90, s9;
	s10 =	sadd.s32 $0x20, s5  }
0x3d5: {  	[hbm4b:s10+s3] =	stream.linear.scatter [tilespmem:s6], [sflag:$0x6], $0x80, $0x38;
	[tilespmem:$0x15D80] =	vst v63  }
0x3d6: {  	s6 =	sadd.s32 $0x13D18, s9;
	s10 =	sadd.s32 $0x30, s5  }
0x3d7: {  	[hbm4b:s10+s3] =	stream.linear.scatter [tilespmem:s6], [sflag:$0x6], $0x80, $0x38;
	[tilespmem:$0x15D80] =	vst v63  }
0x3d8: {  	s6 =	sadd.s32 $0x13DA0, s9;
	s10 =	sadd.s32 $0x40, s5  }
0x3d9: {  	[hbm4b:s10+s3] =	stream.linear.scatter [tilespmem:s6], [sflag:$0x6], $0x80, $0x38;
	[tilespmem:$0x15D80] =	vst v63  }
.Ltmp11:
0x3da: {  	s6 =	sadd.s32 $0x13E28, s9;
	s10 =	sadd.s32 $0x50, s5;
	(pc) =	sbr.rel @p0 .LBB2_25-.Ltmp11, $4  }
0x3db: {  	[hbm4b:s10+s3] =	stream.linear.scatter [tilespmem:s6], [sflag:$0x6], $0x80, $0x38;
	[tilespmem:$0x15D80] =	vst v63  }
0x3dc: {  	s6 =	sadd.s32 $0x13EB0, s9;
	s10 =	sadd.s32 $0x60, s5;
	s9 =	sadd.s32 $0x13F38, s9  }
0x3dd: {  	[hbm4b:s10+s3] =	stream.linear.scatter [tilespmem:s6], [sflag:$0x6], $0x80, $0x38;
	[tilespmem:$0x15D80] =	vst v63  }
0x3de: {  	s10 =	sadd.s32 $0x70, s5;
	s5 =	sadd.s32 $0x1000, s5;
	s6 =	smov.u32 s11  }
0x3df: {  	[hbm4b:s10+s3] =	stream.linear.scatter [tilespmem:s9], [sflag:$0x6], $0x80, $0x38;
	[tilespmem:$0x15D80] =	vst v63  }
0x3e0: {  	s6 =	sadd.s32 $0x13B80, s0  }
0x3e1: {  	[hbm4b:s5+s3] =	stream.linear.scatter [tilespmem:s6], [sflag:$0x6], $0x80, $0x38;
	[tilespmem:$0x15D80] =	vst v63  }
0x3e2: {  	s13 =	sadd.s32 $0x13C08, s0;
	s14 =	sadd.s32 $0x10, s5  }
0x3e3: {  	[hbm4b:s14+s3] =	stream.linear.scatter [tilespmem:s13], [sflag:$0x6], $0x80, $0x38;
	[tilespmem:$0x15D80] =	vst v63  }
0x3e4: {  	s9 =	sadd.s32 $0x13C90, s0;
	s10 =	sadd.s32 $0x20, s5  }
0x3e5: {  	[hbm4b:s10+s3] =	stream.linear.scatter [tilespmem:s9], [sflag:$0x6], $0x80, $0x38;
	[tilespmem:$0x15D80] =	vst v63  }
0x3e6: {  	s11 =	sadd.s32 $0x13D18, s0;
	s12 =	sadd.s32 $0x30, s5  }
0x3e7: {  	[hbm4b:s12+s3] =	stream.linear.scatter [tilespmem:s11], [sflag:$0x6], $0x80, $0x38;
	[tilespmem:$0x15D80] =	vst v63  }
0x3e8: {  	s15 =	sadd.s32 $0x1, s15;
	s13 =	sadd.s32 $0x13DA0, s0;
	s14 =	sadd.s32 $0x40, s5  }
0x3e9: {  	[hbm4b:s14+s3] =	stream.linear.scatter [tilespmem:s13], [sflag:$0x6], $0x80, $0x38;
	[tilespmem:$0x15D80] =	vst v63  }
0x3ea: {  	p0 =	sne.s32 s15, $0x41;
	s9 =	sadd.s32 $0x13E28, s0;
	s10 =	sadd.s32 $0x50, s5  }
0x3eb: {  	[hbm4b:s10+s3] =	stream.linear.scatter [tilespmem:s9], [sflag:$0x6], $0x80, $0x38;
	[tilespmem:$0x15D80] =	vst v63  }
.Ltmp12:
0x3ec: {  	_ = 	snop;
	(pc) =	sbr.rel @p0 .LBB2_14-.Ltmp12, $4  }
0x3ed: {  	s11 =	sadd.s32 $0x13EB0, s0;
	s12 =	sadd.s32 $0x60, s5  }
0x3ee: {  	[hbm4b:s12+s3] =	stream.linear.scatter [tilespmem:s11], [sflag:$0x6], $0x80, $0x38;
	[tilespmem:$0x15D80] =	vst v63  }
0x3ef: {  	s13 =	sadd.s32 $0x13F38, s0;
	s14 =	sadd.s32 $0x70, s5  }
0x3f0: {  	[hbm4b:s14+s3] =	stream.linear.scatter [tilespmem:s13], [sflag:$0x6], $0x80, $0x38;
	[tilespmem:$0x15D80] =	vst v63  }
0x3f1: {  	_ =	swait.ge [sflag:s23], $0x2000  }
0x3f2: {  	[sflag:s23] =	ssyncset.done $0x0  }
0x3f3: {  	[sflag:s23] =	ssyncadd.s32 $0xFFFFE000  }
0x3f4: {  	_ =	swait.ge [sflag:s30], $0x2000  }
0x3f5: {  	[sflag:s30] =	ssyncset.done $0x0  }
0x3f6: {  	[sflag:s30] =	ssyncadd.s32 $0xFFFFE000  }
0x3f7: {  	s9 =	simm.s32 $0x9800;
	s0 =	simm.s32 $0x3;
	v49 =	vld [tilespmem:$0x9580]  }
0x3f8: {  	v1 =	vmov s0;
	v2 =	vld [tilespmem:s9+$0x40]  }
0x3f9: {  	v1 =	vand.u32 $0x7F, v1  }
0x3fa: {  	s11 =	simm.s32 $0x0;
	v3 =	vadd.s32 v19, v1;
	v46 =	vld [tilespmem:$0x9590]  }
0x3fb: {  	s12 =	simm.s32 $0x1;
	s5 =	simm.s32 $0x2;
	v4 =	vmov s11;
	v5 =	vld [tilespmem:s9+$0xFFFFFF80]  }
0x3fc: {  	v7 =	vmov s5;
	v52 =	vand.u32 $0x7C, v4;
	v4 =	vmov s12;
	v6 =	vld [tilespmem:s9+$0xFFFFFFC0]  }
0x3fd: {  	v8 =	vadd.s32 v19, v52;
	v4 =	vand.u32 $0x7D, v4;
	v9 =	vld [tilespmem:s9+$0x0];
	v2 =	vadd.f32 v2, v49  }
0x3fe: {  	v7 =	vand.u32 $0x7E, v7;
	v10 =	vadd.s32 v19, v4;
	v45 =	vld [tilespmem:$0x95A0]  }
0x3ff: {  	v11 =	vadd.s32 v19, v7;
	v44 =	vld [tilespmem:$0x95B0];
	[tilespmem:v3+s24+$0x0] =	vst.idx.msk $0xffff, v2  }
0x400: {  	v2 =	vadd.f32 v5, v49;
	v3 =	vld [tilespmem:s9+$0x50]  }
0x401: {  	v5 =	vadd.f32 v6, v49  }
0x402: {  	v58 =	vadd.s32 v25, v1;
	[tilespmem:v8+s24+$0x0] =	vst.idx.msk $0xffff, v2;
	v2 =	vadd.f32 v9, v49  }
0x403: {  	[tilespmem:v10+s24+$0x0] =	vst.idx.msk $0xffff, v5  }
0x404: {  	v5 =	vld [tilespmem:s9+$0xFFFFFFD0];
	[tilespmem:v11+s24+$0x0] =	vst.idx.msk $0xffff, v2  }
0x405: {  	v2 =	vld [tilespmem:s9+$0x10];
	v3 =	vadd.f32 v3, v46  }
0x406: {  	s13 =	simm.s32 $0x4;
	s6 =	simm.s32 $0x7;
	s5 =	simm.s32 $0x9900;
	v59 =	vadd.s32 v25, v4;
	v8 =	vld [tilespmem:s9+$0xFFFFFF90]  }
0x407: {  	s14 =	simm.s32 $0x5;
	v61 =	vmov s13;
	v62 =	vadd.s32 v25, v7;
	v63 =	vld [tilespmem:s5+$0x40];
	[tilespmem:v58+s24+$0x0] =	vst.idx.msk $0xffff, v3;
	v3 =	vmov s6  }
0x408: {  	v50 =	vmov s14;
	v12 =	vadd.s32 v25, v52;
	v47 =	vand.u32 $0x7F, v3;
	v3 =	vld [tilespmem:s9+$0x60]  }
0x409: {  	v48 =	vand.u32 $0x7C, v61;
	v60 =	vld [tilespmem:s5+$0xFFFFFF80];
	v5 =	vadd.f32 v5, v46;
	v53 =	vadd.s32 v19, v47  }
0x40a: {  	s15 =	simm.s32 $0x6;
	v50 =	vand.u32 $0x7D, v50;
	v55 =	vadd.s32 v26, v1;
	v54 =	vld [tilespmem:s5+$0xFFFFFFC0];
	v2 =	vadd.f32 v2, v46  }
0x40b: {  	v61 =	vadd.s32 v19, v48;
	v56 =	vld [tilespmem:s5+$0x0];
	v8 =	vadd.f32 v8, v46;
	[tilespmem:v59+s24+$0x0] =	vst.idx.msk $0xffff, v5;
	v5 =	vmov s15  }
0x40c: {  	v51 =	vand.u32 $0x7E, v5;
	v5 =	vadd.f32 v63, v49;
	[tilespmem:v62+s24+$0x0] =	vst.idx.msk $0xffff, v2;
	v2 =	vadd.s32 v19, v50;
	v62 =	vld [tilespmem:s9+$0xFFFFFFE0]  }
0x40d: {  	[tilespmem:v12+s24+$0x0] =	vst.idx.msk $0xffff, v8;
	v8 =	vadd.s32 v19, v51;
	v11 =	vld [tilespmem:s9+$0x20];
	v3 =	vadd.f32 v3, v45  }
0x40e: {  	v10 =	vadd.f32 v60, v49;
	v12 =	vadd.s32 v26, v4;
	[tilespmem:v53+s24+$0x0] =	vst.idx.msk $0xffff, v5;
	v5 =	vld [tilespmem:s9+$0xFFFFFFA0]  }
0x40f: {  	v58 =	vadd.s32 v26, v7;
	v63 =	vadd.f32 v54, v49;
	v54 =	vld [tilespmem:s5+$0x50];
	[tilespmem:v55+s24+$0x0] =	vst.idx.msk $0xffff, v3  }
0x410: {  	v9 =	vadd.s32 v26, v52;
	[tilespmem:v61+s24+$0x0] =	vst.idx.msk $0xffff, v10;
	v3 =	vadd.f32 v56, v49;
	v10 =	vld [tilespmem:s9+$0x70]  }
0x411: {  	v59 =	vld [tilespmem:s5+$0xFFFFFF90];
	[tilespmem:v2+s24+$0x0] =	vst.idx.msk $0xffff, v63;
	v2 =	vadd.s32 v25, v47;
	v6 =	vadd.f32 v62, v45  }
0x412: {  	v60 =	vld [tilespmem:s5+$0xFFFFFFD0];
	[tilespmem:v8+s24+$0x0] =	vst.idx.msk $0xffff, v3;
	v3 =	vadd.f32 v11, v45;
	v8 =	vadd.s32 v27, v1  }
0x413: {  	v62 =	vadd.s32 v25, v48;
	v57 =	vld [tilespmem:s5+$0x10];
	[tilespmem:v12+s24+$0x0] =	vst.idx.msk $0xffff, v6;
	v1 =	vadd.f32 v5, v45  }
0x414: {  	v61 =	vadd.s32 v25, v50;
	s6 =	simm.s32 $0x8;
	v56 =	vld [tilespmem:s9+$0xFFFFFFF0];
	[tilespmem:v58+s24+$0x0] =	vst.idx.msk $0xffff, v3;
	v5 =	vadd.f32 v54, v46  }
0x415: {  	v3 =	vmov s6;
	v54 =	vadd.s32 v25, v51;
	v55 =	vld [tilespmem:s9+$0x30];
	[tilespmem:v9+s24+$0x0] =	vst.idx.msk $0xffff, v1;
	v11 =	vadd.f32 v10, v44  }
0x416: {  	s10 =	simm.s32 $0xB;
	s0 =	simm.s32 $0x9A00;
	v53 =	vand.u32 $0x7C, v3;
	v1 =	vadd.f32 v59, v46;
	v59 =	vadd.s32 v27, v4;
	[tilespmem:v2+s24+$0x0] =	vst.idx.msk $0xffff, v5;
	v58 =	vld [tilespmem:s9+$0xFFFFFFB0]  }
0x417: {  	v63 =	vld [tilespmem:s0+$0x40];
	v3 =	vmov s10;
	s9 =	simm.s32 $0xC;
	v2 =	vadd.f32 v60, v46;
	v60 =	vadd.s32 v27, v7;
	[tilespmem:v8+s24+$0x0] =	vst.idx.msk $0xffff, v11  }
.LBB2_28:
0x418: {  	p0 =	slt.u32 s9, $0x7C;
	s10 =	sadd.s32 $0x1, s6;
	v3 =	vand.u32 $0x7F, v3;
	[tilespmem:v62+s24+$0x0] =	vst.idx.msk $0xffff, v1;
	v1 =	vadd.f32 v57, v46;
	v4 =	vld [tilespmem:s5+$0x60];
	v5 =	vadd.s32 v27, v52  }
0x419: {  	v9 =	vmovc v51;
	v6 =	vld [tilespmem:s0+$0xFFFFFF80];
	v7 =	vmov s10;
	s10 =	sadd.s32 $0x2, s6;
	v8 =	vadd.s32 v19, v3;
	[tilespmem:v61+s24+$0x0] =	vst.idx.msk $0xffff, v2;
	v2 =	vadd.f32 v56, v44;
	s6 =	smov.u32 s9  }
0x41a: {  	v52 =	vmovc v48;
	v10 =	vld [tilespmem:s0+$0xFFFFFFC0];
	v11 =	vmov s10;
	[tilespmem:v54+s24+$0x0] =	vst.idx.msk $0xffff, v1;
	v1 =	vadd.s32 v26, v47;
	v12 =	vadd.f32 v55, v44  }
0x41b: {  	v54 =	vadd.s32 v19, v53;
	v7 =	vand.u32 $0x7D, v7;
	v55 =	vld [tilespmem:s0+$0x0];
	v58 =	vadd.f32 v58, v44;
	[tilespmem:v59+s24+$0x0] =	vst.idx.msk $0xffff, v2  }
0x41c: {  	v2 =	vadd.s32 v19, v7;
	v51 =	vand.u32 $0x7E, v11;
	v11 =	vadd.f32 v63, v49;
	v56 =	vld [tilespmem:s5+$0xFFFFFFE0];
	[tilespmem:v60+s24+$0x0] =	vst.idx.msk $0xffff, v12  }
0x41d: {  	v48 =	vmov v53;
	v12 =	vadd.s32 v19, v51;
	v57 =	vld [tilespmem:s5+$0x20];
	v4 =	vadd.f32 v4, v45;
	[tilespmem:v5+s24+$0x0] =	vst.idx.msk $0xffff, v58  }
0x41e: {  	v5 =	vadd.f32 v6, v49;
	[tilespmem:v8+s24+$0x0] =	vst.idx.msk $0xffff, v11;
	v6 =	vld [tilespmem:s5+$0xFFFFFFA0];
	v8 =	vadd.s32 v26, v50  }
0x41f: {  	v53 =	vadd.s32 v26, v9;
	v10 =	vadd.f32 v10, v49;
	v11 =	vld [tilespmem:s0+$0x50];
	[tilespmem:v1+s24+$0x0] =	vst.idx.msk $0xffff, v4  }
0x420: {  	v4 =	vadd.s32 v26, v52;
	[tilespmem:v54+s24+$0x0] =	vst.idx.msk $0xffff, v5;
	v1 =	vadd.f32 v55, v49;
	v5 =	vld [tilespmem:s5+$0x70]  }
0x421: {  	v58 =	vld [tilespmem:s0+$0xFFFFFF90];
	[tilespmem:v2+s24+$0x0] =	vst.idx.msk $0xffff, v10;
	v2 =	vadd.s32 v25, v3;
	v10 =	vadd.f32 v56, v45  }
0x422: {  	v60 =	vld [tilespmem:s0+$0xFFFFFFD0];
	[tilespmem:v12+s24+$0x0] =	vst.idx.msk $0xffff, v1;
	v1 =	vadd.f32 v57, v45;
	v12 =	vadd.s32 v27, v47;
	v47 =	vmov v3  }
.Ltmp13:
0x423: {  	v62 =	vadd.s32 v25, v48;
	v57 =	vld [tilespmem:s0+$0x10];
	v3 =	vadd.f32 v6, v45;
	[tilespmem:v8+s24+$0x0] =	vst.idx.msk $0xffff, v10;
	(pc) =	sbr.rel @p0 .LBB2_28-.Ltmp13, $4  }
0x424: {  	v61 =	vadd.s32 v25, v7;
	v6 =	vadd.f32 v11, v46;
	v56 =	vld [tilespmem:s5+$0xFFFFFFF0];
	[tilespmem:v53+s24+$0x0] =	vst.idx.msk $0xffff, v1  }
0x425: {  	v54 =	vadd.s32 v25, v51;
	v1 =	vmov s9;
	[tilespmem:v4+s24+$0x0] =	vst.idx.msk $0xffff, v3;
	v55 =	vld [tilespmem:s5+$0x30];
	v4 =	vadd.f32 v5, v44  }
0x426: {  	s10 =	sadd.s32 $0x3, s9;
	v59 =	vadd.s32 v27, v50;
	v53 =	vand.u32 $0x7C, v1;
	v1 =	vadd.f32 v58, v46;
	[tilespmem:v2+s24+$0x0] =	vst.idx.msk $0xffff, v6;
	v58 =	vld [tilespmem:s5+$0xFFFFFFB0];
	s5 =	smov.u32 s0;
	s0 =	sadd.s32 $0x100, s0  }
0x427: {  	v50 =	vmovc v7;
	s9 =	sadd.s32 $0x4, s9;
	v3 =	vmov s10;
	v63 =	vld [tilespmem:s0+$0x40];
	v2 =	vadd.f32 v60, v46;
	v60 =	vadd.s32 v27, v9;
	[tilespmem:v12+s24+$0x0] =	vst.idx.msk $0xffff, v4  }
0x428: {  	s9 =	sadd.s32 $0x1, s6  }
0x429: {  	v3 =	vand.u32 $0x7F, v3;
	v5 =	vld [tilespmem:s0+$0xFFFFFFC0];
	v4 =	vmov s9;
	s9 =	sadd.s32 $0x2, s6  }
0x42a: {  	v8 =	vld [tilespmem:s0+$0x0];
	v6 =	vadd.s32 v19, v3;
	v7 =	vmov s9;
	v4 =	vand.u32 $0x7D, v4  }
0x42b: {  	v9 =	vld [tilespmem:s0+$0xFFFFFF80];
	v10 =	vadd.s32 v19, v4;
	v7 =	vand.u32 $0x7E, v7  }
0x42c: {  	v11 =	vadd.s32 v19, v7  }
0x42d: {  	[tilespmem:v62+s24+$0x0] =	vst.idx.msk $0xffff, v1;
	v1 =	vadd.s32 v19, v53;
	v12 =	vadd.f32 v63, v49  }
0x42e: {  	[tilespmem:v61+s24+$0x0] =	vst.idx.msk $0xffff, v2;
	v2 =	vadd.f32 v5, v49  }
0x42f: {  	v63 =	vadd.f32 v8, v49;
	[tilespmem:v6+s24+$0x0] =	vst.idx.msk $0xffff, v12  }
0x430: {  	v49 =	vadd.f32 v9, v49;
	v8 =	vld [tilespmem:s0+$0x50];
	[tilespmem:v10+s24+$0x0] =	vst.idx.msk $0xffff, v2  }
0x431: {  	v9 =	vadd.s32 v27, v52;
	v2 =	vadd.f32 v57, v46;
	v10 =	vld [tilespmem:s0+$0xFFFFFFD0];
	[tilespmem:v11+s24+$0x0] =	vst.idx.msk $0xffff, v63  }
0x432: {  	[tilespmem:v1+s24+$0x0] =	vst.idx.msk $0xffff, v49;
	v1 =	vadd.s32 v25, v3;
	v57 =	vadd.f32 v56, v44;
	v6 =	vld [tilespmem:s0+$0x10]  }
0x433: {  	v12 =	vadd.s32 v25, v4;
	v61 =	vld [tilespmem:s0+$0xFFFFFF90];
	[tilespmem:v54+s24+$0x0] =	vst.idx.msk $0xffff, v2;
	v2 =	vadd.f32 v55, v44  }
0x434: {  	v62 =	vadd.f32 v58, v44;
	v5 =	vadd.s32 v25, v7;
	v49 =	vld [tilespmem:s5+$0x60];
	[tilespmem:v59+s24+$0x0] =	vst.idx.msk $0xffff, v57  }
0x435: {  	v63 =	vld [tilespmem:s5+$0xFFFFFFE0];
	[tilespmem:v60+s24+$0x0] =	vst.idx.msk $0xffff, v2;
	v2 =	vadd.s32 v25, v53;
	v8 =	vadd.f32 v8, v46  }
0x436: {  	v55 =	vadd.s32 v26, v47;
	[tilespmem:v9+s24+$0x0] =	vst.idx.msk $0xffff, v62;
	v56 =	vld [tilespmem:s5+$0x20];
	v59 =	vadd.f32 v10, v46  }
0x437: {  	v52 =	vadd.s32 v26, v50;
	v10 =	vld [tilespmem:s5+$0xFFFFFFA0];
	[tilespmem:v1+s24+$0x0] =	vst.idx.msk $0xffff, v8;
	v1 =	vadd.f32 v6, v46  }
0x438: {  	v60 =	vadd.f32 v61, v46;
	v6 =	vadd.s32 v26, v51;
	v61 =	vld [tilespmem:s0+$0x60];
	[tilespmem:v12+s24+$0x0] =	vst.idx.msk $0xffff, v59  }
0x439: {  	v62 =	vadd.f32 v49, v45;
	v12 =	vadd.s32 v26, v48;
	[tilespmem:v5+s24+$0x0] =	vst.idx.msk $0xffff, v1;
	v1 =	vld [tilespmem:s0+$0xFFFFFFE0]  }
0x43a: {  	v63 =	vadd.f32 v63, v45;
	[tilespmem:v2+s24+$0x0] =	vst.idx.msk $0xffff, v60;
	v2 =	vadd.s32 v26, v3;
	v8 =	vld [tilespmem:s0+$0x20]  }
0x43b: {  	v49 =	vadd.s32 v26, v4;
	[tilespmem:v55+s24+$0x0] =	vst.idx.msk $0xffff, v62;
	v57 =	vadd.f32 v56, v45;
	v58 =	vld [tilespmem:s0+$0xFFFFFFA0]  }
0x43c: {  	v59 =	vld [tilespmem:s5+$0x70];
	[tilespmem:v52+s24+$0x0] =	vst.idx.msk $0xffff, v63;
	v5 =	vadd.s32 v26, v7;
	v10 =	vadd.f32 v10, v45  }
0x43d: {  	v52 =	vld [tilespmem:s5+$0xFFFFFFF0];
	[tilespmem:v6+s24+$0x0] =	vst.idx.msk $0xffff, v57;
	v60 =	vadd.f32 v61, v45;
	v61 =	vadd.s32 v26, v53  }
0x43e: {  	v62 =	vadd.s32 v27, v47;
	[tilespmem:v12+s24+$0x0] =	vst.idx.msk $0xffff, v10;
	v63 =	vld [tilespmem:s5+$0x30];
	v1 =	vadd.f32 v1, v45  }
0x43f: {  	v55 =	vadd.s32 v27, v50;
	v12 =	vld [tilespmem:s5+$0xFFFFFFB0];
	[tilespmem:v2+s24+$0x0] =	vst.idx.msk $0xffff, v60;
	v2 =	vadd.f32 v8, v45  }
0x440: {  	v56 =	vadd.s32 v27, v51;
	v57 =	vld [tilespmem:s0+$0x70];
	v58 =	vadd.f32 v58, v45;
	[tilespmem:v49+s24+$0x0] =	vst.idx.msk $0xffff, v1  }
0x441: {  	v1 =	vadd.f32 v59, v44;
	v59 =	vadd.s32 v27, v48;
	v60 =	vld [tilespmem:s0+$0xFFFFFFF0];
	[tilespmem:v5+s24+$0x0] =	vst.idx.msk $0xffff, v2  }
0x442: {  	v3 =	vadd.s32 v27, v3;
	v2 =	vadd.f32 v52, v44;
	[tilespmem:v61+s24+$0x0] =	vst.idx.msk $0xffff, v58;
	v5 =	vld [tilespmem:s0+$0x30]  }
0x443: {  	v4 =	vadd.s32 v27, v4;
	[tilespmem:v62+s24+$0x0] =	vst.idx.msk $0xffff, v1;
	v1 =	vadd.f32 v63, v44;
	v9 =	vld [tilespmem:s0+$0xFFFFFFB0]  }
0x444: {  	v61 =	vadd.f32 v12, v44;
	[tilespmem:v55+s24+$0x0] =	vst.idx.msk $0xffff, v2;
	v2 =	vadd.s32 v27, v7  }
0x445: {  	v62 =	vadd.s32 v27, v53;
	[tilespmem:v56+s24+$0x0] =	vst.idx.msk $0xffff, v1;
	v1 =	vadd.f32 v57, v44  }
0x446: {  	[tilespmem:v59+s24+$0x0] =	vst.idx.msk $0xffff, v61;
	v63 =	vadd.f32 v60, v44  }
0x447: {  	[tilespmem:v3+s24+$0x0] =	vst.idx.msk $0xffff, v1;
	v1 =	vadd.f32 v5, v44  }
0x448: {  	v3 =	vadd.f32 v9, v44;
	[tilespmem:v4+s24+$0x0] =	vst.idx.msk $0xffff, v63  }
0x449: {  	[tilespmem:v2+s24+$0x0] =	vst.idx.msk $0xffff, v1  }
0x44a: {  	[tilespmem:v62+s24+$0x0] =	vst.idx.msk $0xffff, v3  }
0x44b: {  	s10 =	simm.s32 $0xF780;
	s11 =	rddreg [dreg:$0x7]  }
0x44c: {  	[hbm4b:s11+s3] =	stream.linear.scatter [tilespmem:s10], [sflag:$0x4], $0x80, $0x38;
	[tilespmem:$0x15D80] =	vst v63  }
0x44d: {  	s12 =	simm.s32 $0xF808;
	s13 =	sadd.s32 $0x10, s11  }
0x44e: {  	[hbm4b:s13+s3] =	stream.linear.scatter [tilespmem:s12], [sflag:$0x4], $0x80, $0x38;
	[tilespmem:$0x15D80] =	vst v63  }
0x44f: {  	s14 =	simm.s32 $0xF890;
	s9 =	simm.s32 $0xF9A0;
	s15 =	sadd.s32 $0x20, s11  }
0x450: {  	[hbm4b:s15+s3] =	stream.linear.scatter [tilespmem:s14], [sflag:$0x4], $0x80, $0x38;
	[tilespmem:$0x15D80] =	vst v63  }
0x451: {  	s5 =	simm.s32 $0xF918;
	s0 =	simm.s32 $0x440;
	s6 =	sadd.s32 $0x30, s11  }
0x452: {  	[hbm4b:s6+s3] =	stream.linear.scatter [tilespmem:s5], [sflag:$0x4], $0x80, $0x38;
	[tilespmem:$0x15D80] =	vst v63  }
0x453: {  	s10 =	sadd.s32 $0x40, s11;
	s12 =	simm.s32 $0xFA28;
	s13 =	sadd.s32 $0x50, s11  }
0x454: {  	[hbm4b:s10+s3] =	stream.linear.scatter [tilespmem:s9], [sflag:$0x4], $0x80, $0x38;
	[tilespmem:$0x15D80] =	vst v63  }
0x455: {  	s14 =	simm.s32 $0xFAB0;
	s15 =	sadd.s32 $0x60, s11;
	s6 =	simm.s32 $0x2200  }
0x456: {  	[hbm4b:s13+s3] =	stream.linear.scatter [tilespmem:s12], [sflag:$0x4], $0x80, $0x38;
	[tilespmem:$0x15D80] =	vst v63  }
0x457: {  	s5 =	sadd.s32 $0x1000, s11;
	s9 =	simm.s32 $0xFB38;
	s10 =	sadd.s32 $0x70, s11  }
0x458: {  	[hbm4b:s15+s3] =	stream.linear.scatter [tilespmem:s14], [sflag:$0x4], $0x80, $0x38;
	[tilespmem:$0x15D80] =	vst v63  }
.LBB2_30:
0x459: {  	[hbm4b:s10+s3] =	stream.linear.scatter [tilespmem:s9], [sflag:$0x4], $0x80, $0x38;
	[tilespmem:$0x15D80] =	vst v63  }
0x45a: {  	s9 =	smov.u32 s0;
	s0 =	smov.u32 s6  }
0x45b: {  	s11 =	sadd.s32 $0x1100, s6;
	s0 =	sshra.s32 s0, $0x2;
	s10 =	sadd.s32 $0xF780, s9  }
0x45c: {  	[hbm4b:s5+s3] =	stream.linear.scatter [tilespmem:s10], [sflag:$0x4], $0x80, $0x38;
	[tilespmem:$0x15D80] =	vst v63  }
0x45d: {  	p0 =	sne.s32 s6, $0x7700;
	s6 =	sadd.s32 $0xF808, s9;
	s10 =	sadd.s32 $0x10, s5  }
0x45e: {  	[hbm4b:s10+s3] =	stream.linear.scatter [tilespmem:s6], [sflag:$0x4], $0x80, $0x38;
	[tilespmem:$0x15D80] =	vst v63  }
0x45f: {  	s6 =	sadd.s32 $0xF890, s9;
	s10 =	sadd.s32 $0x20, s5  }
0x460: {  	[hbm4b:s10+s3] =	stream.linear.scatter [tilespmem:s6], [sflag:$0x4], $0x80, $0x38;
	[tilespmem:$0x15D80] =	vst v63  }
0x461: {  	s6 =	sadd.s32 $0xF918, s9;
	s10 =	sadd.s32 $0x30, s5  }
0x462: {  	[hbm4b:s10+s3] =	stream.linear.scatter [tilespmem:s6], [sflag:$0x4], $0x80, $0x38;
	[tilespmem:$0x15D80] =	vst v63  }
0x463: {  	s6 =	sadd.s32 $0xF9A0, s9;
	s10 =	sadd.s32 $0x40, s5  }
0x464: {  	[hbm4b:s10+s3] =	stream.linear.scatter [tilespmem:s6], [sflag:$0x4], $0x80, $0x38;
	[tilespmem:$0x15D80] =	vst v63  }
.Ltmp14:
0x465: {  	s6 =	sadd.s32 $0xFA28, s9;
	s10 =	sadd.s32 $0x50, s5;
	(pc) =	sbr.rel @p0 .LBB2_30-.Ltmp14, $4  }
0x466: {  	[hbm4b:s10+s3] =	stream.linear.scatter [tilespmem:s6], [sflag:$0x4], $0x80, $0x38;
	[tilespmem:$0x15D80] =	vst v63  }
0x467: {  	s6 =	sadd.s32 $0xFAB0, s9;
	s10 =	sadd.s32 $0x60, s5;
	s9 =	sadd.s32 $0xFB38, s9  }
0x468: {  	[hbm4b:s10+s3] =	stream.linear.scatter [tilespmem:s6], [sflag:$0x4], $0x80, $0x38;
	[tilespmem:$0x15D80] =	vst v63  }
0x469: {  	s10 =	sadd.s32 $0x70, s5;
	s5 =	sadd.s32 $0x1000, s5;
	s6 =	smov.u32 s11  }
0x46a: {  	[hbm4b:s10+s3] =	stream.linear.scatter [tilespmem:s9], [sflag:$0x4], $0x80, $0x38;
	[tilespmem:$0x15D80] =	vst v63  }
0x46b: {  	s6 =	sadd.s32 $0xF780, s0  }
0x46c: {  	[hbm4b:s5+s3] =	stream.linear.scatter [tilespmem:s6], [sflag:$0x4], $0x80, $0x38;
	[tilespmem:$0x15D80] =	vst v63  }
0x46d: {  	s14 =	sadd.s32 $0xF808, s0;
	s15 =	sadd.s32 $0x10, s5  }
0x46e: {  	[hbm4b:s15+s3] =	stream.linear.scatter [tilespmem:s14], [sflag:$0x4], $0x80, $0x38;
	[tilespmem:$0x15D80] =	vst v63  }
0x46f: {  	s10 =	sadd.s32 $0xF890, s0;
	s11 =	sadd.s32 $0x20, s5  }
0x470: {  	[hbm4b:s11+s3] =	stream.linear.scatter [tilespmem:s10], [sflag:$0x4], $0x80, $0x38;
	[tilespmem:$0x15D80] =	vst v63  }
0x471: {  	s12 =	sadd.s32 $0xF918, s0;
	s13 =	sadd.s32 $0x30, s5  }
0x472: {  	[hbm4b:s13+s3] =	stream.linear.scatter [tilespmem:s12], [sflag:$0x4], $0x80, $0x38;
	[tilespmem:$0x15D80] =	vst v63  }
0x473: {  	s14 =	sadd.s32 $0xF9A0, s0;
	s15 =	sadd.s32 $0x40, s5  }
0x474: {  	[hbm4b:s15+s3] =	stream.linear.scatter [tilespmem:s14], [sflag:$0x4], $0x80, $0x38;
	[tilespmem:$0x15D80] =	vst v63  }
0x475: {  	s9 =	sadd.s32 $0xFA28, s0;
	s10 =	sadd.s32 $0x50, s5  }
0x476: {  	[hbm4b:s10+s3] =	stream.linear.scatter [tilespmem:s9], [sflag:$0x4], $0x80, $0x38;
	[tilespmem:$0x15D80] =	vst v63  }
0x477: {  	s11 =	sadd.s32 $0xFAB0, s0;
	s12 =	sadd.s32 $0x60, s5  }
0x478: {  	[hbm4b:s12+s3] =	stream.linear.scatter [tilespmem:s11], [sflag:$0x4], $0x80, $0x38;
	[tilespmem:$0x15D80] =	vst v63  }
0x479: {  	s13 =	sadd.s32 $0xFB38, s0;
	s14 =	sadd.s32 $0x70, s5  }
0x47a: {  	[hbm4b:s14+s3] =	stream.linear.scatter [tilespmem:s13], [sflag:$0x4], $0x80, $0x38;
	[tilespmem:$0x15D80] =	vst v63  }
0x47b: {  	_ =	swait.ge [sflag:s25], $0x2000  }
0x47c: {  	[sflag:s25] =	ssyncset.done $0x0  }
0x47d: {  	[sflag:s25] =	ssyncadd.s32 $0xFFFFE000  }
0x47e: {  	_ =	swait.ge [sflag:s31], $0x2000  }
0x47f: {  	[sflag:s31] =	ssyncset.done $0x0  }
0x480: {  	[sflag:s31] =	ssyncadd.s32 $0xFFFFE000  }
0x481: {  	s15 =	simm.s32 $0x3;
	s9 =	simm.s32 $0xB800;
	v49 =	vld [tilespmem:$0x95C0]  }
0x482: {  	v1 =	vmov s15;
	v2 =	vld [tilespmem:s9+$0x40]  }
0x483: {  	v1 =	vand.u32 $0x7F, v1  }
0x484: {  	s5 =	simm.s32 $0x0;
	v3 =	vadd.s32 v19, v1;
	v46 =	vld [tilespmem:$0x95D0]  }
0x485: {  	s6 =	simm.s32 $0x1;
	v4 =	vmov s5;
	s10 =	simm.s32 $0x2;
	v5 =	vld [tilespmem:s9+$0xFFFFFF80]  }
0x486: {  	v52 =	vand.u32 $0x7C, v4;
	v4 =	vmov s6;
	v7 =	vmov s10;
	v6 =	vld [tilespmem:s9+$0xFFFFFFC0]  }
0x487: {  	v8 =	vadd.s32 v19, v52;
	v4 =	vand.u32 $0x7D, v4;
	v9 =	vld [tilespmem:s9+$0x0];
	v2 =	vadd.f32 v2, v49  }
0x488: {  	v10 =	vadd.s32 v19, v4;
	v7 =	vand.u32 $0x7E, v7;
	v45 =	vld [tilespmem:$0x95E0]  }
0x489: {  	v11 =	vadd.s32 v19, v7;
	v44 =	vld [tilespmem:$0x95F0];
	[tilespmem:v3+s26+$0x0] =	vst.idx.msk $0xffff, v2  }
0x48a: {  	v2 =	vadd.f32 v5, v49;
	v3 =	vld [tilespmem:s9+$0x50]  }
0x48b: {  	v5 =	vadd.f32 v6, v49  }
0x48c: {  	v58 =	vadd.s32 v25, v1;
	[tilespmem:v8+s26+$0x0] =	vst.idx.msk $0xffff, v2;
	v2 =	vadd.f32 v9, v49  }
0x48d: {  	[tilespmem:v10+s26+$0x0] =	vst.idx.msk $0xffff, v5  }
0x48e: {  	v5 =	vld [tilespmem:s9+$0xFFFFFFD0];
	[tilespmem:v11+s26+$0x0] =	vst.idx.msk $0xffff, v2  }
0x48f: {  	v2 =	vld [tilespmem:s9+$0x10];
	v3 =	vadd.f32 v3, v46  }
0x490: {  	s5 =	simm.s32 $0xB900;
	v59 =	vadd.s32 v25, v4;
	s12 =	simm.s32 $0x7;
	v8 =	vld [tilespmem:s9+$0xFFFFFF90]  }
0x491: {  	v12 =	vadd.s32 v25, v52;
	s11 =	simm.s32 $0x4;
	v62 =	vadd.s32 v25, v7;
	v63 =	vld [tilespmem:s5+$0x40];
	[tilespmem:v58+s26+$0x0] =	vst.idx.msk $0xffff, v3;
	v3 =	vmov s12  }
0x492: {  	v55 =	vadd.s32 v26, v1;
	v61 =	vmov s11;
	v47 =	vand.u32 $0x7F, v3;
	v3 =	vld [tilespmem:s9+$0x60]  }
0x493: {  	v48 =	vand.u32 $0x7C, v61;
	s13 =	simm.s32 $0x5;
	v60 =	vld [tilespmem:s5+$0xFFFFFF80];
	v5 =	vadd.f32 v5, v46;
	v53 =	vadd.s32 v19, v47  }
0x494: {  	s14 =	simm.s32 $0x6;
	v50 =	vmov s13;
	v61 =	vadd.s32 v19, v48;
	v54 =	vld [tilespmem:s5+$0xFFFFFFC0];
	v2 =	vadd.f32 v2, v46  }
0x495: {  	v50 =	vand.u32 $0x7D, v50;
	v56 =	vld [tilespmem:s5+$0x0];
	v8 =	vadd.f32 v8, v46;
	[tilespmem:v59+s26+$0x0] =	vst.idx.msk $0xffff, v5;
	v5 =	vmov s14  }
0x496: {  	v51 =	vand.u32 $0x7E, v5;
	v5 =	vadd.f32 v63, v49;
	[tilespmem:v62+s26+$0x0] =	vst.idx.msk $0xffff, v2;
	v2 =	vadd.s32 v19, v50;
	v62 =	vld [tilespmem:s9+$0xFFFFFFE0]  }
0x497: {  	[tilespmem:v12+s26+$0x0] =	vst.idx.msk $0xffff, v8;
	v8 =	vadd.s32 v19, v51;
	v11 =	vld [tilespmem:s9+$0x20];
	v3 =	vadd.f32 v3, v45  }
0x498: {  	v10 =	vadd.f32 v60, v49;
	v12 =	vadd.s32 v26, v4;
	[tilespmem:v53+s26+$0x0] =	vst.idx.msk $0xffff, v5;
	v5 =	vld [tilespmem:s9+$0xFFFFFFA0]  }
0x499: {  	v58 =	vadd.s32 v26, v7;
	v63 =	vadd.f32 v54, v49;
	v54 =	vld [tilespmem:s5+$0x50];
	[tilespmem:v55+s26+$0x0] =	vst.idx.msk $0xffff, v3  }
0x49a: {  	v9 =	vadd.s32 v26, v52;
	[tilespmem:v61+s26+$0x0] =	vst.idx.msk $0xffff, v10;
	v3 =	vadd.f32 v56, v49;
	v10 =	vld [tilespmem:s9+$0x70]  }
0x49b: {  	v59 =	vld [tilespmem:s5+$0xFFFFFF90];
	[tilespmem:v2+s26+$0x0] =	vst.idx.msk $0xffff, v63;
	v2 =	vadd.s32 v25, v47;
	v6 =	vadd.f32 v62, v45  }
0x49c: {  	v60 =	vld [tilespmem:s5+$0xFFFFFFD0];
	[tilespmem:v8+s26+$0x0] =	vst.idx.msk $0xffff, v3;
	v3 =	vadd.f32 v11, v45;
	v8 =	vadd.s32 v27, v1  }
0x49d: {  	v62 =	vadd.s32 v25, v48;
	v57 =	vld [tilespmem:s5+$0x10];
	[tilespmem:v12+s26+$0x0] =	vst.idx.msk $0xffff, v6;
	v1 =	vadd.f32 v5, v45  }
0x49e: {  	s6 =	simm.s32 $0x8;
	v61 =	vadd.s32 v25, v50;
	v56 =	vld [tilespmem:s9+$0xFFFFFFF0];
	[tilespmem:v58+s26+$0x0] =	vst.idx.msk $0xffff, v3;
	v5 =	vadd.f32 v54, v46  }
0x49f: {  	v3 =	vmov s6;
	v54 =	vadd.s32 v25, v51;
	v55 =	vld [tilespmem:s9+$0x30];
	[tilespmem:v9+s26+$0x0] =	vst.idx.msk $0xffff, v1;
	v11 =	vadd.f32 v10, v44  }
0x4a0: {  	s0 =	simm.s32 $0xBA00;
	s15 =	simm.s32 $0xB;
	v53 =	vand.u32 $0x7C, v3;
	v1 =	vadd.f32 v59, v46;
	v59 =	vadd.s32 v27, v4;
	[tilespmem:v2+s26+$0x0] =	vst.idx.msk $0xffff, v5;
	v58 =	vld [tilespmem:s9+$0xFFFFFFB0]  }
0x4a1: {  	v63 =	vld [tilespmem:s0+$0x40];
	v3 =	vmov s15;
	s9 =	simm.s32 $0xC;
	v2 =	vadd.f32 v60, v46;
	v60 =	vadd.s32 v27, v7;
	[tilespmem:v8+s26+$0x0] =	vst.idx.msk $0xffff, v11  }
.LBB2_32:
0x4a2: {  	p0 =	slt.u32 s9, $0x7C;
	s10 =	sadd.s32 $0x1, s6;
	v3 =	vand.u32 $0x7F, v3;
	[tilespmem:v62+s26+$0x0] =	vst.idx.msk $0xffff, v1;
	v1 =	vadd.f32 v57, v46;
	v4 =	vld [tilespmem:s5+$0x60];
	v5 =	vadd.s32 v27, v52  }
0x4a3: {  	v9 =	vmovc v51;
	v6 =	vld [tilespmem:s0+$0xFFFFFF80];
	v7 =	vmov s10;
	s10 =	sadd.s32 $0x2, s6;
	v8 =	vadd.s32 v19, v3;
	[tilespmem:v61+s26+$0x0] =	vst.idx.msk $0xffff, v2;
	v2 =	vadd.f32 v56, v44;
	s6 =	smov.u32 s9  }
0x4a4: {  	v52 =	vmovc v48;
	v10 =	vld [tilespmem:s0+$0xFFFFFFC0];
	v11 =	vmov s10;
	[tilespmem:v54+s26+$0x0] =	vst.idx.msk $0xffff, v1;
	v1 =	vadd.s32 v26, v47;
	v12 =	vadd.f32 v55, v44  }
0x4a5: {  	v54 =	vadd.s32 v19, v53;
	v7 =	vand.u32 $0x7D, v7;
	v55 =	vld [tilespmem:s0+$0x0];
	v58 =	vadd.f32 v58, v44;
	[tilespmem:v59+s26+$0x0] =	vst.idx.msk $0xffff, v2  }
0x4a6: {  	v2 =	vadd.s32 v19, v7;
	v51 =	vand.u32 $0x7E, v11;
	v11 =	vadd.f32 v63, v49;
	v56 =	vld [tilespmem:s5+$0xFFFFFFE0];
	[tilespmem:v60+s26+$0x0] =	vst.idx.msk $0xffff, v12  }
0x4a7: {  	v48 =	vmov v53;
	v12 =	vadd.s32 v19, v51;
	v57 =	vld [tilespmem:s5+$0x20];
	v4 =	vadd.f32 v4, v45;
	[tilespmem:v5+s26+$0x0] =	vst.idx.msk $0xffff, v58  }
0x4a8: {  	v5 =	vadd.f32 v6, v49;
	[tilespmem:v8+s26+$0x0] =	vst.idx.msk $0xffff, v11;
	v6 =	vld [tilespmem:s5+$0xFFFFFFA0];
	v8 =	vadd.s32 v26, v50  }
0x4a9: {  	v53 =	vadd.s32 v26, v9;
	v10 =	vadd.f32 v10, v49;
	v11 =	vld [tilespmem:s0+$0x50];
	[tilespmem:v1+s26+$0x0] =	vst.idx.msk $0xffff, v4  }
0x4aa: {  	v4 =	vadd.s32 v26, v52;
	[tilespmem:v54+s26+$0x0] =	vst.idx.msk $0xffff, v5;
	v1 =	vadd.f32 v55, v49;
	v5 =	vld [tilespmem:s5+$0x70]  }
0x4ab: {  	v58 =	vld [tilespmem:s0+$0xFFFFFF90];
	[tilespmem:v2+s26+$0x0] =	vst.idx.msk $0xffff, v10;
	v2 =	vadd.s32 v25, v3;
	v10 =	vadd.f32 v56, v45  }
0x4ac: {  	v60 =	vld [tilespmem:s0+$0xFFFFFFD0];
	[tilespmem:v12+s26+$0x0] =	vst.idx.msk $0xffff, v1;
	v1 =	vadd.f32 v57, v45;
	v12 =	vadd.s32 v27, v47;
	v47 =	vmov v3  }
.Ltmp15:
0x4ad: {  	v62 =	vadd.s32 v25, v48;
	v57 =	vld [tilespmem:s0+$0x10];
	v3 =	vadd.f32 v6, v45;
	[tilespmem:v8+s26+$0x0] =	vst.idx.msk $0xffff, v10;
	(pc) =	sbr.rel @p0 .LBB2_32-.Ltmp15, $4  }
0x4ae: {  	v61 =	vadd.s32 v25, v7;
	v6 =	vadd.f32 v11, v46;
	v56 =	vld [tilespmem:s5+$0xFFFFFFF0];
	[tilespmem:v53+s26+$0x0] =	vst.idx.msk $0xffff, v1  }
0x4af: {  	v54 =	vadd.s32 v25, v51;
	v1 =	vmov s9;
	[tilespmem:v4+s26+$0x0] =	vst.idx.msk $0xffff, v3;
	v55 =	vld [tilespmem:s5+$0x30];
	v4 =	vadd.f32 v5, v44  }
0x4b0: {  	s10 =	sadd.s32 $0x3, s9;
	v59 =	vadd.s32 v27, v50;
	v53 =	vand.u32 $0x7C, v1;
	v1 =	vadd.f32 v58, v46;
	[tilespmem:v2+s26+$0x0] =	vst.idx.msk $0xffff, v6;
	v58 =	vld [tilespmem:s5+$0xFFFFFFB0];
	s5 =	smov.u32 s0;
	s0 =	sadd.s32 $0x100, s0  }
0x4b1: {  	v50 =	vmovc v7;
	s9 =	sadd.s32 $0x4, s9;
	v3 =	vmov s10;
	v63 =	vld [tilespmem:s0+$0x40];
	v2 =	vadd.f32 v60, v46;
	v60 =	vadd.s32 v27, v9;
	[tilespmem:v12+s26+$0x0] =	vst.idx.msk $0xffff, v4  }
0x4b2: {  	s9 =	sadd.s32 $0x1, s6  }
0x4b3: {  	v3 =	vand.u32 $0x7F, v3;
	v5 =	vld [tilespmem:s0+$0xFFFFFFC0];
	v4 =	vmov s9;
	s9 =	sadd.s32 $0x2, s6  }
0x4b4: {  	v8 =	vld [tilespmem:s0+$0x0];
	v6 =	vadd.s32 v19, v3;
	v7 =	vmov s9;
	v4 =	vand.u32 $0x7D, v4  }
0x4b5: {  	v9 =	vld [tilespmem:s0+$0xFFFFFF80];
	v10 =	vadd.s32 v19, v4;
	v7 =	vand.u32 $0x7E, v7  }
0x4b6: {  	v11 =	vadd.s32 v19, v7  }
0x4b7: {  	[tilespmem:v62+s26+$0x0] =	vst.idx.msk $0xffff, v1;
	v1 =	vadd.s32 v19, v53;
	v12 =	vadd.f32 v63, v49  }
0x4b8: {  	[tilespmem:v61+s26+$0x0] =	vst.idx.msk $0xffff, v2;
	v2 =	vadd.f32 v5, v49  }
0x4b9: {  	v63 =	vadd.f32 v8, v49;
	[tilespmem:v6+s26+$0x0] =	vst.idx.msk $0xffff, v12  }
0x4ba: {  	v49 =	vadd.f32 v9, v49;
	v8 =	vld [tilespmem:s0+$0x50];
	[tilespmem:v10+s26+$0x0] =	vst.idx.msk $0xffff, v2  }
0x4bb: {  	v9 =	vadd.s32 v27, v52;
	v2 =	vadd.f32 v57, v46;
	v10 =	vld [tilespmem:s0+$0xFFFFFFD0];
	[tilespmem:v11+s26+$0x0] =	vst.idx.msk $0xffff, v63  }
0x4bc: {  	[tilespmem:v1+s26+$0x0] =	vst.idx.msk $0xffff, v49;
	v1 =	vadd.s32 v25, v3;
	v57 =	vadd.f32 v56, v44;
	v6 =	vld [tilespmem:s0+$0x10]  }
0x4bd: {  	v12 =	vadd.s32 v25, v4;
	v61 =	vld [tilespmem:s0+$0xFFFFFF90];
	[tilespmem:v54+s26+$0x0] =	vst.idx.msk $0xffff, v2;
	v2 =	vadd.f32 v55, v44  }
0x4be: {  	v62 =	vadd.f32 v58, v44;
	v5 =	vadd.s32 v25, v7;
	v49 =	vld [tilespmem:s5+$0x60];
	[tilespmem:v59+s26+$0x0] =	vst.idx.msk $0xffff, v57  }
0x4bf: {  	v63 =	vld [tilespmem:s5+$0xFFFFFFE0];
	[tilespmem:v60+s26+$0x0] =	vst.idx.msk $0xffff, v2;
	v2 =	vadd.s32 v25, v53;
	v8 =	vadd.f32 v8, v46  }
0x4c0: {  	v55 =	vadd.s32 v26, v47;
	[tilespmem:v9+s26+$0x0] =	vst.idx.msk $0xffff, v62;
	v56 =	vld [tilespmem:s5+$0x20];
	v59 =	vadd.f32 v10, v46  }
0x4c1: {  	v52 =	vadd.s32 v26, v50;
	v10 =	vld [tilespmem:s5+$0xFFFFFFA0];
	[tilespmem:v1+s26+$0x0] =	vst.idx.msk $0xffff, v8;
	v1 =	vadd.f32 v6, v46  }
0x4c2: {  	v60 =	vadd.f32 v61, v46;
	v6 =	vadd.s32 v26, v51;
	v61 =	vld [tilespmem:s0+$0x60];
	[tilespmem:v12+s26+$0x0] =	vst.idx.msk $0xffff, v59  }
0x4c3: {  	v62 =	vadd.f32 v49, v45;
	v12 =	vadd.s32 v26, v48;
	[tilespmem:v5+s26+$0x0] =	vst.idx.msk $0xffff, v1;
	v1 =	vld [tilespmem:s0+$0xFFFFFFE0]  }
0x4c4: {  	v63 =	vadd.f32 v63, v45;
	[tilespmem:v2+s26+$0x0] =	vst.idx.msk $0xffff, v60;
	v2 =	vadd.s32 v26, v3;
	v8 =	vld [tilespmem:s0+$0x20]  }
0x4c5: {  	v49 =	vadd.s32 v26, v4;
	[tilespmem:v55+s26+$0x0] =	vst.idx.msk $0xffff, v62;
	v57 =	vadd.f32 v56, v45;
	v58 =	vld [tilespmem:s0+$0xFFFFFFA0]  }
0x4c6: {  	v59 =	vld [tilespmem:s5+$0x70];
	[tilespmem:v52+s26+$0x0] =	vst.idx.msk $0xffff, v63;
	v5 =	vadd.s32 v26, v7;
	v10 =	vadd.f32 v10, v45  }
0x4c7: {  	v52 =	vld [tilespmem:s5+$0xFFFFFFF0];
	[tilespmem:v6+s26+$0x0] =	vst.idx.msk $0xffff, v57;
	v60 =	vadd.f32 v61, v45;
	v61 =	vadd.s32 v26, v53  }
0x4c8: {  	v62 =	vadd.s32 v27, v47;
	[tilespmem:v12+s26+$0x0] =	vst.idx.msk $0xffff, v10;
	v63 =	vld [tilespmem:s5+$0x30];
	v1 =	vadd.f32 v1, v45  }
0x4c9: {  	v55 =	vadd.s32 v27, v50;
	v12 =	vld [tilespmem:s5+$0xFFFFFFB0];
	[tilespmem:v2+s26+$0x0] =	vst.idx.msk $0xffff, v60;
	v2 =	vadd.f32 v8, v45  }
0x4ca: {  	v56 =	vadd.s32 v27, v51;
	v57 =	vld [tilespmem:s0+$0x70];
	v58 =	vadd.f32 v58, v45;
	[tilespmem:v49+s26+$0x0] =	vst.idx.msk $0xffff, v1  }
0x4cb: {  	v1 =	vadd.f32 v59, v44;
	v59 =	vadd.s32 v27, v48;
	v60 =	vld [tilespmem:s0+$0xFFFFFFF0];
	[tilespmem:v5+s26+$0x0] =	vst.idx.msk $0xffff, v2  }
0x4cc: {  	v3 =	vadd.s32 v27, v3;
	v2 =	vadd.f32 v52, v44;
	[tilespmem:v61+s26+$0x0] =	vst.idx.msk $0xffff, v58;
	v5 =	vld [tilespmem:s0+$0x30]  }
0x4cd: {  	v4 =	vadd.s32 v27, v4;
	[tilespmem:v62+s26+$0x0] =	vst.idx.msk $0xffff, v1;
	v1 =	vadd.f32 v63, v44;
	v9 =	vld [tilespmem:s0+$0xFFFFFFB0]  }
0x4ce: {  	v61 =	vadd.f32 v12, v44;
	[tilespmem:v55+s26+$0x0] =	vst.idx.msk $0xffff, v2;
	v2 =	vadd.s32 v27, v7  }
0x4cf: {  	v62 =	vadd.s32 v27, v53;
	[tilespmem:v56+s26+$0x0] =	vst.idx.msk $0xffff, v1;
	v1 =	vadd.f32 v57, v44  }
0x4d0: {  	[tilespmem:v59+s26+$0x0] =	vst.idx.msk $0xffff, v61;
	v63 =	vadd.f32 v60, v44  }
0x4d1: {  	[tilespmem:v3+s26+$0x0] =	vst.idx.msk $0xffff, v1;
	v1 =	vadd.f32 v5, v44  }
0x4d2: {  	v3 =	vadd.f32 v9, v44;
	[tilespmem:v4+s26+$0x0] =	vst.idx.msk $0xffff, v63  }
0x4d3: {  	[tilespmem:v2+s26+$0x0] =	vst.idx.msk $0xffff, v1  }
0x4d4: {  	[tilespmem:v62+s26+$0x0] =	vst.idx.msk $0xffff, v3  }
0x4d5: {  	s10 =	simm.s32 $0x11980;
	s11 =	rddreg [dreg:$0x8]  }
0x4d6: {  	[hbm4b:s11+s3] =	stream.linear.scatter [tilespmem:s10], [sflag:$0x5], $0x80, $0x38;
	[tilespmem:$0x15D80] =	vst v63  }
0x4d7: {  	s12 =	simm.s32 $0x11A08;
	s13 =	sadd.s32 $0x10, s11  }
0x4d8: {  	[hbm4b:s13+s3] =	stream.linear.scatter [tilespmem:s12], [sflag:$0x5], $0x80, $0x38;
	[tilespmem:$0x15D80] =	vst v63  }
0x4d9: {  	s14 =	simm.s32 $0x11A90;
	s9 =	simm.s32 $0x11BA0;
	s15 =	sadd.s32 $0x20, s11  }
0x4da: {  	[hbm4b:s15+s3] =	stream.linear.scatter [tilespmem:s14], [sflag:$0x5], $0x80, $0x38;
	[tilespmem:$0x15D80] =	vst v63  }
0x4db: {  	s5 =	simm.s32 $0x11B18;
	s0 =	simm.s32 $0x440;
	s6 =	sadd.s32 $0x30, s11  }
0x4dc: {  	[hbm4b:s6+s3] =	stream.linear.scatter [tilespmem:s5], [sflag:$0x5], $0x80, $0x38;
	[tilespmem:$0x15D80] =	vst v63  }
0x4dd: {  	s10 =	sadd.s32 $0x40, s11;
	s12 =	simm.s32 $0x11C28;
	s13 =	sadd.s32 $0x50, s11  }
0x4de: {  	[hbm4b:s10+s3] =	stream.linear.scatter [tilespmem:s9], [sflag:$0x5], $0x80, $0x38;
	[tilespmem:$0x15D80] =	vst v63  }
0x4df: {  	s14 =	simm.s32 $0x11CB0;
	s15 =	sadd.s32 $0x60, s11;
	s6 =	simm.s32 $0x2200  }
0x4e0: {  	[hbm4b:s13+s3] =	stream.linear.scatter [tilespmem:s12], [sflag:$0x5], $0x80, $0x38;
	[tilespmem:$0x15D80] =	vst v63  }
0x4e1: {  	s5 =	sadd.s32 $0x1000, s11;
	s9 =	simm.s32 $0x11D38;
	s10 =	sadd.s32 $0x70, s11  }
0x4e2: {  	[hbm4b:s15+s3] =	stream.linear.scatter [tilespmem:s14], [sflag:$0x5], $0x80, $0x38;
	[tilespmem:$0x15D80] =	vst v63  }
.LBB2_34:
0x4e3: {  	[hbm4b:s10+s3] =	stream.linear.scatter [tilespmem:s9], [sflag:$0x5], $0x80, $0x38;
	[tilespmem:$0x15D80] =	vst v63  }
0x4e4: {  	s9 =	smov.u32 s0;
	s0 =	smov.u32 s6  }
0x4e5: {  	s11 =	sadd.s32 $0x1100, s6;
	s0 =	sshra.s32 s0, $0x2;
	s10 =	sadd.s32 $0x11980, s9  }
0x4e6: {  	[hbm4b:s5+s3] =	stream.linear.scatter [tilespmem:s10], [sflag:$0x5], $0x80, $0x38;
	[tilespmem:$0x15D80] =	vst v63  }
0x4e7: {  	p0 =	sne.s32 s6, $0x7700;
	s6 =	sadd.s32 $0x11A08, s9;
	s10 =	sadd.s32 $0x10, s5  }
0x4e8: {  	[hbm4b:s10+s3] =	stream.linear.scatter [tilespmem:s6], [sflag:$0x5], $0x80, $0x38;
	[tilespmem:$0x15D80] =	vst v63  }
0x4e9: {  	s6 =	sadd.s32 $0x11A90, s9;
	s10 =	sadd.s32 $0x20, s5  }
0x4ea: {  	[hbm4b:s10+s3] =	stream.linear.scatter [tilespmem:s6], [sflag:$0x5], $0x80, $0x38;
	[tilespmem:$0x15D80] =	vst v63  }
0x4eb: {  	s6 =	sadd.s32 $0x11B18, s9;
	s10 =	sadd.s32 $0x30, s5  }
0x4ec: {  	[hbm4b:s10+s3] =	stream.linear.scatter [tilespmem:s6], [sflag:$0x5], $0x80, $0x38;
	[tilespmem:$0x15D80] =	vst v63  }
0x4ed: {  	s6 =	sadd.s32 $0x11BA0, s9;
	s10 =	sadd.s32 $0x40, s5  }
0x4ee: {  	[hbm4b:s10+s3] =	stream.linear.scatter [tilespmem:s6], [sflag:$0x5], $0x80, $0x38;
	[tilespmem:$0x15D80] =	vst v63  }
.Ltmp16:
0x4ef: {  	s6 =	sadd.s32 $0x11C28, s9;
	s10 =	sadd.s32 $0x50, s5;
	(pc) =	sbr.rel @p0 .LBB2_34-.Ltmp16, $4  }
0x4f0: {  	[hbm4b:s10+s3] =	stream.linear.scatter [tilespmem:s6], [sflag:$0x5], $0x80, $0x38;
	[tilespmem:$0x15D80] =	vst v63  }
0x4f1: {  	s6 =	sadd.s32 $0x11CB0, s9;
	s10 =	sadd.s32 $0x60, s5;
	s9 =	sadd.s32 $0x11D38, s9  }
0x4f2: {  	[hbm4b:s10+s3] =	stream.linear.scatter [tilespmem:s6], [sflag:$0x5], $0x80, $0x38;
	[tilespmem:$0x15D80] =	vst v63  }
0x4f3: {  	s10 =	sadd.s32 $0x70, s5;
	s5 =	sadd.s32 $0x1000, s5;
	s6 =	smov.u32 s11  }
0x4f4: {  	[hbm4b:s10+s3] =	stream.linear.scatter [tilespmem:s9], [sflag:$0x5], $0x80, $0x38;
	[tilespmem:$0x15D80] =	vst v63  }
0x4f5: {  	s6 =	sadd.s32 $0x11980, s0  }
0x4f6: {  	[hbm4b:s5+s3] =	stream.linear.scatter [tilespmem:s6], [sflag:$0x5], $0x80, $0x38;
	[tilespmem:$0x15D80] =	vst v63  }
0x4f7: {  	s12 =	sadd.s32 $0x11A08, s0;
	s13 =	sadd.s32 $0x10, s5  }
0x4f8: {  	[hbm4b:s13+s3] =	stream.linear.scatter [tilespmem:s12], [sflag:$0x5], $0x80, $0x38;
	[tilespmem:$0x15D80] =	vst v63  }
0x4f9: {  	s14 =	sadd.s32 $0x11A90, s0;
	s15 =	sadd.s32 $0x20, s5  }
0x4fa: {  	[hbm4b:s15+s3] =	stream.linear.scatter [tilespmem:s14], [sflag:$0x5], $0x80, $0x38;
	[tilespmem:$0x15D80] =	vst v63  }
0x4fb: {  	s10 =	sadd.s32 $0x11B18, s0;
	s11 =	sadd.s32 $0x30, s5  }
0x4fc: {  	[hbm4b:s11+s3] =	stream.linear.scatter [tilespmem:s10], [sflag:$0x5], $0x80, $0x38;
	[tilespmem:$0x15D80] =	vst v63  }
0x4fd: {  	s12 =	sadd.s32 $0x11BA0, s0;
	s13 =	sadd.s32 $0x40, s5  }
0x4fe: {  	[hbm4b:s13+s3] =	stream.linear.scatter [tilespmem:s12], [sflag:$0x5], $0x80, $0x38;
	[tilespmem:$0x15D80] =	vst v63  }
0x4ff: {  	s14 =	sadd.s32 $0x11C28, s0;
	s15 =	sadd.s32 $0x50, s5  }
0x500: {  	[hbm4b:s15+s3] =	stream.linear.scatter [tilespmem:s14], [sflag:$0x5], $0x80, $0x38;
	[tilespmem:$0x15D80] =	vst v63  }
0x501: {  	s10 =	sadd.s32 $0x11CB0, s0;
	s11 =	sadd.s32 $0x60, s5  }
0x502: {  	[hbm4b:s11+s3] =	stream.linear.scatter [tilespmem:s10], [sflag:$0x5], $0x80, $0x38;
	[tilespmem:$0x15D80] =	vst v63  }
0x503: {  	s12 =	sadd.s32 $0x11D38, s0;
	s13 =	sadd.s32 $0x70, s5  }
0x504: {  	[hbm4b:s13+s3] =	stream.linear.scatter [tilespmem:s12], [sflag:$0x5], $0x80, $0x38;
	[tilespmem:$0x15D80] =	vst v63  }
0x505: {  	_ =	swait.ge [sflag:s1], $0x2000  }
0x506: {  	[sflag:s1] =	ssyncset.done $0x0  }
0x507: {  	[sflag:s1] =	ssyncadd.s32 $0xFFFFE000  }
0x508: {  	_ =	swait.ge [sflag:s30], $0x2000  }
0x509: {  	[sflag:s30] =	ssyncset.done $0x0  }
0x50a: {  	[sflag:s30] =	ssyncadd.s32 $0xFFFFE000  }
0x50b: {  	_ =	swait.ge [sflag:s31], $0x2000  }
0x50c: {  	s14 =	rddreg [dreg:$0xa]  }
0x50d: {  	s15 =	rddreg [dreg:$0x9];
	s5 =	sadd.s32 $0x1, s14  }
0x50e: {  	p0 =	sne.s32 s5, s15  }
.Ltmp17:
0x50f: {  	_ = 	snop;
	(pc) =	sbr.rel @p0 .LBB2_1-.Ltmp17, $3  }
0x510: {  	_ =	sdelay $0x1  }
0x511: {  	[sflag:s31] =	ssyncset.done $0x0  }
0x512: {  	[sflag:s31] =	ssyncadd.s32 $0xFFFFE000  }
0x513: {  	_ =	sfence.sel $0x180000  }
0x514: {  	[bflag:$0x0] =	sbarrier.arrive $0xFFFF  }
0x515: {  	_ =	strace $0x90000047  }
0x516: {  	s0 =	stileid.u32;
	[bflag:$0x2] =	sbarrier.arrive $0xFFFF  }
0x517: {  	p0 =	sne.s32 s0, $0x0;
	s0 =	rddreg [dreg:$0x2]  }
0x518: {  	s0 =	sadd.s32 @!p0 $0x100000, s0  }
0x519: {  	[sflag:s0] =	ssyncadd.tile.s32 @!p0 $0x1;
	_ =	shalt  }
.Lfunc_end2:
_tile_overlayer_lowered:
.L_overlay_start_2:
0x51a: {  	(tag) =	ssettag $0x2  }
0x51b: {  	s0 =	rddreg [dreg:$0x0];
	s2 =	stileid.u32  }
0x51c: {  	s1 =	rddreg [dreg:$0x1];
	p0 =	sne.s32 s2, $0x0  }
0x51d: {  	s3 =	rddreg [dreg:$0x2];
	[bflag:$0x3] =	sbarrier.arrive $0xFFFF;
	s2 =	simm.s32 @!p0 $0x1C07  }
0x51e: {  	[timem:s3], [sflag:s2] =	dma.local @!p0 [hbm:s0], s1  }
0x51f: {  	s0 =	simm.s32 @!p0 $0x7  }
0x520: {  	_ =	swait.ge @!p0 [sflag:s0], s1  }
0x521: {  	s1 =	ssub.s32 @!p0 $0x0, s1;
	[sflag:s0] =	ssyncset.done @!p0 $0x0  }
0x522: {  	[sflag:s0] =	ssyncadd.s32 @!p0 s1  }
0x523: {  	[bflag:$0x3] =	sbarrier.arrive $0xFFFF  }
0x524: {  	_ =	shalt  }

</sc_bundles>
